<compile_context>
chip_gen: v7x
topology: tpu7x:2x2x1
jax: 0.10.2.dev20260603
libtpu: 0.0.44.dev20260713+nightly
codegen_flags: <defaults>
</compile_context>

<pallas_src>
import functools

import jax
import jax.numpy as jnp
from jax import lax
from jax.experimental import pallas as pl
from jax.experimental.pallas import tpu as pltpu
from jax.experimental.pallas import tpu_sc as plsc

N = 10000
D = 128
H = 16
C = 40
E = 320000

NC = 2
NS = 16
NW = NC * NS
NPAD = 10240
SLICE = NPAD // NS
EPT = E // NW
WIN = 2000

_mesh = plsc.VectorSubcoreMesh(core_axis_name="c", subcore_axis_name="s")


@functools.partial(
    pl.kernel,
    out_type=jax.ShapeDtypeStruct((NC, NPAD), jnp.float32),
    mesh=_mesh,
    scratch_types=[
        pltpu.VMEM((EPT,), jnp.int32),
        pltpu.VMEM((EPT,), jnp.float32),
        pltpu.VMEM((SLICE,), jnp.float32),
        pltpu.VMEM_SHARED((NPAD,), jnp.float32),
    ],
)
def _sc_deg(col_hbm, ew_hbm, out_hbm, idx_v, val_v, zero_v, sdeg):
    c = lax.axis_index("c")
    s = lax.axis_index("s")
    wid = s * NC + c
    base = wid * EPT

    def zset(i, _):
        zero_v[pl.ds(i * 16, 16)] = jnp.zeros((16,), jnp.float32)
        return 0

    lax.fori_loop(0, SLICE // 16, zset, 0, unroll=4)
    pltpu.sync_copy(zero_v, sdeg.at[pl.ds(s * SLICE, SLICE)])
    plsc.subcore_barrier()

    pltpu.sync_copy(col_hbm.at[pl.ds(base, EPT)], idx_v)
    pltpu.sync_copy(ew_hbm.at[pl.ds(base, EPT)], val_v)
    pltpu.sync_copy(val_v, sdeg.at[idx_v], add=True)
    plsc.subcore_barrier()
    pltpu.sync_copy(sdeg.at[pl.ds(s * SLICE, SLICE)],
                    out_hbm.at[c, pl.ds(s * SLICE, SLICE)])


@functools.partial(
    pl.kernel,
    out_type=jax.ShapeDtypeStruct((NC, NPAD, H), jnp.float32),
    mesh=_mesh,
    scratch_types=[
        pltpu.VMEM((2, WIN), jnp.int32),
        pltpu.VMEM((2, WIN), jnp.int32),
        pltpu.VMEM((2, WIN), jnp.float32),
        pltpu.VMEM((2, WIN, H), jnp.float32),
        pltpu.VMEM((NPAD,), jnp.float32),
        pltpu.VMEM((SLICE, H), jnp.float32),
        pltpu.VMEM_SHARED((NPAD, H), jnp.float32),
        pltpu.VMEM_SHARED((NPAD, H), jnp.float32),
        pltpu.SemaphoreType.DMA,
        pltpu.SemaphoreType.DMA,
        pltpu.SemaphoreType.DMA,
        pltpu.SemaphoreType.DMA,
    ],
    compiler_params=pltpu.CompilerParams(needs_layout_passes=False,
                                         use_tc_tiling_on_sc=False),
)
def _sc_msg(row_hbm, col_hbm, ew_hbm, h_hbm, dis_hbm, out_hbm,
            rbuf, cbuf, wbuf, msg, dis_v, zero_v, sacc, sh,
            gsem0, gsem1, ssem0, ssem1):
    c = lax.axis_index("c")
    s = lax.axis_index("s")
    wid = s * NC + c
    ebase = wid * EPT
    NWIN = EPT // WIN
    gsem = (gsem0, gsem1)
    ssem = (ssem0, ssem1)

    def zset(i, _):
        zero_v[i, :] = jnp.zeros((16,), jnp.float32)
        return 0

    lax.fori_loop(0, SLICE, zset, 0, unroll=4)
    pltpu.sync_copy(zero_v, sacc.at[pl.ds(s * SLICE, SLICE)])
    pltpu.sync_copy(h_hbm.at[pl.ds(s * SLICE, SLICE)], zero_v)
    pltpu.sync_copy(zero_v, sh.at[pl.ds(s * SLICE, SLICE)])
    pltpu.sync_copy(dis_hbm, dis_v)
    plsc.subcore_barrier()

    def load_and_gather(w):
        b = w % 2
        base = ebase + w * WIN
        pltpu.sync_copy(row_hbm.at[pl.ds(base, WIN)], rbuf.at[b])
        pltpu.sync_copy(col_hbm.at[pl.ds(base, WIN)], cbuf.at[b])
        pltpu.sync_copy(ew_hbm.at[pl.ds(base, WIN)], wbuf.at[b])
        return pltpu.async_copy(sh.at[rbuf.at[b]], msg.at[b], gsem[b])

    gd = [None, None]
    sd = [None, None]
    gd[0] = load_and_gather(0)

    for w in range(NWIN):
        b = w % 2
        nb = (w + 1) % 2
        if w + 1 < NWIN:
            if sd[nb] is not None:
                sd[nb].wait()
                sd[nb] = None
            gd[nb] = load_and_gather(w + 1)
        gd[b].wait()

        @plsc.parallel_loop(0, WIN // 16, unroll=4)
        def scl(k):
            rv = rbuf[b, pl.ds(k * 16, 16)]
            dv = plsc.load_gather(dis_v, [rv])
            wbuf[b, pl.ds(k * 16, 16)] = wbuf[b, pl.ds(k * 16, 16)] * dv

        @plsc.parallel_loop(0, WIN // 16, unroll=2)
        def row_scale(k):
            wv = wbuf[b, pl.ds(k * 16, 16)]
            base16 = k * 16
            for j in range(16):
                msg[b, base16 + j, :] = msg[b, base16 + j, :] * wv[j]

        sd[b] = pltpu.async_copy(msg.at[b], sacc.at[cbuf.at[b]], ssem[b],
                                 add=True)

    for d in sd:
        if d is not None:
            d.wait()
    plsc.subcore_barrier()
    pltpu.sync_copy(sacc.at[pl.ds(s * SLICE, SLICE)],
                    out_hbm.at[c, pl.ds(s * SLICE, SLICE)])


def _tc1_body(x_ref, w_ref, degp_ref, h_ref, dis_ref):
    h_ref[:N, :] = jnp.dot(x_ref[...], w_ref[...],
                           preferred_element_type=jnp.float32)
    deg = degp_ref[0, :] + degp_ref[1, :] + 1.0
    dis_ref[...] = jnp.where(deg > 0.0,
                             lax.rsqrt(jnp.maximum(deg, 1e-30)),
                             0.0)


_tc1 = pl.pallas_call(
    _tc1_body,
    out_shape=(
        jax.ShapeDtypeStruct((NPAD, H), jnp.float32),
        jax.ShapeDtypeStruct((NPAD,), jnp.float32),
    ),
)


def _tc2_body(acc_ref, dis_ref, h_ref, bg_ref, wo_ref, bo_ref, out_ref):
    dis = dis_ref[:N, :]
    agg = (acc_ref[0, :N, :] + acc_ref[1, :N, :]) * dis
    self_term = h_ref[:N, :] * (dis * dis)
    emb = jax.nn.relu(agg + self_term + bg_ref[...])
    out_ref[...] = jnp.dot(emb, wo_ref[...],
                           preferred_element_type=jnp.float32) + bo_ref[...]


_tc2 = pl.pallas_call(
    _tc2_body,
    out_shape=jax.ShapeDtypeStruct((N, C), jnp.float32),
)


def kernel(x, edge_index, edge_weight, W_gcn, b_gcn, W_out, b_out):
    row = edge_index[0].astype(jnp.int32)
    col = edge_index[1].astype(jnp.int32)
    ew = edge_weight.astype(jnp.float32)

    degp = _sc_deg(col, ew)
    h, dis = _tc1(x, W_gcn, degp)
    accp = _sc_msg(row, col, ew, h, dis)
    out = _tc2(accp, dis.reshape(NPAD, 1), h,
               b_gcn.reshape(1, H), W_out, b_out.reshape(1, C))
    return out

# --- scband reference (transcript-rebuilt; emitter-appended) ---
"""Pipeline reference for scband-gcn-4355096838854 (READ-ONLY COPY).

The authoritative reference and input builder live on the scoring server;
editing this copy changes nothing except your own understanding.
"""

import jax, jax.numpy as jnp
import numpy as np

N_NODES = 10000
D_FEAT = 128
HIDDEN = 16
N_CLASSES = 40
N_EDGES = 320000


def setup_inputs(seed: int = 0) -> dict:
    key = jax.random.key(seed)
    k1, k2, k3, k4, k5, k6, k7 = jax.random.split(key, 7)
    x = jax.random.normal(k1, (N_NODES, D_FEAT), dtype=jnp.float32)
    edge_index = jax.random.randint(k2, (2, N_EDGES), 0, N_NODES, dtype=jnp.int64)
    edge_weight = jax.random.uniform(k3, (N_EDGES,), dtype=jnp.float32)
    # GCNConv params (glorot-style scale)
    W_gcn = jax.random.normal(k4, (D_FEAT, HIDDEN), dtype=jnp.float32) * (1.0 / np.sqrt(D_FEAT))
    b_gcn = jnp.zeros((HIDDEN,), dtype=jnp.float32)
    # Output linear params
    W_out = jax.random.normal(k5, (HIDDEN, N_CLASSES), dtype=jnp.float32) * (1.0 / np.sqrt(HIDDEN))
    b_out = jax.random.normal(k6, (N_CLASSES,), dtype=jnp.float32) * 0.01
    return {"x": x, "edge_index": edge_index, "edge_weight": edge_weight,
            "W_gcn": W_gcn, "b_gcn": b_gcn, "W_out": W_out, "b_out": b_out}


def _gcn_conv(x, edge_index, edge_weight, W, b):
    # Faithful PyG GCNConv: add self-loops (fill_value=1.0), symmetric gcn_norm,
    # linear transform, scatter-add aggregation at dst, plus bias.
    N = x.shape[0]
    row = edge_index[0]
    col = edge_index[1]
    loop = jnp.arange(N, dtype=edge_index.dtype)
    row_f = jnp.concatenate([row, loop])
    col_f = jnp.concatenate([col, loop])
    ew_f = jnp.concatenate([edge_weight, jnp.ones((N,), dtype=edge_weight.dtype)])
    deg = jnp.zeros((N,), dtype=edge_weight.dtype).at[col_f].add(ew_f)
    deg_inv_sqrt = jnp.where(deg > 0, jax.lax.rsqrt(jnp.maximum(deg, 1e-30)), 0.0)
    norm = deg_inv_sqrt[row_f] * ew_f * deg_inv_sqrt[col_f]
    h = x @ W
    msg = jnp.take(h, row_f, axis=0) * norm[:, None]
    out = jnp.zeros((N, h.shape[1]), dtype=h.dtype).at[col_f].add(msg)
    return out + b


def reference(x, edge_index, edge_weight, W_gcn, b_gcn, W_out, b_out):
    embeddings = jax.nn.relu(_gcn_conv(x, edge_index, edge_weight, W_gcn, b_gcn))
    out = embeddings @ W_out + b_out
    return out

if __name__ == "__main__":
    import jax
    _d = setup_inputs()
    print(jax.jit(kernel)(*tuple(_d.values())))

</pallas_src>

<mosaic_0001>
#map = affine_map<(d0, d1) -> (0)>
#map1 = affine_map<(d0, d1) -> (0, 0)>
module attributes {stable_mosaic.version = 14 : i64} {
  func.func @_sc_deg(%arg0: i32, %arg1: i32, %arg2: memref<320000xi32, #tpu.memory_space<hbm>>, %arg3: memref<320000xf32, #tpu.memory_space<hbm>>, %arg4: memref<2x10240xf32, #tpu.memory_space<hbm>>, %arg5: memref<10000xi32, #tpu.memory_space<vmem>>, %arg6: memref<10000xf32, #tpu.memory_space<vmem>>, %arg7: memref<640xf32, #tpu.memory_space<vmem>>, %arg8: memref<10240xf32, #tpu.memory_space<vmem_shared>>) attributes {dimension_semantics = [#tpu.dimension_semantics<core_parallel>, #tpu.dimension_semantics<subcore_parallel>], iteration_bounds = array<i64: 2, 16>, scalar_prefetch = 0 : i64, scratch_operands = 4 : i64, tpu.core_type = #tpu.core_type<sc_vector_subcore>, window_params = [{transform_indices = #map}, {transform_indices = #map}, {transform_indices = #map1}]} {
    %mul3A = arith.constant 2 : i32
    %mul3A_0 = arith.muli %arg1, %mul3A : i32
    %add3A = arith.addi %mul3A_0, %arg0 : i32
    %mul3A_1 = arith.constant 10000 : i32
    %mul3A_2 = arith.muli %add3A, %mul3A_1 : i32
    %scan3A = arith.constant 0 : i32
    %scan3A_3 = arith.constant 0 : i32
    %scan3A_4 = arith.constant 40 : i32
    %scan3A_5 = arith.addi %scan3A_3, %scan3A_4 : i32
    %scan3A_6 = arith.constant 4 : i32
    %scan3A_7 = scf.for %scan3A_16 = %scan3A_3 to %scan3A_5 step %scan3A_6 iter_args(%scan3A_17 = %scan3A) -> (i32)  : i32 {
      %broadcast_in_dim3A = arith.constant 0.000000e+00 : f32
      %broadcast_in_dim3A_18 = vector.broadcast %broadcast_in_dim3A : f32 to vector<16xf32>
      %mul3A_19 = arith.constant 16 : i32
      %mul3A_20 = arith.muli %scan3A_16, %mul3A_19 : i32
      %swap3A = arith.index_cast %mul3A_20 : i32 to index
      %swap3A_21 = tpu.vector_load %arg7[%swap3A] {strides = array<i32>} : memref<640xf32, #tpu.memory_space<vmem>>, vector<16xf32>,
      %swap3A_22 = vector.shape_cast %swap3A_21 : vector<16xf32> to vector<16xf32>
      %swap3A_23 = vector.shape_cast %broadcast_in_dim3A_18 : vector<16xf32> to vector<16xf32>
      tpu.vector_store %arg7[%swap3A], %swap3A_23 {strides = array<i32>} : memref<640xf32, #tpu.memory_space<vmem>>, vector<16xf32>,
      %scan3A_24 = arith.constant 0 : i32
      %scan3A_25 = arith.constant 1 : i32
      %scan3A_26 = arith.addi %scan3A_16, %scan3A_25 : i32
      %broadcast_in_dim3A_27 = arith.constant 0.000000e+00 : f32
      %broadcast_in_dim3A_28 = vector.broadcast %broadcast_in_dim3A_27 : f32 to vector<16xf32>
      %mul3A_29 = arith.constant 16 : i32
      %mul3A_30 = arith.muli %scan3A_26, %mul3A_29 : i32
      %swap3A_31 = arith.index_cast %mul3A_30 : i32 to index
      %swap3A_32 = tpu.vector_load %arg7[%swap3A_31] {strides = array<i32>} : memref<640xf32, #tpu.memory_space<vmem>>, vector<16xf32>,
      %swap3A_33 = vector.shape_cast %swap3A_32 : vector<16xf32> to vector<16xf32>
      %swap3A_34 = vector.shape_cast %broadcast_in_dim3A_28 : vector<16xf32> to vector<16xf32>
      tpu.vector_store %arg7[%swap3A_31], %swap3A_34 {strides = array<i32>} : memref<640xf32, #tpu.memory_space<vmem>>, vector<16xf32>,
      %scan3A_35 = arith.constant 0 : i32
      %scan3A_36 = arith.constant 2 : i32
      %scan3A_37 = arith.addi %scan3A_16, %scan3A_36 : i32
      %broadcast_in_dim3A_38 = arith.constant 0.000000e+00 : f32
      %broadcast_in_dim3A_39 = vector.broadcast %broadcast_in_dim3A_38 : f32 to vector<16xf32>
      %mul3A_40 = arith.constant 16 : i32
      %mul3A_41 = arith.muli %scan3A_37, %mul3A_40 : i32
      %swap3A_42 = arith.index_cast %mul3A_41 : i32 to index
      %swap3A_43 = tpu.vector_load %arg7[%swap3A_42] {strides = array<i32>} : memref<640xf32, #tpu.memory_space<vmem>>, vector<16xf32>,
      %swap3A_44 = vector.shape_cast %swap3A_43 : vector<16xf32> to vector<16xf32>
      %swap3A_45 = vector.shape_cast %broadcast_in_dim3A_39 : vector<16xf32> to vector<16xf32>
      tpu.vector_store %arg7[%swap3A_42], %swap3A_45 {strides = array<i32>} : memref<640xf32, #tpu.memory_space<vmem>>, vector<16xf32>,
      %scan3A_46 = arith.constant 0 : i32
      %scan3A_47 = arith.constant 3 : i32
      %scan3A_48 = arith.addi %scan3A_16, %scan3A_47 : i32
      %broadcast_in_dim3A_49 = arith.constant 0.000000e+00 : f32
      %broadcast_in_dim3A_50 = vector.broadcast %broadcast_in_dim3A_49 : f32 to vector<16xf32>
      %mul3A_51 = arith.constant 16 : i32
      %mul3A_52 = arith.muli %scan3A_48, %mul3A_51 : i32
      %swap3A_53 = arith.index_cast %mul3A_52 : i32 to index
      %swap3A_54 = tpu.vector_load %arg7[%swap3A_53] {strides = array<i32>} : memref<640xf32, #tpu.memory_space<vmem>>, vector<16xf32>,
      %swap3A_55 = vector.shape_cast %swap3A_54 : vector<16xf32> to vector<16xf32>
      %swap3A_56 = vector.shape_cast %broadcast_in_dim3A_50 : vector<16xf32> to vector<16xf32>
      tpu.vector_store %arg7[%swap3A_53], %swap3A_56 {strides = array<i32>} : memref<640xf32, #tpu.memory_space<vmem>>, vector<16xf32>,
      %scan3A_57 = arith.constant 0 : i32
      scf.yield %scan3A_57 : i32
    }
    %scan3A_8 = arith.constant 40 : i32
    %mul3A_9 = arith.constant 640 : i32
    %mul3A_10 = arith.muli %arg1, %mul3A_9 : i32
    "tpu.region"() ({
      %run_scoped3A = tpu.sem_alloc : memref<!tpu.dma_semaphore, #tpu.memory_space<semaphore_mem>>
      %dma_start3A = tpu.memref_slice %arg8[%mul3A_10] : memref<10240xf32, #tpu.memory_space<vmem_shared>> -> memref<640xf32, #tpu.memory_space<vmem_shared>>
      %dma_start3A_16 = tpu.memref_slice %arg8[%mul3A_10] : memref<10240xf32, #tpu.memory_space<vmem_shared>> -> memref<640xf32, #tpu.memory_space<vmem_shared>>
      tpu.enqueue_dma source(%arg7 : memref<640xf32, #tpu.memory_space<vmem>>) target(%dma_start3A_16 : memref<640xf32, #tpu.memory_space<vmem_shared>>) target_semaphore(%run_scoped3A : memref<!tpu.dma_semaphore, #tpu.memory_space<semaphore_mem>>)
      %dma_wait3A = tpu.memref_slice %arg8[%mul3A_10] : memref<10240xf32, #tpu.memory_space<vmem_shared>> -> memref<640xf32, #tpu.memory_space<vmem_shared>>
      %dma_wait3A_17 = tpu.memref_slice %arg8[%mul3A_10] : memref<10240xf32, #tpu.memory_space<vmem_shared>> -> memref<640xf32, #tpu.memory_space<vmem_shared>>
      tpu.wait_dma2 semaphore(%run_scoped3A : memref<!tpu.dma_semaphore, #tpu.memory_space<semaphore_mem>>) src(%arg7 : memref<640xf32, #tpu.memory_space<vmem>>) dst(%dma_wait3A_17 : memref<640xf32, #tpu.memory_space<vmem_shared>>)
      tpu.yield
    }) : () -> ()
    %barrier3A = arith.constant 0 : index
    tpu.barrier barrier_id(%barrier3A)
    "tpu.region"() ({
      %run_scoped3A = tpu.sem_alloc : memref<!tpu.dma_semaphore, #tpu.memory_space<semaphore_mem>>
      %dma_start3A = tpu.memref_slice %arg2[%mul3A_2] : memref<320000xi32, #tpu.memory_space<hbm>> -> memref<10000xi32, #tpu.memory_space<hbm>>
      %dma_start3A_16 = tpu.memref_slice %arg2[%mul3A_2] : memref<320000xi32, #tpu.memory_space<hbm>> -> memref<10000xi32, #tpu.memory_space<hbm>>
      tpu.enqueue_dma source(%dma_start3A_16 : memref<10000xi32, #tpu.memory_space<hbm>>) target(%arg5 : memref<10000xi32, #tpu.memory_space<vmem>>) target_semaphore(%run_scoped3A : memref<!tpu.dma_semaphore, #tpu.memory_space<semaphore_mem>>)
      %dma_wait3A = tpu.memref_slice %arg2[%mul3A_2] : memref<320000xi32, #tpu.memory_space<hbm>> -> memref<10000xi32, #tpu.memory_space<hbm>>
      %dma_wait3A_17 = tpu.memref_slice %arg2[%mul3A_2] : memref<320000xi32, #tpu.memory_space<hbm>> -> memref<10000xi32, #tpu.memory_space<hbm>>
      tpu.wait_dma2 semaphore(%run_scoped3A : memref<!tpu.dma_semaphore, #tpu.memory_space<semaphore_mem>>) src(%dma_wait3A_17 : memref<10000xi32, #tpu.memory_space<hbm>>) dst(%arg5 : memref<10000xi32, #tpu.memory_space<vmem>>)
      tpu.yield
    }) : () -> ()
    "tpu.region"() ({
      %run_scoped3A = tpu.sem_alloc : memref<!tpu.dma_semaphore, #tpu.memory_space<semaphore_mem>>
      %dma_start3A = tpu.memref_slice %arg3[%mul3A_2] : memref<320000xf32, #tpu.memory_space<hbm>> -> memref<10000xf32, #tpu.memory_space<hbm>>
      %dma_start3A_16 = tpu.memref_slice %arg3[%mul3A_2] : memref<320000xf32, #tpu.memory_space<hbm>> -> memref<10000xf32, #tpu.memory_space<hbm>>
      tpu.enqueue_dma source(%dma_start3A_16 : memref<10000xf32, #tpu.memory_space<hbm>>) target(%arg6 : memref<10000xf32, #tpu.memory_space<vmem>>) target_semaphore(%run_scoped3A : memref<!tpu.dma_semaphore, #tpu.memory_space<semaphore_mem>>)
      %dma_wait3A = tpu.memref_slice %arg3[%mul3A_2] : memref<320000xf32, #tpu.memory_space<hbm>> -> memref<10000xf32, #tpu.memory_space<hbm>>
      %dma_wait3A_17 = tpu.memref_slice %arg3[%mul3A_2] : memref<320000xf32, #tpu.memory_space<hbm>> -> memref<10000xf32, #tpu.memory_space<hbm>>
      tpu.wait_dma2 semaphore(%run_scoped3A : memref<!tpu.dma_semaphore, #tpu.memory_space<semaphore_mem>>) src(%dma_wait3A_17 : memref<10000xf32, #tpu.memory_space<hbm>>) dst(%arg6 : memref<10000xf32, #tpu.memory_space<vmem>>)
      tpu.yield
    }) : () -> ()
    "tpu.region"() ({
      %run_scoped3A = tpu.sem_alloc : memref<!tpu.dma_semaphore, #tpu.memory_space<semaphore_mem>>
      %dma_start3A = arith.constant 0 : i32
      %dma_start3A_16 = tpu.memref_slice %arg8[%dma_start3A] : memref<10240xf32, #tpu.memory_space<vmem_shared>> -> memref<10240xf32, #tpu.memory_space<vmem_shared>>
      tpu.enqueue_indirect_dma source(%arg6 : memref<10000xf32, #tpu.memory_space<vmem>>) target(%dma_start3A_16 : memref<10240xf32, #tpu.memory_space<vmem_shared>>) offsets(%arg5 : memref<10000xi32, #tpu.memory_space<vmem>>) semaphore(%run_scoped3A : memref<!tpu.dma_semaphore, #tpu.memory_space<semaphore_mem>>) {add = true}
      %dma_wait3A = arith.constant 0 : i32
      %dma_wait3A_17 = tpu.memref_slice %arg8[%dma_wait3A] : memref<10240xf32, #tpu.memory_space<vmem_shared>> -> memref<10240xf32, #tpu.memory_space<vmem_shared>>
      tpu.wait_indirect_dma semaphore(%run_scoped3A : memref<!tpu.dma_semaphore, #tpu.memory_space<semaphore_mem>>) src(%arg6 : memref<10000xf32, #tpu.memory_space<vmem>>) dst(%dma_wait3A_17 : memref<10240xf32, #tpu.memory_space<vmem_shared>>)
      tpu.yield
    }) : () -> ()
    %barrier3A_11 = arith.constant 0 : index
    tpu.barrier barrier_id(%barrier3A_11)
    %mul3A_12 = arith.constant 640 : i32
    %mul3A_13 = arith.muli %arg1, %mul3A_12 : i32
    %mul3A_14 = arith.constant 640 : i32
    %mul3A_15 = arith.muli %arg1, %mul3A_14 : i32
    "tpu.region"() ({
      %run_scoped3A = tpu.sem_alloc : memref<!tpu.dma_semaphore, #tpu.memory_space<semaphore_mem>>
      %dma_start3A = tpu.memref_slice %arg4[%arg0, %mul3A_15] : memref<2x10240xf32, #tpu.memory_space<hbm>> -> memref<1x640xf32, #tpu.memory_space<hbm>>
      %dma_start3A_16 = tpu.memref_squeeze %dma_start3A : memref<1x640xf32, #tpu.memory_space<hbm>> -> memref<640xf32, #tpu.memory_space<hbm>>
      %dma_start3A_17 = tpu.memref_slice %arg8[%mul3A_13] : memref<10240xf32, #tpu.memory_space<vmem_shared>> -> memref<640xf32, #tpu.memory_space<vmem_shared>>
      tpu.enqueue_dma source(%dma_start3A_17 : memref<640xf32, #tpu.memory_space<vmem_shared>>) target(%dma_start3A_16 : memref<640xf32, #tpu.memory_space<hbm>>) target_semaphore(%run_scoped3A : memref<!tpu.dma_semaphore, #tpu.memory_space<semaphore_mem>>)
      %dma_wait3A = tpu.memref_slice %arg4[%arg0, %mul3A_15] : memref<2x10240xf32, #tpu.memory_space<hbm>> -> memref<1x640xf32, #tpu.memory_space<hbm>>
      %dma_wait3A_18 = tpu.memref_squeeze %dma_wait3A : memref<1x640xf32, #tpu.memory_space<hbm>> -> memref<640xf32, #tpu.memory_space<hbm>>
      %dma_wait3A_19 = tpu.memref_slice %arg8[%mul3A_13] : memref<10240xf32, #tpu.memory_space<vmem_shared>> -> memref<640xf32, #tpu.memory_space<vmem_shared>>
      tpu.wait_dma2 semaphore(%run_scoped3A : memref<!tpu.dma_semaphore, #tpu.memory_space<semaphore_mem>>) src(%dma_wait3A_19 : memref<640xf32, #tpu.memory_space<vmem_shared>>) dst(%dma_wait3A_18 : memref<640xf32, #tpu.memory_space<hbm>>)
      tpu.yield
    }) : () -> ()
    return
  }
}

#map = affine_map<(d0, d1) -> (0)>
#map1 = affine_map<(d0, d1) -> (0, 0)>
#map2 = affine_map<(d0, d1) -> (0, 0, 0)>
module attributes {stable_mosaic.version = 14 : i64} {
  func.func @_sc_msg(%arg0: i32, %arg1: i32, %arg2: memref<320000xi32, #tpu.memory_space<hbm>>, %arg3: memref<320000xi32, #tpu.memory_space<hbm>>, %arg4: memref<320000xf32, #tpu.memory_space<hbm>>, %arg5: memref<10240x16xf32, #tpu.memory_space<hbm>>, %arg6: memref<10240xf32, #tpu.memory_space<hbm>>, %arg7: memref<2x10240x16xf32, #tpu.memory_space<hbm>>, %arg8: memref<2x2000xi32, #tpu.memory_space<vmem>>, %arg9: memref<2x2000xi32, #tpu.memory_space<vmem>>, %arg10: memref<2x2000xf32, #tpu.memory_space<vmem>>, %arg11: memref<2x2000x16xf32, #tpu.memory_space<vmem>>, %arg12: memref<10240xf32, #tpu.memory_space<vmem>>, %arg13: memref<640x16xf32, #tpu.memory_space<vmem>>, %arg14: memref<10240x16xf32, #tpu.memory_space<vmem_shared>>, %arg15: memref<10240x16xf32, #tpu.memory_space<vmem_shared>>, %arg16: memref<!tpu.dma_semaphore, #tpu.memory_space<semaphore_mem>>, %arg17: memref<!tpu.dma_semaphore, #tpu.memory_space<semaphore_mem>>, %arg18: memref<!tpu.dma_semaphore, #tpu.memory_space<semaphore_mem>>, %arg19: memref<!tpu.dma_semaphore, #tpu.memory_space<semaphore_mem>>) attributes {dimension_semantics = [#tpu.dimension_semantics<core_parallel>, #tpu.dimension_semantics<subcore_parallel>], iteration_bounds = array<i64: 2, 16>, scalar_prefetch = 0 : i64, scratch_operands = 12 : i64, tpu.core_type = #tpu.core_type<sc_vector_subcore>, window_params = [{transform_indices = #map}, {transform_indices = #map}, {transform_indices = #map}, {transform_indices = #map1}, {transform_indices = #map}, {transform_indices = #map2}]} {
    %mul3A = arith.constant 2 : i32
    %mul3A_0 = arith.muli %arg1, %mul3A : i32
    %add3A = arith.addi %mul3A_0, %arg0 : i32
    %mul3A_1 = arith.constant 10000 : i32
    %mul3A_2 = arith.muli %add3A, %mul3A_1 : i32
    %scan3A = arith.constant 0 : i32
    %scan3A_3 = arith.constant 0 : i32
    %scan3A_4 = arith.constant 640 : i32
    %scan3A_5 = arith.addi %scan3A_3, %scan3A_4 : i32
    %scan3A_6 = arith.constant 4 : i32
    %scan3A_7 = scf.for %scan3A_311 = %scan3A_3 to %scan3A_5 step %scan3A_6 iter_args(%scan3A_312 = %scan3A) -> (i32)  : i32 {
      %broadcast_in_dim3A = arith.constant 0.000000e+00 : f32
      %broadcast_in_dim3A_313 = vector.broadcast %broadcast_in_dim3A : f32 to vector<16xf32>
      %swap3A = arith.index_cast %scan3A_311 : i32 to index
      %swap3A_314 = arith.constant 0 : index
      %swap3A_315 = tpu.vector_load %arg13[%swap3A, %swap3A_314] {strides = array<i32>} : memref<640x16xf32, #tpu.memory_space<vmem>>, vector<16xf32>,
      tpu.vector_store %arg13[%swap3A, %swap3A_314], %broadcast_in_dim3A_313 {strides = array<i32>} : memref<640x16xf32, #tpu.memory_space<vmem>>, vector<16xf32>,
      %scan3A_316 = arith.constant 0 : i32
      %scan3A_317 = arith.constant 1 : i32
      %scan3A_318 = arith.addi %scan3A_311, %scan3A_317 : i32
      %broadcast_in_dim3A_319 = arith.constant 0.000000e+00 : f32
      %broadcast_in_dim3A_320 = vector.broadcast %broadcast_in_dim3A_319 : f32 to vector<16xf32>
      %swap3A_321 = arith.index_cast %scan3A_318 : i32 to index
      %swap3A_322 = arith.constant 0 : index
      %swap3A_323 = tpu.vector_load %arg13[%swap3A_321, %swap3A_322] {strides = array<i32>} : memref<640x16xf32, #tpu.memory_space<vmem>>, vector<16xf32>,
      tpu.vector_store %arg13[%swap3A_321, %swap3A_322], %broadcast_in_dim3A_320 {strides = array<i32>} : memref<640x16xf32, #tpu.memory_space<vmem>>, vector<16xf32>,
      %scan3A_324 = arith.constant 0 : i32
      %scan3A_325 = arith.constant 2 : i32
      %scan3A_326 = arith.addi %scan3A_311, %scan3A_325 : i32
      %broadcast_in_dim3A_327 = arith.constant 0.000000e+00 : f32
      %broadcast_in_dim3A_328 = vector.broadcast %broadcast_in_dim3A_327 : f32 to vector<16xf32>
      %swap3A_329 = arith.index_cast %scan3A_326 : i32 to index
      %swap3A_330 = arith.constant 0 : index
      %swap3A_331 = tpu.vector_load %arg13[%swap3A_329, %swap3A_330] {strides = array<i32>} : memref<640x16xf32, #tpu.memory_space<vmem>>, vector<16xf32>,
      tpu.vector_store %arg13[%swap3A_329, %swap3A_330], %broadcast_in_dim3A_328 {strides = array<i32>} : memref<640x16xf32, #tpu.memory_space<vmem>>, vector<16xf32>,
      %scan3A_332 = arith.constant 0 : i32
      %scan3A_333 = arith.constant 3 : i32
      %scan3A_334 = arith.addi %scan3A_311, %scan3A_333 : i32
      %broadcast_in_dim3A_335 = arith.constant 0.000000e+00 : f32
      %broadcast_in_dim3A_336 = vector.broadcast %broadcast_in_dim3A_335 : f32 to vector<16xf32>
      %swap3A_337 = arith.index_cast %scan3A_334 : i32 to index
      %swap3A_338 = arith.constant 0 : index
      %swap3A_339 = tpu.vector_load %arg13[%swap3A_337, %swap3A_338] {strides = array<i32>} : memref<640x16xf32, #tpu.memory_space<vmem>>, vector<16xf32>,
      tpu.vector_store %arg13[%swap3A_337, %swap3A_338], %broadcast_in_dim3A_336 {strides = array<i32>} : memref<640x16xf32, #tpu.memory_space<vmem>>, vector<16xf32>,
      %scan3A_340 = arith.constant 0 : i32
      scf.yield %scan3A_340 : i32
    }
    %scan3A_8 = arith.constant 640 : i32
    %mul3A_9 = arith.constant 640 : i32
    %mul3A_10 = arith.muli %arg1, %mul3A_9 : i32
    "tpu.region"() ({
      %run_scoped3A_311 = tpu.sem_alloc : memref<!tpu.dma_semaphore, #tpu.memory_space<semaphore_mem>>
      %dma_start3A_312 = arith.constant 0 : i32
      %dma_start3A_313 = tpu.memref_slice %arg14[%mul3A_10, %dma_start3A_312] : memref<10240x16xf32, #tpu.memory_space<vmem_shared>> -> memref<640x16xf32, #tpu.memory_space<vmem_shared>>
      %dma_start3A_314 = arith.constant 0 : i32
      %dma_start3A_315 = tpu.memref_slice %arg14[%mul3A_10, %dma_start3A_314] : memref<10240x16xf32, #tpu.memory_space<vmem_shared>> -> memref<640x16xf32, #tpu.memory_space<vmem_shared>>
      tpu.enqueue_dma source(%arg13 : memref<640x16xf32, #tpu.memory_space<vmem>>) target(%dma_start3A_315 : memref<640x16xf32, #tpu.memory_space<vmem_shared>>) target_semaphore(%run_scoped3A_311 : memref<!tpu.dma_semaphore, #tpu.memory_space<semaphore_mem>>)
      %dma_wait3A_316 = arith.constant 0 : i32
      %dma_wait3A_317 = tpu.memref_slice %arg14[%mul3A_10, %dma_wait3A_316] : memref<10240x16xf32, #tpu.memory_space<vmem_shared>> -> memref<640x16xf32, #tpu.memory_space<vmem_shared>>
      %dma_wait3A_318 = arith.constant 0 : i32
      %dma_wait3A_319 = tpu.memref_slice %arg14[%mul3A_10, %dma_wait3A_318] : memref<10240x16xf32, #tpu.memory_space<vmem_shared>> -> memref<640x16xf32, #tpu.memory_space<vmem_shared>>
      tpu.wait_dma2 semaphore(%run_scoped3A_311 : memref<!tpu.dma_semaphore, #tpu.memory_space<semaphore_mem>>) src(%arg13 : memref<640x16xf32, #tpu.memory_space<vmem>>) dst(%dma_wait3A_319 : memref<640x16xf32, #tpu.memory_space<vmem_shared>>)
      tpu.yield
    }) : () -> ()
    %mul3A_11 = arith.constant 640 : i32
    %mul3A_12 = arith.muli %arg1, %mul3A_11 : i32
    "tpu.region"() ({
      %run_scoped3A_311 = tpu.sem_alloc : memref<!tpu.dma_semaphore, #tpu.memory_space<semaphore_mem>>
      %dma_start3A_312 = arith.constant 0 : i32
      %dma_start3A_313 = tpu.memref_slice %arg5[%mul3A_12, %dma_start3A_312] : memref<10240x16xf32, #tpu.memory_space<hbm>> -> memref<640x16xf32, #tpu.memory_space<hbm>>
      %dma_start3A_314 = arith.constant 0 : i32
      %dma_start3A_315 = tpu.memref_slice %arg5[%mul3A_12, %dma_start3A_314] : memref<10240x16xf32, #tpu.memory_space<hbm>> -> memref<640x16xf32, #tpu.memory_space<hbm>>
      tpu.enqueue_dma source(%dma_start3A_315 : memref<640x16xf32, #tpu.memory_space<hbm>>) target(%arg13 : memref<640x16xf32, #tpu.memory_space<vmem>>) target_semaphore(%run_scoped3A_311 : memref<!tpu.dma_semaphore, #tpu.memory_space<semaphore_mem>>)
      %dma_wait3A_316 = arith.constant 0 : i32
      %dma_wait3A_317 = tpu.memref_slice %arg5[%mul3A_12, %dma_wait3A_316] : memref<10240x16xf32, #tpu.memory_space<hbm>> -> memref<640x16xf32, #tpu.memory_space<hbm>>
      %dma_wait3A_318 = arith.constant 0 : i32
      %dma_wait3A_319 = tpu.memref_slice %arg5[%mul3A_12, %dma_wait3A_318] : memref<10240x16xf32, #tpu.memory_space<hbm>> -> memref<640x16xf32, #tpu.memory_space<hbm>>
      tpu.wait_dma2 semaphore(%run_scoped3A_311 : memref<!tpu.dma_semaphore, #tpu.memory_space<semaphore_mem>>) src(%dma_wait3A_319 : memref<640x16xf32, #tpu.memory_space<hbm>>) dst(%arg13 : memref<640x16xf32, #tpu.memory_space<vmem>>)
      tpu.yield
    }) : () -> ()
    %mul3A_13 = arith.constant 640 : i32
    %mul3A_14 = arith.muli %arg1, %mul3A_13 : i32
    "tpu.region"() ({
      %run_scoped3A_311 = tpu.sem_alloc : memref<!tpu.dma_semaphore, #tpu.memory_space<semaphore_mem>>
      %dma_start3A_312 = arith.constant 0 : i32
      %dma_start3A_313 = tpu.memref_slice %arg15[%mul3A_14, %dma_start3A_312] : memref<10240x16xf32, #tpu.memory_space<vmem_shared>> -> memref<640x16xf32, #tpu.memory_space<vmem_shared>>
      %dma_start3A_314 = arith.constant 0 : i32
      %dma_start3A_315 = tpu.memref_slice %arg15[%mul3A_14, %dma_start3A_314] : memref<10240x16xf32, #tpu.memory_space<vmem_shared>> -> memref<640x16xf32, #tpu.memory_space<vmem_shared>>
      tpu.enqueue_dma source(%arg13 : memref<640x16xf32, #tpu.memory_space<vmem>>) target(%dma_start3A_315 : memref<640x16xf32, #tpu.memory_space<vmem_shared>>) target_semaphore(%run_scoped3A_311 : memref<!tpu.dma_semaphore, #tpu.memory_space<semaphore_mem>>)
      %dma_wait3A_316 = arith.constant 0 : i32
      %dma_wait3A_317 = tpu.memref_slice %arg15[%mul3A_14, %dma_wait3A_316] : memref<10240x16xf32, #tpu.memory_space<vmem_shared>> -> memref<640x16xf32, #tpu.memory_space<vmem_shared>>
      %dma_wait3A_318 = arith.constant 0 : i32
      %dma_wait3A_319 = tpu.memref_slice %arg15[%mul3A_14, %dma_wait3A_318] : memref<10240x16xf32, #tpu.memory_space<vmem_shared>> -> memref<640x16xf32, #tpu.memory_space<vmem_shared>>
      tpu.wait_dma2 semaphore(%run_scoped3A_311 : memref<!tpu.dma_semaphore, #tpu.memory_space<semaphore_mem>>) src(%arg13 : memref<640x16xf32, #tpu.memory_space<vmem>>) dst(%dma_wait3A_319 : memref<640x16xf32, #tpu.memory_space<vmem_shared>>)
      tpu.yield
    }) : () -> ()
    "tpu.region"() ({
      %run_scoped3A_311 = tpu.sem_alloc : memref<!tpu.dma_semaphore, #tpu.memory_space<semaphore_mem>>
      tpu.enqueue_dma source(%arg6 : memref<10240xf32, #tpu.memory_space<hbm>>) target(%arg12 : memref<10240xf32, #tpu.memory_space<vmem>>) target_semaphore(%run_scoped3A_311 : memref<!tpu.dma_semaphore, #tpu.memory_space<semaphore_mem>>)
      tpu.wait_dma2 semaphore(%run_scoped3A_311 : memref<!tpu.dma_semaphore, #tpu.memory_space<semaphore_mem>>) src(%arg6 : memref<10240xf32, #tpu.memory_space<hbm>>) dst(%arg12 : memref<10240xf32, #tpu.memory_space<vmem>>)
      tpu.yield
    }) : () -> ()
    %barrier3A = arith.constant 0 : index
    tpu.barrier barrier_id(%barrier3A)
    %add3A_15 = arith.constant 0 : i32
    %add3A_16 = arith.addi %mul3A_2, %add3A_15 : i32
    %run_scoped3A = arith.constant 0 : i32
    "tpu.region"() ({
      %run_scoped3A_311 = tpu.sem_alloc : memref<!tpu.dma_semaphore, #tpu.memory_space<semaphore_mem>>
      %dma_start3A_312 = arith.constant 0 : i32
      %dma_start3A_313 = tpu.memref_slice %arg8[%run_scoped3A, %dma_start3A_312] : memref<2x2000xi32, #tpu.memory_space<vmem>> -> memref<1x2000xi32, #tpu.memory_space<vmem>>
      %dma_start3A_314 = tpu.memref_squeeze %dma_start3A_313 : memref<1x2000xi32, #tpu.memory_space<vmem>> -> memref<2000xi32, #tpu.memory_space<vmem>>
      %dma_start3A_315 = tpu.memref_slice %arg2[%add3A_16] : memref<320000xi32, #tpu.memory_space<hbm>> -> memref<2000xi32, #tpu.memory_space<hbm>>
      %dma_start3A_316 = arith.constant 0 : i32
      %dma_start3A_317 = tpu.memref_slice %arg8[%run_scoped3A, %dma_start3A_316] : memref<2x2000xi32, #tpu.memory_space<vmem>> -> memref<1x2000xi32, #tpu.memory_space<vmem>>
      %dma_start3A_318 = tpu.memref_squeeze %dma_start3A_317 : memref<1x2000xi32, #tpu.memory_space<vmem>> -> memref<2000xi32, #tpu.memory_space<vmem>>
      %dma_start3A_319 = tpu.memref_slice %arg2[%add3A_16] : memref<320000xi32, #tpu.memory_space<hbm>> -> memref<2000xi32, #tpu.memory_space<hbm>>
      tpu.enqueue_dma source(%dma_start3A_319 : memref<2000xi32, #tpu.memory_space<hbm>>) target(%dma_start3A_318 : memref<2000xi32, #tpu.memory_space<vmem>>) target_semaphore(%run_scoped3A_311 : memref<!tpu.dma_semaphore, #tpu.memory_space<semaphore_mem>>)
      %dma_wait3A_320 = arith.constant 0 : i32
      %dma_wait3A_321 = tpu.memref_slice %arg8[%run_scoped3A, %dma_wait3A_320] : memref<2x2000xi32, #tpu.memory_space<vmem>> -> memref<1x2000xi32, #tpu.memory_space<vmem>>
      %dma_wait3A_322 = tpu.memref_squeeze %dma_wait3A_321 : memref<1x2000xi32, #tpu.memory_space<vmem>> -> memref<2000xi32, #tpu.memory_space<vmem>>
      %dma_wait3A_323 = tpu.memref_slice %arg2[%add3A_16] : memref<320000xi32, #tpu.memory_space<hbm>> -> memref<2000xi32, #tpu.memory_space<hbm>>
      %dma_wait3A_324 = arith.constant 0 : i32
      %dma_wait3A_325 = tpu.memref_slice %arg8[%run_scoped3A, %dma_wait3A_324] : memref<2x2000xi32, #tpu.memory_space<vmem>> -> memref<1x2000xi32, #tpu.memory_space<vmem>>
      %dma_wait3A_326 = tpu.memref_squeeze %dma_wait3A_325 : memref<1x2000xi32, #tpu.memory_space<vmem>> -> memref<2000xi32, #tpu.memory_space<vmem>>
      %dma_wait3A_327 = tpu.memref_slice %arg2[%add3A_16] : memref<320000xi32, #tpu.memory_space<hbm>> -> memref<2000xi32, #tpu.memory_space<hbm>>
      tpu.wait_dma2 semaphore(%run_scoped3A_311 : memref<!tpu.dma_semaphore, #tpu.memory_space<semaphore_mem>>) src(%dma_wait3A_327 : memref<2000xi32, #tpu.memory_space<hbm>>) dst(%dma_wait3A_326 : memref<2000xi32, #tpu.memory_space<vmem>>)
      tpu.yield
    }) : () -> ()
    %run_scoped3A_17 = arith.constant 0 : i32
    "tpu.region"() ({
      %run_scoped3A_311 = tpu.sem_alloc : memref<!tpu.dma_semaphore, #tpu.memory_space<semaphore_mem>>
      %dma_start3A_312 = arith.constant 0 : i32
      %dma_start3A_313 = tpu.memref_slice %arg9[%run_scoped3A_17, %dma_start3A_312] : memref<2x2000xi32, #tpu.memory_space<vmem>> -> memref<1x2000xi32, #tpu.memory_space<vmem>>
      %dma_start3A_314 = tpu.memref_squeeze %dma_start3A_313 : memref<1x2000xi32, #tpu.memory_space<vmem>> -> memref<2000xi32, #tpu.memory_space<vmem>>
      %dma_start3A_315 = tpu.memref_slice %arg3[%add3A_16] : memref<320000xi32, #tpu.memory_space<hbm>> -> memref<2000xi32, #tpu.memory_space<hbm>>
      %dma_start3A_316 = arith.constant 0 : i32
      %dma_start3A_317 = tpu.memref_slice %arg9[%run_scoped3A_17, %dma_start3A_316] : memref<2x2000xi32, #tpu.memory_space<vmem>> -> memref<1x2000xi32, #tpu.memory_space<vmem>>
      %dma_start3A_318 = tpu.memref_squeeze %dma_start3A_317 : memref<1x2000xi32, #tpu.memory_space<vmem>> -> memref<2000xi32, #tpu.memory_space<vmem>>
      %dma_start3A_319 = tpu.memref_slice %arg3[%add3A_16] : memref<320000xi32, #tpu.memory_space<hbm>> -> memref<2000xi32, #tpu.memory_space<hbm>>
      tpu.enqueue_dma source(%dma_start3A_319 : memref<2000xi32, #tpu.memory_space<hbm>>) target(%dma_start3A_318 : memref<2000xi32, #tpu.memory_space<vmem>>) target_semaphore(%run_scoped3A_311 : memref<!tpu.dma_semaphore, #tpu.memory_space<semaphore_mem>>)
      %dma_wait3A_320 = arith.constant 0 : i32
      %dma_wait3A_321 = tpu.memref_slice %arg9[%run_scoped3A_17, %dma_wait3A_320] : memref<2x2000xi32, #tpu.memory_space<vmem>> -> memref<1x2000xi32, #tpu.memory_space<vmem>>
      %dma_wait3A_322 = tpu.memref_squeeze %dma_wait3A_321 : memref<1x2000xi32, #tpu.memory_space<vmem>> -> memref<2000xi32, #tpu.memory_space<vmem>>
      %dma_wait3A_323 = tpu.memref_slice %arg3[%add3A_16] : memref<320000xi32, #tpu.memory_space<hbm>> -> memref<2000xi32, #tpu.memory_space<hbm>>
      %dma_wait3A_324 = arith.constant 0 : i32
      %dma_wait3A_325 = tpu.memref_slice %arg9[%run_scoped3A_17, %dma_wait3A_324] : memref<2x2000xi32, #tpu.memory_space<vmem>> -> memref<1x2000xi32, #tpu.memory_space<vmem>>
      %dma_wait3A_326 = tpu.memref_squeeze %dma_wait3A_325 : memref<1x2000xi32, #tpu.memory_space<vmem>> -> memref<2000xi32, #tpu.memory_space<vmem>>
      %dma_wait3A_327 = tpu.memref_slice %arg3[%add3A_16] : memref<320000xi32, #tpu.memory_space<hbm>> -> memref<2000xi32, #tpu.memory_space<hbm>>
      tpu.wait_dma2 semaphore(%run_scoped3A_311 : memref<!tpu.dma_semaphore, #tpu.memory_space<semaphore_mem>>) src(%dma_wait3A_327 : memref<2000xi32, #tpu.memory_space<hbm>>) dst(%dma_wait3A_326 : memref<2000xi32, #tpu.memory_space<vmem>>)
      tpu.yield
    }) : () -> ()
    %run_scoped3A_18 = arith.constant 0 : i32
    "tpu.region"() ({
      %run_scoped3A_311 = tpu.sem_alloc : memref<!tpu.dma_semaphore, #tpu.memory_space<semaphore_mem>>
      %dma_start3A_312 = arith.constant 0 : i32
      %dma_start3A_313 = tpu.memref_slice %arg10[%run_scoped3A_18, %dma_start3A_312] : memref<2x2000xf32, #tpu.memory_space<vmem>> -> memref<1x2000xf32, #tpu.memory_space<vmem>>
      %dma_start3A_314 = tpu.memref_squeeze %dma_start3A_313 : memref<1x2000xf32, #tpu.memory_space<vmem>> -> memref<2000xf32, #tpu.memory_space<vmem>>
      %dma_start3A_315 = tpu.memref_slice %arg4[%add3A_16] : memref<320000xf32, #tpu.memory_space<hbm>> -> memref<2000xf32, #tpu.memory_space<hbm>>
      %dma_start3A_316 = arith.constant 0 : i32
      %dma_start3A_317 = tpu.memref_slice %arg10[%run_scoped3A_18, %dma_start3A_316] : memref<2x2000xf32, #tpu.memory_space<vmem>> -> memref<1x2000xf32, #tpu.memory_space<vmem>>
      %dma_start3A_318 = tpu.memref_squeeze %dma_start3A_317 : memref<1x2000xf32, #tpu.memory_space<vmem>> -> memref<2000xf32, #tpu.memory_space<vmem>>
      %dma_start3A_319 = tpu.memref_slice %arg4[%add3A_16] : memref<320000xf32, #tpu.memory_space<hbm>> -> memref<2000xf32, #tpu.memory_space<hbm>>
      tpu.enqueue_dma source(%dma_start3A_319 : memref<2000xf32, #tpu.memory_space<hbm>>) target(%dma_start3A_318 : memref<2000xf32, #tpu.memory_space<vmem>>) target_semaphore(%run_scoped3A_311 : memref<!tpu.dma_semaphore, #tpu.memory_space<semaphore_mem>>)
      %dma_wait3A_320 = arith.constant 0 : i32
      %dma_wait3A_321 = tpu.memref_slice %arg10[%run_scoped3A_18, %dma_wait3A_320] : memref<2x2000xf32, #tpu.memory_space<vmem>> -> memref<1x2000xf32, #tpu.memory_space<vmem>>
      %dma_wait3A_322 = tpu.memref_squeeze %dma_wait3A_321 : memref<1x2000xf32, #tpu.memory_space<vmem>> -> memref<2000xf32, #tpu.memory_space<vmem>>
      %dma_wait3A_323 = tpu.memref_slice %arg4[%add3A_16] : memref<320000xf32, #tpu.memory_space<hbm>> -> memref<2000xf32, #tpu.memory_space<hbm>>
      %dma_wait3A_324 = arith.constant 0 : i32
      %dma_wait3A_325 = tpu.memref_slice %arg10[%run_scoped3A_18, %dma_wait3A_324] : memref<2x2000xf32, #tpu.memory_space<vmem>> -> memref<1x2000xf32, #tpu.memory_space<vmem>>
      %dma_wait3A_326 = tpu.memref_squeeze %dma_wait3A_325 : memref<1x2000xf32, #tpu.memory_space<vmem>> -> memref<2000xf32, #tpu.memory_space<vmem>>
      %dma_wait3A_327 = tpu.memref_slice %arg4[%add3A_16] : memref<320000xf32, #tpu.memory_space<hbm>> -> memref<2000xf32, #tpu.memory_space<hbm>>
      tpu.wait_dma2 semaphore(%run_scoped3A_311 : memref<!tpu.dma_semaphore, #tpu.memory_space<semaphore_mem>>) src(%dma_wait3A_327 : memref<2000xf32, #tpu.memory_space<hbm>>) dst(%dma_wait3A_326 : memref<2000xf32, #tpu.memory_space<vmem>>)
      tpu.yield
    }) : () -> ()
    %dma_start3A = arith.constant 0 : i32
    %dma_start3A_19 = arith.constant 0 : i32
    %dma_start3A_20 = arith.constant 0 : i32
    %dma_start3A_21 = arith.constant 0 : i32
    %dma_start3A_22 = tpu.memref_slice %arg11[%dma_start3A_19, %dma_start3A_20, %dma_start3A_21] : memref<2x2000x16xf32, #tpu.memory_space<vmem>> -> memref<1x2000x16xf32, #tpu.memory_space<vmem>>
    %dma_start3A_23 = tpu.memref_squeeze %dma_start3A_22 : memref<1x2000x16xf32, #tpu.memory_space<vmem>> -> memref<2000x16xf32, #tpu.memory_space<vmem>>
    %dma_start3A_24 = arith.constant 0 : i32
    %dma_start3A_25 = tpu.memref_slice %arg8[%dma_start3A, %dma_start3A_24] : memref<2x2000xi32, #tpu.memory_space<vmem>> -> memref<1x2000xi32, #tpu.memory_space<vmem>>
    %dma_start3A_26 = tpu.memref_squeeze %dma_start3A_25 : memref<1x2000xi32, #tpu.memory_space<vmem>> -> memref<2000xi32, #tpu.memory_space<vmem>>
    %dma_start3A_27 = arith.constant 0 : i32
    %dma_start3A_28 = arith.constant 0 : i32
    %dma_start3A_29 = tpu.memref_slice %arg15[%dma_start3A_27, %dma_start3A_28] : memref<10240x16xf32, #tpu.memory_space<vmem_shared>> -> memref<10240x16xf32, #tpu.memory_space<vmem_shared>>
    tpu.enqueue_indirect_dma source(%dma_start3A_29 : memref<10240x16xf32, #tpu.memory_space<vmem_shared>>) target(%dma_start3A_23 : memref<2000x16xf32, #tpu.memory_space<vmem>>) offsets(%dma_start3A_26 : memref<2000xi32, #tpu.memory_space<vmem>>) semaphore(%arg16 : memref<!tpu.dma_semaphore, #tpu.memory_space<semaphore_mem>>)
    %add3A_30 = arith.constant 2000 : i32
    %add3A_31 = arith.addi %mul3A_2, %add3A_30 : i32
    %run_scoped3A_32 = arith.constant 1 : i32
    "tpu.region"() ({
      %run_scoped3A_311 = tpu.sem_alloc : memref<!tpu.dma_semaphore, #tpu.memory_space<semaphore_mem>>
      %dma_start3A_312 = arith.constant 0 : i32
      %dma_start3A_313 = tpu.memref_slice %arg8[%run_scoped3A_32, %dma_start3A_312] : memref<2x2000xi32, #tpu.memory_space<vmem>> -> memref<1x2000xi32, #tpu.memory_space<vmem>>
      %dma_start3A_314 = tpu.memref_squeeze %dma_start3A_313 : memref<1x2000xi32, #tpu.memory_space<vmem>> -> memref<2000xi32, #tpu.memory_space<vmem>>
      %dma_start3A_315 = tpu.memref_slice %arg2[%add3A_31] : memref<320000xi32, #tpu.memory_space<hbm>> -> memref<2000xi32, #tpu.memory_space<hbm>>
      %dma_start3A_316 = arith.constant 0 : i32
      %dma_start3A_317 = tpu.memref_slice %arg8[%run_scoped3A_32, %dma_start3A_316] : memref<2x2000xi32, #tpu.memory_space<vmem>> -> memref<1x2000xi32, #tpu.memory_space<vmem>>
      %dma_start3A_318 = tpu.memref_squeeze %dma_start3A_317 : memref<1x2000xi32, #tpu.memory_space<vmem>> -> memref<2000xi32, #tpu.memory_space<vmem>>
      %dma_start3A_319 = tpu.memref_slice %arg2[%add3A_31] : memref<320000xi32, #tpu.memory_space<hbm>> -> memref<2000xi32, #tpu.memory_space<hbm>>
      tpu.enqueue_dma source(%dma_start3A_319 : memref<2000xi32, #tpu.memory_space<hbm>>) target(%dma_start3A_318 : memref<2000xi32, #tpu.memory_space<vmem>>) target_semaphore(%run_scoped3A_311 : memref<!tpu.dma_semaphore, #tpu.memory_space<semaphore_mem>>)
      %dma_wait3A_320 = arith.constant 0 : i32
      %dma_wait3A_321 = tpu.memref_slice %arg8[%run_scoped3A_32, %dma_wait3A_320] : memref<2x2000xi32, #tpu.memory_space<vmem>> -> memref<1x2000xi32, #tpu.memory_space<vmem>>
      %dma_wait3A_322 = tpu.memref_squeeze %dma_wait3A_321 : memref<1x2000xi32, #tpu.memory_space<vmem>> -> memref<2000xi32, #tpu.memory_space<vmem>>
      %dma_wait3A_323 = tpu.memref_slice %arg2[%add3A_31] : memref<320000xi32, #tpu.memory_space<hbm>> -> memref<2000xi32, #tpu.memory_space<hbm>>
      %dma_wait3A_324 = arith.constant 0 : i32
      %dma_wait3A_325 = tpu.memref_slice %arg8[%run_scoped3A_32, %dma_wait3A_324] : memref<2x2000xi32, #tpu.memory_space<vmem>> -> memref<1x2000xi32, #tpu.memory_space<vmem>>
      %dma_wait3A_326 = tpu.memref_squeeze %dma_wait3A_325 : memref<1x2000xi32, #tpu.memory_space<vmem>> -> memref<2000xi32, #tpu.memory_space<vmem>>
      %dma_wait3A_327 = tpu.memref_slice %arg2[%add3A_31] : memref<320000xi32, #tpu.memory_space<hbm>> -> memref<2000xi32, #tpu.memory_space<hbm>>
      tpu.wait_dma2 semaphore(%run_scoped3A_311 : memref<!tpu.dma_semaphore, #tpu.memory_space<semaphore_mem>>) src(%dma_wait3A_327 : memref<2000xi32, #tpu.memory_space<hbm>>) dst(%dma_wait3A_326 : memref<2000xi32, #tpu.memory_space<vmem>>)
      tpu.yield
    }) : () -> ()
    %run_scoped3A_33 = arith.constant 1 : i32
    "tpu.region"() ({
      %run_scoped3A_311 = tpu.sem_alloc : memref<!tpu.dma_semaphore, #tpu.memory_space<semaphore_mem>>
      %dma_start3A_312 = arith.constant 0 : i32
      %dma_start3A_313 = tpu.memref_slice %arg9[%run_scoped3A_33, %dma_start3A_312] : memref<2x2000xi32, #tpu.memory_space<vmem>> -> memref<1x2000xi32, #tpu.memory_space<vmem>>
      %dma_start3A_314 = tpu.memref_squeeze %dma_start3A_313 : memref<1x2000xi32, #tpu.memory_space<vmem>> -> memref<2000xi32, #tpu.memory_space<vmem>>
      %dma_start3A_315 = tpu.memref_slice %arg3[%add3A_31] : memref<320000xi32, #tpu.memory_space<hbm>> -> memref<2000xi32, #tpu.memory_space<hbm>>
      %dma_start3A_316 = arith.constant 0 : i32
      %dma_start3A_317 = tpu.memref_slice %arg9[%run_scoped3A_33, %dma_start3A_316] : memref<2x2000xi32, #tpu.memory_space<vmem>> -> memref<1x2000xi32, #tpu.memory_space<vmem>>
      %dma_start3A_318 = tpu.memref_squeeze %dma_start3A_317 : memref<1x2000xi32, #tpu.memory_space<vmem>> -> memref<2000xi32, #tpu.memory_space<vmem>>
      %dma_start3A_319 = tpu.memref_slice %arg3[%add3A_31] : memref<320000xi32, #tpu.memory_space<hbm>> -> memref<2000xi32, #tpu.memory_space<hbm>>
      tpu.enqueue_dma source(%dma_start3A_319 : memref<2000xi32, #tpu.memory_space<hbm>>) target(%dma_start3A_318 : memref<2000xi32, #tpu.memory_space<vmem>>) target_semaphore(%run_scoped3A_311 : memref<!tpu.dma_semaphore, #tpu.memory_space<semaphore_mem>>)
      %dma_wait3A_320 = arith.constant 0 : i32
      %dma_wait3A_321 = tpu.memref_slice %arg9[%run_scoped3A_33, %dma_wait3A_320] : memref<2x2000xi32, #tpu.memory_space<vmem>> -> memref<1x2000xi32, #tpu.memory_space<vmem>>
      %dma_wait3A_322 = tpu.memref_squeeze %dma_wait3A_321 : memref<1x2000xi32, #tpu.memory_space<vmem>> -> memref<2000xi32, #tpu.memory_space<vmem>>
      %dma_wait3A_323 = tpu.memref_slice %arg3[%add3A_31] : memref<320000xi32, #tpu.memory_space<hbm>> -> memref<2000xi32, #tpu.memory_space<hbm>>
      %dma_wait3A_324 = arith.constant 0 : i32
      %dma_wait3A_325 = tpu.memref_slice %arg9[%run_scoped3A_33, %dma_wait3A_324] : memref<2x2000xi32, #tpu.memory_space<vmem>> -> memref<1x2000xi32, #tpu.memory_space<vmem>>
      %dma_wait3A_326 = tpu.memref_squeeze %dma_wait3A_325 : memref<1x2000xi32, #tpu.memory_space<vmem>> -> memref<2000xi32, #tpu.memory_space<vmem>>
      %dma_wait3A_327 = tpu.memref_slice %arg3[%add3A_31] : memref<320000xi32, #tpu.memory_space<hbm>> -> memref<2000xi32, #tpu.memory_space<hbm>>
      tpu.wait_dma2 semaphore(%run_scoped3A_311 : memref<!tpu.dma_semaphore, #tpu.memory_space<semaphore_mem>>) src(%dma_wait3A_327 : memref<2000xi32, #tpu.memory_space<hbm>>) dst(%dma_wait3A_326 : memref<2000xi32, #tpu.memory_space<vmem>>)
      tpu.yield
    }) : () -> ()
    %run_scoped3A_34 = arith.constant 1 : i32
    "tpu.region"() ({
      %run_scoped3A_311 = tpu.sem_alloc : memref<!tpu.dma_semaphore, #tpu.memory_space<semaphore_mem>>
      %dma_start3A_312 = arith.constant 0 : i32
      %dma_start3A_313 = tpu.memref_slice %arg10[%run_scoped3A_34, %dma_start3A_312] : memref<2x2000xf32, #tpu.memory_space<vmem>> -> memref<1x2000xf32, #tpu.memory_space<vmem>>
      %dma_start3A_314 = tpu.memref_squeeze %dma_start3A_313 : memref<1x2000xf32, #tpu.memory_space<vmem>> -> memref<2000xf32, #tpu.memory_space<vmem>>
      %dma_start3A_315 = tpu.memref_slice %arg4[%add3A_31] : memref<320000xf32, #tpu.memory_space<hbm>> -> memref<2000xf32, #tpu.memory_space<hbm>>
      %dma_start3A_316 = arith.constant 0 : i32
      %dma_start3A_317 = tpu.memref_slice %arg10[%run_scoped3A_34, %dma_start3A_316] : memref<2x2000xf32, #tpu.memory_space<vmem>> -> memref<1x2000xf32, #tpu.memory_space<vmem>>
      %dma_start3A_318 = tpu.memref_squeeze %dma_start3A_317 : memref<1x2000xf32, #tpu.memory_space<vmem>> -> memref<2000xf32, #tpu.memory_space<vmem>>
      %dma_start3A_319 = tpu.memref_slice %arg4[%add3A_31] : memref<320000xf32, #tpu.memory_space<hbm>> -> memref<2000xf32, #tpu.memory_space<hbm>>
      tpu.enqueue_dma source(%dma_start3A_319 : memref<2000xf32, #tpu.memory_space<hbm>>) target(%dma_start3A_318 : memref<2000xf32, #tpu.memory_space<vmem>>) target_semaphore(%run_scoped3A_311 : memref<!tpu.dma_semaphore, #tpu.memory_space<semaphore_mem>>)
      %dma_wait3A_320 = arith.constant 0 : i32
      %dma_wait3A_321 = tpu.memref_slice %arg10[%run_scoped3A_34, %dma_wait3A_320] : memref<2x2000xf32, #tpu.memory_space<vmem>> -> memref<1x2000xf32, #tpu.memory_space<vmem>>
      %dma_wait3A_322 = tpu.memref_squeeze %dma_wait3A_321 : memref<1x2000xf32, #tpu.memory_space<vmem>> -> memref<2000xf32, #tpu.memory_space<vmem>>
      %dma_wait3A_323 = tpu.memref_slice %arg4[%add3A_31] : memref<320000xf32, #tpu.memory_space<hbm>> -> memref<2000xf32, #tpu.memory_space<hbm>>
      %dma_wait3A_324 = arith.constant 0 : i32
      %dma_wait3A_325 = tpu.memref_slice %arg10[%run_scoped3A_34, %dma_wait3A_324] : memref<2x2000xf32, #tpu.memory_space<vmem>> -> memref<1x2000xf32, #tpu.memory_space<vmem>>
      %dma_wait3A_326 = tpu.memref_squeeze %dma_wait3A_325 : memref<1x2000xf32, #tpu.memory_space<vmem>> -> memref<2000xf32, #tpu.memory_space<vmem>>
      %dma_wait3A_327 = tpu.memref_slice %arg4[%add3A_31] : memref<320000xf32, #tpu.memory_space<hbm>> -> memref<2000xf32, #tpu.memory_space<hbm>>
      tpu.wait_dma2 semaphore(%run_scoped3A_311 : memref<!tpu.dma_semaphore, #tpu.memory_space<semaphore_mem>>) src(%dma_wait3A_327 : memref<2000xf32, #tpu.memory_space<hbm>>) dst(%dma_wait3A_326 : memref<2000xf32, #tpu.memory_space<vmem>>)
      tpu.yield
    }) : () -> ()
    %dma_start3A_35 = arith.constant 1 : i32
    %dma_start3A_36 = arith.constant 1 : i32
    %dma_start3A_37 = arith.constant 0 : i32
    %dma_start3A_38 = arith.constant 0 : i32
    %dma_start3A_39 = tpu.memref_slice %arg11[%dma_start3A_36, %dma_start3A_37, %dma_start3A_38] : memref<2x2000x16xf32, #tpu.memory_space<vmem>> -> memref<1x2000x16xf32, #tpu.memory_space<vmem>>
    %dma_start3A_40 = tpu.memref_squeeze %dma_start3A_39 : memref<1x2000x16xf32, #tpu.memory_space<vmem>> -> memref<2000x16xf32, #tpu.memory_space<vmem>>
    %dma_start3A_41 = arith.constant 0 : i32
    %dma_start3A_42 = tpu.memref_slice %arg8[%dma_start3A_35, %dma_start3A_41] : memref<2x2000xi32, #tpu.memory_space<vmem>> -> memref<1x2000xi32, #tpu.memory_space<vmem>>
    %dma_start3A_43 = tpu.memref_squeeze %dma_start3A_42 : memref<1x2000xi32, #tpu.memory_space<vmem>> -> memref<2000xi32, #tpu.memory_space<vmem>>
    %dma_start3A_44 = arith.constant 0 : i32
    %dma_start3A_45 = arith.constant 0 : i32
    %dma_start3A_46 = tpu.memref_slice %arg15[%dma_start3A_44, %dma_start3A_45] : memref<10240x16xf32, #tpu.memory_space<vmem_shared>> -> memref<10240x16xf32, #tpu.memory_space<vmem_shared>>
    tpu.enqueue_indirect_dma source(%dma_start3A_46 : memref<10240x16xf32, #tpu.memory_space<vmem_shared>>) target(%dma_start3A_40 : memref<2000x16xf32, #tpu.memory_space<vmem>>) offsets(%dma_start3A_43 : memref<2000xi32, #tpu.memory_space<vmem>>) semaphore(%arg17 : memref<!tpu.dma_semaphore, #tpu.memory_space<semaphore_mem>>)
    %dma_wait3A = arith.constant 0 : i32
    %dma_wait3A_47 = arith.constant 0 : i32
    %dma_wait3A_48 = arith.constant 0 : i32
    %dma_wait3A_49 = arith.constant 0 : i32
    %dma_wait3A_50 = tpu.memref_slice %arg11[%dma_wait3A_47, %dma_wait3A_48, %dma_wait3A_49] : memref<2x2000x16xf32, #tpu.memory_space<vmem>> -> memref<1x2000x16xf32, #tpu.memory_space<vmem>>
    %dma_wait3A_51 = tpu.memref_squeeze %dma_wait3A_50 : memref<1x2000x16xf32, #tpu.memory_space<vmem>> -> memref<2000x16xf32, #tpu.memory_space<vmem>>
    %dma_wait3A_52 = arith.constant 0 : i32
    %dma_wait3A_53 = tpu.memref_slice %arg8[%dma_wait3A, %dma_wait3A_52] : memref<2x2000xi32, #tpu.memory_space<vmem>> -> memref<1x2000xi32, #tpu.memory_space<vmem>>
    %dma_wait3A_54 = tpu.memref_squeeze %dma_wait3A_53 : memref<1x2000xi32, #tpu.memory_space<vmem>> -> memref<2000xi32, #tpu.memory_space<vmem>>
    %dma_wait3A_55 = arith.constant 0 : i32
    %dma_wait3A_56 = arith.constant 0 : i32
    %dma_wait3A_57 = tpu.memref_slice %arg15[%dma_wait3A_55, %dma_wait3A_56] : memref<10240x16xf32, #tpu.memory_space<vmem_shared>> -> memref<10240x16xf32, #tpu.memory_space<vmem_shared>>
    tpu.wait_indirect_dma semaphore(%arg16 : memref<!tpu.dma_semaphore, #tpu.memory_space<semaphore_mem>>) src(%dma_wait3A_57 : memref<10240x16xf32, #tpu.memory_space<vmem_shared>>) dst(%dma_wait3A_51 : memref<2000x16xf32, #tpu.memory_space<vmem>>)
    %parallel_loop3A = arith.constant 0 : i32
    %parallel_loop3A_58 = arith.constant 125 : i32
    %parallel_loop3A_59 = arith.constant 1 : i32
    scf.for %parallel_loop3A_311 = %parallel_loop3A to %parallel_loop3A_58 step %parallel_loop3A_59  : i32 {
      %parallel_loop3A_312 = arith.constant 16 : i32
      %parallel_loop3A_313 = arith.muli %parallel_loop3A_311, %parallel_loop3A_312 : i32
      %parallel_loop3A_314 = arith.constant 0 : i32
      %parallel_loop3A_315 = arith.index_cast %parallel_loop3A_314 : i32 to index
      %parallel_loop3A_316 = arith.index_cast %parallel_loop3A_313 : i32 to index
      %parallel_loop3A_317 = tpu.vector_load %arg8[%parallel_loop3A_315, %parallel_loop3A_316] {strides = array<i32>} : memref<2x2000xi32, #tpu.memory_space<vmem>>, vector<16xi32>,
      %parallel_loop3A_318 = tpu.vector_load_idx %arg12[%parallel_loop3A_317] : memref<10240xf32, #tpu.memory_space<vmem>>[vector<16xi32>], vector<16xf32>,
      %parallel_loop3A_319 = arith.constant 16 : i32
      %parallel_loop3A_320 = arith.muli %parallel_loop3A_311, %parallel_loop3A_319 : i32
      %parallel_loop3A_321 = arith.constant 0 : i32
      %parallel_loop3A_322 = arith.index_cast %parallel_loop3A_321 : i32 to index
      %parallel_loop3A_323 = arith.index_cast %parallel_loop3A_320 : i32 to index
      %parallel_loop3A_324 = tpu.vector_load %arg10[%parallel_loop3A_322, %parallel_loop3A_323] {strides = array<i32>} : memref<2x2000xf32, #tpu.memory_space<vmem>>, vector<16xf32>,
      %parallel_loop3A_325 = arith.mulf %parallel_loop3A_324, %parallel_loop3A_318 : vector<16xf32>
      %parallel_loop3A_326 = arith.constant 16 : i32
      %parallel_loop3A_327 = arith.muli %parallel_loop3A_311, %parallel_loop3A_326 : i32
      %parallel_loop3A_328 = arith.constant 0 : i32
      %parallel_loop3A_329 = arith.index_cast %parallel_loop3A_328 : i32 to index
      %parallel_loop3A_330 = arith.index_cast %parallel_loop3A_327 : i32 to index
      %parallel_loop3A_331 = tpu.vector_load %arg10[%parallel_loop3A_329, %parallel_loop3A_330] {strides = array<i32>} : memref<2x2000xf32, #tpu.memory_space<vmem>>, vector<16xf32>,
      tpu.vector_store %arg10[%parallel_loop3A_329, %parallel_loop3A_330], %parallel_loop3A_325 {strides = array<i32>} : memref<2x2000xf32, #tpu.memory_space<vmem>>, vector<16xf32>,
    } {sc.loop_unroll_factor = 4 : i64, sc.parallel_access}
    %parallel_loop3A_60 = arith.constant 0 : i32
    %parallel_loop3A_61 = arith.constant 125 : i32
    %parallel_loop3A_62 = arith.constant 1 : i32
    scf.for %parallel_loop3A_311 = %parallel_loop3A_60 to %parallel_loop3A_61 step %parallel_loop3A_62  : i32 {
      %parallel_loop3A_312 = arith.constant 16 : i32
      %parallel_loop3A_313 = arith.muli %parallel_loop3A_311, %parallel_loop3A_312 : i32
      %parallel_loop3A_314 = arith.constant 0 : i32
      %parallel_loop3A_315 = arith.index_cast %parallel_loop3A_314 : i32 to index
      %parallel_loop3A_316 = arith.index_cast %parallel_loop3A_313 : i32 to index
      %parallel_loop3A_317 = tpu.vector_load %arg10[%parallel_loop3A_315, %parallel_loop3A_316] {strides = array<i32>} : memref<2x2000xf32, #tpu.memory_space<vmem>>, vector<16xf32>,
      %parallel_loop3A_318 = arith.constant 16 : i32
      %parallel_loop3A_319 = arith.muli %parallel_loop3A_311, %parallel_loop3A_318 : i32
      %parallel_loop3A_320 = arith.constant 0 : i32
      %parallel_loop3A_321 = arith.addi %parallel_loop3A_319, %parallel_loop3A_320 : i32
      %parallel_loop3A_322 = arith.constant 0 : i32
      %parallel_loop3A_323 = arith.index_cast %parallel_loop3A_322 : i32 to index
      %parallel_loop3A_324 = arith.index_cast %parallel_loop3A_321 : i32 to index
      %parallel_loop3A_325 = arith.constant 0 : index
      %parallel_loop3A_326 = tpu.vector_load %arg11[%parallel_loop3A_323, %parallel_loop3A_324, %parallel_loop3A_325] {strides = array<i32>} : memref<2x2000x16xf32, #tpu.memory_space<vmem>>, vector<16xf32>,
      %parallel_loop3A_327 = vector.extract_strided_slice %parallel_loop3A_317 {offsets = [0], sizes = [1], strides = [1]} : vector<16xf32> to vector<1xf32>
      %parallel_loop3A_328 = vector.extract %parallel_loop3A_327[0] : f32 from vector<1xf32>
      %parallel_loop3A_329 = vector.broadcast %parallel_loop3A_328 : f32 to vector<16xf32>
      %parallel_loop3A_330 = arith.mulf %parallel_loop3A_326, %parallel_loop3A_329 : vector<16xf32>
      %parallel_loop3A_331 = arith.constant 0 : i32
      %parallel_loop3A_332 = arith.addi %parallel_loop3A_319, %parallel_loop3A_331 : i32
      %parallel_loop3A_333 = arith.constant 0 : i32
      %parallel_loop3A_334 = arith.index_cast %parallel_loop3A_333 : i32 to index
      %parallel_loop3A_335 = arith.index_cast %parallel_loop3A_332 : i32 to index
      %parallel_loop3A_336 = arith.constant 0 : index
      %parallel_loop3A_337 = tpu.vector_load %arg11[%parallel_loop3A_334, %parallel_loop3A_335, %parallel_loop3A_336] {strides = array<i32>} : memref<2x2000x16xf32, #tpu.memory_space<vmem>>, vector<16xf32>,
      tpu.vector_store %arg11[%parallel_loop3A_334, %parallel_loop3A_335, %parallel_loop3A_336], %parallel_loop3A_330 {strides = array<i32>} : memref<2x2000x16xf32, #tpu.memory_space<vmem>>, vector<16xf32>,
      %parallel_loop3A_338 = arith.constant 1 : i32
      %parallel_loop3A_339 = arith.addi %parallel_loop3A_319, %parallel_loop3A_338 : i32
      %parallel_loop3A_340 = arith.constant 0 : i32
      %parallel_loop3A_341 = arith.index_cast %parallel_loop3A_340 : i32 to index
      %parallel_loop3A_342 = arith.index_cast %parallel_loop3A_339 : i32 to index
      %parallel_loop3A_343 = arith.constant 0 : index
      %parallel_loop3A_344 = tpu.vector_load %arg11[%parallel_loop3A_341, %parallel_loop3A_342, %parallel_loop3A_343] {strides = array<i32>} : memref<2x2000x16xf32, #tpu.memory_space<vmem>>, vector<16xf32>,
      %parallel_loop3A_345 = vector.extract_strided_slice %parallel_loop3A_317 {offsets = [1], sizes = [1], strides = [1]} : vector<16xf32> to vector<1xf32>
      %parallel_loop3A_346 = vector.extract %parallel_loop3A_345[0] : f32 from vector<1xf32>
      %parallel_loop3A_347 = vector.broadcast %parallel_loop3A_346 : f32 to vector<16xf32>
      %parallel_loop3A_348 = arith.mulf %parallel_loop3A_344, %parallel_loop3A_347 : vector<16xf32>
      %parallel_loop3A_349 = arith.constant 1 : i32
      %parallel_loop3A_350 = arith.addi %parallel_loop3A_319, %parallel_loop3A_349 : i32
      %parallel_loop3A_351 = arith.constant 0 : i32
      %parallel_loop3A_352 = arith.index_cast %parallel_loop3A_351 : i32 to index
      %parallel_loop3A_353 = arith.index_cast %parallel_loop3A_350 : i32 to index
      %parallel_loop3A_354 = arith.constant 0 : index
      %parallel_loop3A_355 = tpu.vector_load %arg11[%parallel_loop3A_352, %parallel_loop3A_353, %parallel_loop3A_354] {strides = array<i32>} : memref<2x2000x16xf32, #tpu.memory_space<vmem>>, vector<16xf32>,
      tpu.vector_store %arg11[%parallel_loop3A_352, %parallel_loop3A_353, %parallel_loop3A_354], %parallel_loop3A_348 {strides = array<i32>} : memref<2x2000x16xf32, #tpu.memory_space<vmem>>, vector<16xf32>,
      %parallel_loop3A_356 = arith.constant 2 : i32
      %parallel_loop3A_357 = arith.addi %parallel_loop3A_319, %parallel_loop3A_356 : i32
      %parallel_loop3A_358 = arith.constant 0 : i32
      %parallel_loop3A_359 = arith.index_cast %parallel_loop3A_358 : i32 to index
      %parallel_loop3A_360 = arith.index_cast %parallel_loop3A_357 : i32 to index
      %parallel_loop3A_361 = arith.constant 0 : index
      %parallel_loop3A_362 = tpu.vector_load %arg11[%parallel_loop3A_359, %parallel_loop3A_360, %parallel_loop3A_361] {strides = array<i32>} : memref<2x2000x16xf32, #tpu.memory_space<vmem>>, vector<16xf32>,
      %parallel_loop3A_363 = vector.extract_strided_slice %parallel_loop3A_317 {offsets = [2], sizes = [1], strides = [1]} : vector<16xf32> to vector<1xf32>
      %parallel_loop3A_364 = vector.extract %parallel_loop3A_363[0] : f32 from vector<1xf32>
      %parallel_loop3A_365 = vector.broadcast %parallel_loop3A_364 : f32 to vector<16xf32>
      %parallel_loop3A_366 = arith.mulf %parallel_loop3A_362, %parallel_loop3A_365 : vector<16xf32>
      %parallel_loop3A_367 = arith.constant 2 : i32
      %parallel_loop3A_368 = arith.addi %parallel_loop3A_319, %parallel_loop3A_367 : i32
      %parallel_loop3A_369 = arith.constant 0 : i32
      %parallel_loop3A_370 = arith.index_cast %parallel_loop3A_369 : i32 to index
      %parallel_loop3A_371 = arith.index_cast %parallel_loop3A_368 : i32 to index
      %parallel_loop3A_372 = arith.constant 0 : index
      %parallel_loop3A_373 = tpu.vector_load %arg11[%parallel_loop3A_370, %parallel_loop3A_371, %parallel_loop3A_372] {strides = array<i32>} : memref<2x2000x16xf32, #tpu.memory_space<vmem>>, vector<16xf32>,
      tpu.vector_store %arg11[%parallel_loop3A_370, %parallel_loop3A_371, %parallel_loop3A_372], %parallel_loop3A_366 {strides = array<i32>} : memref<2x2000x16xf32, #tpu.memory_space<vmem>>, vector<16xf32>,
      %parallel_loop3A_374 = arith.constant 3 : i32
      %parallel_loop3A_375 = arith.addi %parallel_loop3A_319, %parallel_loop3A_374 : i32
      %parallel_loop3A_376 = arith.constant 0 : i32
      %parallel_loop3A_377 = arith.index_cast %parallel_loop3A_376 : i32 to index
      %parallel_loop3A_378 = arith.index_cast %parallel_loop3A_375 : i32 to index
      %parallel_loop3A_379 = arith.constant 0 : index
      %parallel_loop3A_380 = tpu.vector_load %arg11[%parallel_loop3A_377, %parallel_loop3A_378, %parallel_loop3A_379] {strides = array<i32>} : memref<2x2000x16xf32, #tpu.memory_space<vmem>>, vector<16xf32>,
      %parallel_loop3A_381 = vector.extract_strided_slice %parallel_loop3A_317 {offsets = [3], sizes = [1], strides = [1]} : vector<16xf32> to vector<1xf32>
      %parallel_loop3A_382 = vector.extract %parallel_loop3A_381[0] : f32 from vector<1xf32>
      %parallel_loop3A_383 = vector.broadcast %parallel_loop3A_382 : f32 to vector<16xf32>
      %parallel_loop3A_384 = arith.mulf %parallel_loop3A_380, %parallel_loop3A_383 : vector<16xf32>
      %parallel_loop3A_385 = arith.constant 3 : i32
      %parallel_loop3A_386 = arith.addi %parallel_loop3A_319, %parallel_loop3A_385 : i32
      %parallel_loop3A_387 = arith.constant 0 : i32
      %parallel_loop3A_388 = arith.index_cast %parallel_loop3A_387 : i32 to index
      %parallel_loop3A_389 = arith.index_cast %parallel_loop3A_386 : i32 to index
      %parallel_loop3A_390 = arith.constant 0 : index
      %parallel_loop3A_391 = tpu.vector_load %arg11[%parallel_loop3A_388, %parallel_loop3A_389, %parallel_loop3A_390] {strides = array<i32>} : memref<2x2000x16xf32, #tpu.memory_space<vmem>>, vector<16xf32>,
      tpu.vector_store %arg11[%parallel_loop3A_388, %parallel_loop3A_389, %parallel_loop3A_390], %parallel_loop3A_384 {strides = array<i32>} : memref<2x2000x16xf32, #tpu.memory_space<vmem>>, vector<16xf32>,
      %parallel_loop3A_392 = arith.constant 4 : i32
      %parallel_loop3A_393 = arith.addi %parallel_loop3A_319, %parallel_loop3A_392 : i32
      %parallel_loop3A_394 = arith.constant 0 : i32
      %parallel_loop3A_395 = arith.index_cast %parallel_loop3A_394 : i32 to index
      %parallel_loop3A_396 = arith.index_cast %parallel_loop3A_393 : i32 to index
      %parallel_loop3A_397 = arith.constant 0 : index
      %parallel_loop3A_398 = tpu.vector_load %arg11[%parallel_loop3A_395, %parallel_loop3A_396, %parallel_loop3A_397] {strides = array<i32>} : memref<2x2000x16xf32, #tpu.memory_space<vmem>>, vector<16xf32>,
      %parallel_loop3A_399 = vector.extract_strided_slice %parallel_loop3A_317 {offsets = [4], sizes = [1], strides = [1]} : vector<16xf32> to vector<1xf32>
      %parallel_loop3A_400 = vector.extract %parallel_loop3A_399[0] : f32 from vector<1xf32>
      %parallel_loop3A_401 = vector.broadcast %parallel_loop3A_400 : f32 to vector<16xf32>
      %parallel_loop3A_402 = arith.mulf %parallel_loop3A_398, %parallel_loop3A_401 : vector<16xf32>
      %parallel_loop3A_403 = arith.constant 4 : i32
      %parallel_loop3A_404 = arith.addi %parallel_loop3A_319, %parallel_loop3A_403 : i32
      %parallel_loop3A_405 = arith.constant 0 : i32
      %parallel_loop3A_406 = arith.index_cast %parallel_loop3A_405 : i32 to index
      %parallel_loop3A_407 = arith.index_cast %parallel_loop3A_404 : i32 to index
      %parallel_loop3A_408 = arith.constant 0 : index
      %parallel_loop3A_409 = tpu.vector_load %arg11[%parallel_loop3A_406, %parallel_loop3A_407, %parallel_loop3A_408] {strides = array<i32>} : memref<2x2000x16xf32, #tpu.memory_space<vmem>>, vector<16xf32>,
      tpu.vector_store %arg11[%parallel_loop3A_406, %parallel_loop3A_407, %parallel_loop3A_408], %parallel_loop3A_402 {strides = array<i32>} : memref<2x2000x16xf32, #tpu.memory_space<vmem>>, vector<16xf32>,
      %parallel_loop3A_410 = arith.constant 5 : i32
      %parallel_loop3A_411 = arith.addi %parallel_loop3A_319, %parallel_loop3A_410 : i32
      %parallel_loop3A_412 = arith.constant 0 : i32
      %parallel_loop3A_413 = arith.index_cast %parallel_loop3A_412 : i32 to index
      %parallel_loop3A_414 = arith.index_cast %parallel_loop3A_411 : i32 to index
      %parallel_loop3A_415 = arith.constant 0 : index
      %parallel_loop3A_416 = tpu.vector_load %arg11[%parallel_loop3A_413, %parallel_loop3A_414, %parallel_loop3A_415] {strides = array<i32>} : memref<2x2000x16xf32, #tpu.memory_space<vmem>>, vector<16xf32>,
      %parallel_loop3A_417 = vector.extract_strided_slice %parallel_loop3A_317 {offsets = [5], sizes = [1], strides = [1]} : vector<16xf32> to vector<1xf32>
      %parallel_loop3A_418 = vector.extract %parallel_loop3A_417[0] : f32 from vector<1xf32>
      %parallel_loop3A_419 = vector.broadcast %parallel_loop3A_418 : f32 to vector<16xf32>
      %parallel_loop3A_420 = arith.mulf %parallel_loop3A_416, %parallel_loop3A_419 : vector<16xf32>
      %parallel_loop3A_421 = arith.constant 5 : i32
      %parallel_loop3A_422 = arith.addi %parallel_loop3A_319, %parallel_loop3A_421 : i32
      %parallel_loop3A_423 = arith.constant 0 : i32
      %parallel_loop3A_424 = arith.index_cast %parallel_loop3A_423 : i32 to index
      %parallel_loop3A_425 = arith.index_cast %parallel_loop3A_422 : i32 to index
      %parallel_loop3A_426 = arith.constant 0 : index
      %parallel_loop3A_427 = tpu.vector_load %arg11[%parallel_loop3A_424, %parallel_loop3A_425, %parallel_loop3A_426] {strides = array<i32>} : memref<2x2000x16xf32, #tpu.memory_space<vmem>>, vector<16xf32>,
      tpu.vector_store %arg11[%parallel_loop3A_424, %parallel_loop3A_425, %parallel_loop3A_426], %parallel_loop3A_420 {strides = array<i32>} : memref<2x2000x16xf32, #tpu.memory_space<vmem>>, vector<16xf32>,
      %parallel_loop3A_428 = arith.constant 6 : i32
      %parallel_loop3A_429 = arith.addi %parallel_loop3A_319, %parallel_loop3A_428 : i32
      %parallel_loop3A_430 = arith.constant 0 : i32
      %parallel_loop3A_431 = arith.index_cast %parallel_loop3A_430 : i32 to index
      %parallel_loop3A_432 = arith.index_cast %parallel_loop3A_429 : i32 to index
      %parallel_loop3A_433 = arith.constant 0 : index
      %parallel_loop3A_434 = tpu.vector_load %arg11[%parallel_loop3A_431, %parallel_loop3A_432, %parallel_loop3A_433] {strides = array<i32>} : memref<2x2000x16xf32, #tpu.memory_space<vmem>>, vector<16xf32>,
      %parallel_loop3A_435 = vector.extract_strided_slice %parallel_loop3A_317 {offsets = [6], sizes = [1], strides = [1]} : vector<16xf32> to vector<1xf32>
      %parallel_loop3A_436 = vector.extract %parallel_loop3A_435[0] : f32 from vector<1xf32>
      %parallel_loop3A_437 = vector.broadcast %parallel_loop3A_436 : f32 to vector<16xf32>
      %parallel_loop3A_438 = arith.mulf %parallel_loop3A_434, %parallel_loop3A_437 : vector<16xf32>
      %parallel_loop3A_439 = arith.constant 6 : i32
      %parallel_loop3A_440 = arith.addi %parallel_loop3A_319, %parallel_loop3A_439 : i32
      %parallel_loop3A_441 = arith.constant 0 : i32
      %parallel_loop3A_442 = arith.index_cast %parallel_loop3A_441 : i32 to index
      %parallel_loop3A_443 = arith.index_cast %parallel_loop3A_440 : i32 to index
      %parallel_loop3A_444 = arith.constant 0 : index
      %parallel_loop3A_445 = tpu.vector_load %arg11[%parallel_loop3A_442, %parallel_loop3A_443, %parallel_loop3A_444] {strides = array<i32>} : memref<2x2000x16xf32, #tpu.memory_space<vmem>>, vector<16xf32>,
      tpu.vector_store %arg11[%parallel_loop3A_442, %parallel_loop3A_443, %parallel_loop3A_444], %parallel_loop3A_438 {strides = array<i32>} : memref<2x2000x16xf32, #tpu.memory_space<vmem>>, vector<16xf32>,
      %parallel_loop3A_446 = arith.constant 7 : i32
      %parallel_loop3A_447 = arith.addi %parallel_loop3A_319, %parallel_loop3A_446 : i32
      %parallel_loop3A_448 = arith.constant 0 : i32
      %parallel_loop3A_449 = arith.index_cast %parallel_loop3A_448 : i32 to index
      %parallel_loop3A_450 = arith.index_cast %parallel_loop3A_447 : i32 to index
      %parallel_loop3A_451 = arith.constant 0 : index
      %parallel_loop3A_452 = tpu.vector_load %arg11[%parallel_loop3A_449, %parallel_loop3A_450, %parallel_loop3A_451] {strides = array<i32>} : memref<2x2000x16xf32, #tpu.memory_space<vmem>>, vector<16xf32>,
      %parallel_loop3A_453 = vector.extract_strided_slice %parallel_loop3A_317 {offsets = [7], sizes = [1], strides = [1]} : vector<16xf32> to vector<1xf32>
      %parallel_loop3A_454 = vector.extract %parallel_loop3A_453[0] : f32 from vector<1xf32>
      %parallel_loop3A_455 = vector.broadcast %parallel_loop3A_454 : f32 to vector<16xf32>
      %parallel_loop3A_456 = arith.mulf %parallel_loop3A_452, %parallel_loop3A_455 : vector<16xf32>
      %parallel_loop3A_457 = arith.constant 7 : i32
      %parallel_loop3A_458 = arith.addi %parallel_loop3A_319, %parallel_loop3A_457 : i32
      %parallel_loop3A_459 = arith.constant 0 : i32
      %parallel_loop3A_460 = arith.index_cast %parallel_loop3A_459 : i32 to index
      %parallel_loop3A_461 = arith.index_cast %parallel_loop3A_458 : i32 to index
      %parallel_loop3A_462 = arith.constant 0 : index
      %parallel_loop3A_463 = tpu.vector_load %arg11[%parallel_loop3A_460, %parallel_loop3A_461, %parallel_loop3A_462] {strides = array<i32>} : memref<2x2000x16xf32, #tpu.memory_space<vmem>>, vector<16xf32>,
      tpu.vector_store %arg11[%parallel_loop3A_460, %parallel_loop3A_461, %parallel_loop3A_462], %parallel_loop3A_456 {strides = array<i32>} : memref<2x2000x16xf32, #tpu.memory_space<vmem>>, vector<16xf32>,
      %parallel_loop3A_464 = arith.constant 8 : i32
      %parallel_loop3A_465 = arith.addi %parallel_loop3A_319, %parallel_loop3A_464 : i32
      %parallel_loop3A_466 = arith.constant 0 : i32
      %parallel_loop3A_467 = arith.index_cast %parallel_loop3A_466 : i32 to index
      %parallel_loop3A_468 = arith.index_cast %parallel_loop3A_465 : i32 to index
      %parallel_loop3A_469 = arith.constant 0 : index
      %parallel_loop3A_470 = tpu.vector_load %arg11[%parallel_loop3A_467, %parallel_loop3A_468, %parallel_loop3A_469] {strides = array<i32>} : memref<2x2000x16xf32, #tpu.memory_space<vmem>>, vector<16xf32>,
      %parallel_loop3A_471 = vector.extract_strided_slice %parallel_loop3A_317 {offsets = [8], sizes = [1], strides = [1]} : vector<16xf32> to vector<1xf32>
      %parallel_loop3A_472 = vector.extract %parallel_loop3A_471[0] : f32 from vector<1xf32>
      %parallel_loop3A_473 = vector.broadcast %parallel_loop3A_472 : f32 to vector<16xf32>
      %parallel_loop3A_474 = arith.mulf %parallel_loop3A_470, %parallel_loop3A_473 : vector<16xf32>
      %parallel_loop3A_475 = arith.constant 8 : i32
      %parallel_loop3A_476 = arith.addi %parallel_loop3A_319, %parallel_loop3A_475 : i32
      %parallel_loop3A_477 = arith.constant 0 : i32
      %parallel_loop3A_478 = arith.index_cast %parallel_loop3A_477 : i32 to index
      %parallel_loop3A_479 = arith.index_cast %parallel_loop3A_476 : i32 to index
      %parallel_loop3A_480 = arith.constant 0 : index
      %parallel_loop3A_481 = tpu.vector_load %arg11[%parallel_loop3A_478, %parallel_loop3A_479, %parallel_loop3A_480] {strides = array<i32>} : memref<2x2000x16xf32, #tpu.memory_space<vmem>>, vector<16xf32>,
      tpu.vector_store %arg11[%parallel_loop3A_478, %parallel_loop3A_479, %parallel_loop3A_480], %parallel_loop3A_474 {strides = array<i32>} : memref<2x2000x16xf32, #tpu.memory_space<vmem>>, vector<16xf32>,
      %parallel_loop3A_482 = arith.constant 9 : i32
      %parallel_loop3A_483 = arith.addi %parallel_loop3A_319, %parallel_loop3A_482 : i32
      %parallel_loop3A_484 = arith.constant 0 : i32
      %parallel_loop3A_485 = arith.index_cast %parallel_loop3A_484 : i32 to index
      %parallel_loop3A_486 = arith.index_cast %parallel_loop3A_483 : i32 to index
      %parallel_loop3A_487 = arith.constant 0 : index
      %parallel_loop3A_488 = tpu.vector_load %arg11[%parallel_loop3A_485, %parallel_loop3A_486, %parallel_loop3A_487] {strides = array<i32>} : memref<2x2000x16xf32, #tpu.memory_space<vmem>>, vector<16xf32>,
      %parallel_loop3A_489 = vector.extract_strided_slice %parallel_loop3A_317 {offsets = [9], sizes = [1], strides = [1]} : vector<16xf32> to vector<1xf32>
      %parallel_loop3A_490 = vector.extract %parallel_loop3A_489[0] : f32 from vector<1xf32>
      %parallel_loop3A_491 = vector.broadcast %parallel_loop3A_490 : f32 to vector<16xf32>
      %parallel_loop3A_492 = arith.mulf %parallel_loop3A_488, %parallel_loop3A_491 : vector<16xf32>
      %parallel_loop3A_493 = arith.constant 9 : i32
      %parallel_loop3A_494 = arith.addi %parallel_loop3A_319, %parallel_loop3A_493 : i32
      %parallel_loop3A_495 = arith.constant 0 : i32
      %parallel_loop3A_496 = arith.index_cast %parallel_loop3A_495 : i32 to index
      %parallel_loop3A_497 = arith.index_cast %parallel_loop3A_494 : i32 to index
      %parallel_loop3A_498 = arith.constant 0 : index
      %parallel_loop3A_499 = tpu.vector_load %arg11[%parallel_loop3A_496, %parallel_loop3A_497, %parallel_loop3A_498] {strides = array<i32>} : memref<2x2000x16xf32, #tpu.memory_space<vmem>>, vector<16xf32>,
      tpu.vector_store %arg11[%parallel_loop3A_496, %parallel_loop3A_497, %parallel_loop3A_498], %parallel_loop3A_492 {strides = array<i32>} : memref<2x2000x16xf32, #tpu.memory_space<vmem>>, vector<16xf32>,
      %parallel_loop3A_500 = arith.constant 10 : i32
      %parallel_loop3A_501 = arith.addi %parallel_loop3A_319, %parallel_loop3A_500 : i32
      %parallel_loop3A_502 = arith.constant 0 : i32
      %parallel_loop3A_503 = arith.index_cast %parallel_loop3A_502 : i32 to index
      %parallel_loop3A_504 = arith.index_cast %parallel_loop3A_501 : i32 to index
      %parallel_loop3A_505 = arith.constant 0 : index
      %parallel_loop3A_506 = tpu.vector_load %arg11[%parallel_loop3A_503, %parallel_loop3A_504, %parallel_loop3A_505] {strides = array<i32>} : memref<2x2000x16xf32, #tpu.memory_space<vmem>>, vector<16xf32>,
      %parallel_loop3A_507 = vector.extract_strided_slice %parallel_loop3A_317 {offsets = [10], sizes = [1], strides = [1]} : vector<16xf32> to vector<1xf32>
      %parallel_loop3A_508 = vector.extract %parallel_loop3A_507[0] : f32 from vector<1xf32>
      %parallel_loop3A_509 = vector.broadcast %parallel_loop3A_508 : f32 to vector<16xf32>
      %parallel_loop3A_510 = arith.mulf %parallel_loop3A_506, %parallel_loop3A_509 : vector<16xf32>
      %parallel_loop3A_511 = arith.constant 10 : i32
      %parallel_loop3A_512 = arith.addi %parallel_loop3A_319, %parallel_loop3A_511 : i32
      %parallel_loop3A_513 = arith.constant 0 : i32
      %parallel_loop3A_514 = arith.index_cast %parallel_loop3A_513 : i32 to index
      %parallel_loop3A_515 = arith.index_cast %parallel_loop3A_512 : i32 to index
      %parallel_loop3A_516 = arith.constant 0 : index
      %parallel_loop3A_517 = tpu.vector_load %arg11[%parallel_loop3A_514, %parallel_loop3A_515, %parallel_loop3A_516] {strides = array<i32>} : memref<2x2000x16xf32, #tpu.memory_space<vmem>>, vector<16xf32>,
      tpu.vector_store %arg11[%parallel_loop3A_514, %parallel_loop3A_515, %parallel_loop3A_516], %parallel_loop3A_510 {strides = array<i32>} : memref<2x2000x16xf32, #tpu.memory_space<vmem>>, vector<16xf32>,
      %parallel_loop3A_518 = arith.constant 11 : i32
      %parallel_loop3A_519 = arith.addi %parallel_loop3A_319, %parallel_loop3A_518 : i32
      %parallel_loop3A_520 = arith.constant 0 : i32
      %parallel_loop3A_521 = arith.index_cast %parallel_loop3A_520 : i32 to index
      %parallel_loop3A_522 = arith.index_cast %parallel_loop3A_519 : i32 to index
      %parallel_loop3A_523 = arith.constant 0 : index
      %parallel_loop3A_524 = tpu.vector_load %arg11[%parallel_loop3A_521, %parallel_loop3A_522, %parallel_loop3A_523] {strides = array<i32>} : memref<2x2000x16xf32, #tpu.memory_space<vmem>>, vector<16xf32>,
      %parallel_loop3A_525 = vector.extract_strided_slice %parallel_loop3A_317 {offsets = [11], sizes = [1], strides = [1]} : vector<16xf32> to vector<1xf32>
      %parallel_loop3A_526 = vector.extract %parallel_loop3A_525[0] : f32 from vector<1xf32>
      %parallel_loop3A_527 = vector.broadcast %parallel_loop3A_526 : f32 to vector<16xf32>
      %parallel_loop3A_528 = arith.mulf %parallel_loop3A_524, %parallel_loop3A_527 : vector<16xf32>
      %parallel_loop3A_529 = arith.constant 11 : i32
      %parallel_loop3A_530 = arith.addi %parallel_loop3A_319, %parallel_loop3A_529 : i32
      %parallel_loop3A_531 = arith.constant 0 : i32
      %parallel_loop3A_532 = arith.index_cast %parallel_loop3A_531 : i32 to index
      %parallel_loop3A_533 = arith.index_cast %parallel_loop3A_530 : i32 to index
      %parallel_loop3A_534 = arith.constant 0 : index
      %parallel_loop3A_535 = tpu.vector_load %arg11[%parallel_loop3A_532, %parallel_loop3A_533, %parallel_loop3A_534] {strides = array<i32>} : memref<2x2000x16xf32, #tpu.memory_space<vmem>>, vector<16xf32>,
      tpu.vector_store %arg11[%parallel_loop3A_532, %parallel_loop3A_533, %parallel_loop3A_534], %parallel_loop3A_528 {strides = array<i32>} : memref<2x2000x16xf32, #tpu.memory_space<vmem>>, vector<16xf32>,
      %parallel_loop3A_536 = arith.constant 12 : i32
      %parallel_loop3A_537 = arith.addi %parallel_loop3A_319, %parallel_loop3A_536 : i32
      %parallel_loop3A_538 = arith.constant 0 : i32
      %parallel_loop3A_539 = arith.index_cast %parallel_loop3A_538 : i32 to index
      %parallel_loop3A_540 = arith.index_cast %parallel_loop3A_537 : i32 to index
      %parallel_loop3A_541 = arith.constant 0 : index
      %parallel_loop3A_542 = tpu.vector_load %arg11[%parallel_loop3A_539, %parallel_loop3A_540, %parallel_loop3A_541] {strides = array<i32>} : memref<2x2000x16xf32, #tpu.memory_space<vmem>>, vector<16xf32>,
      %parallel_loop3A_543 = vector.extract_strided_slice %parallel_loop3A_317 {offsets = [12], sizes = [1], strides = [1]} : vector<16xf32> to vector<1xf32>
      %parallel_loop3A_544 = vector.extract %parallel_loop3A_543[0] : f32 from vector<1xf32>
      %parallel_loop3A_545 = vector.broadcast %parallel_loop3A_544 : f32 to vector<16xf32>
      %parallel_loop3A_546 = arith.mulf %parallel_loop3A_542, %parallel_loop3A_545 : vector<16xf32>
      %parallel_loop3A_547 = arith.constant 12 : i32
      %parallel_loop3A_548 = arith.addi %parallel_loop3A_319, %parallel_loop3A_547 : i32
      %parallel_loop3A_549 = arith.constant 0 : i32
      %parallel_loop3A_550 = arith.index_cast %parallel_loop3A_549 : i32 to index
      %parallel_loop3A_551 = arith.index_cast %parallel_loop3A_548 : i32 to index
      %parallel_loop3A_552 = arith.constant 0 : index
      %parallel_loop3A_553 = tpu.vector_load %arg11[%parallel_loop3A_550, %parallel_loop3A_551, %parallel_loop3A_552] {strides = array<i32>} : memref<2x2000x16xf32, #tpu.memory_space<vmem>>, vector<16xf32>,
      tpu.vector_store %arg11[%parallel_loop3A_550, %parallel_loop3A_551, %parallel_loop3A_552], %parallel_loop3A_546 {strides = array<i32>} : memref<2x2000x16xf32, #tpu.memory_space<vmem>>, vector<16xf32>,
      %parallel_loop3A_554 = arith.constant 13 : i32
      %parallel_loop3A_555 = arith.addi %parallel_loop3A_319, %parallel_loop3A_554 : i32
      %parallel_loop3A_556 = arith.constant 0 : i32
      %parallel_loop3A_557 = arith.index_cast %parallel_loop3A_556 : i32 to index
      %parallel_loop3A_558 = arith.index_cast %parallel_loop3A_555 : i32 to index
      %parallel_loop3A_559 = arith.constant 0 : index
      %parallel_loop3A_560 = tpu.vector_load %arg11[%parallel_loop3A_557, %parallel_loop3A_558, %parallel_loop3A_559] {strides = array<i32>} : memref<2x2000x16xf32, #tpu.memory_space<vmem>>, vector<16xf32>,
      %parallel_loop3A_561 = vector.extract_strided_slice %parallel_loop3A_317 {offsets = [13], sizes = [1], strides = [1]} : vector<16xf32> to vector<1xf32>
      %parallel_loop3A_562 = vector.extract %parallel_loop3A_561[0] : f32 from vector<1xf32>
      %parallel_loop3A_563 = vector.broadcast %parallel_loop3A_562 : f32 to vector<16xf32>
      %parallel_loop3A_564 = arith.mulf %parallel_loop3A_560, %parallel_loop3A_563 : vector<16xf32>
      %parallel_loop3A_565 = arith.constant 13 : i32
      %parallel_loop3A_566 = arith.addi %parallel_loop3A_319, %parallel_loop3A_565 : i32
      %parallel_loop3A_567 = arith.constant 0 : i32
      %parallel_loop3A_568 = arith.index_cast %parallel_loop3A_567 : i32 to index
      %parallel_loop3A_569 = arith.index_cast %parallel_loop3A_566 : i32 to index
      %parallel_loop3A_570 = arith.constant 0 : index
      %parallel_loop3A_571 = tpu.vector_load %arg11[%parallel_loop3A_568, %parallel_loop3A_569, %parallel_loop3A_570] {strides = array<i32>} : memref<2x2000x16xf32, #tpu.memory_space<vmem>>, vector<16xf32>,
      tpu.vector_store %arg11[%parallel_loop3A_568, %parallel_loop3A_569, %parallel_loop3A_570], %parallel_loop3A_564 {strides = array<i32>} : memref<2x2000x16xf32, #tpu.memory_space<vmem>>, vector<16xf32>,
      %parallel_loop3A_572 = arith.constant 14 : i32
      %parallel_loop3A_573 = arith.addi %parallel_loop3A_319, %parallel_loop3A_572 : i32
      %parallel_loop3A_574 = arith.constant 0 : i32
      %parallel_loop3A_575 = arith.index_cast %parallel_loop3A_574 : i32 to index
      %parallel_loop3A_576 = arith.index_cast %parallel_loop3A_573 : i32 to index
      %parallel_loop3A_577 = arith.constant 0 : index
      %parallel_loop3A_578 = tpu.vector_load %arg11[%parallel_loop3A_575, %parallel_loop3A_576, %parallel_loop3A_577] {strides = array<i32>} : memref<2x2000x16xf32, #tpu.memory_space<vmem>>, vector<16xf32>,
      %parallel_loop3A_579 = vector.extract_strided_slice %parallel_loop3A_317 {offsets = [14], sizes = [1], strides = [1]} : vector<16xf32> to vector<1xf32>
      %parallel_loop3A_580 = vector.extract %parallel_loop3A_579[0] : f32 from vector<1xf32>
      %parallel_loop3A_581 = vector.broadcast %parallel_loop3A_580 : f32 to vector<16xf32>
      %parallel_loop3A_582 = arith.mulf %parallel_loop3A_578, %parallel_loop3A_581 : vector<16xf32>
      %parallel_loop3A_583 = arith.constant 14 : i32
      %parallel_loop3A_584 = arith.addi %parallel_loop3A_319, %parallel_loop3A_583 : i32
      %parallel_loop3A_585 = arith.constant 0 : i32
      %parallel_loop3A_586 = arith.index_cast %parallel_loop3A_585 : i32 to index
      %parallel_loop3A_587 = arith.index_cast %parallel_loop3A_584 : i32 to index
      %parallel_loop3A_588 = arith.constant 0 : index
      %parallel_loop3A_589 = tpu.vector_load %arg11[%parallel_loop3A_586, %parallel_loop3A_587, %parallel_loop3A_588] {strides = array<i32>} : memref<2x2000x16xf32, #tpu.memory_space<vmem>>, vector<16xf32>,
      tpu.vector_store %arg11[%parallel_loop3A_586, %parallel_loop3A_587, %parallel_loop3A_588], %parallel_loop3A_582 {strides = array<i32>} : memref<2x2000x16xf32, #tpu.memory_space<vmem>>, vector<16xf32>,
      %parallel_loop3A_590 = arith.constant 15 : i32
      %parallel_loop3A_591 = arith.addi %parallel_loop3A_319, %parallel_loop3A_590 : i32
      %parallel_loop3A_592 = arith.constant 0 : i32
      %parallel_loop3A_593 = arith.index_cast %parallel_loop3A_592 : i32 to index
      %parallel_loop3A_594 = arith.index_cast %parallel_loop3A_591 : i32 to index
      %parallel_loop3A_595 = arith.constant 0 : index
      %parallel_loop3A_596 = tpu.vector_load %arg11[%parallel_loop3A_593, %parallel_loop3A_594, %parallel_loop3A_595] {strides = array<i32>} : memref<2x2000x16xf32, #tpu.memory_space<vmem>>, vector<16xf32>,
      %parallel_loop3A_597 = vector.extract_strided_slice %parallel_loop3A_317 {offsets = [15], sizes = [1], strides = [1]} : vector<16xf32> to vector<1xf32>
      %parallel_loop3A_598 = vector.extract %parallel_loop3A_597[0] : f32 from vector<1xf32>
      %parallel_loop3A_599 = vector.broadcast %parallel_loop3A_598 : f32 to vector<16xf32>
      %parallel_loop3A_600 = arith.mulf %parallel_loop3A_596, %parallel_loop3A_599 : vector<16xf32>
      %parallel_loop3A_601 = arith.constant 15 : i32
      %parallel_loop3A_602 = arith.addi %parallel_loop3A_319, %parallel_loop3A_601 : i32
      %parallel_loop3A_603 = arith.constant 0 : i32
      %parallel_loop3A_604 = arith.index_cast %parallel_loop3A_603 : i32 to index
      %parallel_loop3A_605 = arith.index_cast %parallel_loop3A_602 : i32 to index
      %parallel_loop3A_606 = arith.constant 0 : index
      %parallel_loop3A_607 = tpu.vector_load %arg11[%parallel_loop3A_604, %parallel_loop3A_605, %parallel_loop3A_606] {strides = array<i32>} : memref<2x2000x16xf32, #tpu.memory_space<vmem>>, vector<16xf32>,
      tpu.vector_store %arg11[%parallel_loop3A_604, %parallel_loop3A_605, %parallel_loop3A_606], %parallel_loop3A_600 {strides = array<i32>} : memref<2x2000x16xf32, #tpu.memory_space<vmem>>, vector<16xf32>,
    } {sc.loop_unroll_factor = 2 : i64, sc.parallel_access}
    %dma_start3A_63 = arith.constant 0 : i32
    %dma_start3A_64 = arith.constant 0 : i32
    %dma_start3A_65 = arith.constant 0 : i32
    %dma_start3A_66 = arith.constant 0 : i32
    %dma_start3A_67 = tpu.memref_slice %arg11[%dma_start3A_63, %dma_start3A_65, %dma_start3A_66] : memref<2x2000x16xf32, #tpu.memory_space<vmem>> -> memref<1x2000x16xf32, #tpu.memory_space<vmem>>
    %dma_start3A_68 = tpu.memref_squeeze %dma_start3A_67 : memref<1x2000x16xf32, #tpu.memory_space<vmem>> -> memref<2000x16xf32, #tpu.memory_space<vmem>>
    %dma_start3A_69 = arith.constant 0 : i32
    %dma_start3A_70 = tpu.memref_slice %arg9[%dma_start3A_64, %dma_start3A_69] : memref<2x2000xi32, #tpu.memory_space<vmem>> -> memref<1x2000xi32, #tpu.memory_space<vmem>>
    %dma_start3A_71 = tpu.memref_squeeze %dma_start3A_70 : memref<1x2000xi32, #tpu.memory_space<vmem>> -> memref<2000xi32, #tpu.memory_space<vmem>>
    %dma_start3A_72 = arith.constant 0 : i32
    %dma_start3A_73 = arith.constant 0 : i32
    %dma_start3A_74 = tpu.memref_slice %arg14[%dma_start3A_72, %dma_start3A_73] : memref<10240x16xf32, #tpu.memory_space<vmem_shared>> -> memref<10240x16xf32, #tpu.memory_space<vmem_shared>>
    tpu.enqueue_indirect_dma source(%dma_start3A_68 : memref<2000x16xf32, #tpu.memory_space<vmem>>) target(%dma_start3A_74 : memref<10240x16xf32, #tpu.memory_space<vmem_shared>>) offsets(%dma_start3A_71 : memref<2000xi32, #tpu.memory_space<vmem>>) semaphore(%arg18 : memref<!tpu.dma_semaphore, #tpu.memory_space<semaphore_mem>>) {add = true}
    %dma_wait3A_75 = arith.constant 0 : i32
    %dma_wait3A_76 = arith.constant 0 : i32
    %dma_wait3A_77 = arith.constant 0 : i32
    %dma_wait3A_78 = arith.constant 0 : i32
    %dma_wait3A_79 = tpu.memref_slice %arg11[%dma_wait3A_75, %dma_wait3A_77, %dma_wait3A_78] : memref<2x2000x16xf32, #tpu.memory_space<vmem>> -> memref<1x2000x16xf32, #tpu.memory_space<vmem>>
    %dma_wait3A_80 = tpu.memref_squeeze %dma_wait3A_79 : memref<1x2000x16xf32, #tpu.memory_space<vmem>> -> memref<2000x16xf32, #tpu.memory_space<vmem>>
    %dma_wait3A_81 = arith.constant 0 : i32
    %dma_wait3A_82 = tpu.memref_slice %arg9[%dma_wait3A_76, %dma_wait3A_81] : memref<2x2000xi32, #tpu.memory_space<vmem>> -> memref<1x2000xi32, #tpu.memory_space<vmem>>
    %dma_wait3A_83 = tpu.memref_squeeze %dma_wait3A_82 : memref<1x2000xi32, #tpu.memory_space<vmem>> -> memref<2000xi32, #tpu.memory_space<vmem>>
    %dma_wait3A_84 = arith.constant 0 : i32
    %dma_wait3A_85 = arith.constant 0 : i32
    %dma_wait3A_86 = tpu.memref_slice %arg14[%dma_wait3A_84, %dma_wait3A_85] : memref<10240x16xf32, #tpu.memory_space<vmem_shared>> -> memref<10240x16xf32, #tpu.memory_space<vmem_shared>>
    tpu.wait_indirect_dma semaphore(%arg18 : memref<!tpu.dma_semaphore, #tpu.memory_space<semaphore_mem>>) src(%dma_wait3A_80 : memref<2000x16xf32, #tpu.memory_space<vmem>>) dst(%dma_wait3A_86 : memref<10240x16xf32, #tpu.memory_space<vmem_shared>>)
    %add3A_87 = arith.constant 4000 : i32
    %add3A_88 = arith.addi %mul3A_2, %add3A_87 : i32
    %run_scoped3A_89 = arith.constant 0 : i32
    "tpu.region"() ({
      %run_scoped3A_311 = tpu.sem_alloc : memref<!tpu.dma_semaphore, #tpu.memory_space<semaphore_mem>>
      %dma_start3A_312 = arith.constant 0 : i32
      %dma_start3A_313 = tpu.memref_slice %arg8[%run_scoped3A_89, %dma_start3A_312] : memref<2x2000xi32, #tpu.memory_space<vmem>> -> memref<1x2000xi32, #tpu.memory_space<vmem>>
      %dma_start3A_314 = tpu.memref_squeeze %dma_start3A_313 : memref<1x2000xi32, #tpu.memory_space<vmem>> -> memref<2000xi32, #tpu.memory_space<vmem>>
      %dma_start3A_315 = tpu.memref_slice %arg2[%add3A_88] : memref<320000xi32, #tpu.memory_space<hbm>> -> memref<2000xi32, #tpu.memory_space<hbm>>
      %dma_start3A_316 = arith.constant 0 : i32
      %dma_start3A_317 = tpu.memref_slice %arg8[%run_scoped3A_89, %dma_start3A_316] : memref<2x2000xi32, #tpu.memory_space<vmem>> -> memref<1x2000xi32, #tpu.memory_space<vmem>>
      %dma_start3A_318 = tpu.memref_squeeze %dma_start3A_317 : memref<1x2000xi32, #tpu.memory_space<vmem>> -> memref<2000xi32, #tpu.memory_space<vmem>>
      %dma_start3A_319 = tpu.memref_slice %arg2[%add3A_88] : memref<320000xi32, #tpu.memory_space<hbm>> -> memref<2000xi32, #tpu.memory_space<hbm>>
      tpu.enqueue_dma source(%dma_start3A_319 : memref<2000xi32, #tpu.memory_space<hbm>>) target(%dma_start3A_318 : memref<2000xi32, #tpu.memory_space<vmem>>) target_semaphore(%run_scoped3A_311 : memref<!tpu.dma_semaphore, #tpu.memory_space<semaphore_mem>>)
      %dma_wait3A_320 = arith.constant 0 : i32
      %dma_wait3A_321 = tpu.memref_slice %arg8[%run_scoped3A_89, %dma_wait3A_320] : memref<2x2000xi32, #tpu.memory_space<vmem>> -> memref<1x2000xi32, #tpu.memory_space<vmem>>
      %dma_wait3A_322 = tpu.memref_squeeze %dma_wait3A_321 : memref<1x2000xi32, #tpu.memory_space<vmem>> -> memref<2000xi32, #tpu.memory_space<vmem>>
      %dma_wait3A_323 = tpu.memref_slice %arg2[%add3A_88] : memref<320000xi32, #tpu.memory_space<hbm>> -> memref<2000xi32, #tpu.memory_space<hbm>>
      %dma_wait3A_324 = arith.constant 0 : i32
      %dma_wait3A_325 = tpu.memref_slice %arg8[%run_scoped3A_89, %dma_wait3A_324] : memref<2x2000xi32, #tpu.memory_space<vmem>> -> memref<1x2000xi32, #tpu.memory_space<vmem>>
      %dma_wait3A_326 = tpu.memref_squeeze %dma_wait3A_325 : memref<1x2000xi32, #tpu.memory_space<vmem>> -> memref<2000xi32, #tpu.memory_space<vmem>>
      %dma_wait3A_327 = tpu.memref_slice %arg2[%add3A_88] : memref<320000xi32, #tpu.memory_space<hbm>> -> memref<2000xi32, #tpu.memory_space<hbm>>
      tpu.wait_dma2 semaphore(%run_scoped3A_311 : memref<!tpu.dma_semaphore, #tpu.memory_space<semaphore_mem>>) src(%dma_wait3A_327 : memref<2000xi32, #tpu.memory_space<hbm>>) dst(%dma_wait3A_326 : memref<2000xi32, #tpu.memory_space<vmem>>)
      tpu.yield
    }) : () -> ()
    %run_scoped3A_90 = arith.constant 0 : i32
    "tpu.region"() ({
      %run_scoped3A_311 = tpu.sem_alloc : memref<!tpu.dma_semaphore, #tpu.memory_space<semaphore_mem>>
      %dma_start3A_312 = arith.constant 0 : i32
      %dma_start3A_313 = tpu.memref_slice %arg9[%run_scoped3A_90, %dma_start3A_312] : memref<2x2000xi32, #tpu.memory_space<vmem>> -> memref<1x2000xi32, #tpu.memory_space<vmem>>
      %dma_start3A_314 = tpu.memref_squeeze %dma_start3A_313 : memref<1x2000xi32, #tpu.memory_space<vmem>> -> memref<2000xi32, #tpu.memory_space<vmem>>
      %dma_start3A_315 = tpu.memref_slice %arg3[%add3A_88] : memref<320000xi32, #tpu.memory_space<hbm>> -> memref<2000xi32, #tpu.memory_space<hbm>>
      %dma_start3A_316 = arith.constant 0 : i32
      %dma_start3A_317 = tpu.memref_slice %arg9[%run_scoped3A_90, %dma_start3A_316] : memref<2x2000xi32, #tpu.memory_space<vmem>> -> memref<1x2000xi32, #tpu.memory_space<vmem>>
      %dma_start3A_318 = tpu.memref_squeeze %dma_start3A_317 : memref<1x2000xi32, #tpu.memory_space<vmem>> -> memref<2000xi32, #tpu.memory_space<vmem>>
      %dma_start3A_319 = tpu.memref_slice %arg3[%add3A_88] : memref<320000xi32, #tpu.memory_space<hbm>> -> memref<2000xi32, #tpu.memory_space<hbm>>
      tpu.enqueue_dma source(%dma_start3A_319 : memref<2000xi32, #tpu.memory_space<hbm>>) target(%dma_start3A_318 : memref<2000xi32, #tpu.memory_space<vmem>>) target_semaphore(%run_scoped3A_311 : memref<!tpu.dma_semaphore, #tpu.memory_space<semaphore_mem>>)
      %dma_wait3A_320 = arith.constant 0 : i32
      %dma_wait3A_321 = tpu.memref_slice %arg9[%run_scoped3A_90, %dma_wait3A_320] : memref<2x2000xi32, #tpu.memory_space<vmem>> -> memref<1x2000xi32, #tpu.memory_space<vmem>>
      %dma_wait3A_322 = tpu.memref_squeeze %dma_wait3A_321 : memref<1x2000xi32, #tpu.memory_space<vmem>> -> memref<2000xi32, #tpu.memory_space<vmem>>
      %dma_wait3A_323 = tpu.memref_slice %arg3[%add3A_88] : memref<320000xi32, #tpu.memory_space<hbm>> -> memref<2000xi32, #tpu.memory_space<hbm>>
      %dma_wait3A_324 = arith.constant 0 : i32
      %dma_wait3A_325 = tpu.memref_slice %arg9[%run_scoped3A_90, %dma_wait3A_324] : memref<2x2000xi32, #tpu.memory_space<vmem>> -> memref<1x2000xi32, #tpu.memory_space<vmem>>
      %dma_wait3A_326 = tpu.memref_squeeze %dma_wait3A_325 : memref<1x2000xi32, #tpu.memory_space<vmem>> -> memref<2000xi32, #tpu.memory_space<vmem>>
      %dma_wait3A_327 = tpu.memref_slice %arg3[%add3A_88] : memref<320000xi32, #tpu.memory_space<hbm>> -> memref<2000xi32, #tpu.memory_space<hbm>>
      tpu.wait_dma2 semaphore(%run_scoped3A_311 : memref<!tpu.dma_semaphore, #tpu.memory_space<semaphore_mem>>) src(%dma_wait3A_327 : memref<2000xi32, #tpu.memory_space<hbm>>) dst(%dma_wait3A_326 : memref<2000xi32, #tpu.memory_space<vmem>>)
      tpu.yield
    }) : () -> ()
    %run_scoped3A_91 = arith.constant 0 : i32
    "tpu.region"() ({
      %run_scoped3A_311 = tpu.sem_alloc : memref<!tpu.dma_semaphore, #tpu.memory_space<semaphore_mem>>
      %dma_start3A_312 = arith.constant 0 : i32
      %dma_start3A_313 = tpu.memref_slice %arg10[%run_scoped3A_91, %dma_start3A_312] : memref<2x2000xf32, #tpu.memory_space<vmem>> -> memref<1x2000xf32, #tpu.memory_space<vmem>>
      %dma_start3A_314 = tpu.memref_squeeze %dma_start3A_313 : memref<1x2000xf32, #tpu.memory_space<vmem>> -> memref<2000xf32, #tpu.memory_space<vmem>>
      %dma_start3A_315 = tpu.memref_slice %arg4[%add3A_88] : memref<320000xf32, #tpu.memory_space<hbm>> -> memref<2000xf32, #tpu.memory_space<hbm>>
      %dma_start3A_316 = arith.constant 0 : i32
      %dma_start3A_317 = tpu.memref_slice %arg10[%run_scoped3A_91, %dma_start3A_316] : memref<2x2000xf32, #tpu.memory_space<vmem>> -> memref<1x2000xf32, #tpu.memory_space<vmem>>
      %dma_start3A_318 = tpu.memref_squeeze %dma_start3A_317 : memref<1x2000xf32, #tpu.memory_space<vmem>> -> memref<2000xf32, #tpu.memory_space<vmem>>
      %dma_start3A_319 = tpu.memref_slice %arg4[%add3A_88] : memref<320000xf32, #tpu.memory_space<hbm>> -> memref<2000xf32, #tpu.memory_space<hbm>>
      tpu.enqueue_dma source(%dma_start3A_319 : memref<2000xf32, #tpu.memory_space<hbm>>) target(%dma_start3A_318 : memref<2000xf32, #tpu.memory_space<vmem>>) target_semaphore(%run_scoped3A_311 : memref<!tpu.dma_semaphore, #tpu.memory_space<semaphore_mem>>)
      %dma_wait3A_320 = arith.constant 0 : i32
      %dma_wait3A_321 = tpu.memref_slice %arg10[%run_scoped3A_91, %dma_wait3A_320] : memref<2x2000xf32, #tpu.memory_space<vmem>> -> memref<1x2000xf32, #tpu.memory_space<vmem>>
      %dma_wait3A_322 = tpu.memref_squeeze %dma_wait3A_321 : memref<1x2000xf32, #tpu.memory_space<vmem>> -> memref<2000xf32, #tpu.memory_space<vmem>>
      %dma_wait3A_323 = tpu.memref_slice %arg4[%add3A_88] : memref<320000xf32, #tpu.memory_space<hbm>> -> memref<2000xf32, #tpu.memory_space<hbm>>
      %dma_wait3A_324 = arith.constant 0 : i32
      %dma_wait3A_325 = tpu.memref_slice %arg10[%run_scoped3A_91, %dma_wait3A_324] : memref<2x2000xf32, #tpu.memory_space<vmem>> -> memref<1x2000xf32, #tpu.memory_space<vmem>>
      %dma_wait3A_326 = tpu.memref_squeeze %dma_wait3A_325 : memref<1x2000xf32, #tpu.memory_space<vmem>> -> memref<2000xf32, #tpu.memory_space<vmem>>
      %dma_wait3A_327 = tpu.memref_slice %arg4[%add3A_88] : memref<320000xf32, #tpu.memory_space<hbm>> -> memref<2000xf32, #tpu.memory_space<hbm>>
      tpu.wait_dma2 semaphore(%run_scoped3A_311 : memref<!tpu.dma_semaphore, #tpu.memory_space<semaphore_mem>>) src(%dma_wait3A_327 : memref<2000xf32, #tpu.memory_space<hbm>>) dst(%dma_wait3A_326 : memref<2000xf32, #tpu.memory_space<vmem>>)
      tpu.yield
    }) : () -> ()
    %dma_start3A_92 = arith.constant 0 : i32
    %dma_start3A_93 = arith.constant 0 : i32
    %dma_start3A_94 = arith.constant 0 : i32
    %dma_start3A_95 = arith.constant 0 : i32
    %dma_start3A_96 = tpu.memref_slice %arg11[%dma_start3A_93, %dma_start3A_94, %dma_start3A_95] : memref<2x2000x16xf32, #tpu.memory_space<vmem>> -> memref<1x2000x16xf32, #tpu.memory_space<vmem>>
    %dma_start3A_97 = tpu.memref_squeeze %dma_start3A_96 : memref<1x2000x16xf32, #tpu.memory_space<vmem>> -> memref<2000x16xf32, #tpu.memory_space<vmem>>
    %dma_start3A_98 = arith.constant 0 : i32
    %dma_start3A_99 = tpu.memref_slice %arg8[%dma_start3A_92, %dma_start3A_98] : memref<2x2000xi32, #tpu.memory_space<vmem>> -> memref<1x2000xi32, #tpu.memory_space<vmem>>
    %dma_start3A_100 = tpu.memref_squeeze %dma_start3A_99 : memref<1x2000xi32, #tpu.memory_space<vmem>> -> memref<2000xi32, #tpu.memory_space<vmem>>
    %dma_start3A_101 = arith.constant 0 : i32
    %dma_start3A_102 = arith.constant 0 : i32
    %dma_start3A_103 = tpu.memref_slice %arg15[%dma_start3A_101, %dma_start3A_102] : memref<10240x16xf32, #tpu.memory_space<vmem_shared>> -> memref<10240x16xf32, #tpu.memory_space<vmem_shared>>
    tpu.enqueue_indirect_dma source(%dma_start3A_103 : memref<10240x16xf32, #tpu.memory_space<vmem_shared>>) target(%dma_start3A_97 : memref<2000x16xf32, #tpu.memory_space<vmem>>) offsets(%dma_start3A_100 : memref<2000xi32, #tpu.memory_space<vmem>>) semaphore(%arg16 : memref<!tpu.dma_semaphore, #tpu.memory_space<semaphore_mem>>)
    %dma_wait3A_104 = arith.constant 1 : i32
    %dma_wait3A_105 = arith.constant 1 : i32
    %dma_wait3A_106 = arith.constant 0 : i32
    %dma_wait3A_107 = arith.constant 0 : i32
    %dma_wait3A_108 = tpu.memref_slice %arg11[%dma_wait3A_105, %dma_wait3A_106, %dma_wait3A_107] : memref<2x2000x16xf32, #tpu.memory_space<vmem>> -> memref<1x2000x16xf32, #tpu.memory_space<vmem>>
    %dma_wait3A_109 = tpu.memref_squeeze %dma_wait3A_108 : memref<1x2000x16xf32, #tpu.memory_space<vmem>> -> memref<2000x16xf32, #tpu.memory_space<vmem>>
    %dma_wait3A_110 = arith.constant 0 : i32
    %dma_wait3A_111 = tpu.memref_slice %arg8[%dma_wait3A_104, %dma_wait3A_110] : memref<2x2000xi32, #tpu.memory_space<vmem>> -> memref<1x2000xi32, #tpu.memory_space<vmem>>
    %dma_wait3A_112 = tpu.memref_squeeze %dma_wait3A_111 : memref<1x2000xi32, #tpu.memory_space<vmem>> -> memref<2000xi32, #tpu.memory_space<vmem>>
    %dma_wait3A_113 = arith.constant 0 : i32
    %dma_wait3A_114 = arith.constant 0 : i32
    %dma_wait3A_115 = tpu.memref_slice %arg15[%dma_wait3A_113, %dma_wait3A_114] : memref<10240x16xf32, #tpu.memory_space<vmem_shared>> -> memref<10240x16xf32, #tpu.memory_space<vmem_shared>>
    tpu.wait_indirect_dma semaphore(%arg17 : memref<!tpu.dma_semaphore, #tpu.memory_space<semaphore_mem>>) src(%dma_wait3A_115 : memref<10240x16xf32, #tpu.memory_space<vmem_shared>>) dst(%dma_wait3A_109 : memref<2000x16xf32, #tpu.memory_space<vmem>>)
    %parallel_loop3A_116 = arith.constant 0 : i32
    %parallel_loop3A_117 = arith.constant 125 : i32
    %parallel_loop3A_118 = arith.constant 1 : i32
    scf.for %parallel_loop3A_311 = %parallel_loop3A_116 to %parallel_loop3A_117 step %parallel_loop3A_118  : i32 {
      %parallel_loop3A_312 = arith.constant 16 : i32
      %parallel_loop3A_313 = arith.muli %parallel_loop3A_311, %parallel_loop3A_312 : i32
      %parallel_loop3A_314 = arith.constant 1 : i32
      %parallel_loop3A_315 = arith.index_cast %parallel_loop3A_314 : i32 to index
      %parallel_loop3A_316 = arith.index_cast %parallel_loop3A_313 : i32 to index
      %parallel_loop3A_317 = tpu.vector_load %arg8[%parallel_loop3A_315, %parallel_loop3A_316] {strides = array<i32>} : memref<2x2000xi32, #tpu.memory_space<vmem>>, vector<16xi32>,
      %parallel_loop3A_318 = tpu.vector_load_idx %arg12[%parallel_loop3A_317] : memref<10240xf32, #tpu.memory_space<vmem>>[vector<16xi32>], vector<16xf32>,
      %parallel_loop3A_319 = arith.constant 16 : i32
      %parallel_loop3A_320 = arith.muli %parallel_loop3A_311, %parallel_loop3A_319 : i32
      %parallel_loop3A_321 = arith.constant 1 : i32
      %parallel_loop3A_322 = arith.index_cast %parallel_loop3A_321 : i32 to index
      %parallel_loop3A_323 = arith.index_cast %parallel_loop3A_320 : i32 to index
      %parallel_loop3A_324 = tpu.vector_load %arg10[%parallel_loop3A_322, %parallel_loop3A_323] {strides = array<i32>} : memref<2x2000xf32, #tpu.memory_space<vmem>>, vector<16xf32>,
      %parallel_loop3A_325 = arith.mulf %parallel_loop3A_324, %parallel_loop3A_318 : vector<16xf32>
      %parallel_loop3A_326 = arith.constant 16 : i32
      %parallel_loop3A_327 = arith.muli %parallel_loop3A_311, %parallel_loop3A_326 : i32
      %parallel_loop3A_328 = arith.constant 1 : i32
      %parallel_loop3A_329 = arith.index_cast %parallel_loop3A_328 : i32 to index
      %parallel_loop3A_330 = arith.index_cast %parallel_loop3A_327 : i32 to index
      %parallel_loop3A_331 = tpu.vector_load %arg10[%parallel_loop3A_329, %parallel_loop3A_330] {strides = array<i32>} : memref<2x2000xf32, #tpu.memory_space<vmem>>, vector<16xf32>,
      tpu.vector_store %arg10[%parallel_loop3A_329, %parallel_loop3A_330], %parallel_loop3A_325 {strides = array<i32>} : memref<2x2000xf32, #tpu.memory_space<vmem>>, vector<16xf32>,
    } {sc.loop_unroll_factor = 4 : i64, sc.parallel_access}
    %parallel_loop3A_119 = arith.constant 0 : i32
    %parallel_loop3A_120 = arith.constant 125 : i32
    %parallel_loop3A_121 = arith.constant 1 : i32
    scf.for %parallel_loop3A_311 = %parallel_loop3A_119 to %parallel_loop3A_120 step %parallel_loop3A_121  : i32 {
      %parallel_loop3A_312 = arith.constant 16 : i32
      %parallel_loop3A_313 = arith.muli %parallel_loop3A_311, %parallel_loop3A_312 : i32
      %parallel_loop3A_314 = arith.constant 1 : i32
      %parallel_loop3A_315 = arith.index_cast %parallel_loop3A_314 : i32 to index
      %parallel_loop3A_316 = arith.index_cast %parallel_loop3A_313 : i32 to index
      %parallel_loop3A_317 = tpu.vector_load %arg10[%parallel_loop3A_315, %parallel_loop3A_316] {strides = array<i32>} : memref<2x2000xf32, #tpu.memory_space<vmem>>, vector<16xf32>,
      %parallel_loop3A_318 = arith.constant 16 : i32
      %parallel_loop3A_319 = arith.muli %parallel_loop3A_311, %parallel_loop3A_318 : i32
      %parallel_loop3A_320 = arith.constant 0 : i32
      %parallel_loop3A_321 = arith.addi %parallel_loop3A_319, %parallel_loop3A_320 : i32
      %parallel_loop3A_322 = arith.constant 1 : i32
      %parallel_loop3A_323 = arith.index_cast %parallel_loop3A_322 : i32 to index
      %parallel_loop3A_324 = arith.index_cast %parallel_loop3A_321 : i32 to index
      %parallel_loop3A_325 = arith.constant 0 : index
      %parallel_loop3A_326 = tpu.vector_load %arg11[%parallel_loop3A_323, %parallel_loop3A_324, %parallel_loop3A_325] {strides = array<i32>} : memref<2x2000x16xf32, #tpu.memory_space<vmem>>, vector<16xf32>,
      %parallel_loop3A_327 = vector.extract_strided_slice %parallel_loop3A_317 {offsets = [0], sizes = [1], strides = [1]} : vector<16xf32> to vector<1xf32>
      %parallel_loop3A_328 = vector.extract %parallel_loop3A_327[0] : f32 from vector<1xf32>
      %parallel_loop3A_329 = vector.broadcast %parallel_loop3A_328 : f32 to vector<16xf32>
      %parallel_loop3A_330 = arith.mulf %parallel_loop3A_326, %parallel_loop3A_329 : vector<16xf32>
      %parallel_loop3A_331 = arith.constant 0 : i32
      %parallel_loop3A_332 = arith.addi %parallel_loop3A_319, %parallel_loop3A_331 : i32
      %parallel_loop3A_333 = arith.constant 1 : i32
      %parallel_loop3A_334 = arith.index_cast %parallel_loop3A_333 : i32 to index
      %parallel_loop3A_335 = arith.index_cast %parallel_loop3A_332 : i32 to index
      %parallel_loop3A_336 = arith.constant 0 : index
      %parallel_loop3A_337 = tpu.vector_load %arg11[%parallel_loop3A_334, %parallel_loop3A_335, %parallel_loop3A_336] {strides = array<i32>} : memref<2x2000x16xf32, #tpu.memory_space<vmem>>, vector<16xf32>,
      tpu.vector_store %arg11[%parallel_loop3A_334, %parallel_loop3A_335, %parallel_loop3A_336], %parallel_loop3A_330 {strides = array<i32>} : memref<2x2000x16xf32, #tpu.memory_space<vmem>>, vector<16xf32>,
      %parallel_loop3A_338 = arith.constant 1 : i32
      %parallel_loop3A_339 = arith.addi %parallel_loop3A_319, %parallel_loop3A_338 : i32
      %parallel_loop3A_340 = arith.constant 1 : i32
      %parallel_loop3A_341 = arith.index_cast %parallel_loop3A_340 : i32 to index
      %parallel_loop3A_342 = arith.index_cast %parallel_loop3A_339 : i32 to index
      %parallel_loop3A_343 = arith.constant 0 : index
      %parallel_loop3A_344 = tpu.vector_load %arg11[%parallel_loop3A_341, %parallel_loop3A_342, %parallel_loop3A_343] {strides = array<i32>} : memref<2x2000x16xf32, #tpu.memory_space<vmem>>, vector<16xf32>,
      %parallel_loop3A_345 = vector.extract_strided_slice %parallel_loop3A_317 {offsets = [1], sizes = [1], strides = [1]} : vector<16xf32> to vector<1xf32>
      %parallel_loop3A_346 = vector.extract %parallel_loop3A_345[0] : f32 from vector<1xf32>
      %parallel_loop3A_347 = vector.broadcast %parallel_loop3A_346 : f32 to vector<16xf32>
      %parallel_loop3A_348 = arith.mulf %parallel_loop3A_344, %parallel_loop3A_347 : vector<16xf32>
      %parallel_loop3A_349 = arith.constant 1 : i32
      %parallel_loop3A_350 = arith.addi %parallel_loop3A_319, %parallel_loop3A_349 : i32
      %parallel_loop3A_351 = arith.constant 1 : i32
      %parallel_loop3A_352 = arith.index_cast %parallel_loop3A_351 : i32 to index
      %parallel_loop3A_353 = arith.index_cast %parallel_loop3A_350 : i32 to index
      %parallel_loop3A_354 = arith.constant 0 : index
      %parallel_loop3A_355 = tpu.vector_load %arg11[%parallel_loop3A_352, %parallel_loop3A_353, %parallel_loop3A_354] {strides = array<i32>} : memref<2x2000x16xf32, #tpu.memory_space<vmem>>, vector<16xf32>,
      tpu.vector_store %arg11[%parallel_loop3A_352, %parallel_loop3A_353, %parallel_loop3A_354], %parallel_loop3A_348 {strides = array<i32>} : memref<2x2000x16xf32, #tpu.memory_space<vmem>>, vector<16xf32>,
      %parallel_loop3A_356 = arith.constant 2 : i32
      %parallel_loop3A_357 = arith.addi %parallel_loop3A_319, %parallel_loop3A_356 : i32
      %parallel_loop3A_358 = arith.constant 1 : i32
      %parallel_loop3A_359 = arith.index_cast %parallel_loop3A_358 : i32 to index
      %parallel_loop3A_360 = arith.index_cast %parallel_loop3A_357 : i32 to index
      %parallel_loop3A_361 = arith.constant 0 : index
      %parallel_loop3A_362 = tpu.vector_load %arg11[%parallel_loop3A_359, %parallel_loop3A_360, %parallel_loop3A_361] {strides = array<i32>} : memref<2x2000x16xf32, #tpu.memory_space<vmem>>, vector<16xf32>,
      %parallel_loop3A_363 = vector.extract_strided_slice %parallel_loop3A_317 {offsets = [2], sizes = [1], strides = [1]} : vector<16xf32> to vector<1xf32>
      %parallel_loop3A_364 = vector.extract %parallel_loop3A_363[0] : f32 from vector<1xf32>
      %parallel_loop3A_365 = vector.broadcast %parallel_loop3A_364 : f32 to vector<16xf32>
      %parallel_loop3A_366 = arith.mulf %parallel_loop3A_362, %parallel_loop3A_365 : vector<16xf32>
      %parallel_loop3A_367 = arith.constant 2 : i32
      %parallel_loop3A_368 = arith.addi %parallel_loop3A_319, %parallel_loop3A_367 : i32
      %parallel_loop3A_369 = arith.constant 1 : i32
      %parallel_loop3A_370 = arith.index_cast %parallel_loop3A_369 : i32 to index
      %parallel_loop3A_371 = arith.index_cast %parallel_loop3A_368 : i32 to index
      %parallel_loop3A_372 = arith.constant 0 : index
      %parallel_loop3A_373 = tpu.vector_load %arg11[%parallel_loop3A_370, %parallel_loop3A_371, %parallel_loop3A_372] {strides = array<i32>} : memref<2x2000x16xf32, #tpu.memory_space<vmem>>, vector<16xf32>,
      tpu.vector_store %arg11[%parallel_loop3A_370, %parallel_loop3A_371, %parallel_loop3A_372], %parallel_loop3A_366 {strides = array<i32>} : memref<2x2000x16xf32, #tpu.memory_space<vmem>>, vector<16xf32>,
      %parallel_loop3A_374 = arith.constant 3 : i32
      %parallel_loop3A_375 = arith.addi %parallel_loop3A_319, %parallel_loop3A_374 : i32
      %parallel_loop3A_376 = arith.constant 1 : i32
      %parallel_loop3A_377 = arith.index_cast %parallel_loop3A_376 : i32 to index
      %parallel_loop3A_378 = arith.index_cast %parallel_loop3A_375 : i32 to index
      %parallel_loop3A_379 = arith.constant 0 : index
      %parallel_loop3A_380 = tpu.vector_load %arg11[%parallel_loop3A_377, %parallel_loop3A_378, %parallel_loop3A_379] {strides = array<i32>} : memref<2x2000x16xf32, #tpu.memory_space<vmem>>, vector<16xf32>,
      %parallel_loop3A_381 = vector.extract_strided_slice %parallel_loop3A_317 {offsets = [3], sizes = [1], strides = [1]} : vector<16xf32> to vector<1xf32>
      %parallel_loop3A_382 = vector.extract %parallel_loop3A_381[0] : f32 from vector<1xf32>
      %parallel_loop3A_383 = vector.broadcast %parallel_loop3A_382 : f32 to vector<16xf32>
      %parallel_loop3A_384 = arith.mulf %parallel_loop3A_380, %parallel_loop3A_383 : vector<16xf32>
      %parallel_loop3A_385 = arith.constant 3 : i32
      %parallel_loop3A_386 = arith.addi %parallel_loop3A_319, %parallel_loop3A_385 : i32
      %parallel_loop3A_387 = arith.constant 1 : i32
      %parallel_loop3A_388 = arith.index_cast %parallel_loop3A_387 : i32 to index
      %parallel_loop3A_389 = arith.index_cast %parallel_loop3A_386 : i32 to index
      %parallel_loop3A_390 = arith.constant 0 : index
      %parallel_loop3A_391 = tpu.vector_load %arg11[%parallel_loop3A_388, %parallel_loop3A_389, %parallel_loop3A_390] {strides = array<i32>} : memref<2x2000x16xf32, #tpu.memory_space<vmem>>, vector<16xf32>,
      tpu.vector_store %arg11[%parallel_loop3A_388, %parallel_loop3A_389, %parallel_loop3A_390], %parallel_loop3A_384 {strides = array<i32>} : memref<2x2000x16xf32, #tpu.memory_space<vmem>>, vector<16xf32>,
      %parallel_loop3A_392 = arith.constant 4 : i32
      %parallel_loop3A_393 = arith.addi %parallel_loop3A_319, %parallel_loop3A_392 : i32
      %parallel_loop3A_394 = arith.constant 1 : i32
      %parallel_loop3A_395 = arith.index_cast %parallel_loop3A_394 : i32 to index
      %parallel_loop3A_396 = arith.index_cast %parallel_loop3A_393 : i32 to index
      %parallel_loop3A_397 = arith.constant 0 : index
      %parallel_loop3A_398 = tpu.vector_load %arg11[%parallel_loop3A_395, %parallel_loop3A_396, %parallel_loop3A_397] {strides = array<i32>} : memref<2x2000x16xf32, #tpu.memory_space<vmem>>, vector<16xf32>,
      %parallel_loop3A_399 = vector.extract_strided_slice %parallel_loop3A_317 {offsets = [4], sizes = [1], strides = [1]} : vector<16xf32> to vector<1xf32>
      %parallel_loop3A_400 = vector.extract %parallel_loop3A_399[0] : f32 from vector<1xf32>
      %parallel_loop3A_401 = vector.broadcast %parallel_loop3A_400 : f32 to vector<16xf32>
      %parallel_loop3A_402 = arith.mulf %parallel_loop3A_398, %parallel_loop3A_401 : vector<16xf32>
      %parallel_loop3A_403 = arith.constant 4 : i32
      %parallel_loop3A_404 = arith.addi %parallel_loop3A_319, %parallel_loop3A_403 : i32
      %parallel_loop3A_405 = arith.constant 1 : i32
      %parallel_loop3A_406 = arith.index_cast %parallel_loop3A_405 : i32 to index
      %parallel_loop3A_407 = arith.index_cast %parallel_loop3A_404 : i32 to index
      %parallel_loop3A_408 = arith.constant 0 : index
      %parallel_loop3A_409 = tpu.vector_load %arg11[%parallel_loop3A_406, %parallel_loop3A_407, %parallel_loop3A_408] {strides = array<i32>} : memref<2x2000x16xf32, #tpu.memory_space<vmem>>, vector<16xf32>,
      tpu.vector_store %arg11[%parallel_loop3A_406, %parallel_loop3A_407, %parallel_loop3A_408], %parallel_loop3A_402 {strides = array<i32>} : memref<2x2000x16xf32, #tpu.memory_space<vmem>>, vector<16xf32>,
      %parallel_loop3A_410 = arith.constant 5 : i32
      %parallel_loop3A_411 = arith.addi %parallel_loop3A_319, %parallel_loop3A_410 : i32
      %parallel_loop3A_412 = arith.constant 1 : i32
      %parallel_loop3A_413 = arith.index_cast %parallel_loop3A_412 : i32 to index
      %parallel_loop3A_414 = arith.index_cast %parallel_loop3A_411 : i32 to index
      %parallel_loop3A_415 = arith.constant 0 : index
      %parallel_loop3A_416 = tpu.vector_load %arg11[%parallel_loop3A_413, %parallel_loop3A_414, %parallel_loop3A_415] {strides = array<i32>} : memref<2x2000x16xf32, #tpu.memory_space<vmem>>, vector<16xf32>,
      %parallel_loop3A_417 = vector.extract_strided_slice %parallel_loop3A_317 {offsets = [5], sizes = [1], strides = [1]} : vector<16xf32> to vector<1xf32>
      %parallel_loop3A_418 = vector.extract %parallel_loop3A_417[0] : f32 from vector<1xf32>
      %parallel_loop3A_419 = vector.broadcast %parallel_loop3A_418 : f32 to vector<16xf32>
      %parallel_loop3A_420 = arith.mulf %parallel_loop3A_416, %parallel_loop3A_419 : vector<16xf32>
      %parallel_loop3A_421 = arith.constant 5 : i32
      %parallel_loop3A_422 = arith.addi %parallel_loop3A_319, %parallel_loop3A_421 : i32
      %parallel_loop3A_423 = arith.constant 1 : i32
      %parallel_loop3A_424 = arith.index_cast %parallel_loop3A_423 : i32 to index
      %parallel_loop3A_425 = arith.index_cast %parallel_loop3A_422 : i32 to index
      %parallel_loop3A_426 = arith.constant 0 : index
      %parallel_loop3A_427 = tpu.vector_load %arg11[%parallel_loop3A_424, %parallel_loop3A_425, %parallel_loop3A_426] {strides = array<i32>} : memref<2x2000x16xf32, #tpu.memory_space<vmem>>, vector<16xf32>,
      tpu.vector_store %arg11[%parallel_loop3A_424, %parallel_loop3A_425, %parallel_loop3A_426], %parallel_loop3A_420 {strides = array<i32>} : memref<2x2000x16xf32, #tpu.memory_space<vmem>>, vector<16xf32>,
      %parallel_loop3A_428 = arith.constant 6 : i32
      %parallel_loop3A_429 = arith.addi %parallel_loop3A_319, %parallel_loop3A_428 : i32
      %parallel_loop3A_430 = arith.constant 1 : i32
      %parallel_loop3A_431 = arith.index_cast %parallel_loop3A_430 : i32 to index
      %parallel_loop3A_432 = arith.index_cast %parallel_loop3A_429 : i32 to index
      %parallel_loop3A_433 = arith.constant 0 : index
      %parallel_loop3A_434 = tpu.vector_load %arg11[%parallel_loop3A_431, %parallel_loop3A_432, %parallel_loop3A_433] {strides = array<i32>} : memref<2x2000x16xf32, #tpu.memory_space<vmem>>, vector<16xf32>,
      %parallel_loop3A_435 = vector.extract_strided_slice %parallel_loop3A_317 {offsets = [6], sizes = [1], strides = [1]} : vector<16xf32> to vector<1xf32>
      %parallel_loop3A_436 = vector.extract %parallel_loop3A_435[0] : f32 from vector<1xf32>
      %parallel_loop3A_437 = vector.broadcast %parallel_loop3A_436 : f32 to vector<16xf32>
      %parallel_loop3A_438 = arith.mulf %parallel_loop3A_434, %parallel_loop3A_437 : vector<16xf32>
      %parallel_loop3A_439 = arith.constant 6 : i32
      %parallel_loop3A_440 = arith.addi %parallel_loop3A_319, %parallel_loop3A_439 : i32
      %parallel_loop3A_441 = arith.constant 1 : i32
      %parallel_loop3A_442 = arith.index_cast %parallel_loop3A_441 : i32 to index
      %parallel_loop3A_443 = arith.index_cast %parallel_loop3A_440 : i32 to index
      %parallel_loop3A_444 = arith.constant 0 : index
      %parallel_loop3A_445 = tpu.vector_load %arg11[%parallel_loop3A_442, %parallel_loop3A_443, %parallel_loop3A_444] {strides = array<i32>} : memref<2x2000x16xf32, #tpu.memory_space<vmem>>, vector<16xf32>,
      tpu.vector_store %arg11[%parallel_loop3A_442, %parallel_loop3A_443, %parallel_loop3A_444], %parallel_loop3A_438 {strides = array<i32>} : memref<2x2000x16xf32, #tpu.memory_space<vmem>>, vector<16xf32>,
      %parallel_loop3A_446 = arith.constant 7 : i32
      %parallel_loop3A_447 = arith.addi %parallel_loop3A_319, %parallel_loop3A_446 : i32
      %parallel_loop3A_448 = arith.constant 1 : i32
      %parallel_loop3A_449 = arith.index_cast %parallel_loop3A_448 : i32 to index
      %parallel_loop3A_450 = arith.index_cast %parallel_loop3A_447 : i32 to index
      %parallel_loop3A_451 = arith.constant 0 : index
      %parallel_loop3A_452 = tpu.vector_load %arg11[%parallel_loop3A_449, %parallel_loop3A_450, %parallel_loop3A_451] {strides = array<i32>} : memref<2x2000x16xf32, #tpu.memory_space<vmem>>, vector<16xf32>,
      %parallel_loop3A_453 = vector.extract_strided_slice %parallel_loop3A_317 {offsets = [7], sizes = [1], strides = [1]} : vector<16xf32> to vector<1xf32>
      %parallel_loop3A_454 = vector.extract %parallel_loop3A_453[0] : f32 from vector<1xf32>
      %parallel_loop3A_455 = vector.broadcast %parallel_loop3A_454 : f32 to vector<16xf32>
      %parallel_loop3A_456 = arith.mulf %parallel_loop3A_452, %parallel_loop3A_455 : vector<16xf32>
      %parallel_loop3A_457 = arith.constant 7 : i32
      %parallel_loop3A_458 = arith.addi %parallel_loop3A_319, %parallel_loop3A_457 : i32
      %parallel_loop3A_459 = arith.constant 1 : i32
      %parallel_loop3A_460 = arith.index_cast %parallel_loop3A_459 : i32 to index
      %parallel_loop3A_461 = arith.index_cast %parallel_loop3A_458 : i32 to index
      %parallel_loop3A_462 = arith.constant 0 : index
      %parallel_loop3A_463 = tpu.vector_load %arg11[%parallel_loop3A_460, %parallel_loop3A_461, %parallel_loop3A_462] {strides = array<i32>} : memref<2x2000x16xf32, #tpu.memory_space<vmem>>, vector<16xf32>,
      tpu.vector_store %arg11[%parallel_loop3A_460, %parallel_loop3A_461, %parallel_loop3A_462], %parallel_loop3A_456 {strides = array<i32>} : memref<2x2000x16xf32, #tpu.memory_space<vmem>>, vector<16xf32>,
      %parallel_loop3A_464 = arith.constant 8 : i32
      %parallel_loop3A_465 = arith.addi %parallel_loop3A_319, %parallel_loop3A_464 : i32
      %parallel_loop3A_466 = arith.constant 1 : i32
      %parallel_loop3A_467 = arith.index_cast %parallel_loop3A_466 : i32 to index
      %parallel_loop3A_468 = arith.index_cast %parallel_loop3A_465 : i32 to index
      %parallel_loop3A_469 = arith.constant 0 : index
      %parallel_loop3A_470 = tpu.vector_load %arg11[%parallel_loop3A_467, %parallel_loop3A_468, %parallel_loop3A_469] {strides = array<i32>} : memref<2x2000x16xf32, #tpu.memory_space<vmem>>, vector<16xf32>,
      %parallel_loop3A_471 = vector.extract_strided_slice %parallel_loop3A_317 {offsets = [8], sizes = [1], strides = [1]} : vector<16xf32> to vector<1xf32>
      %parallel_loop3A_472 = vector.extract %parallel_loop3A_471[0] : f32 from vector<1xf32>
      %parallel_loop3A_473 = vector.broadcast %parallel_loop3A_472 : f32 to vector<16xf32>
      %parallel_loop3A_474 = arith.mulf %parallel_loop3A_470, %parallel_loop3A_473 : vector<16xf32>
      %parallel_loop3A_475 = arith.constant 8 : i32
      %parallel_loop3A_476 = arith.addi %parallel_loop3A_319, %parallel_loop3A_475 : i32
      %parallel_loop3A_477 = arith.constant 1 : i32
      %parallel_loop3A_478 = arith.index_cast %parallel_loop3A_477 : i32 to index
      %parallel_loop3A_479 = arith.index_cast %parallel_loop3A_476 : i32 to index
      %parallel_loop3A_480 = arith.constant 0 : index
      %parallel_loop3A_481 = tpu.vector_load %arg11[%parallel_loop3A_478, %parallel_loop3A_479, %parallel_loop3A_480] {strides = array<i32>} : memref<2x2000x16xf32, #tpu.memory_space<vmem>>, vector<16xf32>,
      tpu.vector_store %arg11[%parallel_loop3A_478, %parallel_loop3A_479, %parallel_loop3A_480], %parallel_loop3A_474 {strides = array<i32>} : memref<2x2000x16xf32, #tpu.memory_space<vmem>>, vector<16xf32>,
      %parallel_loop3A_482 = arith.constant 9 : i32
      %parallel_loop3A_483 = arith.addi %parallel_loop3A_319, %parallel_loop3A_482 : i32
      %parallel_loop3A_484 = arith.constant 1 : i32
      %parallel_loop3A_485 = arith.index_cast %parallel_loop3A_484 : i32 to index
      %parallel_loop3A_486 = arith.index_cast %parallel_loop3A_483 : i32 to index
      %parallel_loop3A_487 = arith.constant 0 : index
      %parallel_loop3A_488 = tpu.vector_load %arg11[%parallel_loop3A_485, %parallel_loop3A_486, %parallel_loop3A_487] {strides = array<i32>} : memref<2x2000x16xf32, #tpu.memory_space<vmem>>, vector<16xf32>,
      %parallel_loop3A_489 = vector.extract_strided_slice %parallel_loop3A_317 {offsets = [9], sizes = [1], strides = [1]} : vector<16xf32> to vector<1xf32>
      %parallel_loop3A_490 = vector.extract %parallel_loop3A_489[0] : f32 from vector<1xf32>
      %parallel_loop3A_491 = vector.broadcast %parallel_loop3A_490 : f32 to vector<16xf32>
      %parallel_loop3A_492 = arith.mulf %parallel_loop3A_488, %parallel_loop3A_491 : vector<16xf32>
      %parallel_loop3A_493 = arith.constant 9 : i32
      %parallel_loop3A_494 = arith.addi %parallel_loop3A_319, %parallel_loop3A_493 : i32
      %parallel_loop3A_495 = arith.constant 1 : i32
      %parallel_loop3A_496 = arith.index_cast %parallel_loop3A_495 : i32 to index
      %parallel_loop3A_497 = arith.index_cast %parallel_loop3A_494 : i32 to index
      %parallel_loop3A_498 = arith.constant 0 : index
      %parallel_loop3A_499 = tpu.vector_load %arg11[%parallel_loop3A_496, %parallel_loop3A_497, %parallel_loop3A_498] {strides = array<i32>} : memref<2x2000x16xf32, #tpu.memory_space<vmem>>, vector<16xf32>,
      tpu.vector_store %arg11[%parallel_loop3A_496, %parallel_loop3A_497, %parallel_loop3A_498], %parallel_loop3A_492 {strides = array<i32>} : memref<2x2000x16xf32, #tpu.memory_space<vmem>>, vector<16xf32>,
      %parallel_loop3A_500 = arith.constant 10 : i32
      %parallel_loop3A_501 = arith.addi %parallel_loop3A_319, %parallel_loop3A_500 : i32
      %parallel_loop3A_502 = arith.constant 1 : i32
      %parallel_loop3A_503 = arith.index_cast %parallel_loop3A_502 : i32 to index
      %parallel_loop3A_504 = arith.index_cast %parallel_loop3A_501 : i32 to index
      %parallel_loop3A_505 = arith.constant 0 : index
      %parallel_loop3A_506 = tpu.vector_load %arg11[%parallel_loop3A_503, %parallel_loop3A_504, %parallel_loop3A_505] {strides = array<i32>} : memref<2x2000x16xf32, #tpu.memory_space<vmem>>, vector<16xf32>,
      %parallel_loop3A_507 = vector.extract_strided_slice %parallel_loop3A_317 {offsets = [10], sizes = [1], strides = [1]} : vector<16xf32> to vector<1xf32>
      %parallel_loop3A_508 = vector.extract %parallel_loop3A_507[0] : f32 from vector<1xf32>
      %parallel_loop3A_509 = vector.broadcast %parallel_loop3A_508 : f32 to vector<16xf32>
      %parallel_loop3A_510 = arith.mulf %parallel_loop3A_506, %parallel_loop3A_509 : vector<16xf32>
      %parallel_loop3A_511 = arith.constant 10 : i32
      %parallel_loop3A_512 = arith.addi %parallel_loop3A_319, %parallel_loop3A_511 : i32
      %parallel_loop3A_513 = arith.constant 1 : i32
      %parallel_loop3A_514 = arith.index_cast %parallel_loop3A_513 : i32 to index
      %parallel_loop3A_515 = arith.index_cast %parallel_loop3A_512 : i32 to index
      %parallel_loop3A_516 = arith.constant 0 : index
      %parallel_loop3A_517 = tpu.vector_load %arg11[%parallel_loop3A_514, %parallel_loop3A_515, %parallel_loop3A_516] {strides = array<i32>} : memref<2x2000x16xf32, #tpu.memory_space<vmem>>, vector<16xf32>,
      tpu.vector_store %arg11[%parallel_loop3A_514, %parallel_loop3A_515, %parallel_loop3A_516], %parallel_loop3A_510 {strides = array<i32>} : memref<2x2000x16xf32, #tpu.memory_space<vmem>>, vector<16xf32>,
      %parallel_loop3A_518 = arith.constant 11 : i32
      %parallel_loop3A_519 = arith.addi %parallel_loop3A_319, %parallel_loop3A_518 : i32
      %parallel_loop3A_520 = arith.constant 1 : i32
      %parallel_loop3A_521 = arith.index_cast %parallel_loop3A_520 : i32 to index
      %parallel_loop3A_522 = arith.index_cast %parallel_loop3A_519 : i32 to index
      %parallel_loop3A_523 = arith.constant 0 : index
      %parallel_loop3A_524 = tpu.vector_load %arg11[%parallel_loop3A_521, %parallel_loop3A_522, %parallel_loop3A_523] {strides = array<i32>} : memref<2x2000x16xf32, #tpu.memory_space<vmem>>, vector<16xf32>,
      %parallel_loop3A_525 = vector.extract_strided_slice %parallel_loop3A_317 {offsets = [11], sizes = [1], strides = [1]} : vector<16xf32> to vector<1xf32>
      %parallel_loop3A_526 = vector.extract %parallel_loop3A_525[0] : f32 from vector<1xf32>
      %parallel_loop3A_527 = vector.broadcast %parallel_loop3A_526 : f32 to vector<16xf32>
      %parallel_loop3A_528 = arith.mulf %parallel_loop3A_524, %parallel_loop3A_527 : vector<16xf32>
      %parallel_loop3A_529 = arith.constant 11 : i32
      %parallel_loop3A_530 = arith.addi %parallel_loop3A_319, %parallel_loop3A_529 : i32
      %parallel_loop3A_531 = arith.constant 1 : i32
      %parallel_loop3A_532 = arith.index_cast %parallel_loop3A_531 : i32 to index
      %parallel_loop3A_533 = arith.index_cast %parallel_loop3A_530 : i32 to index
      %parallel_loop3A_534 = arith.constant 0 : index
      %parallel_loop3A_535 = tpu.vector_load %arg11[%parallel_loop3A_532, %parallel_loop3A_533, %parallel_loop3A_534] {strides = array<i32>} : memref<2x2000x16xf32, #tpu.memory_space<vmem>>, vector<16xf32>,
      tpu.vector_store %arg11[%parallel_loop3A_532, %parallel_loop3A_533, %parallel_loop3A_534], %parallel_loop3A_528 {strides = array<i32>} : memref<2x2000x16xf32, #tpu.memory_space<vmem>>, vector<16xf32>,
      %parallel_loop3A_536 = arith.constant 12 : i32
      %parallel_loop3A_537 = arith.addi %parallel_loop3A_319, %parallel_loop3A_536 : i32
      %parallel_loop3A_538 = arith.constant 1 : i32
      %parallel_loop3A_539 = arith.index_cast %parallel_loop3A_538 : i32 to index
      %parallel_loop3A_540 = arith.index_cast %parallel_loop3A_537 : i32 to index
      %parallel_loop3A_541 = arith.constant 0 : index
      %parallel_loop3A_542 = tpu.vector_load %arg11[%parallel_loop3A_539, %parallel_loop3A_540, %parallel_loop3A_541] {strides = array<i32>} : memref<2x2000x16xf32, #tpu.memory_space<vmem>>, vector<16xf32>,
      %parallel_loop3A_543 = vector.extract_strided_slice %parallel_loop3A_317 {offsets = [12], sizes = [1], strides = [1]} : vector<16xf32> to vector<1xf32>
      %parallel_loop3A_544 = vector.extract %parallel_loop3A_543[0] : f32 from vector<1xf32>
      %parallel_loop3A_545 = vector.broadcast %parallel_loop3A_544 : f32 to vector<16xf32>
      %parallel_loop3A_546 = arith.mulf %parallel_loop3A_542, %parallel_loop3A_545 : vector<16xf32>
      %parallel_loop3A_547 = arith.constant 12 : i32
      %parallel_loop3A_548 = arith.addi %parallel_loop3A_319, %parallel_loop3A_547 : i32
      %parallel_loop3A_549 = arith.constant 1 : i32
      %parallel_loop3A_550 = arith.index_cast %parallel_loop3A_549 : i32 to index
      %parallel_loop3A_551 = arith.index_cast %parallel_loop3A_548 : i32 to index
      %parallel_loop3A_552 = arith.constant 0 : index
      %parallel_loop3A_553 = tpu.vector_load %arg11[%parallel_loop3A_550, %parallel_loop3A_551, %parallel_loop3A_552] {strides = array<i32>} : memref<2x2000x16xf32, #tpu.memory_space<vmem>>, vector<16xf32>,
      tpu.vector_store %arg11[%parallel_loop3A_550, %parallel_loop3A_551, %parallel_loop3A_552], %parallel_loop3A_546 {strides = array<i32>} : memref<2x2000x16xf32, #tpu.memory_space<vmem>>, vector<16xf32>,
      %parallel_loop3A_554 = arith.constant 13 : i32
      %parallel_loop3A_555 = arith.addi %parallel_loop3A_319, %parallel_loop3A_554 : i32
      %parallel_loop3A_556 = arith.constant 1 : i32
      %parallel_loop3A_557 = arith.index_cast %parallel_loop3A_556 : i32 to index
      %parallel_loop3A_558 = arith.index_cast %parallel_loop3A_555 : i32 to index
      %parallel_loop3A_559 = arith.constant 0 : index
      %parallel_loop3A_560 = tpu.vector_load %arg11[%parallel_loop3A_557, %parallel_loop3A_558, %parallel_loop3A_559] {strides = array<i32>} : memref<2x2000x16xf32, #tpu.memory_space<vmem>>, vector<16xf32>,
      %parallel_loop3A_561 = vector.extract_strided_slice %parallel_loop3A_317 {offsets = [13], sizes = [1], strides = [1]} : vector<16xf32> to vector<1xf32>
      %parallel_loop3A_562 = vector.extract %parallel_loop3A_561[0] : f32 from vector<1xf32>
      %parallel_loop3A_563 = vector.broadcast %parallel_loop3A_562 : f32 to vector<16xf32>
      %parallel_loop3A_564 = arith.mulf %parallel_loop3A_560, %parallel_loop3A_563 : vector<16xf32>
      %parallel_loop3A_565 = arith.constant 13 : i32
      %parallel_loop3A_566 = arith.addi %parallel_loop3A_319, %parallel_loop3A_565 : i32
      %parallel_loop3A_567 = arith.constant 1 : i32
      %parallel_loop3A_568 = arith.index_cast %parallel_loop3A_567 : i32 to index
      %parallel_loop3A_569 = arith.index_cast %parallel_loop3A_566 : i32 to index
      %parallel_loop3A_570 = arith.constant 0 : index
      %parallel_loop3A_571 = tpu.vector_load %arg11[%parallel_loop3A_568, %parallel_loop3A_569, %parallel_loop3A_570] {strides = array<i32>} : memref<2x2000x16xf32, #tpu.memory_space<vmem>>, vector<16xf32>,
      tpu.vector_store %arg11[%parallel_loop3A_568, %parallel_loop3A_569, %parallel_loop3A_570], %parallel_loop3A_564 {strides = array<i32>} : memref<2x2000x16xf32, #tpu.memory_space<vmem>>, vector<16xf32>,
      %parallel_loop3A_572 = arith.constant 14 : i32
      %parallel_loop3A_573 = arith.addi %parallel_loop3A_319, %parallel_loop3A_572 : i32
      %parallel_loop3A_574 = arith.constant 1 : i32
      %parallel_loop3A_575 = arith.index_cast %parallel_loop3A_574 : i32 to index
      %parallel_loop3A_576 = arith.index_cast %parallel_loop3A_573 : i32 to index
      %parallel_loop3A_577 = arith.constant 0 : index
      %parallel_loop3A_578 = tpu.vector_load %arg11[%parallel_loop3A_575, %parallel_loop3A_576, %parallel_loop3A_577] {strides = array<i32>} : memref<2x2000x16xf32, #tpu.memory_space<vmem>>, vector<16xf32>,
      %parallel_loop3A_579 = vector.extract_strided_slice %parallel_loop3A_317 {offsets = [14], sizes = [1], strides = [1]} : vector<16xf32> to vector<1xf32>
      %parallel_loop3A_580 = vector.extract %parallel_loop3A_579[0] : f32 from vector<1xf32>
      %parallel_loop3A_581 = vector.broadcast %parallel_loop3A_580 : f32 to vector<16xf32>
      %parallel_loop3A_582 = arith.mulf %parallel_loop3A_578, %parallel_loop3A_581 : vector<16xf32>
      %parallel_loop3A_583 = arith.constant 14 : i32
      %parallel_loop3A_584 = arith.addi %parallel_loop3A_319, %parallel_loop3A_583 : i32
      %parallel_loop3A_585 = arith.constant 1 : i32
      %parallel_loop3A_586 = arith.index_cast %parallel_loop3A_585 : i32 to index
      %parallel_loop3A_587 = arith.index_cast %parallel_loop3A_584 : i32 to index
      %parallel_loop3A_588 = arith.constant 0 : index
      %parallel_loop3A_589 = tpu.vector_load %arg11[%parallel_loop3A_586, %parallel_loop3A_587, %parallel_loop3A_588] {strides = array<i32>} : memref<2x2000x16xf32, #tpu.memory_space<vmem>>, vector<16xf32>,
      tpu.vector_store %arg11[%parallel_loop3A_586, %parallel_loop3A_587, %parallel_loop3A_588], %parallel_loop3A_582 {strides = array<i32>} : memref<2x2000x16xf32, #tpu.memory_space<vmem>>, vector<16xf32>,
      %parallel_loop3A_590 = arith.constant 15 : i32
      %parallel_loop3A_591 = arith.addi %parallel_loop3A_319, %parallel_loop3A_590 : i32
      %parallel_loop3A_592 = arith.constant 1 : i32
      %parallel_loop3A_593 = arith.index_cast %parallel_loop3A_592 : i32 to index
      %parallel_loop3A_594 = arith.index_cast %parallel_loop3A_591 : i32 to index
      %parallel_loop3A_595 = arith.constant 0 : index
      %parallel_loop3A_596 = tpu.vector_load %arg11[%parallel_loop3A_593, %parallel_loop3A_594, %parallel_loop3A_595] {strides = array<i32>} : memref<2x2000x16xf32, #tpu.memory_space<vmem>>, vector<16xf32>,
      %parallel_loop3A_597 = vector.extract_strided_slice %parallel_loop3A_317 {offsets = [15], sizes = [1], strides = [1]} : vector<16xf32> to vector<1xf32>
      %parallel_loop3A_598 = vector.extract %parallel_loop3A_597[0] : f32 from vector<1xf32>
      %parallel_loop3A_599 = vector.broadcast %parallel_loop3A_598 : f32 to vector<16xf32>
      %parallel_loop3A_600 = arith.mulf %parallel_loop3A_596, %parallel_loop3A_599 : vector<16xf32>
      %parallel_loop3A_601 = arith.constant 15 : i32
      %parallel_loop3A_602 = arith.addi %parallel_loop3A_319, %parallel_loop3A_601 : i32
      %parallel_loop3A_603 = arith.constant 1 : i32
      %parallel_loop3A_604 = arith.index_cast %parallel_loop3A_603 : i32 to index
      %parallel_loop3A_605 = arith.index_cast %parallel_loop3A_602 : i32 to index
      %parallel_loop3A_606 = arith.constant 0 : index
      %parallel_loop3A_607 = tpu.vector_load %arg11[%parallel_loop3A_604, %parallel_loop3A_605, %parallel_loop3A_606] {strides = array<i32>} : memref<2x2000x16xf32, #tpu.memory_space<vmem>>, vector<16xf32>,
      tpu.vector_store %arg11[%parallel_loop3A_604, %parallel_loop3A_605, %parallel_loop3A_606], %parallel_loop3A_600 {strides = array<i32>} : memref<2x2000x16xf32, #tpu.memory_space<vmem>>, vector<16xf32>,
    } {sc.loop_unroll_factor = 2 : i64, sc.parallel_access}
    %dma_start3A_122 = arith.constant 1 : i32
    %dma_start3A_123 = arith.constant 1 : i32
    %dma_start3A_124 = arith.constant 0 : i32
    %dma_start3A_125 = arith.constant 0 : i32
    %dma_start3A_126 = tpu.memref_slice %arg11[%dma_start3A_122, %dma_start3A_124, %dma_start3A_125] : memref<2x2000x16xf32, #tpu.memory_space<vmem>> -> memref<1x2000x16xf32, #tpu.memory_space<vmem>>
    %dma_start3A_127 = tpu.memref_squeeze %dma_start3A_126 : memref<1x2000x16xf32, #tpu.memory_space<vmem>> -> memref<2000x16xf32, #tpu.memory_space<vmem>>
    %dma_start3A_128 = arith.constant 0 : i32
    %dma_start3A_129 = tpu.memref_slice %arg9[%dma_start3A_123, %dma_start3A_128] : memref<2x2000xi32, #tpu.memory_space<vmem>> -> memref<1x2000xi32, #tpu.memory_space<vmem>>
    %dma_start3A_130 = tpu.memref_squeeze %dma_start3A_129 : memref<1x2000xi32, #tpu.memory_space<vmem>> -> memref<2000xi32, #tpu.memory_space<vmem>>
    %dma_start3A_131 = arith.constant 0 : i32
    %dma_start3A_132 = arith.constant 0 : i32
    %dma_start3A_133 = tpu.memref_slice %arg14[%dma_start3A_131, %dma_start3A_132] : memref<10240x16xf32, #tpu.memory_space<vmem_shared>> -> memref<10240x16xf32, #tpu.memory_space<vmem_shared>>
    tpu.enqueue_indirect_dma source(%dma_start3A_127 : memref<2000x16xf32, #tpu.memory_space<vmem>>) target(%dma_start3A_133 : memref<10240x16xf32, #tpu.memory_space<vmem_shared>>) offsets(%dma_start3A_130 : memref<2000xi32, #tpu.memory_space<vmem>>) semaphore(%arg19 : memref<!tpu.dma_semaphore, #tpu.memory_space<semaphore_mem>>) {add = true}
    %dma_wait3A_134 = arith.constant 1 : i32
    %dma_wait3A_135 = arith.constant 1 : i32
    %dma_wait3A_136 = arith.constant 0 : i32
    %dma_wait3A_137 = arith.constant 0 : i32
    %dma_wait3A_138 = tpu.memref_slice %arg11[%dma_wait3A_134, %dma_wait3A_136, %dma_wait3A_137] : memref<2x2000x16xf32, #tpu.memory_space<vmem>> -> memref<1x2000x16xf32, #tpu.memory_space<vmem>>
    %dma_wait3A_139 = tpu.memref_squeeze %dma_wait3A_138 : memref<1x2000x16xf32, #tpu.memory_space<vmem>> -> memref<2000x16xf32, #tpu.memory_space<vmem>>
    %dma_wait3A_140 = arith.constant 0 : i32
    %dma_wait3A_141 = tpu.memref_slice %arg9[%dma_wait3A_135, %dma_wait3A_140] : memref<2x2000xi32, #tpu.memory_space<vmem>> -> memref<1x2000xi32, #tpu.memory_space<vmem>>
    %dma_wait3A_142 = tpu.memref_squeeze %dma_wait3A_141 : memref<1x2000xi32, #tpu.memory_space<vmem>> -> memref<2000xi32, #tpu.memory_space<vmem>>
    %dma_wait3A_143 = arith.constant 0 : i32
    %dma_wait3A_144 = arith.constant 0 : i32
    %dma_wait3A_145 = tpu.memref_slice %arg14[%dma_wait3A_143, %dma_wait3A_144] : memref<10240x16xf32, #tpu.memory_space<vmem_shared>> -> memref<10240x16xf32, #tpu.memory_space<vmem_shared>>
    tpu.wait_indirect_dma semaphore(%arg19 : memref<!tpu.dma_semaphore, #tpu.memory_space<semaphore_mem>>) src(%dma_wait3A_139 : memref<2000x16xf32, #tpu.memory_space<vmem>>) dst(%dma_wait3A_145 : memref<10240x16xf32, #tpu.memory_space<vmem_shared>>)
    %add3A_146 = arith.constant 6000 : i32
    %add3A_147 = arith.addi %mul3A_2, %add3A_146 : i32
    %run_scoped3A_148 = arith.constant 1 : i32
    "tpu.region"() ({
      %run_scoped3A_311 = tpu.sem_alloc : memref<!tpu.dma_semaphore, #tpu.memory_space<semaphore_mem>>
      %dma_start3A_312 = arith.constant 0 : i32
      %dma_start3A_313 = tpu.memref_slice %arg8[%run_scoped3A_148, %dma_start3A_312] : memref<2x2000xi32, #tpu.memory_space<vmem>> -> memref<1x2000xi32, #tpu.memory_space<vmem>>
      %dma_start3A_314 = tpu.memref_squeeze %dma_start3A_313 : memref<1x2000xi32, #tpu.memory_space<vmem>> -> memref<2000xi32, #tpu.memory_space<vmem>>
      %dma_start3A_315 = tpu.memref_slice %arg2[%add3A_147] : memref<320000xi32, #tpu.memory_space<hbm>> -> memref<2000xi32, #tpu.memory_space<hbm>>
      %dma_start3A_316 = arith.constant 0 : i32
      %dma_start3A_317 = tpu.memref_slice %arg8[%run_scoped3A_148, %dma_start3A_316] : memref<2x2000xi32, #tpu.memory_space<vmem>> -> memref<1x2000xi32, #tpu.memory_space<vmem>>
      %dma_start3A_318 = tpu.memref_squeeze %dma_start3A_317 : memref<1x2000xi32, #tpu.memory_space<vmem>> -> memref<2000xi32, #tpu.memory_space<vmem>>
      %dma_start3A_319 = tpu.memref_slice %arg2[%add3A_147] : memref<320000xi32, #tpu.memory_space<hbm>> -> memref<2000xi32, #tpu.memory_space<hbm>>
      tpu.enqueue_dma source(%dma_start3A_319 : memref<2000xi32, #tpu.memory_space<hbm>>) target(%dma_start3A_318 : memref<2000xi32, #tpu.memory_space<vmem>>) target_semaphore(%run_scoped3A_311 : memref<!tpu.dma_semaphore, #tpu.memory_space<semaphore_mem>>)
      %dma_wait3A_320 = arith.constant 0 : i32
      %dma_wait3A_321 = tpu.memref_slice %arg8[%run_scoped3A_148, %dma_wait3A_320] : memref<2x2000xi32, #tpu.memory_space<vmem>> -> memref<1x2000xi32, #tpu.memory_space<vmem>>
      %dma_wait3A_322 = tpu.memref_squeeze %dma_wait3A_321 : memref<1x2000xi32, #tpu.memory_space<vmem>> -> memref<2000xi32, #tpu.memory_space<vmem>>
      %dma_wait3A_323 = tpu.memref_slice %arg2[%add3A_147] : memref<320000xi32, #tpu.memory_space<hbm>> -> memref<2000xi32, #tpu.memory_space<hbm>>
      %dma_wait3A_324 = arith.constant 0 : i32
      %dma_wait3A_325 = tpu.memref_slice %arg8[%run_scoped3A_148, %dma_wait3A_324] : memref<2x2000xi32, #tpu.memory_space<vmem>> -> memref<1x2000xi32, #tpu.memory_space<vmem>>
      %dma_wait3A_326 = tpu.memref_squeeze %dma_wait3A_325 : memref<1x2000xi32, #tpu.memory_space<vmem>> -> memref<2000xi32, #tpu.memory_space<vmem>>
      %dma_wait3A_327 = tpu.memref_slice %arg2[%add3A_147] : memref<320000xi32, #tpu.memory_space<hbm>> -> memref<2000xi32, #tpu.memory_space<hbm>>
      tpu.wait_dma2 semaphore(%run_scoped3A_311 : memref<!tpu.dma_semaphore, #tpu.memory_space<semaphore_mem>>) src(%dma_wait3A_327 : memref<2000xi32, #tpu.memory_space<hbm>>) dst(%dma_wait3A_326 : memref<2000xi32, #tpu.memory_space<vmem>>)
      tpu.yield
    }) : () -> ()
    %run_scoped3A_149 = arith.constant 1 : i32
    "tpu.region"() ({
      %run_scoped3A_311 = tpu.sem_alloc : memref<!tpu.dma_semaphore, #tpu.memory_space<semaphore_mem>>
      %dma_start3A_312 = arith.constant 0 : i32
      %dma_start3A_313 = tpu.memref_slice %arg9[%run_scoped3A_149, %dma_start3A_312] : memref<2x2000xi32, #tpu.memory_space<vmem>> -> memref<1x2000xi32, #tpu.memory_space<vmem>>
      %dma_start3A_314 = tpu.memref_squeeze %dma_start3A_313 : memref<1x2000xi32, #tpu.memory_space<vmem>> -> memref<2000xi32, #tpu.memory_space<vmem>>
      %dma_start3A_315 = tpu.memref_slice %arg3[%add3A_147] : memref<320000xi32, #tpu.memory_space<hbm>> -> memref<2000xi32, #tpu.memory_space<hbm>>
      %dma_start3A_316 = arith.constant 0 : i32
      %dma_start3A_317 = tpu.memref_slice %arg9[%run_scoped3A_149, %dma_start3A_316] : memref<2x2000xi32, #tpu.memory_space<vmem>> -> memref<1x2000xi32, #tpu.memory_space<vmem>>
      %dma_start3A_318 = tpu.memref_squeeze %dma_start3A_317 : memref<1x2000xi32, #tpu.memory_space<vmem>> -> memref<2000xi32, #tpu.memory_space<vmem>>
      %dma_start3A_319 = tpu.memref_slice %arg3[%add3A_147] : memref<320000xi32, #tpu.memory_space<hbm>> -> memref<2000xi32, #tpu.memory_space<hbm>>
      tpu.enqueue_dma source(%dma_start3A_319 : memref<2000xi32, #tpu.memory_space<hbm>>) target(%dma_start3A_318 : memref<2000xi32, #tpu.memory_space<vmem>>) target_semaphore(%run_scoped3A_311 : memref<!tpu.dma_semaphore, #tpu.memory_space<semaphore_mem>>)
      %dma_wait3A_320 = arith.constant 0 : i32
      %dma_wait3A_321 = tpu.memref_slice %arg9[%run_scoped3A_149, %dma_wait3A_320] : memref<2x2000xi32, #tpu.memory_space<vmem>> -> memref<1x2000xi32, #tpu.memory_space<vmem>>
      %dma_wait3A_322 = tpu.memref_squeeze %dma_wait3A_321 : memref<1x2000xi32, #tpu.memory_space<vmem>> -> memref<2000xi32, #tpu.memory_space<vmem>>
      %dma_wait3A_323 = tpu.memref_slice %arg3[%add3A_147] : memref<320000xi32, #tpu.memory_space<hbm>> -> memref<2000xi32, #tpu.memory_space<hbm>>
      %dma_wait3A_324 = arith.constant 0 : i32
      %dma_wait3A_325 = tpu.memref_slice %arg9[%run_scoped3A_149, %dma_wait3A_324] : memref<2x2000xi32, #tpu.memory_space<vmem>> -> memref<1x2000xi32, #tpu.memory_space<vmem>>
      %dma_wait3A_326 = tpu.memref_squeeze %dma_wait3A_325 : memref<1x2000xi32, #tpu.memory_space<vmem>> -> memref<2000xi32, #tpu.memory_space<vmem>>
      %dma_wait3A_327 = tpu.memref_slice %arg3[%add3A_147] : memref<320000xi32, #tpu.memory_space<hbm>> -> memref<2000xi32, #tpu.memory_space<hbm>>
      tpu.wait_dma2 semaphore(%run_scoped3A_311 : memref<!tpu.dma_semaphore, #tpu.memory_space<semaphore_mem>>) src(%dma_wait3A_327 : memref<2000xi32, #tpu.memory_space<hbm>>) dst(%dma_wait3A_326 : memref<2000xi32, #tpu.memory_space<vmem>>)
      tpu.yield
    }) : () -> ()
    %run_scoped3A_150 = arith.constant 1 : i32
    "tpu.region"() ({
      %run_scoped3A_311 = tpu.sem_alloc : memref<!tpu.dma_semaphore, #tpu.memory_space<semaphore_mem>>
      %dma_start3A_312 = arith.constant 0 : i32
      %dma_start3A_313 = tpu.memref_slice %arg10[%run_scoped3A_150, %dma_start3A_312] : memref<2x2000xf32, #tpu.memory_space<vmem>> -> memref<1x2000xf32, #tpu.memory_space<vmem>>
      %dma_start3A_314 = tpu.memref_squeeze %dma_start3A_313 : memref<1x2000xf32, #tpu.memory_space<vmem>> -> memref<2000xf32, #tpu.memory_space<vmem>>
      %dma_start3A_315 = tpu.memref_slice %arg4[%add3A_147] : memref<320000xf32, #tpu.memory_space<hbm>> -> memref<2000xf32, #tpu.memory_space<hbm>>
      %dma_start3A_316 = arith.constant 0 : i32
      %dma_start3A_317 = tpu.memref_slice %arg10[%run_scoped3A_150, %dma_start3A_316] : memref<2x2000xf32, #tpu.memory_space<vmem>> -> memref<1x2000xf32, #tpu.memory_space<vmem>>
      %dma_start3A_318 = tpu.memref_squeeze %dma_start3A_317 : memref<1x2000xf32, #tpu.memory_space<vmem>> -> memref<2000xf32, #tpu.memory_space<vmem>>
      %dma_start3A_319 = tpu.memref_slice %arg4[%add3A_147] : memref<320000xf32, #tpu.memory_space<hbm>> -> memref<2000xf32, #tpu.memory_space<hbm>>
      tpu.enqueue_dma source(%dma_start3A_319 : memref<2000xf32, #tpu.memory_space<hbm>>) target(%dma_start3A_318 : memref<2000xf32, #tpu.memory_space<vmem>>) target_semaphore(%run_scoped3A_311 : memref<!tpu.dma_semaphore, #tpu.memory_space<semaphore_mem>>)
      %dma_wait3A_320 = arith.constant 0 : i32
      %dma_wait3A_321 = tpu.memref_slice %arg10[%run_scoped3A_150, %dma_wait3A_320] : memref<2x2000xf32, #tpu.memory_space<vmem>> -> memref<1x2000xf32, #tpu.memory_space<vmem>>
      %dma_wait3A_322 = tpu.memref_squeeze %dma_wait3A_321 : memref<1x2000xf32, #tpu.memory_space<vmem>> -> memref<2000xf32, #tpu.memory_space<vmem>>
      %dma_wait3A_323 = tpu.memref_slice %arg4[%add3A_147] : memref<320000xf32, #tpu.memory_space<hbm>> -> memref<2000xf32, #tpu.memory_space<hbm>>
      %dma_wait3A_324 = arith.constant 0 : i32
      %dma_wait3A_325 = tpu.memref_slice %arg10[%run_scoped3A_150, %dma_wait3A_324] : memref<2x2000xf32, #tpu.memory_space<vmem>> -> memref<1x2000xf32, #tpu.memory_space<vmem>>
      %dma_wait3A_326 = tpu.memref_squeeze %dma_wait3A_325 : memref<1x2000xf32, #tpu.memory_space<vmem>> -> memref<2000xf32, #tpu.memory_space<vmem>>
      %dma_wait3A_327 = tpu.memref_slice %arg4[%add3A_147] : memref<320000xf32, #tpu.memory_space<hbm>> -> memref<2000xf32, #tpu.memory_space<hbm>>
      tpu.wait_dma2 semaphore(%run_scoped3A_311 : memref<!tpu.dma_semaphore, #tpu.memory_space<semaphore_mem>>) src(%dma_wait3A_327 : memref<2000xf32, #tpu.memory_space<hbm>>) dst(%dma_wait3A_326 : memref<2000xf32, #tpu.memory_space<vmem>>)
      tpu.yield
    }) : () -> ()
    %dma_start3A_151 = arith.constant 1 : i32
    %dma_start3A_152 = arith.constant 1 : i32
    %dma_start3A_153 = arith.constant 0 : i32
    %dma_start3A_154 = arith.constant 0 : i32
    %dma_start3A_155 = tpu.memref_slice %arg11[%dma_start3A_152, %dma_start3A_153, %dma_start3A_154] : memref<2x2000x16xf32, #tpu.memory_space<vmem>> -> memref<1x2000x16xf32, #tpu.memory_space<vmem>>
    %dma_start3A_156 = tpu.memref_squeeze %dma_start3A_155 : memref<1x2000x16xf32, #tpu.memory_space<vmem>> -> memref<2000x16xf32, #tpu.memory_space<vmem>>
    %dma_start3A_157 = arith.constant 0 : i32
    %dma_start3A_158 = tpu.memref_slice %arg8[%dma_start3A_151, %dma_start3A_157] : memref<2x2000xi32, #tpu.memory_space<vmem>> -> memref<1x2000xi32, #tpu.memory_space<vmem>>
    %dma_start3A_159 = tpu.memref_squeeze %dma_start3A_158 : memref<1x2000xi32, #tpu.memory_space<vmem>> -> memref<2000xi32, #tpu.memory_space<vmem>>
    %dma_start3A_160 = arith.constant 0 : i32
    %dma_start3A_161 = arith.constant 0 : i32
    %dma_start3A_162 = tpu.memref_slice %arg15[%dma_start3A_160, %dma_start3A_161] : memref<10240x16xf32, #tpu.memory_space<vmem_shared>> -> memref<10240x16xf32, #tpu.memory_space<vmem_shared>>
    tpu.enqueue_indirect_dma source(%dma_start3A_162 : memref<10240x16xf32, #tpu.memory_space<vmem_shared>>) target(%dma_start3A_156 : memref<2000x16xf32, #tpu.memory_space<vmem>>) offsets(%dma_start3A_159 : memref<2000xi32, #tpu.memory_space<vmem>>) semaphore(%arg17 : memref<!tpu.dma_semaphore, #tpu.memory_space<semaphore_mem>>)
    %dma_wait3A_163 = arith.constant 0 : i32
    %dma_wait3A_164 = arith.constant 0 : i32
    %dma_wait3A_165 = arith.constant 0 : i32
    %dma_wait3A_166 = arith.constant 0 : i32
    %dma_wait3A_167 = tpu.memref_slice %arg11[%dma_wait3A_164, %dma_wait3A_165, %dma_wait3A_166] : memref<2x2000x16xf32, #tpu.memory_space<vmem>> -> memref<1x2000x16xf32, #tpu.memory_space<vmem>>
    %dma_wait3A_168 = tpu.memref_squeeze %dma_wait3A_167 : memref<1x2000x16xf32, #tpu.memory_space<vmem>> -> memref<2000x16xf32, #tpu.memory_space<vmem>>
    %dma_wait3A_169 = arith.constant 0 : i32
    %dma_wait3A_170 = tpu.memref_slice %arg8[%dma_wait3A_163, %dma_wait3A_169] : memref<2x2000xi32, #tpu.memory_space<vmem>> -> memref<1x2000xi32, #tpu.memory_space<vmem>>
    %dma_wait3A_171 = tpu.memref_squeeze %dma_wait3A_170 : memref<1x2000xi32, #tpu.memory_space<vmem>> -> memref<2000xi32, #tpu.memory_space<vmem>>
    %dma_wait3A_172 = arith.constant 0 : i32
    %dma_wait3A_173 = arith.constant 0 : i32
    %dma_wait3A_174 = tpu.memref_slice %arg15[%dma_wait3A_172, %dma_wait3A_173] : memref<10240x16xf32, #tpu.memory_space<vmem_shared>> -> memref<10240x16xf32, #tpu.memory_space<vmem_shared>>
    tpu.wait_indirect_dma semaphore(%arg16 : memref<!tpu.dma_semaphore, #tpu.memory_space<semaphore_mem>>) src(%dma_wait3A_174 : memref<10240x16xf32, #tpu.memory_space<vmem_shared>>) dst(%dma_wait3A_168 : memref<2000x16xf32, #tpu.memory_space<vmem>>)
    %parallel_loop3A_175 = arith.constant 0 : i32
    %parallel_loop3A_176 = arith.constant 125 : i32
    %parallel_loop3A_177 = arith.constant 1 : i32
    scf.for %parallel_loop3A_311 = %parallel_loop3A_175 to %parallel_loop3A_176 step %parallel_loop3A_177  : i32 {
      %parallel_loop3A_312 = arith.constant 16 : i32
      %parallel_loop3A_313 = arith.muli %parallel_loop3A_311, %parallel_loop3A_312 : i32
      %parallel_loop3A_314 = arith.constant 0 : i32
      %parallel_loop3A_315 = arith.index_cast %parallel_loop3A_314 : i32 to index
      %parallel_loop3A_316 = arith.index_cast %parallel_loop3A_313 : i32 to index
      %parallel_loop3A_317 = tpu.vector_load %arg8[%parallel_loop3A_315, %parallel_loop3A_316] {strides = array<i32>} : memref<2x2000xi32, #tpu.memory_space<vmem>>, vector<16xi32>,
      %parallel_loop3A_318 = tpu.vector_load_idx %arg12[%parallel_loop3A_317] : memref<10240xf32, #tpu.memory_space<vmem>>[vector<16xi32>], vector<16xf32>,
      %parallel_loop3A_319 = arith.constant 16 : i32
      %parallel_loop3A_320 = arith.muli %parallel_loop3A_311, %parallel_loop3A_319 : i32
      %parallel_loop3A_321 = arith.constant 0 : i32
      %parallel_loop3A_322 = arith.index_cast %parallel_loop3A_321 : i32 to index
      %parallel_loop3A_323 = arith.index_cast %parallel_loop3A_320 : i32 to index
      %parallel_loop3A_324 = tpu.vector_load %arg10[%parallel_loop3A_322, %parallel_loop3A_323] {strides = array<i32>} : memref<2x2000xf32, #tpu.memory_space<vmem>>, vector<16xf32>,
      %parallel_loop3A_325 = arith.mulf %parallel_loop3A_324, %parallel_loop3A_318 : vector<16xf32>
      %parallel_loop3A_326 = arith.constant 16 : i32
      %parallel_loop3A_327 = arith.muli %parallel_loop3A_311, %parallel_loop3A_326 : i32
      %parallel_loop3A_328 = arith.constant 0 : i32
      %parallel_loop3A_329 = arith.index_cast %parallel_loop3A_328 : i32 to index
      %parallel_loop3A_330 = arith.index_cast %parallel_loop3A_327 : i32 to index
      %parallel_loop3A_331 = tpu.vector_load %arg10[%parallel_loop3A_329, %parallel_loop3A_330] {strides = array<i32>} : memref<2x2000xf32, #tpu.memory_space<vmem>>, vector<16xf32>,
      tpu.vector_store %arg10[%parallel_loop3A_329, %parallel_loop3A_330], %parallel_loop3A_325 {strides = array<i32>} : memref<2x2000xf32, #tpu.memory_space<vmem>>, vector<16xf32>,
    } {sc.loop_unroll_factor = 4 : i64, sc.parallel_access}
    %parallel_loop3A_178 = arith.constant 0 : i32
    %parallel_loop3A_179 = arith.constant 125 : i32
    %parallel_loop3A_180 = arith.constant 1 : i32
    scf.for %parallel_loop3A_311 = %parallel_loop3A_178 to %parallel_loop3A_179 step %parallel_loop3A_180  : i32 {
      %parallel_loop3A_312 = arith.constant 16 : i32
      %parallel_loop3A_313 = arith.muli %parallel_loop3A_311, %parallel_loop3A_312 : i32
      %parallel_loop3A_314 = arith.constant 0 : i32
      %parallel_loop3A_315 = arith.index_cast %parallel_loop3A_314 : i32 to index
      %parallel_loop3A_316 = arith.index_cast %parallel_loop3A_313 : i32 to index
      %parallel_loop3A_317 = tpu.vector_load %arg10[%parallel_loop3A_315, %parallel_loop3A_316] {strides = array<i32>} : memref<2x2000xf32, #tpu.memory_space<vmem>>, vector<16xf32>,
      %parallel_loop3A_318 = arith.constant 16 : i32
      %parallel_loop3A_319 = arith.muli %parallel_loop3A_311, %parallel_loop3A_318 : i32
      %parallel_loop3A_320 = arith.constant 0 : i32
      %parallel_loop3A_321 = arith.addi %parallel_loop3A_319, %parallel_loop3A_320 : i32
      %parallel_loop3A_322 = arith.constant 0 : i32
      %parallel_loop3A_323 = arith.index_cast %parallel_loop3A_322 : i32 to index
      %parallel_loop3A_324 = arith.index_cast %parallel_loop3A_321 : i32 to index
      %parallel_loop3A_325 = arith.constant 0 : index
      %parallel_loop3A_326 = tpu.vector_load %arg11[%parallel_loop3A_323, %parallel_loop3A_324, %parallel_loop3A_325] {strides = array<i32>} : memref<2x2000x16xf32, #tpu.memory_space<vmem>>, vector<16xf32>,
      %parallel_loop3A_327 = vector.extract_strided_slice %parallel_loop3A_317 {offsets = [0], sizes = [1], strides = [1]} : vector<16xf32> to vector<1xf32>
      %parallel_loop3A_328 = vector.extract %parallel_loop3A_327[0] : f32 from vector<1xf32>
      %parallel_loop3A_329 = vector.broadcast %parallel_loop3A_328 : f32 to vector<16xf32>
      %parallel_loop3A_330 = arith.mulf %parallel_loop3A_326, %parallel_loop3A_329 : vector<16xf32>
      %parallel_loop3A_331 = arith.constant 0 : i32
      %parallel_loop3A_332 = arith.addi %parallel_loop3A_319, %parallel_loop3A_331 : i32
      %parallel_loop3A_333 = arith.constant 0 : i32
      %parallel_loop3A_334 = arith.index_cast %parallel_loop3A_333 : i32 to index
      %parallel_loop3A_335 = arith.index_cast %parallel_loop3A_332 : i32 to index
      %parallel_loop3A_336 = arith.constant 0 : index
      %parallel_loop3A_337 = tpu.vector_load %arg11[%parallel_loop3A_334, %parallel_loop3A_335, %parallel_loop3A_336] {strides = array<i32>} : memref<2x2000x16xf32, #tpu.memory_space<vmem>>, vector<16xf32>,
      tpu.vector_store %arg11[%parallel_loop3A_334, %parallel_loop3A_335, %parallel_loop3A_336], %parallel_loop3A_330 {strides = array<i32>} : memref<2x2000x16xf32, #tpu.memory_space<vmem>>, vector<16xf32>,
      %parallel_loop3A_338 = arith.constant 1 : i32
      %parallel_loop3A_339 = arith.addi %parallel_loop3A_319, %parallel_loop3A_338 : i32
      %parallel_loop3A_340 = arith.constant 0 : i32
      %parallel_loop3A_341 = arith.index_cast %parallel_loop3A_340 : i32 to index
      %parallel_loop3A_342 = arith.index_cast %parallel_loop3A_339 : i32 to index
      %parallel_loop3A_343 = arith.constant 0 : index
      %parallel_loop3A_344 = tpu.vector_load %arg11[%parallel_loop3A_341, %parallel_loop3A_342, %parallel_loop3A_343] {strides = array<i32>} : memref<2x2000x16xf32, #tpu.memory_space<vmem>>, vector<16xf32>,
      %parallel_loop3A_345 = vector.extract_strided_slice %parallel_loop3A_317 {offsets = [1], sizes = [1], strides = [1]} : vector<16xf32> to vector<1xf32>
      %parallel_loop3A_346 = vector.extract %parallel_loop3A_345[0] : f32 from vector<1xf32>
      %parallel_loop3A_347 = vector.broadcast %parallel_loop3A_346 : f32 to vector<16xf32>
      %parallel_loop3A_348 = arith.mulf %parallel_loop3A_344, %parallel_loop3A_347 : vector<16xf32>
      %parallel_loop3A_349 = arith.constant 1 : i32
      %parallel_loop3A_350 = arith.addi %parallel_loop3A_319, %parallel_loop3A_349 : i32
      %parallel_loop3A_351 = arith.constant 0 : i32
      %parallel_loop3A_352 = arith.index_cast %parallel_loop3A_351 : i32 to index
      %parallel_loop3A_353 = arith.index_cast %parallel_loop3A_350 : i32 to index
      %parallel_loop3A_354 = arith.constant 0 : index
      %parallel_loop3A_355 = tpu.vector_load %arg11[%parallel_loop3A_352, %parallel_loop3A_353, %parallel_loop3A_354] {strides = array<i32>} : memref<2x2000x16xf32, #tpu.memory_space<vmem>>, vector<16xf32>,
      tpu.vector_store %arg11[%parallel_loop3A_352, %parallel_loop3A_353, %parallel_loop3A_354], %parallel_loop3A_348 {strides = array<i32>} : memref<2x2000x16xf32, #tpu.memory_space<vmem>>, vector<16xf32>,
      %parallel_loop3A_356 = arith.constant 2 : i32
      %parallel_loop3A_357 = arith.addi %parallel_loop3A_319, %parallel_loop3A_356 : i32
      %parallel_loop3A_358 = arith.constant 0 : i32
      %parallel_loop3A_359 = arith.index_cast %parallel_loop3A_358 : i32 to index
      %parallel_loop3A_360 = arith.index_cast %parallel_loop3A_357 : i32 to index
      %parallel_loop3A_361 = arith.constant 0 : index
      %parallel_loop3A_362 = tpu.vector_load %arg11[%parallel_loop3A_359, %parallel_loop3A_360, %parallel_loop3A_361] {strides = array<i32>} : memref<2x2000x16xf32, #tpu.memory_space<vmem>>, vector<16xf32>,
      %parallel_loop3A_363 = vector.extract_strided_slice %parallel_loop3A_317 {offsets = [2], sizes = [1], strides = [1]} : vector<16xf32> to vector<1xf32>
      %parallel_loop3A_364 = vector.extract %parallel_loop3A_363[0] : f32 from vector<1xf32>
      %parallel_loop3A_365 = vector.broadcast %parallel_loop3A_364 : f32 to vector<16xf32>
      %parallel_loop3A_366 = arith.mulf %parallel_loop3A_362, %parallel_loop3A_365 : vector<16xf32>
      %parallel_loop3A_367 = arith.constant 2 : i32
      %parallel_loop3A_368 = arith.addi %parallel_loop3A_319, %parallel_loop3A_367 : i32
      %parallel_loop3A_369 = arith.constant 0 : i32
      %parallel_loop3A_370 = arith.index_cast %parallel_loop3A_369 : i32 to index
      %parallel_loop3A_371 = arith.index_cast %parallel_loop3A_368 : i32 to index
      %parallel_loop3A_372 = arith.constant 0 : index
      %parallel_loop3A_373 = tpu.vector_load %arg11[%parallel_loop3A_370, %parallel_loop3A_371, %parallel_loop3A_372] {strides = array<i32>} : memref<2x2000x16xf32, #tpu.memory_space<vmem>>, vector<16xf32>,
      tpu.vector_store %arg11[%parallel_loop3A_370, %parallel_loop3A_371, %parallel_loop3A_372], %parallel_loop3A_366 {strides = array<i32>} : memref<2x2000x16xf32, #tpu.memory_space<vmem>>, vector<16xf32>,
      %parallel_loop3A_374 = arith.constant 3 : i32
      %parallel_loop3A_375 = arith.addi %parallel_loop3A_319, %parallel_loop3A_374 : i32
      %parallel_loop3A_376 = arith.constant 0 : i32
      %parallel_loop3A_377 = arith.index_cast %parallel_loop3A_376 : i32 to index
      %parallel_loop3A_378 = arith.index_cast %parallel_loop3A_375 : i32 to index
      %parallel_loop3A_379 = arith.constant 0 : index
      %parallel_loop3A_380 = tpu.vector_load %arg11[%parallel_loop3A_377, %parallel_loop3A_378, %parallel_loop3A_379] {strides = array<i32>} : memref<2x2000x16xf32, #tpu.memory_space<vmem>>, vector<16xf32>,
      %parallel_loop3A_381 = vector.extract_strided_slice %parallel_loop3A_317 {offsets = [3], sizes = [1], strides = [1]} : vector<16xf32> to vector<1xf32>
      %parallel_loop3A_382 = vector.extract %parallel_loop3A_381[0] : f32 from vector<1xf32>
      %parallel_loop3A_383 = vector.broadcast %parallel_loop3A_382 : f32 to vector<16xf32>
      %parallel_loop3A_384 = arith.mulf %parallel_loop3A_380, %parallel_loop3A_383 : vector<16xf32>
      %parallel_loop3A_385 = arith.constant 3 : i32
      %parallel_loop3A_386 = arith.addi %parallel_loop3A_319, %parallel_loop3A_385 : i32
      %parallel_loop3A_387 = arith.constant 0 : i32
      %parallel_loop3A_388 = arith.index_cast %parallel_loop3A_387 : i32 to index
      %parallel_loop3A_389 = arith.index_cast %parallel_loop3A_386 : i32 to index
      %parallel_loop3A_390 = arith.constant 0 : index
      %parallel_loop3A_391 = tpu.vector_load %arg11[%parallel_loop3A_388, %parallel_loop3A_389, %parallel_loop3A_390] {strides = array<i32>} : memref<2x2000x16xf32, #tpu.memory_space<vmem>>, vector<16xf32>,
      tpu.vector_store %arg11[%parallel_loop3A_388, %parallel_loop3A_389, %parallel_loop3A_390], %parallel_loop3A_384 {strides = array<i32>} : memref<2x2000x16xf32, #tpu.memory_space<vmem>>, vector<16xf32>,
      %parallel_loop3A_392 = arith.constant 4 : i32
      %parallel_loop3A_393 = arith.addi %parallel_loop3A_319, %parallel_loop3A_392 : i32
      %parallel_loop3A_394 = arith.constant 0 : i32
      %parallel_loop3A_395 = arith.index_cast %parallel_loop3A_394 : i32 to index
      %parallel_loop3A_396 = arith.index_cast %parallel_loop3A_393 : i32 to index
      %parallel_loop3A_397 = arith.constant 0 : index
      %parallel_loop3A_398 = tpu.vector_load %arg11[%parallel_loop3A_395, %parallel_loop3A_396, %parallel_loop3A_397] {strides = array<i32>} : memref<2x2000x16xf32, #tpu.memory_space<vmem>>, vector<16xf32>,
      %parallel_loop3A_399 = vector.extract_strided_slice %parallel_loop3A_317 {offsets = [4], sizes = [1], strides = [1]} : vector<16xf32> to vector<1xf32>
      %parallel_loop3A_400 = vector.extract %parallel_loop3A_399[0] : f32 from vector<1xf32>
      %parallel_loop3A_401 = vector.broadcast %parallel_loop3A_400 : f32 to vector<16xf32>
      %parallel_loop3A_402 = arith.mulf %parallel_loop3A_398, %parallel_loop3A_401 : vector<16xf32>
      %parallel_loop3A_403 = arith.constant 4 : i32
      %parallel_loop3A_404 = arith.addi %parallel_loop3A_319, %parallel_loop3A_403 : i32
      %parallel_loop3A_405 = arith.constant 0 : i32
      %parallel_loop3A_406 = arith.index_cast %parallel_loop3A_405 : i32 to index
      %parallel_loop3A_407 = arith.index_cast %parallel_loop3A_404 : i32 to index
      %parallel_loop3A_408 = arith.constant 0 : index
      %parallel_loop3A_409 = tpu.vector_load %arg11[%parallel_loop3A_406, %parallel_loop3A_407, %parallel_loop3A_408] {strides = array<i32>} : memref<2x2000x16xf32, #tpu.memory_space<vmem>>, vector<16xf32>,
      tpu.vector_store %arg11[%parallel_loop3A_406, %parallel_loop3A_407, %parallel_loop3A_408], %parallel_loop3A_402 {strides = array<i32>} : memref<2x2000x16xf32, #tpu.memory_space<vmem>>, vector<16xf32>,
      %parallel_loop3A_410 = arith.constant 5 : i32
      %parallel_loop3A_411 = arith.addi %parallel_loop3A_319, %parallel_loop3A_410 : i32
      %parallel_loop3A_412 = arith.constant 0 : i32
      %parallel_loop3A_413 = arith.index_cast %parallel_loop3A_412 : i32 to index
      %parallel_loop3A_414 = arith.index_cast %parallel_loop3A_411 : i32 to index
      %parallel_loop3A_415 = arith.constant 0 : index
      %parallel_loop3A_416 = tpu.vector_load %arg11[%parallel_loop3A_413, %parallel_loop3A_414, %parallel_loop3A_415] {strides = array<i32>} : memref<2x2000x16xf32, #tpu.memory_space<vmem>>, vector<16xf32>,
      %parallel_loop3A_417 = vector.extract_strided_slice %parallel_loop3A_317 {offsets = [5], sizes = [1], strides = [1]} : vector<16xf32> to vector<1xf32>
      %parallel_loop3A_418 = vector.extract %parallel_loop3A_417[0] : f32 from vector<1xf32>
      %parallel_loop3A_419 = vector.broadcast %parallel_loop3A_418 : f32 to vector<16xf32>
      %parallel_loop3A_420 = arith.mulf %parallel_loop3A_416, %parallel_loop3A_419 : vector<16xf32>
      %parallel_loop3A_421 = arith.constant 5 : i32
      %parallel_loop3A_422 = arith.addi %parallel_loop3A_319, %parallel_loop3A_421 : i32
      %parallel_loop3A_423 = arith.constant 0 : i32
      %parallel_loop3A_424 = arith.index_cast %parallel_loop3A_423 : i32 to index
      %parallel_loop3A_425 = arith.index_cast %parallel_loop3A_422 : i32 to index
      %parallel_loop3A_426 = arith.constant 0 : index
      %parallel_loop3A_427 = tpu.vector_load %arg11[%parallel_loop3A_424, %parallel_loop3A_425, %parallel_loop3A_426] {strides = array<i32>} : memref<2x2000x16xf32, #tpu.memory_space<vmem>>, vector<16xf32>,
      tpu.vector_store %arg11[%parallel_loop3A_424, %parallel_loop3A_425, %parallel_loop3A_426], %parallel_loop3A_420 {strides = array<i32>} : memref<2x2000x16xf32, #tpu.memory_space<vmem>>, vector<16xf32>,
      %parallel_loop3A_428 = arith.constant 6 : i32
      %parallel_loop3A_429 = arith.addi %parallel_loop3A_319, %parallel_loop3A_428 : i32
      %parallel_loop3A_430 = arith.constant 0 : i32
      %parallel_loop3A_431 = arith.index_cast %parallel_loop3A_430 : i32 to index
      %parallel_loop3A_432 = arith.index_cast %parallel_loop3A_429 : i32 to index
      %parallel_loop3A_433 = arith.constant 0 : index
      %parallel_loop3A_434 = tpu.vector_load %arg11[%parallel_loop3A_431, %parallel_loop3A_432, %parallel_loop3A_433] {strides = array<i32>} : memref<2x2000x16xf32, #tpu.memory_space<vmem>>, vector<16xf32>,
      %parallel_loop3A_435 = vector.extract_strided_slice %parallel_loop3A_317 {offsets = [6], sizes = [1], strides = [1]} : vector<16xf32> to vector<1xf32>
      %parallel_loop3A_436 = vector.extract %parallel_loop3A_435[0] : f32 from vector<1xf32>
      %parallel_loop3A_437 = vector.broadcast %parallel_loop3A_436 : f32 to vector<16xf32>
      %parallel_loop3A_438 = arith.mulf %parallel_loop3A_434, %parallel_loop3A_437 : vector<16xf32>
      %parallel_loop3A_439 = arith.constant 6 : i32
      %parallel_loop3A_440 = arith.addi %parallel_loop3A_319, %parallel_loop3A_439 : i32
      %parallel_loop3A_441 = arith.constant 0 : i32
      %parallel_loop3A_442 = arith.index_cast %parallel_loop3A_441 : i32 to index
      %parallel_loop3A_443 = arith.index_cast %parallel_loop3A_440 : i32 to index
      %parallel_loop3A_444 = arith.constant 0 : index
      %parallel_loop3A_445 = tpu.vector_load %arg11[%parallel_loop3A_442, %parallel_loop3A_443, %parallel_loop3A_444] {strides = array<i32>} : memref<2x2000x16xf32, #tpu.memory_space<vmem>>, vector<16xf32>,
      tpu.vector_store %arg11[%parallel_loop3A_442, %parallel_loop3A_443, %parallel_loop3A_444], %parallel_loop3A_438 {strides = array<i32>} : memref<2x2000x16xf32, #tpu.memory_space<vmem>>, vector<16xf32>,
      %parallel_loop3A_446 = arith.constant 7 : i32
      %parallel_loop3A_447 = arith.addi %parallel_loop3A_319, %parallel_loop3A_446 : i32
      %parallel_loop3A_448 = arith.constant 0 : i32
      %parallel_loop3A_449 = arith.index_cast %parallel_loop3A_448 : i32 to index
      %parallel_loop3A_450 = arith.index_cast %parallel_loop3A_447 : i32 to index
      %parallel_loop3A_451 = arith.constant 0 : index
      %parallel_loop3A_452 = tpu.vector_load %arg11[%parallel_loop3A_449, %parallel_loop3A_450, %parallel_loop3A_451] {strides = array<i32>} : memref<2x2000x16xf32, #tpu.memory_space<vmem>>, vector<16xf32>,
      %parallel_loop3A_453 = vector.extract_strided_slice %parallel_loop3A_317 {offsets = [7], sizes = [1], strides = [1]} : vector<16xf32> to vector<1xf32>
      %parallel_loop3A_454 = vector.extract %parallel_loop3A_453[0] : f32 from vector<1xf32>
      %parallel_loop3A_455 = vector.broadcast %parallel_loop3A_454 : f32 to vector<16xf32>
      %parallel_loop3A_456 = arith.mulf %parallel_loop3A_452, %parallel_loop3A_455 : vector<16xf32>
      %parallel_loop3A_457 = arith.constant 7 : i32
      %parallel_loop3A_458 = arith.addi %parallel_loop3A_319, %parallel_loop3A_457 : i32
      %parallel_loop3A_459 = arith.constant 0 : i32
      %parallel_loop3A_460 = arith.index_cast %parallel_loop3A_459 : i32 to index
      %parallel_loop3A_461 = arith.index_cast %parallel_loop3A_458 : i32 to index
      %parallel_loop3A_462 = arith.constant 0 : index
      %parallel_loop3A_463 = tpu.vector_load %arg11[%parallel_loop3A_460, %parallel_loop3A_461, %parallel_loop3A_462] {strides = array<i32>} : memref<2x2000x16xf32, #tpu.memory_space<vmem>>, vector<16xf32>,
      tpu.vector_store %arg11[%parallel_loop3A_460, %parallel_loop3A_461, %parallel_loop3A_462], %parallel_loop3A_456 {strides = array<i32>} : memref<2x2000x16xf32, #tpu.memory_space<vmem>>, vector<16xf32>,
      %parallel_loop3A_464 = arith.constant 8 : i32
      %parallel_loop3A_465 = arith.addi %parallel_loop3A_319, %parallel_loop3A_464 : i32
      %parallel_loop3A_466 = arith.constant 0 : i32
      %parallel_loop3A_467 = arith.index_cast %parallel_loop3A_466 : i32 to index
      %parallel_loop3A_468 = arith.index_cast %parallel_loop3A_465 : i32 to index
      %parallel_loop3A_469 = arith.constant 0 : index
      %parallel_loop3A_470 = tpu.vector_load %arg11[%parallel_loop3A_467, %parallel_loop3A_468, %parallel_loop3A_469] {strides = array<i32>} : memref<2x2000x16xf32, #tpu.memory_space<vmem>>, vector<16xf32>,
      %parallel_loop3A_471 = vector.extract_strided_slice %parallel_loop3A_317 {offsets = [8], sizes = [1], strides = [1]} : vector<16xf32> to vector<1xf32>
      %parallel_loop3A_472 = vector.extract %parallel_loop3A_471[0] : f32 from vector<1xf32>
      %parallel_loop3A_473 = vector.broadcast %parallel_loop3A_472 : f32 to vector<16xf32>
      %parallel_loop3A_474 = arith.mulf %parallel_loop3A_470, %parallel_loop3A_473 : vector<16xf32>
      %parallel_loop3A_475 = arith.constant 8 : i32
      %parallel_loop3A_476 = arith.addi %parallel_loop3A_319, %parallel_loop3A_475 : i32
      %parallel_loop3A_477 = arith.constant 0 : i32
      %parallel_loop3A_478 = arith.index_cast %parallel_loop3A_477 : i32 to index
      %parallel_loop3A_479 = arith.index_cast %parallel_loop3A_476 : i32 to index
      %parallel_loop3A_480 = arith.constant 0 : index
      %parallel_loop3A_481 = tpu.vector_load %arg11[%parallel_loop3A_478, %parallel_loop3A_479, %parallel_loop3A_480] {strides = array<i32>} : memref<2x2000x16xf32, #tpu.memory_space<vmem>>, vector<16xf32>,
      tpu.vector_store %arg11[%parallel_loop3A_478, %parallel_loop3A_479, %parallel_loop3A_480], %parallel_loop3A_474 {strides = array<i32>} : memref<2x2000x16xf32, #tpu.memory_space<vmem>>, vector<16xf32>,
      %parallel_loop3A_482 = arith.constant 9 : i32
      %parallel_loop3A_483 = arith.addi %parallel_loop3A_319, %parallel_loop3A_482 : i32
      %parallel_loop3A_484 = arith.constant 0 : i32
      %parallel_loop3A_485 = arith.index_cast %parallel_loop3A_484 : i32 to index
      %parallel_loop3A_486 = arith.index_cast %parallel_loop3A_483 : i32 to index
      %parallel_loop3A_487 = arith.constant 0 : index
      %parallel_loop3A_488 = tpu.vector_load %arg11[%parallel_loop3A_485, %parallel_loop3A_486, %parallel_loop3A_487] {strides = array<i32>} : memref<2x2000x16xf32, #tpu.memory_space<vmem>>, vector<16xf32>,
      %parallel_loop3A_489 = vector.extract_strided_slice %parallel_loop3A_317 {offsets = [9], sizes = [1], strides = [1]} : vector<16xf32> to vector<1xf32>
      %parallel_loop3A_490 = vector.extract %parallel_loop3A_489[0] : f32 from vector<1xf32>
      %parallel_loop3A_491 = vector.broadcast %parallel_loop3A_490 : f32 to vector<16xf32>
      %parallel_loop3A_492 = arith.mulf %parallel_loop3A_488, %parallel_loop3A_491 : vector<16xf32>
      %parallel_loop3A_493 = arith.constant 9 : i32
      %parallel_loop3A_494 = arith.addi %parallel_loop3A_319, %parallel_loop3A_493 : i32
      %parallel_loop3A_495 = arith.constant 0 : i32
      %parallel_loop3A_496 = arith.index_cast %parallel_loop3A_495 : i32 to index
      %parallel_loop3A_497 = arith.index_cast %parallel_loop3A_494 : i32 to index
      %parallel_loop3A_498 = arith.constant 0 : index
      %parallel_loop3A_499 = tpu.vector_load %arg11[%parallel_loop3A_496, %parallel_loop3A_497, %parallel_loop3A_498] {strides = array<i32>} : memref<2x2000x16xf32, #tpu.memory_space<vmem>>, vector<16xf32>,
      tpu.vector_store %arg11[%parallel_loop3A_496, %parallel_loop3A_497, %parallel_loop3A_498], %parallel_loop3A_492 {strides = array<i32>} : memref<2x2000x16xf32, #tpu.memory_space<vmem>>, vector<16xf32>,
      %parallel_loop3A_500 = arith.constant 10 : i32
      %parallel_loop3A_501 = arith.addi %parallel_loop3A_319, %parallel_loop3A_500 : i32
      %parallel_loop3A_502 = arith.constant 0 : i32
      %parallel_loop3A_503 = arith.index_cast %parallel_loop3A_502 : i32 to index
      %parallel_loop3A_504 = arith.index_cast %parallel_loop3A_501 : i32 to index
      %parallel_loop3A_505 = arith.constant 0 : index
      %parallel_loop3A_506 = tpu.vector_load %arg11[%parallel_loop3A_503, %parallel_loop3A_504, %parallel_loop3A_505] {strides = array<i32>} : memref<2x2000x16xf32, #tpu.memory_space<vmem>>, vector<16xf32>,
      %parallel_loop3A_507 = vector.extract_strided_slice %parallel_loop3A_317 {offsets = [10], sizes = [1], strides = [1]} : vector<16xf32> to vector<1xf32>
      %parallel_loop3A_508 = vector.extract %parallel_loop3A_507[0] : f32 from vector<1xf32>
      %parallel_loop3A_509 = vector.broadcast %parallel_loop3A_508 : f32 to vector<16xf32>
      %parallel_loop3A_510 = arith.mulf %parallel_loop3A_506, %parallel_loop3A_509 : vector<16xf32>
      %parallel_loop3A_511 = arith.constant 10 : i32
      %parallel_loop3A_512 = arith.addi %parallel_loop3A_319, %parallel_loop3A_511 : i32
      %parallel_loop3A_513 = arith.constant 0 : i32
      %parallel_loop3A_514 = arith.index_cast %parallel_loop3A_513 : i32 to index
      %parallel_loop3A_515 = arith.index_cast %parallel_loop3A_512 : i32 to index
      %parallel_loop3A_516 = arith.constant 0 : index
      %parallel_loop3A_517 = tpu.vector_load %arg11[%parallel_loop3A_514, %parallel_loop3A_515, %parallel_loop3A_516] {strides = array<i32>} : memref<2x2000x16xf32, #tpu.memory_space<vmem>>, vector<16xf32>,
      tpu.vector_store %arg11[%parallel_loop3A_514, %parallel_loop3A_515, %parallel_loop3A_516], %parallel_loop3A_510 {strides = array<i32>} : memref<2x2000x16xf32, #tpu.memory_space<vmem>>, vector<16xf32>,
      %parallel_loop3A_518 = arith.constant 11 : i32
      %parallel_loop3A_519 = arith.addi %parallel_loop3A_319, %parallel_loop3A_518 : i32
      %parallel_loop3A_520 = arith.constant 0 : i32
      %parallel_loop3A_521 = arith.index_cast %parallel_loop3A_520 : i32 to index
      %parallel_loop3A_522 = arith.index_cast %parallel_loop3A_519 : i32 to index
      %parallel_loop3A_523 = arith.constant 0 : index
      %parallel_loop3A_524 = tpu.vector_load %arg11[%parallel_loop3A_521, %parallel_loop3A_522, %parallel_loop3A_523] {strides = array<i32>} : memref<2x2000x16xf32, #tpu.memory_space<vmem>>, vector<16xf32>,
      %parallel_loop3A_525 = vector.extract_strided_slice %parallel_loop3A_317 {offsets = [11], sizes = [1], strides = [1]} : vector<16xf32> to vector<1xf32>
      %parallel_loop3A_526 = vector.extract %parallel_loop3A_525[0] : f32 from vector<1xf32>
      %parallel_loop3A_527 = vector.broadcast %parallel_loop3A_526 : f32 to vector<16xf32>
      %parallel_loop3A_528 = arith.mulf %parallel_loop3A_524, %parallel_loop3A_527 : vector<16xf32>
      %parallel_loop3A_529 = arith.constant 11 : i32
      %parallel_loop3A_530 = arith.addi %parallel_loop3A_319, %parallel_loop3A_529 : i32
      %parallel_loop3A_531 = arith.constant 0 : i32
      %parallel_loop3A_532 = arith.index_cast %parallel_loop3A_531 : i32 to index
      %parallel_loop3A_533 = arith.index_cast %parallel_loop3A_530 : i32 to index
      %parallel_loop3A_534 = arith.constant 0 : index
      %parallel_loop3A_535 = tpu.vector_load %arg11[%parallel_loop3A_532, %parallel_loop3A_533, %parallel_loop3A_534] {strides = array<i32>} : memref<2x2000x16xf32, #tpu.memory_space<vmem>>, vector<16xf32>,
      tpu.vector_store %arg11[%parallel_loop3A_532, %parallel_loop3A_533, %parallel_loop3A_534], %parallel_loop3A_528 {strides = array<i32>} : memref<2x2000x16xf32, #tpu.memory_space<vmem>>, vector<16xf32>,
      %parallel_loop3A_536 = arith.constant 12 : i32
      %parallel_loop3A_537 = arith.addi %parallel_loop3A_319, %parallel_loop3A_536 : i32
      %parallel_loop3A_538 = arith.constant 0 : i32
      %parallel_loop3A_539 = arith.index_cast %parallel_loop3A_538 : i32 to index
      %parallel_loop3A_540 = arith.index_cast %parallel_loop3A_537 : i32 to index
      %parallel_loop3A_541 = arith.constant 0 : index
      %parallel_loop3A_542 = tpu.vector_load %arg11[%parallel_loop3A_539, %parallel_loop3A_540, %parallel_loop3A_541] {strides = array<i32>} : memref<2x2000x16xf32, #tpu.memory_space<vmem>>, vector<16xf32>,
      %parallel_loop3A_543 = vector.extract_strided_slice %parallel_loop3A_317 {offsets = [12], sizes = [1], strides = [1]} : vector<16xf32> to vector<1xf32>
      %parallel_loop3A_544 = vector.extract %parallel_loop3A_543[0] : f32 from vector<1xf32>
      %parallel_loop3A_545 = vector.broadcast %parallel_loop3A_544 : f32 to vector<16xf32>
      %parallel_loop3A_546 = arith.mulf %parallel_loop3A_542, %parallel_loop3A_545 : vector<16xf32>
      %parallel_loop3A_547 = arith.constant 12 : i32
      %parallel_loop3A_548 = arith.addi %parallel_loop3A_319, %parallel_loop3A_547 : i32
      %parallel_loop3A_549 = arith.constant 0 : i32
      %parallel_loop3A_550 = arith.index_cast %parallel_loop3A_549 : i32 to index
      %parallel_loop3A_551 = arith.index_cast %parallel_loop3A_548 : i32 to index
      %parallel_loop3A_552 = arith.constant 0 : index
      %parallel_loop3A_553 = tpu.vector_load %arg11[%parallel_loop3A_550, %parallel_loop3A_551, %parallel_loop3A_552] {strides = array<i32>} : memref<2x2000x16xf32, #tpu.memory_space<vmem>>, vector<16xf32>,
      tpu.vector_store %arg11[%parallel_loop3A_550, %parallel_loop3A_551, %parallel_loop3A_552], %parallel_loop3A_546 {strides = array<i32>} : memref<2x2000x16xf32, #tpu.memory_space<vmem>>, vector<16xf32>,
      %parallel_loop3A_554 = arith.constant 13 : i32
      %parallel_loop3A_555 = arith.addi %parallel_loop3A_319, %parallel_loop3A_554 : i32
      %parallel_loop3A_556 = arith.constant 0 : i32
      %parallel_loop3A_557 = arith.index_cast %parallel_loop3A_556 : i32 to index
      %parallel_loop3A_558 = arith.index_cast %parallel_loop3A_555 : i32 to index
      %parallel_loop3A_559 = arith.constant 0 : index
      %parallel_loop3A_560 = tpu.vector_load %arg11[%parallel_loop3A_557, %parallel_loop3A_558, %parallel_loop3A_559] {strides = array<i32>} : memref<2x2000x16xf32, #tpu.memory_space<vmem>>, vector<16xf32>,
      %parallel_loop3A_561 = vector.extract_strided_slice %parallel_loop3A_317 {offsets = [13], sizes = [1], strides = [1]} : vector<16xf32> to vector<1xf32>
      %parallel_loop3A_562 = vector.extract %parallel_loop3A_561[0] : f32 from vector<1xf32>
      %parallel_loop3A_563 = vector.broadcast %parallel_loop3A_562 : f32 to vector<16xf32>
      %parallel_loop3A_564 = arith.mulf %parallel_loop3A_560, %parallel_loop3A_563 : vector<16xf32>
      %parallel_loop3A_565 = arith.constant 13 : i32
      %parallel_loop3A_566 = arith.addi %parallel_loop3A_319, %parallel_loop3A_565 : i32
      %parallel_loop3A_567 = arith.constant 0 : i32
      %parallel_loop3A_568 = arith.index_cast %parallel_loop3A_567 : i32 to index
      %parallel_loop3A_569 = arith.index_cast %parallel_loop3A_566 : i32 to index
      %parallel_loop3A_570 = arith.constant 0 : index
      %parallel_loop3A_571 = tpu.vector_load %arg11[%parallel_loop3A_568, %parallel_loop3A_569, %parallel_loop3A_570] {strides = array<i32>} : memref<2x2000x16xf32, #tpu.memory_space<vmem>>, vector<16xf32>,
      tpu.vector_store %arg11[%parallel_loop3A_568, %parallel_loop3A_569, %parallel_loop3A_570], %parallel_loop3A_564 {strides = array<i32>} : memref<2x2000x16xf32, #tpu.memory_space<vmem>>, vector<16xf32>,
      %parallel_loop3A_572 = arith.constant 14 : i32
      %parallel_loop3A_573 = arith.addi %parallel_loop3A_319, %parallel_loop3A_572 : i32
      %parallel_loop3A_574 = arith.constant 0 : i32
      %parallel_loop3A_575 = arith.index_cast %parallel_loop3A_574 : i32 to index
      %parallel_loop3A_576 = arith.index_cast %parallel_loop3A_573 : i32 to index
      %parallel_loop3A_577 = arith.constant 0 : index
      %parallel_loop3A_578 = tpu.vector_load %arg11[%parallel_loop3A_575, %parallel_loop3A_576, %parallel_loop3A_577] {strides = array<i32>} : memref<2x2000x16xf32, #tpu.memory_space<vmem>>, vector<16xf32>,
      %parallel_loop3A_579 = vector.extract_strided_slice %parallel_loop3A_317 {offsets = [14], sizes = [1], strides = [1]} : vector<16xf32> to vector<1xf32>
      %parallel_loop3A_580 = vector.extract %parallel_loop3A_579[0] : f32 from vector<1xf32>
      %parallel_loop3A_581 = vector.broadcast %parallel_loop3A_580 : f32 to vector<16xf32>
      %parallel_loop3A_582 = arith.mulf %parallel_loop3A_578, %parallel_loop3A_581 : vector<16xf32>
      %parallel_loop3A_583 = arith.constant 14 : i32
      %parallel_loop3A_584 = arith.addi %parallel_loop3A_319, %parallel_loop3A_583 : i32
      %parallel_loop3A_585 = arith.constant 0 : i32
      %parallel_loop3A_586 = arith.index_cast %parallel_loop3A_585 : i32 to index
      %parallel_loop3A_587 = arith.index_cast %parallel_loop3A_584 : i32 to index
      %parallel_loop3A_588 = arith.constant 0 : index
      %parallel_loop3A_589 = tpu.vector_load %arg11[%parallel_loop3A_586, %parallel_loop3A_587, %parallel_loop3A_588] {strides = array<i32>} : memref<2x2000x16xf32, #tpu.memory_space<vmem>>, vector<16xf32>,
      tpu.vector_store %arg11[%parallel_loop3A_586, %parallel_loop3A_587, %parallel_loop3A_588], %parallel_loop3A_582 {strides = array<i32>} : memref<2x2000x16xf32, #tpu.memory_space<vmem>>, vector<16xf32>,
      %parallel_loop3A_590 = arith.constant 15 : i32
      %parallel_loop3A_591 = arith.addi %parallel_loop3A_319, %parallel_loop3A_590 : i32
      %parallel_loop3A_592 = arith.constant 0 : i32
      %parallel_loop3A_593 = arith.index_cast %parallel_loop3A_592 : i32 to index
      %parallel_loop3A_594 = arith.index_cast %parallel_loop3A_591 : i32 to index
      %parallel_loop3A_595 = arith.constant 0 : index
      %parallel_loop3A_596 = tpu.vector_load %arg11[%parallel_loop3A_593, %parallel_loop3A_594, %parallel_loop3A_595] {strides = array<i32>} : memref<2x2000x16xf32, #tpu.memory_space<vmem>>, vector<16xf32>,
      %parallel_loop3A_597 = vector.extract_strided_slice %parallel_loop3A_317 {offsets = [15], sizes = [1], strides = [1]} : vector<16xf32> to vector<1xf32>
      %parallel_loop3A_598 = vector.extract %parallel_loop3A_597[0] : f32 from vector<1xf32>
      %parallel_loop3A_599 = vector.broadcast %parallel_loop3A_598 : f32 to vector<16xf32>
      %parallel_loop3A_600 = arith.mulf %parallel_loop3A_596, %parallel_loop3A_599 : vector<16xf32>
      %parallel_loop3A_601 = arith.constant 15 : i32
      %parallel_loop3A_602 = arith.addi %parallel_loop3A_319, %parallel_loop3A_601 : i32
      %parallel_loop3A_603 = arith.constant 0 : i32
      %parallel_loop3A_604 = arith.index_cast %parallel_loop3A_603 : i32 to index
      %parallel_loop3A_605 = arith.index_cast %parallel_loop3A_602 : i32 to index
      %parallel_loop3A_606 = arith.constant 0 : index
      %parallel_loop3A_607 = tpu.vector_load %arg11[%parallel_loop3A_604, %parallel_loop3A_605, %parallel_loop3A_606] {strides = array<i32>} : memref<2x2000x16xf32, #tpu.memory_space<vmem>>, vector<16xf32>,
      tpu.vector_store %arg11[%parallel_loop3A_604, %parallel_loop3A_605, %parallel_loop3A_606], %parallel_loop3A_600 {strides = array<i32>} : memref<2x2000x16xf32, #tpu.memory_space<vmem>>, vector<16xf32>,
    } {sc.loop_unroll_factor = 2 : i64, sc.parallel_access}
    %dma_start3A_181 = arith.constant 0 : i32
    %dma_start3A_182 = arith.constant 0 : i32
    %dma_start3A_183 = arith.constant 0 : i32
    %dma_start3A_184 = arith.constant 0 : i32
    %dma_start3A_185 = tpu.memref_slice %arg11[%dma_start3A_181, %dma_start3A_183, %dma_start3A_184] : memref<2x2000x16xf32, #tpu.memory_space<vmem>> -> memref<1x2000x16xf32, #tpu.memory_space<vmem>>
    %dma_start3A_186 = tpu.memref_squeeze %dma_start3A_185 : memref<1x2000x16xf32, #tpu.memory_space<vmem>> -> memref<2000x16xf32, #tpu.memory_space<vmem>>
    %dma_start3A_187 = arith.constant 0 : i32
    %dma_start3A_188 = tpu.memref_slice %arg9[%dma_start3A_182, %dma_start3A_187] : memref<2x2000xi32, #tpu.memory_space<vmem>> -> memref<1x2000xi32, #tpu.memory_space<vmem>>
    %dma_start3A_189 = tpu.memref_squeeze %dma_start3A_188 : memref<1x2000xi32, #tpu.memory_space<vmem>> -> memref<2000xi32, #tpu.memory_space<vmem>>
    %dma_start3A_190 = arith.constant 0 : i32
    %dma_start3A_191 = arith.constant 0 : i32
    %dma_start3A_192 = tpu.memref_slice %arg14[%dma_start3A_190, %dma_start3A_191] : memref<10240x16xf32, #tpu.memory_space<vmem_shared>> -> memref<10240x16xf32, #tpu.memory_space<vmem_shared>>
    tpu.enqueue_indirect_dma source(%dma_start3A_186 : memref<2000x16xf32, #tpu.memory_space<vmem>>) target(%dma_start3A_192 : memref<10240x16xf32, #tpu.memory_space<vmem_shared>>) offsets(%dma_start3A_189 : memref<2000xi32, #tpu.memory_space<vmem>>) semaphore(%arg18 : memref<!tpu.dma_semaphore, #tpu.memory_space<semaphore_mem>>) {add = true}
    %dma_wait3A_193 = arith.constant 0 : i32
    %dma_wait3A_194 = arith.constant 0 : i32
    %dma_wait3A_195 = arith.constant 0 : i32
    %dma_wait3A_196 = arith.constant 0 : i32
    %dma_wait3A_197 = tpu.memref_slice %arg11[%dma_wait3A_193, %dma_wait3A_195, %dma_wait3A_196] : memref<2x2000x16xf32, #tpu.memory_space<vmem>> -> memref<1x2000x16xf32, #tpu.memory_space<vmem>>
    %dma_wait3A_198 = tpu.memref_squeeze %dma_wait3A_197 : memref<1x2000x16xf32, #tpu.memory_space<vmem>> -> memref<2000x16xf32, #tpu.memory_space<vmem>>
    %dma_wait3A_199 = arith.constant 0 : i32
    %dma_wait3A_200 = tpu.memref_slice %arg9[%dma_wait3A_194, %dma_wait3A_199] : memref<2x2000xi32, #tpu.memory_space<vmem>> -> memref<1x2000xi32, #tpu.memory_space<vmem>>
    %dma_wait3A_201 = tpu.memref_squeeze %dma_wait3A_200 : memref<1x2000xi32, #tpu.memory_space<vmem>> -> memref<2000xi32, #tpu.memory_space<vmem>>
    %dma_wait3A_202 = arith.constant 0 : i32
    %dma_wait3A_203 = arith.constant 0 : i32
    %dma_wait3A_204 = tpu.memref_slice %arg14[%dma_wait3A_202, %dma_wait3A_203] : memref<10240x16xf32, #tpu.memory_space<vmem_shared>> -> memref<10240x16xf32, #tpu.memory_space<vmem_shared>>
    tpu.wait_indirect_dma semaphore(%arg18 : memref<!tpu.dma_semaphore, #tpu.memory_space<semaphore_mem>>) src(%dma_wait3A_198 : memref<2000x16xf32, #tpu.memory_space<vmem>>) dst(%dma_wait3A_204 : memref<10240x16xf32, #tpu.memory_space<vmem_shared>>)
    %add3A_205 = arith.constant 8000 : i32
    %add3A_206 = arith.addi %mul3A_2, %add3A_205 : i32
    %run_scoped3A_207 = arith.constant 0 : i32
    "tpu.region"() ({
      %run_scoped3A_311 = tpu.sem_alloc : memref<!tpu.dma_semaphore, #tpu.memory_space<semaphore_mem>>
      %dma_start3A_312 = arith.constant 0 : i32
      %dma_start3A_313 = tpu.memref_slice %arg8[%run_scoped3A_207, %dma_start3A_312] : memref<2x2000xi32, #tpu.memory_space<vmem>> -> memref<1x2000xi32, #tpu.memory_space<vmem>>
      %dma_start3A_314 = tpu.memref_squeeze %dma_start3A_313 : memref<1x2000xi32, #tpu.memory_space<vmem>> -> memref<2000xi32, #tpu.memory_space<vmem>>
      %dma_start3A_315 = tpu.memref_slice %arg2[%add3A_206] : memref<320000xi32, #tpu.memory_space<hbm>> -> memref<2000xi32, #tpu.memory_space<hbm>>
      %dma_start3A_316 = arith.constant 0 : i32
      %dma_start3A_317 = tpu.memref_slice %arg8[%run_scoped3A_207, %dma_start3A_316] : memref<2x2000xi32, #tpu.memory_space<vmem>> -> memref<1x2000xi32, #tpu.memory_space<vmem>>
      %dma_start3A_318 = tpu.memref_squeeze %dma_start3A_317 : memref<1x2000xi32, #tpu.memory_space<vmem>> -> memref<2000xi32, #tpu.memory_space<vmem>>
      %dma_start3A_319 = tpu.memref_slice %arg2[%add3A_206] : memref<320000xi32, #tpu.memory_space<hbm>> -> memref<2000xi32, #tpu.memory_space<hbm>>
      tpu.enqueue_dma source(%dma_start3A_319 : memref<2000xi32, #tpu.memory_space<hbm>>) target(%dma_start3A_318 : memref<2000xi32, #tpu.memory_space<vmem>>) target_semaphore(%run_scoped3A_311 : memref<!tpu.dma_semaphore, #tpu.memory_space<semaphore_mem>>)
      %dma_wait3A_320 = arith.constant 0 : i32
      %dma_wait3A_321 = tpu.memref_slice %arg8[%run_scoped3A_207, %dma_wait3A_320] : memref<2x2000xi32, #tpu.memory_space<vmem>> -> memref<1x2000xi32, #tpu.memory_space<vmem>>
      %dma_wait3A_322 = tpu.memref_squeeze %dma_wait3A_321 : memref<1x2000xi32, #tpu.memory_space<vmem>> -> memref<2000xi32, #tpu.memory_space<vmem>>
      %dma_wait3A_323 = tpu.memref_slice %arg2[%add3A_206] : memref<320000xi32, #tpu.memory_space<hbm>> -> memref<2000xi32, #tpu.memory_space<hbm>>
      %dma_wait3A_324 = arith.constant 0 : i32
      %dma_wait3A_325 = tpu.memref_slice %arg8[%run_scoped3A_207, %dma_wait3A_324] : memref<2x2000xi32, #tpu.memory_space<vmem>> -> memref<1x2000xi32, #tpu.memory_space<vmem>>
      %dma_wait3A_326 = tpu.memref_squeeze %dma_wait3A_325 : memref<1x2000xi32, #tpu.memory_space<vmem>> -> memref<2000xi32, #tpu.memory_space<vmem>>
      %dma_wait3A_327 = tpu.memref_slice %arg2[%add3A_206] : memref<320000xi32, #tpu.memory_space<hbm>> -> memref<2000xi32, #tpu.memory_space<hbm>>
      tpu.wait_dma2 semaphore(%run_scoped3A_311 : memref<!tpu.dma_semaphore, #tpu.memory_space<semaphore_mem>>) src(%dma_wait3A_327 : memref<2000xi32, #tpu.memory_space<hbm>>) dst(%dma_wait3A_326 : memref<2000xi32, #tpu.memory_space<vmem>>)
      tpu.yield
    }) : () -> ()
    %run_scoped3A_208 = arith.constant 0 : i32
    "tpu.region"() ({
      %run_scoped3A_311 = tpu.sem_alloc : memref<!tpu.dma_semaphore, #tpu.memory_space<semaphore_mem>>
      %dma_start3A_312 = arith.constant 0 : i32
      %dma_start3A_313 = tpu.memref_slice %arg9[%run_scoped3A_208, %dma_start3A_312] : memref<2x2000xi32, #tpu.memory_space<vmem>> -> memref<1x2000xi32, #tpu.memory_space<vmem>>
      %dma_start3A_314 = tpu.memref_squeeze %dma_start3A_313 : memref<1x2000xi32, #tpu.memory_space<vmem>> -> memref<2000xi32, #tpu.memory_space<vmem>>
      %dma_start3A_315 = tpu.memref_slice %arg3[%add3A_206] : memref<320000xi32, #tpu.memory_space<hbm>> -> memref<2000xi32, #tpu.memory_space<hbm>>
      %dma_start3A_316 = arith.constant 0 : i32
      %dma_start3A_317 = tpu.memref_slice %arg9[%run_scoped3A_208, %dma_start3A_316] : memref<2x2000xi32, #tpu.memory_space<vmem>> -> memref<1x2000xi32, #tpu.memory_space<vmem>>
      %dma_start3A_318 = tpu.memref_squeeze %dma_start3A_317 : memref<1x2000xi32, #tpu.memory_space<vmem>> -> memref<2000xi32, #tpu.memory_space<vmem>>
      %dma_start3A_319 = tpu.memref_slice %arg3[%add3A_206] : memref<320000xi32, #tpu.memory_space<hbm>> -> memref<2000xi32, #tpu.memory_space<hbm>>
      tpu.enqueue_dma source(%dma_start3A_319 : memref<2000xi32, #tpu.memory_space<hbm>>) target(%dma_start3A_318 : memref<2000xi32, #tpu.memory_space<vmem>>) target_semaphore(%run_scoped3A_311 : memref<!tpu.dma_semaphore, #tpu.memory_space<semaphore_mem>>)
      %dma_wait3A_320 = arith.constant 0 : i32
      %dma_wait3A_321 = tpu.memref_slice %arg9[%run_scoped3A_208, %dma_wait3A_320] : memref<2x2000xi32, #tpu.memory_space<vmem>> -> memref<1x2000xi32, #tpu.memory_space<vmem>>
      %dma_wait3A_322 = tpu.memref_squeeze %dma_wait3A_321 : memref<1x2000xi32, #tpu.memory_space<vmem>> -> memref<2000xi32, #tpu.memory_space<vmem>>
      %dma_wait3A_323 = tpu.memref_slice %arg3[%add3A_206] : memref<320000xi32, #tpu.memory_space<hbm>> -> memref<2000xi32, #tpu.memory_space<hbm>>
      %dma_wait3A_324 = arith.constant 0 : i32
      %dma_wait3A_325 = tpu.memref_slice %arg9[%run_scoped3A_208, %dma_wait3A_324] : memref<2x2000xi32, #tpu.memory_space<vmem>> -> memref<1x2000xi32, #tpu.memory_space<vmem>>
      %dma_wait3A_326 = tpu.memref_squeeze %dma_wait3A_325 : memref<1x2000xi32, #tpu.memory_space<vmem>> -> memref<2000xi32, #tpu.memory_space<vmem>>
      %dma_wait3A_327 = tpu.memref_slice %arg3[%add3A_206] : memref<320000xi32, #tpu.memory_space<hbm>> -> memref<2000xi32, #tpu.memory_space<hbm>>
      tpu.wait_dma2 semaphore(%run_scoped3A_311 : memref<!tpu.dma_semaphore, #tpu.memory_space<semaphore_mem>>) src(%dma_wait3A_327 : memref<2000xi32, #tpu.memory_space<hbm>>) dst(%dma_wait3A_326 : memref<2000xi32, #tpu.memory_space<vmem>>)
      tpu.yield
    }) : () -> ()
    %run_scoped3A_209 = arith.constant 0 : i32
    "tpu.region"() ({
      %run_scoped3A_311 = tpu.sem_alloc : memref<!tpu.dma_semaphore, #tpu.memory_space<semaphore_mem>>
      %dma_start3A_312 = arith.constant 0 : i32
      %dma_start3A_313 = tpu.memref_slice %arg10[%run_scoped3A_209, %dma_start3A_312] : memref<2x2000xf32, #tpu.memory_space<vmem>> -> memref<1x2000xf32, #tpu.memory_space<vmem>>
      %dma_start3A_314 = tpu.memref_squeeze %dma_start3A_313 : memref<1x2000xf32, #tpu.memory_space<vmem>> -> memref<2000xf32, #tpu.memory_space<vmem>>
      %dma_start3A_315 = tpu.memref_slice %arg4[%add3A_206] : memref<320000xf32, #tpu.memory_space<hbm>> -> memref<2000xf32, #tpu.memory_space<hbm>>
      %dma_start3A_316 = arith.constant 0 : i32
      %dma_start3A_317 = tpu.memref_slice %arg10[%run_scoped3A_209, %dma_start3A_316] : memref<2x2000xf32, #tpu.memory_space<vmem>> -> memref<1x2000xf32, #tpu.memory_space<vmem>>
      %dma_start3A_318 = tpu.memref_squeeze %dma_start3A_317 : memref<1x2000xf32, #tpu.memory_space<vmem>> -> memref<2000xf32, #tpu.memory_space<vmem>>
      %dma_start3A_319 = tpu.memref_slice %arg4[%add3A_206] : memref<320000xf32, #tpu.memory_space<hbm>> -> memref<2000xf32, #tpu.memory_space<hbm>>
      tpu.enqueue_dma source(%dma_start3A_319 : memref<2000xf32, #tpu.memory_space<hbm>>) target(%dma_start3A_318 : memref<2000xf32, #tpu.memory_space<vmem>>) target_semaphore(%run_scoped3A_311 : memref<!tpu.dma_semaphore, #tpu.memory_space<semaphore_mem>>)
      %dma_wait3A_320 = arith.constant 0 : i32
      %dma_wait3A_321 = tpu.memref_slice %arg10[%run_scoped3A_209, %dma_wait3A_320] : memref<2x2000xf32, #tpu.memory_space<vmem>> -> memref<1x2000xf32, #tpu.memory_space<vmem>>
      %dma_wait3A_322 = tpu.memref_squeeze %dma_wait3A_321 : memref<1x2000xf32, #tpu.memory_space<vmem>> -> memref<2000xf32, #tpu.memory_space<vmem>>
      %dma_wait3A_323 = tpu.memref_slice %arg4[%add3A_206] : memref<320000xf32, #tpu.memory_space<hbm>> -> memref<2000xf32, #tpu.memory_space<hbm>>
      %dma_wait3A_324 = arith.constant 0 : i32
      %dma_wait3A_325 = tpu.memref_slice %arg10[%run_scoped3A_209, %dma_wait3A_324] : memref<2x2000xf32, #tpu.memory_space<vmem>> -> memref<1x2000xf32, #tpu.memory_space<vmem>>
      %dma_wait3A_326 = tpu.memref_squeeze %dma_wait3A_325 : memref<1x2000xf32, #tpu.memory_space<vmem>> -> memref<2000xf32, #tpu.memory_space<vmem>>
      %dma_wait3A_327 = tpu.memref_slice %arg4[%add3A_206] : memref<320000xf32, #tpu.memory_space<hbm>> -> memref<2000xf32, #tpu.memory_space<hbm>>
      tpu.wait_dma2 semaphore(%run_scoped3A_311 : memref<!tpu.dma_semaphore, #tpu.memory_space<semaphore_mem>>) src(%dma_wait3A_327 : memref<2000xf32, #tpu.memory_space<hbm>>) dst(%dma_wait3A_326 : memref<2000xf32, #tpu.memory_space<vmem>>)
      tpu.yield
    }) : () -> ()
    %dma_start3A_210 = arith.constant 0 : i32
    %dma_start3A_211 = arith.constant 0 : i32
    %dma_start3A_212 = arith.constant 0 : i32
    %dma_start3A_213 = arith.constant 0 : i32
    %dma_start3A_214 = tpu.memref_slice %arg11[%dma_start3A_211, %dma_start3A_212, %dma_start3A_213] : memref<2x2000x16xf32, #tpu.memory_space<vmem>> -> memref<1x2000x16xf32, #tpu.memory_space<vmem>>
    %dma_start3A_215 = tpu.memref_squeeze %dma_start3A_214 : memref<1x2000x16xf32, #tpu.memory_space<vmem>> -> memref<2000x16xf32, #tpu.memory_space<vmem>>
    %dma_start3A_216 = arith.constant 0 : i32
    %dma_start3A_217 = tpu.memref_slice %arg8[%dma_start3A_210, %dma_start3A_216] : memref<2x2000xi32, #tpu.memory_space<vmem>> -> memref<1x2000xi32, #tpu.memory_space<vmem>>
    %dma_start3A_218 = tpu.memref_squeeze %dma_start3A_217 : memref<1x2000xi32, #tpu.memory_space<vmem>> -> memref<2000xi32, #tpu.memory_space<vmem>>
    %dma_start3A_219 = arith.constant 0 : i32
    %dma_start3A_220 = arith.constant 0 : i32
    %dma_start3A_221 = tpu.memref_slice %arg15[%dma_start3A_219, %dma_start3A_220] : memref<10240x16xf32, #tpu.memory_space<vmem_shared>> -> memref<10240x16xf32, #tpu.memory_space<vmem_shared>>
    tpu.enqueue_indirect_dma source(%dma_start3A_221 : memref<10240x16xf32, #tpu.memory_space<vmem_shared>>) target(%dma_start3A_215 : memref<2000x16xf32, #tpu.memory_space<vmem>>) offsets(%dma_start3A_218 : memref<2000xi32, #tpu.memory_space<vmem>>) semaphore(%arg16 : memref<!tpu.dma_semaphore, #tpu.memory_space<semaphore_mem>>)
    %dma_wait3A_222 = arith.constant 1 : i32
    %dma_wait3A_223 = arith.constant 1 : i32
    %dma_wait3A_224 = arith.constant 0 : i32
    %dma_wait3A_225 = arith.constant 0 : i32
    %dma_wait3A_226 = tpu.memref_slice %arg11[%dma_wait3A_223, %dma_wait3A_224, %dma_wait3A_225] : memref<2x2000x16xf32, #tpu.memory_space<vmem>> -> memref<1x2000x16xf32, #tpu.memory_space<vmem>>
    %dma_wait3A_227 = tpu.memref_squeeze %dma_wait3A_226 : memref<1x2000x16xf32, #tpu.memory_space<vmem>> -> memref<2000x16xf32, #tpu.memory_space<vmem>>
    %dma_wait3A_228 = arith.constant 0 : i32
    %dma_wait3A_229 = tpu.memref_slice %arg8[%dma_wait3A_222, %dma_wait3A_228] : memref<2x2000xi32, #tpu.memory_space<vmem>> -> memref<1x2000xi32, #tpu.memory_space<vmem>>
    %dma_wait3A_230 = tpu.memref_squeeze %dma_wait3A_229 : memref<1x2000xi32, #tpu.memory_space<vmem>> -> memref<2000xi32, #tpu.memory_space<vmem>>
    %dma_wait3A_231 = arith.constant 0 : i32
    %dma_wait3A_232 = arith.constant 0 : i32
    %dma_wait3A_233 = tpu.memref_slice %arg15[%dma_wait3A_231, %dma_wait3A_232] : memref<10240x16xf32, #tpu.memory_space<vmem_shared>> -> memref<10240x16xf32, #tpu.memory_space<vmem_shared>>
    tpu.wait_indirect_dma semaphore(%arg17 : memref<!tpu.dma_semaphore, #tpu.memory_space<semaphore_mem>>) src(%dma_wait3A_233 : memref<10240x16xf32, #tpu.memory_space<vmem_shared>>) dst(%dma_wait3A_227 : memref<2000x16xf32, #tpu.memory_space<vmem>>)
    %parallel_loop3A_234 = arith.constant 0 : i32
    %parallel_loop3A_235 = arith.constant 125 : i32
    %parallel_loop3A_236 = arith.constant 1 : i32
    scf.for %parallel_loop3A_311 = %parallel_loop3A_234 to %parallel_loop3A_235 step %parallel_loop3A_236  : i32 {
      %parallel_loop3A_312 = arith.constant 16 : i32
      %parallel_loop3A_313 = arith.muli %parallel_loop3A_311, %parallel_loop3A_312 : i32
      %parallel_loop3A_314 = arith.constant 1 : i32
      %parallel_loop3A_315 = arith.index_cast %parallel_loop3A_314 : i32 to index
      %parallel_loop3A_316 = arith.index_cast %parallel_loop3A_313 : i32 to index
      %parallel_loop3A_317 = tpu.vector_load %arg8[%parallel_loop3A_315, %parallel_loop3A_316] {strides = array<i32>} : memref<2x2000xi32, #tpu.memory_space<vmem>>, vector<16xi32>,
      %parallel_loop3A_318 = tpu.vector_load_idx %arg12[%parallel_loop3A_317] : memref<10240xf32, #tpu.memory_space<vmem>>[vector<16xi32>], vector<16xf32>,
      %parallel_loop3A_319 = arith.constant 16 : i32
      %parallel_loop3A_320 = arith.muli %parallel_loop3A_311, %parallel_loop3A_319 : i32
      %parallel_loop3A_321 = arith.constant 1 : i32
      %parallel_loop3A_322 = arith.index_cast %parallel_loop3A_321 : i32 to index
      %parallel_loop3A_323 = arith.index_cast %parallel_loop3A_320 : i32 to index
      %parallel_loop3A_324 = tpu.vector_load %arg10[%parallel_loop3A_322, %parallel_loop3A_323] {strides = array<i32>} : memref<2x2000xf32, #tpu.memory_space<vmem>>, vector<16xf32>,
      %parallel_loop3A_325 = arith.mulf %parallel_loop3A_324, %parallel_loop3A_318 : vector<16xf32>
      %parallel_loop3A_326 = arith.constant 16 : i32
      %parallel_loop3A_327 = arith.muli %parallel_loop3A_311, %parallel_loop3A_326 : i32
      %parallel_loop3A_328 = arith.constant 1 : i32
      %parallel_loop3A_329 = arith.index_cast %parallel_loop3A_328 : i32 to index
      %parallel_loop3A_330 = arith.index_cast %parallel_loop3A_327 : i32 to index
      %parallel_loop3A_331 = tpu.vector_load %arg10[%parallel_loop3A_329, %parallel_loop3A_330] {strides = array<i32>} : memref<2x2000xf32, #tpu.memory_space<vmem>>, vector<16xf32>,
      tpu.vector_store %arg10[%parallel_loop3A_329, %parallel_loop3A_330], %parallel_loop3A_325 {strides = array<i32>} : memref<2x2000xf32, #tpu.memory_space<vmem>>, vector<16xf32>,
    } {sc.loop_unroll_factor = 4 : i64, sc.parallel_access}
    %parallel_loop3A_237 = arith.constant 0 : i32
    %parallel_loop3A_238 = arith.constant 125 : i32
    %parallel_loop3A_239 = arith.constant 1 : i32
    scf.for %parallel_loop3A_311 = %parallel_loop3A_237 to %parallel_loop3A_238 step %parallel_loop3A_239  : i32 {
      %parallel_loop3A_312 = arith.constant 16 : i32
      %parallel_loop3A_313 = arith.muli %parallel_loop3A_311, %parallel_loop3A_312 : i32
      %parallel_loop3A_314 = arith.constant 1 : i32
      %parallel_loop3A_315 = arith.index_cast %parallel_loop3A_314 : i32 to index
      %parallel_loop3A_316 = arith.index_cast %parallel_loop3A_313 : i32 to index
      %parallel_loop3A_317 = tpu.vector_load %arg10[%parallel_loop3A_315, %parallel_loop3A_316] {strides = array<i32>} : memref<2x2000xf32, #tpu.memory_space<vmem>>, vector<16xf32>,
      %parallel_loop3A_318 = arith.constant 16 : i32
      %parallel_loop3A_319 = arith.muli %parallel_loop3A_311, %parallel_loop3A_318 : i32
      %parallel_loop3A_320 = arith.constant 0 : i32
      %parallel_loop3A_321 = arith.addi %parallel_loop3A_319, %parallel_loop3A_320 : i32
      %parallel_loop3A_322 = arith.constant 1 : i32
      %parallel_loop3A_323 = arith.index_cast %parallel_loop3A_322 : i32 to index
      %parallel_loop3A_324 = arith.index_cast %parallel_loop3A_321 : i32 to index
      %parallel_loop3A_325 = arith.constant 0 : index
      %parallel_loop3A_326 = tpu.vector_load %arg11[%parallel_loop3A_323, %parallel_loop3A_324, %parallel_loop3A_325] {strides = array<i32>} : memref<2x2000x16xf32, #tpu.memory_space<vmem>>, vector<16xf32>,
      %parallel_loop3A_327 = vector.extract_strided_slice %parallel_loop3A_317 {offsets = [0], sizes = [1], strides = [1]} : vector<16xf32> to vector<1xf32>
      %parallel_loop3A_328 = vector.extract %parallel_loop3A_327[0] : f32 from vector<1xf32>
      %parallel_loop3A_329 = vector.broadcast %parallel_loop3A_328 : f32 to vector<16xf32>
      %parallel_loop3A_330 = arith.mulf %parallel_loop3A_326, %parallel_loop3A_329 : vector<16xf32>
      %parallel_loop3A_331 = arith.constant 0 : i32
      %parallel_loop3A_332 = arith.addi %parallel_loop3A_319, %parallel_loop3A_331 : i32
      %parallel_loop3A_333 = arith.constant 1 : i32
      %parallel_loop3A_334 = arith.index_cast %parallel_loop3A_333 : i32 to index
      %parallel_loop3A_335 = arith.index_cast %parallel_loop3A_332 : i32 to index
      %parallel_loop3A_336 = arith.constant 0 : index
      %parallel_loop3A_337 = tpu.vector_load %arg11[%parallel_loop3A_334, %parallel_loop3A_335, %parallel_loop3A_336] {strides = array<i32>} : memref<2x2000x16xf32, #tpu.memory_space<vmem>>, vector<16xf32>,
      tpu.vector_store %arg11[%parallel_loop3A_334, %parallel_loop3A_335, %parallel_loop3A_336], %parallel_loop3A_330 {strides = array<i32>} : memref<2x2000x16xf32, #tpu.memory_space<vmem>>, vector<16xf32>,
      %parallel_loop3A_338 = arith.constant 1 : i32
      %parallel_loop3A_339 = arith.addi %parallel_loop3A_319, %parallel_loop3A_338 : i32
      %parallel_loop3A_340 = arith.constant 1 : i32
      %parallel_loop3A_341 = arith.index_cast %parallel_loop3A_340 : i32 to index
      %parallel_loop3A_342 = arith.index_cast %parallel_loop3A_339 : i32 to index
      %parallel_loop3A_343 = arith.constant 0 : index
      %parallel_loop3A_344 = tpu.vector_load %arg11[%parallel_loop3A_341, %parallel_loop3A_342, %parallel_loop3A_343] {strides = array<i32>} : memref<2x2000x16xf32, #tpu.memory_space<vmem>>, vector<16xf32>,
      %parallel_loop3A_345 = vector.extract_strided_slice %parallel_loop3A_317 {offsets = [1], sizes = [1], strides = [1]} : vector<16xf32> to vector<1xf32>
      %parallel_loop3A_346 = vector.extract %parallel_loop3A_345[0] : f32 from vector<1xf32>
      %parallel_loop3A_347 = vector.broadcast %parallel_loop3A_346 : f32 to vector<16xf32>
      %parallel_loop3A_348 = arith.mulf %parallel_loop3A_344, %parallel_loop3A_347 : vector<16xf32>
      %parallel_loop3A_349 = arith.constant 1 : i32
      %parallel_loop3A_350 = arith.addi %parallel_loop3A_319, %parallel_loop3A_349 : i32
      %parallel_loop3A_351 = arith.constant 1 : i32
      %parallel_loop3A_352 = arith.index_cast %parallel_loop3A_351 : i32 to index
      %parallel_loop3A_353 = arith.index_cast %parallel_loop3A_350 : i32 to index
      %parallel_loop3A_354 = arith.constant 0 : index
      %parallel_loop3A_355 = tpu.vector_load %arg11[%parallel_loop3A_352, %parallel_loop3A_353, %parallel_loop3A_354] {strides = array<i32>} : memref<2x2000x16xf32, #tpu.memory_space<vmem>>, vector<16xf32>,
      tpu.vector_store %arg11[%parallel_loop3A_352, %parallel_loop3A_353, %parallel_loop3A_354], %parallel_loop3A_348 {strides = array<i32>} : memref<2x2000x16xf32, #tpu.memory_space<vmem>>, vector<16xf32>,
      %parallel_loop3A_356 = arith.constant 2 : i32
      %parallel_loop3A_357 = arith.addi %parallel_loop3A_319, %parallel_loop3A_356 : i32
      %parallel_loop3A_358 = arith.constant 1 : i32
      %parallel_loop3A_359 = arith.index_cast %parallel_loop3A_358 : i32 to index
      %parallel_loop3A_360 = arith.index_cast %parallel_loop3A_357 : i32 to index
      %parallel_loop3A_361 = arith.constant 0 : index
      %parallel_loop3A_362 = tpu.vector_load %arg11[%parallel_loop3A_359, %parallel_loop3A_360, %parallel_loop3A_361] {strides = array<i32>} : memref<2x2000x16xf32, #tpu.memory_space<vmem>>, vector<16xf32>,
      %parallel_loop3A_363 = vector.extract_strided_slice %parallel_loop3A_317 {offsets = [2], sizes = [1], strides = [1]} : vector<16xf32> to vector<1xf32>
      %parallel_loop3A_364 = vector.extract %parallel_loop3A_363[0] : f32 from vector<1xf32>
      %parallel_loop3A_365 = vector.broadcast %parallel_loop3A_364 : f32 to vector<16xf32>
      %parallel_loop3A_366 = arith.mulf %parallel_loop3A_362, %parallel_loop3A_365 : vector<16xf32>
      %parallel_loop3A_367 = arith.constant 2 : i32
      %parallel_loop3A_368 = arith.addi %parallel_loop3A_319, %parallel_loop3A_367 : i32
      %parallel_loop3A_369 = arith.constant 1 : i32
      %parallel_loop3A_370 = arith.index_cast %parallel_loop3A_369 : i32 to index
      %parallel_loop3A_371 = arith.index_cast %parallel_loop3A_368 : i32 to index
      %parallel_loop3A_372 = arith.constant 0 : index
      %parallel_loop3A_373 = tpu.vector_load %arg11[%parallel_loop3A_370, %parallel_loop3A_371, %parallel_loop3A_372] {strides = array<i32>} : memref<2x2000x16xf32, #tpu.memory_space<vmem>>, vector<16xf32>,
      tpu.vector_store %arg11[%parallel_loop3A_370, %parallel_loop3A_371, %parallel_loop3A_372], %parallel_loop3A_366 {strides = array<i32>} : memref<2x2000x16xf32, #tpu.memory_space<vmem>>, vector<16xf32>,
      %parallel_loop3A_374 = arith.constant 3 : i32
      %parallel_loop3A_375 = arith.addi %parallel_loop3A_319, %parallel_loop3A_374 : i32
      %parallel_loop3A_376 = arith.constant 1 : i32
      %parallel_loop3A_377 = arith.index_cast %parallel_loop3A_376 : i32 to index
      %parallel_loop3A_378 = arith.index_cast %parallel_loop3A_375 : i32 to index
      %parallel_loop3A_379 = arith.constant 0 : index
      %parallel_loop3A_380 = tpu.vector_load %arg11[%parallel_loop3A_377, %parallel_loop3A_378, %parallel_loop3A_379] {strides = array<i32>} : memref<2x2000x16xf32, #tpu.memory_space<vmem>>, vector<16xf32>,
      %parallel_loop3A_381 = vector.extract_strided_slice %parallel_loop3A_317 {offsets = [3], sizes = [1], strides = [1]} : vector<16xf32> to vector<1xf32>
      %parallel_loop3A_382 = vector.extract %parallel_loop3A_381[0] : f32 from vector<1xf32>
      %parallel_loop3A_383 = vector.broadcast %parallel_loop3A_382 : f32 to vector<16xf32>
      %parallel_loop3A_384 = arith.mulf %parallel_loop3A_380, %parallel_loop3A_383 : vector<16xf32>
      %parallel_loop3A_385 = arith.constant 3 : i32
      %parallel_loop3A_386 = arith.addi %parallel_loop3A_319, %parallel_loop3A_385 : i32
      %parallel_loop3A_387 = arith.constant 1 : i32
      %parallel_loop3A_388 = arith.index_cast %parallel_loop3A_387 : i32 to index
      %parallel_loop3A_389 = arith.index_cast %parallel_loop3A_386 : i32 to index
      %parallel_loop3A_390 = arith.constant 0 : index
      %parallel_loop3A_391 = tpu.vector_load %arg11[%parallel_loop3A_388, %parallel_loop3A_389, %parallel_loop3A_390] {strides = array<i32>} : memref<2x2000x16xf32, #tpu.memory_space<vmem>>, vector<16xf32>,
      tpu.vector_store %arg11[%parallel_loop3A_388, %parallel_loop3A_389, %parallel_loop3A_390], %parallel_loop3A_384 {strides = array<i32>} : memref<2x2000x16xf32, #tpu.memory_space<vmem>>, vector<16xf32>,
      %parallel_loop3A_392 = arith.constant 4 : i32
      %parallel_loop3A_393 = arith.addi %parallel_loop3A_319, %parallel_loop3A_392 : i32
      %parallel_loop3A_394 = arith.constant 1 : i32
      %parallel_loop3A_395 = arith.index_cast %parallel_loop3A_394 : i32 to index
      %parallel_loop3A_396 = arith.index_cast %parallel_loop3A_393 : i32 to index
      %parallel_loop3A_397 = arith.constant 0 : index
      %parallel_loop3A_398 = tpu.vector_load %arg11[%parallel_loop3A_395, %parallel_loop3A_396, %parallel_loop3A_397] {strides = array<i32>} : memref<2x2000x16xf32, #tpu.memory_space<vmem>>, vector<16xf32>,
      %parallel_loop3A_399 = vector.extract_strided_slice %parallel_loop3A_317 {offsets = [4], sizes = [1], strides = [1]} : vector<16xf32> to vector<1xf32>
      %parallel_loop3A_400 = vector.extract %parallel_loop3A_399[0] : f32 from vector<1xf32>
      %parallel_loop3A_401 = vector.broadcast %parallel_loop3A_400 : f32 to vector<16xf32>
      %parallel_loop3A_402 = arith.mulf %parallel_loop3A_398, %parallel_loop3A_401 : vector<16xf32>
      %parallel_loop3A_403 = arith.constant 4 : i32
      %parallel_loop3A_404 = arith.addi %parallel_loop3A_319, %parallel_loop3A_403 : i32
      %parallel_loop3A_405 = arith.constant 1 : i32
      %parallel_loop3A_406 = arith.index_cast %parallel_loop3A_405 : i32 to index
      %parallel_loop3A_407 = arith.index_cast %parallel_loop3A_404 : i32 to index
      %parallel_loop3A_408 = arith.constant 0 : index
      %parallel_loop3A_409 = tpu.vector_load %arg11[%parallel_loop3A_406, %parallel_loop3A_407, %parallel_loop3A_408] {strides = array<i32>} : memref<2x2000x16xf32, #tpu.memory_space<vmem>>, vector<16xf32>,
      tpu.vector_store %arg11[%parallel_loop3A_406, %parallel_loop3A_407, %parallel_loop3A_408], %parallel_loop3A_402 {strides = array<i32>} : memref<2x2000x16xf32, #tpu.memory_space<vmem>>, vector<16xf32>,
      %parallel_loop3A_410 = arith.constant 5 : i32
      %parallel_loop3A_411 = arith.addi %parallel_loop3A_319, %parallel_loop3A_410 : i32
      %parallel_loop3A_412 = arith.constant 1 : i32
      %parallel_loop3A_413 = arith.index_cast %parallel_loop3A_412 : i32 to index
      %parallel_loop3A_414 = arith.index_cast %parallel_loop3A_411 : i32 to index
      %parallel_loop3A_415 = arith.constant 0 : index
      %parallel_loop3A_416 = tpu.vector_load %arg11[%parallel_loop3A_413, %parallel_loop3A_414, %parallel_loop3A_415] {strides = array<i32>} : memref<2x2000x16xf32, #tpu.memory_space<vmem>>, vector<16xf32>,
      %parallel_loop3A_417 = vector.extract_strided_slice %parallel_loop3A_317 {offsets = [5], sizes = [1], strides = [1]} : vector<16xf32> to vector<1xf32>
      %parallel_loop3A_418 = vector.extract %parallel_loop3A_417[0] : f32 from vector<1xf32>
      %parallel_loop3A_419 = vector.broadcast %parallel_loop3A_418 : f32 to vector<16xf32>
      %parallel_loop3A_420 = arith.mulf %parallel_loop3A_416, %parallel_loop3A_419 : vector<16xf32>
      %parallel_loop3A_421 = arith.constant 5 : i32
      %parallel_loop3A_422 = arith.addi %parallel_loop3A_319, %parallel_loop3A_421 : i32
      %parallel_loop3A_423 = arith.constant 1 : i32
      %parallel_loop3A_424 = arith.index_cast %parallel_loop3A_423 : i32 to index
      %parallel_loop3A_425 = arith.index_cast %parallel_loop3A_422 : i32 to index
      %parallel_loop3A_426 = arith.constant 0 : index
      %parallel_loop3A_427 = tpu.vector_load %arg11[%parallel_loop3A_424, %parallel_loop3A_425, %parallel_loop3A_426] {strides = array<i32>} : memref<2x2000x16xf32, #tpu.memory_space<vmem>>, vector<16xf32>,
      tpu.vector_store %arg11[%parallel_loop3A_424, %parallel_loop3A_425, %parallel_loop3A_426], %parallel_loop3A_420 {strides = array<i32>} : memref<2x2000x16xf32, #tpu.memory_space<vmem>>, vector<16xf32>,
      %parallel_loop3A_428 = arith.constant 6 : i32
      %parallel_loop3A_429 = arith.addi %parallel_loop3A_319, %parallel_loop3A_428 : i32
      %parallel_loop3A_430 = arith.constant 1 : i32
      %parallel_loop3A_431 = arith.index_cast %parallel_loop3A_430 : i32 to index
      %parallel_loop3A_432 = arith.index_cast %parallel_loop3A_429 : i32 to index
      %parallel_loop3A_433 = arith.constant 0 : index
      %parallel_loop3A_434 = tpu.vector_load %arg11[%parallel_loop3A_431, %parallel_loop3A_432, %parallel_loop3A_433] {strides = array<i32>} : memref<2x2000x16xf32, #tpu.memory_space<vmem>>, vector<16xf32>,
      %parallel_loop3A_435 = vector.extract_strided_slice %parallel_loop3A_317 {offsets = [6], sizes = [1], strides = [1]} : vector<16xf32> to vector<1xf32>
      %parallel_loop3A_436 = vector.extract %parallel_loop3A_435[0] : f32 from vector<1xf32>
      %parallel_loop3A_437 = vector.broadcast %parallel_loop3A_436 : f32 to vector<16xf32>
      %parallel_loop3A_438 = arith.mulf %parallel_loop3A_434, %parallel_loop3A_437 : vector<16xf32>
      %parallel_loop3A_439 = arith.constant 6 : i32
      %parallel_loop3A_440 = arith.addi %parallel_loop3A_319, %parallel_loop3A_439 : i32
      %parallel_loop3A_441 = arith.constant 1 : i32
      %parallel_loop3A_442 = arith.index_cast %parallel_loop3A_441 : i32 to index
      %parallel_loop3A_443 = arith.index_cast %parallel_loop3A_440 : i32 to index
      %parallel_loop3A_444 = arith.constant 0 : index
      %parallel_loop3A_445 = tpu.vector_load %arg11[%parallel_loop3A_442, %parallel_loop3A_443, %parallel_loop3A_444] {strides = array<i32>} : memref<2x2000x16xf32, #tpu.memory_space<vmem>>, vector<16xf32>,
      tpu.vector_store %arg11[%parallel_loop3A_442, %parallel_loop3A_443, %parallel_loop3A_444], %parallel_loop3A_438 {strides = array<i32>} : memref<2x2000x16xf32, #tpu.memory_space<vmem>>, vector<16xf32>,
      %parallel_loop3A_446 = arith.constant 7 : i32
      %parallel_loop3A_447 = arith.addi %parallel_loop3A_319, %parallel_loop3A_446 : i32
      %parallel_loop3A_448 = arith.constant 1 : i32
      %parallel_loop3A_449 = arith.index_cast %parallel_loop3A_448 : i32 to index
      %parallel_loop3A_450 = arith.index_cast %parallel_loop3A_447 : i32 to index
      %parallel_loop3A_451 = arith.constant 0 : index
      %parallel_loop3A_452 = tpu.vector_load %arg11[%parallel_loop3A_449, %parallel_loop3A_450, %parallel_loop3A_451] {strides = array<i32>} : memref<2x2000x16xf32, #tpu.memory_space<vmem>>, vector<16xf32>,
      %parallel_loop3A_453 = vector.extract_strided_slice %parallel_loop3A_317 {offsets = [7], sizes = [1], strides = [1]} : vector<16xf32> to vector<1xf32>
      %parallel_loop3A_454 = vector.extract %parallel_loop3A_453[0] : f32 from vector<1xf32>
      %parallel_loop3A_455 = vector.broadcast %parallel_loop3A_454 : f32 to vector<16xf32>
      %parallel_loop3A_456 = arith.mulf %parallel_loop3A_452, %parallel_loop3A_455 : vector<16xf32>
      %parallel_loop3A_457 = arith.constant 7 : i32
      %parallel_loop3A_458 = arith.addi %parallel_loop3A_319, %parallel_loop3A_457 : i32
      %parallel_loop3A_459 = arith.constant 1 : i32
      %parallel_loop3A_460 = arith.index_cast %parallel_loop3A_459 : i32 to index
      %parallel_loop3A_461 = arith.index_cast %parallel_loop3A_458 : i32 to index
      %parallel_loop3A_462 = arith.constant 0 : index
      %parallel_loop3A_463 = tpu.vector_load %arg11[%parallel_loop3A_460, %parallel_loop3A_461, %parallel_loop3A_462] {strides = array<i32>} : memref<2x2000x16xf32, #tpu.memory_space<vmem>>, vector<16xf32>,
      tpu.vector_store %arg11[%parallel_loop3A_460, %parallel_loop3A_461, %parallel_loop3A_462], %parallel_loop3A_456 {strides = array<i32>} : memref<2x2000x16xf32, #tpu.memory_space<vmem>>, vector<16xf32>,
      %parallel_loop3A_464 = arith.constant 8 : i32
      %parallel_loop3A_465 = arith.addi %parallel_loop3A_319, %parallel_loop3A_464 : i32
      %parallel_loop3A_466 = arith.constant 1 : i32
      %parallel_loop3A_467 = arith.index_cast %parallel_loop3A_466 : i32 to index
      %parallel_loop3A_468 = arith.index_cast %parallel_loop3A_465 : i32 to index
      %parallel_loop3A_469 = arith.constant 0 : index
      %parallel_loop3A_470 = tpu.vector_load %arg11[%parallel_loop3A_467, %parallel_loop3A_468, %parallel_loop3A_469] {strides = array<i32>} : memref<2x2000x16xf32, #tpu.memory_space<vmem>>, vector<16xf32>,
      %parallel_loop3A_471 = vector.extract_strided_slice %parallel_loop3A_317 {offsets = [8], sizes = [1], strides = [1]} : vector<16xf32> to vector<1xf32>
      %parallel_loop3A_472 = vector.extract %parallel_loop3A_471[0] : f32 from vector<1xf32>
      %parallel_loop3A_473 = vector.broadcast %parallel_loop3A_472 : f32 to vector<16xf32>
      %parallel_loop3A_474 = arith.mulf %parallel_loop3A_470, %parallel_loop3A_473 : vector<16xf32>
      %parallel_loop3A_475 = arith.constant 8 : i32
      %parallel_loop3A_476 = arith.addi %parallel_loop3A_319, %parallel_loop3A_475 : i32
      %parallel_loop3A_477 = arith.constant 1 : i32
      %parallel_loop3A_478 = arith.index_cast %parallel_loop3A_477 : i32 to index
      %parallel_loop3A_479 = arith.index_cast %parallel_loop3A_476 : i32 to index
      %parallel_loop3A_480 = arith.constant 0 : index
      %parallel_loop3A_481 = tpu.vector_load %arg11[%parallel_loop3A_478, %parallel_loop3A_479, %parallel_loop3A_480] {strides = array<i32>} : memref<2x2000x16xf32, #tpu.memory_space<vmem>>, vector<16xf32>,
      tpu.vector_store %arg11[%parallel_loop3A_478, %parallel_loop3A_479, %parallel_loop3A_480], %parallel_loop3A_474 {strides = array<i32>} : memref<2x2000x16xf32, #tpu.memory_space<vmem>>, vector<16xf32>,
      %parallel_loop3A_482 = arith.constant 9 : i32
      %parallel_loop3A_483 = arith.addi %parallel_loop3A_319, %parallel_loop3A_482 : i32
      %parallel_loop3A_484 = arith.constant 1 : i32
      %parallel_loop3A_485 = arith.index_cast %parallel_loop3A_484 : i32 to index
      %parallel_loop3A_486 = arith.index_cast %parallel_loop3A_483 : i32 to index
      %parallel_loop3A_487 = arith.constant 0 : index
      %parallel_loop3A_488 = tpu.vector_load %arg11[%parallel_loop3A_485, %parallel_loop3A_486, %parallel_loop3A_487] {strides = array<i32>} : memref<2x2000x16xf32, #tpu.memory_space<vmem>>, vector<16xf32>,
      %parallel_loop3A_489 = vector.extract_strided_slice %parallel_loop3A_317 {offsets = [9], sizes = [1], strides = [1]} : vector<16xf32> to vector<1xf32>
      %parallel_loop3A_490 = vector.extract %parallel_loop3A_489[0] : f32 from vector<1xf32>
      %parallel_loop3A_491 = vector.broadcast %parallel_loop3A_490 : f32 to vector<16xf32>
      %parallel_loop3A_492 = arith.mulf %parallel_loop3A_488, %parallel_loop3A_491 : vector<16xf32>
      %parallel_loop3A_493 = arith.constant 9 : i32
      %parallel_loop3A_494 = arith.addi %parallel_loop3A_319, %parallel_loop3A_493 : i32
      %parallel_loop3A_495 = arith.constant 1 : i32
      %parallel_loop3A_496 = arith.index_cast %parallel_loop3A_495 : i32 to index
      %parallel_loop3A_497 = arith.index_cast %parallel_loop3A_494 : i32 to index
      %parallel_loop3A_498 = arith.constant 0 : index
      %parallel_loop3A_499 = tpu.vector_load %arg11[%parallel_loop3A_496, %parallel_loop3A_497, %parallel_loop3A_498] {strides = array<i32>} : memref<2x2000x16xf32, #tpu.memory_space<vmem>>, vector<16xf32>,
      tpu.vector_store %arg11[%parallel_loop3A_496, %parallel_loop3A_497, %parallel_loop3A_498], %parallel_loop3A_492 {strides = array<i32>} : memref<2x2000x16xf32, #tpu.memory_space<vmem>>, vector<16xf32>,
      %parallel_loop3A_500 = arith.constant 10 : i32
      %parallel_loop3A_501 = arith.addi %parallel_loop3A_319, %parallel_loop3A_500 : i32
      %parallel_loop3A_502 = arith.constant 1 : i32
      %parallel_loop3A_503 = arith.index_cast %parallel_loop3A_502 : i32 to index
      %parallel_loop3A_504 = arith.index_cast %parallel_loop3A_501 : i32 to index
      %parallel_loop3A_505 = arith.constant 0 : index
      %parallel_loop3A_506 = tpu.vector_load %arg11[%parallel_loop3A_503, %parallel_loop3A_504, %parallel_loop3A_505] {strides = array<i32>} : memref<2x2000x16xf32, #tpu.memory_space<vmem>>, vector<16xf32>,
      %parallel_loop3A_507 = vector.extract_strided_slice %parallel_loop3A_317 {offsets = [10], sizes = [1], strides = [1]} : vector<16xf32> to vector<1xf32>
      %parallel_loop3A_508 = vector.extract %parallel_loop3A_507[0] : f32 from vector<1xf32>
      %parallel_loop3A_509 = vector.broadcast %parallel_loop3A_508 : f32 to vector<16xf32>
      %parallel_loop3A_510 = arith.mulf %parallel_loop3A_506, %parallel_loop3A_509 : vector<16xf32>
      %parallel_loop3A_511 = arith.constant 10 : i32
      %parallel_loop3A_512 = arith.addi %parallel_loop3A_319, %parallel_loop3A_511 : i32
      %parallel_loop3A_513 = arith.constant 1 : i32
      %parallel_loop3A_514 = arith.index_cast %parallel_loop3A_513 : i32 to index
      %parallel_loop3A_515 = arith.index_cast %parallel_loop3A_512 : i32 to index
      %parallel_loop3A_516 = arith.constant 0 : index
      %parallel_loop3A_517 = tpu.vector_load %arg11[%parallel_loop3A_514, %parallel_loop3A_515, %parallel_loop3A_516] {strides = array<i32>} : memref<2x2000x16xf32, #tpu.memory_space<vmem>>, vector<16xf32>,
      tpu.vector_store %arg11[%parallel_loop3A_514, %parallel_loop3A_515, %parallel_loop3A_516], %parallel_loop3A_510 {strides = array<i32>} : memref<2x2000x16xf32, #tpu.memory_space<vmem>>, vector<16xf32>,
      %parallel_loop3A_518 = arith.constant 11 : i32
      %parallel_loop3A_519 = arith.addi %parallel_loop3A_319, %parallel_loop3A_518 : i32
      %parallel_loop3A_520 = arith.constant 1 : i32
      %parallel_loop3A_521 = arith.index_cast %parallel_loop3A_520 : i32 to index
      %parallel_loop3A_522 = arith.index_cast %parallel_loop3A_519 : i32 to index
      %parallel_loop3A_523 = arith.constant 0 : index
      %parallel_loop3A_524 = tpu.vector_load %arg11[%parallel_loop3A_521, %parallel_loop3A_522, %parallel_loop3A_523] {strides = array<i32>} : memref<2x2000x16xf32, #tpu.memory_space<vmem>>, vector<16xf32>,
      %parallel_loop3A_525 = vector.extract_strided_slice %parallel_loop3A_317 {offsets = [11], sizes = [1], strides = [1]} : vector<16xf32> to vector<1xf32>
      %parallel_loop3A_526 = vector.extract %parallel_loop3A_525[0] : f32 from vector<1xf32>
      %parallel_loop3A_527 = vector.broadcast %parallel_loop3A_526 : f32 to vector<16xf32>
      %parallel_loop3A_528 = arith.mulf %parallel_loop3A_524, %parallel_loop3A_527 : vector<16xf32>
      %parallel_loop3A_529 = arith.constant 11 : i32
      %parallel_loop3A_530 = arith.addi %parallel_loop3A_319, %parallel_loop3A_529 : i32
      %parallel_loop3A_531 = arith.constant 1 : i32
      %parallel_loop3A_532 = arith.index_cast %parallel_loop3A_531 : i32 to index
      %parallel_loop3A_533 = arith.index_cast %parallel_loop3A_530 : i32 to index
      %parallel_loop3A_534 = arith.constant 0 : index
      %parallel_loop3A_535 = tpu.vector_load %arg11[%parallel_loop3A_532, %parallel_loop3A_533, %parallel_loop3A_534] {strides = array<i32>} : memref<2x2000x16xf32, #tpu.memory_space<vmem>>, vector<16xf32>,
      tpu.vector_store %arg11[%parallel_loop3A_532, %parallel_loop3A_533, %parallel_loop3A_534], %parallel_loop3A_528 {strides = array<i32>} : memref<2x2000x16xf32, #tpu.memory_space<vmem>>, vector<16xf32>,
      %parallel_loop3A_536 = arith.constant 12 : i32
      %parallel_loop3A_537 = arith.addi %parallel_loop3A_319, %parallel_loop3A_536 : i32
      %parallel_loop3A_538 = arith.constant 1 : i32
      %parallel_loop3A_539 = arith.index_cast %parallel_loop3A_538 : i32 to index
      %parallel_loop3A_540 = arith.index_cast %parallel_loop3A_537 : i32 to index
      %parallel_loop3A_541 = arith.constant 0 : index
      %parallel_loop3A_542 = tpu.vector_load %arg11[%parallel_loop3A_539, %parallel_loop3A_540, %parallel_loop3A_541] {strides = array<i32>} : memref<2x2000x16xf32, #tpu.memory_space<vmem>>, vector<16xf32>,
      %parallel_loop3A_543 = vector.extract_strided_slice %parallel_loop3A_317 {offsets = [12], sizes = [1], strides = [1]} : vector<16xf32> to vector<1xf32>
      %parallel_loop3A_544 = vector.extract %parallel_loop3A_543[0] : f32 from vector<1xf32>
      %parallel_loop3A_545 = vector.broadcast %parallel_loop3A_544 : f32 to vector<16xf32>
      %parallel_loop3A_546 = arith.mulf %parallel_loop3A_542, %parallel_loop3A_545 : vector<16xf32>
      %parallel_loop3A_547 = arith.constant 12 : i32
      %parallel_loop3A_548 = arith.addi %parallel_loop3A_319, %parallel_loop3A_547 : i32
      %parallel_loop3A_549 = arith.constant 1 : i32
      %parallel_loop3A_550 = arith.index_cast %parallel_loop3A_549 : i32 to index
      %parallel_loop3A_551 = arith.index_cast %parallel_loop3A_548 : i32 to index
      %parallel_loop3A_552 = arith.constant 0 : index
      %parallel_loop3A_553 = tpu.vector_load %arg11[%parallel_loop3A_550, %parallel_loop3A_551, %parallel_loop3A_552] {strides = array<i32>} : memref<2x2000x16xf32, #tpu.memory_space<vmem>>, vector<16xf32>,
      tpu.vector_store %arg11[%parallel_loop3A_550, %parallel_loop3A_551, %parallel_loop3A_552], %parallel_loop3A_546 {strides = array<i32>} : memref<2x2000x16xf32, #tpu.memory_space<vmem>>, vector<16xf32>,
      %parallel_loop3A_554 = arith.constant 13 : i32
      %parallel_loop3A_555 = arith.addi %parallel_loop3A_319, %parallel_loop3A_554 : i32
      %parallel_loop3A_556 = arith.constant 1 : i32
      %parallel_loop3A_557 = arith.index_cast %parallel_loop3A_556 : i32 to index
      %parallel_loop3A_558 = arith.index_cast %parallel_loop3A_555 : i32 to index
      %parallel_loop3A_559 = arith.constant 0 : index
      %parallel_loop3A_560 = tpu.vector_load %arg11[%parallel_loop3A_557, %parallel_loop3A_558, %parallel_loop3A_559] {strides = array<i32>} : memref<2x2000x16xf32, #tpu.memory_space<vmem>>, vector<16xf32>,
      %parallel_loop3A_561 = vector.extract_strided_slice %parallel_loop3A_317 {offsets = [13], sizes = [1], strides = [1]} : vector<16xf32> to vector<1xf32>
      %parallel_loop3A_562 = vector.extract %parallel_loop3A_561[0] : f32 from vector<1xf32>
      %parallel_loop3A_563 = vector.broadcast %parallel_loop3A_562 : f32 to vector<16xf32>
      %parallel_loop3A_564 = arith.mulf %parallel_loop3A_560, %parallel_loop3A_563 : vector<16xf32>
      %parallel_loop3A_565 = arith.constant 13 : i32
      %parallel_loop3A_566 = arith.addi %parallel_loop3A_319, %parallel_loop3A_565 : i32
      %parallel_loop3A_567 = arith.constant 1 : i32
      %parallel_loop3A_568 = arith.index_cast %parallel_loop3A_567 : i32 to index
      %parallel_loop3A_569 = arith.index_cast %parallel_loop3A_566 : i32 to index
      %parallel_loop3A_570 = arith.constant 0 : index
      %parallel_loop3A_571 = tpu.vector_load %arg11[%parallel_loop3A_568, %parallel_loop3A_569, %parallel_loop3A_570] {strides = array<i32>} : memref<2x2000x16xf32, #tpu.memory_space<vmem>>, vector<16xf32>,
      tpu.vector_store %arg11[%parallel_loop3A_568, %parallel_loop3A_569, %parallel_loop3A_570], %parallel_loop3A_564 {strides = array<i32>} : memref<2x2000x16xf32, #tpu.memory_space<vmem>>, vector<16xf32>,
      %parallel_loop3A_572 = arith.constant 14 : i32
      %parallel_loop3A_573 = arith.addi %parallel_loop3A_319, %parallel_loop3A_572 : i32
      %parallel_loop3A_574 = arith.constant 1 : i32
      %parallel_loop3A_575 = arith.index_cast %parallel_loop3A_574 : i32 to index
      %parallel_loop3A_576 = arith.index_cast %parallel_loop3A_573 : i32 to index
      %parallel_loop3A_577 = arith.constant 0 : index
      %parallel_loop3A_578 = tpu.vector_load %arg11[%parallel_loop3A_575, %parallel_loop3A_576, %parallel_loop3A_577] {strides = array<i32>} : memref<2x2000x16xf32, #tpu.memory_space<vmem>>, vector<16xf32>,
      %parallel_loop3A_579 = vector.extract_strided_slice %parallel_loop3A_317 {offsets = [14], sizes = [1], strides = [1]} : vector<16xf32> to vector<1xf32>
      %parallel_loop3A_580 = vector.extract %parallel_loop3A_579[0] : f32 from vector<1xf32>
      %parallel_loop3A_581 = vector.broadcast %parallel_loop3A_580 : f32 to vector<16xf32>
      %parallel_loop3A_582 = arith.mulf %parallel_loop3A_578, %parallel_loop3A_581 : vector<16xf32>
      %parallel_loop3A_583 = arith.constant 14 : i32
      %parallel_loop3A_584 = arith.addi %parallel_loop3A_319, %parallel_loop3A_583 : i32
      %parallel_loop3A_585 = arith.constant 1 : i32
      %parallel_loop3A_586 = arith.index_cast %parallel_loop3A_585 : i32 to index
      %parallel_loop3A_587 = arith.index_cast %parallel_loop3A_584 : i32 to index
      %parallel_loop3A_588 = arith.constant 0 : index
      %parallel_loop3A_589 = tpu.vector_load %arg11[%parallel_loop3A_586, %parallel_loop3A_587, %parallel_loop3A_588] {strides = array<i32>} : memref<2x2000x16xf32, #tpu.memory_space<vmem>>, vector<16xf32>,
      tpu.vector_store %arg11[%parallel_loop3A_586, %parallel_loop3A_587, %parallel_loop3A_588], %parallel_loop3A_582 {strides = array<i32>} : memref<2x2000x16xf32, #tpu.memory_space<vmem>>, vector<16xf32>,
      %parallel_loop3A_590 = arith.constant 15 : i32
      %parallel_loop3A_591 = arith.addi %parallel_loop3A_319, %parallel_loop3A_590 : i32
      %parallel_loop3A_592 = arith.constant 1 : i32
      %parallel_loop3A_593 = arith.index_cast %parallel_loop3A_592 : i32 to index
      %parallel_loop3A_594 = arith.index_cast %parallel_loop3A_591 : i32 to index
      %parallel_loop3A_595 = arith.constant 0 : index
      %parallel_loop3A_596 = tpu.vector_load %arg11[%parallel_loop3A_593, %parallel_loop3A_594, %parallel_loop3A_595] {strides = array<i32>} : memref<2x2000x16xf32, #tpu.memory_space<vmem>>, vector<16xf32>,
      %parallel_loop3A_597 = vector.extract_strided_slice %parallel_loop3A_317 {offsets = [15], sizes = [1], strides = [1]} : vector<16xf32> to vector<1xf32>
      %parallel_loop3A_598 = vector.extract %parallel_loop3A_597[0] : f32 from vector<1xf32>
      %parallel_loop3A_599 = vector.broadcast %parallel_loop3A_598 : f32 to vector<16xf32>
      %parallel_loop3A_600 = arith.mulf %parallel_loop3A_596, %parallel_loop3A_599 : vector<16xf32>
      %parallel_loop3A_601 = arith.constant 15 : i32
      %parallel_loop3A_602 = arith.addi %parallel_loop3A_319, %parallel_loop3A_601 : i32
      %parallel_loop3A_603 = arith.constant 1 : i32
      %parallel_loop3A_604 = arith.index_cast %parallel_loop3A_603 : i32 to index
      %parallel_loop3A_605 = arith.index_cast %parallel_loop3A_602 : i32 to index
      %parallel_loop3A_606 = arith.constant 0 : index
      %parallel_loop3A_607 = tpu.vector_load %arg11[%parallel_loop3A_604, %parallel_loop3A_605, %parallel_loop3A_606] {strides = array<i32>} : memref<2x2000x16xf32, #tpu.memory_space<vmem>>, vector<16xf32>,
      tpu.vector_store %arg11[%parallel_loop3A_604, %parallel_loop3A_605, %parallel_loop3A_606], %parallel_loop3A_600 {strides = array<i32>} : memref<2x2000x16xf32, #tpu.memory_space<vmem>>, vector<16xf32>,
    } {sc.loop_unroll_factor = 2 : i64, sc.parallel_access}
    %dma_start3A_240 = arith.constant 1 : i32
    %dma_start3A_241 = arith.constant 1 : i32
    %dma_start3A_242 = arith.constant 0 : i32
    %dma_start3A_243 = arith.constant 0 : i32
    %dma_start3A_244 = tpu.memref_slice %arg11[%dma_start3A_240, %dma_start3A_242, %dma_start3A_243] : memref<2x2000x16xf32, #tpu.memory_space<vmem>> -> memref<1x2000x16xf32, #tpu.memory_space<vmem>>
    %dma_start3A_245 = tpu.memref_squeeze %dma_start3A_244 : memref<1x2000x16xf32, #tpu.memory_space<vmem>> -> memref<2000x16xf32, #tpu.memory_space<vmem>>
    %dma_start3A_246 = arith.constant 0 : i32
    %dma_start3A_247 = tpu.memref_slice %arg9[%dma_start3A_241, %dma_start3A_246] : memref<2x2000xi32, #tpu.memory_space<vmem>> -> memref<1x2000xi32, #tpu.memory_space<vmem>>
    %dma_start3A_248 = tpu.memref_squeeze %dma_start3A_247 : memref<1x2000xi32, #tpu.memory_space<vmem>> -> memref<2000xi32, #tpu.memory_space<vmem>>
    %dma_start3A_249 = arith.constant 0 : i32
    %dma_start3A_250 = arith.constant 0 : i32
    %dma_start3A_251 = tpu.memref_slice %arg14[%dma_start3A_249, %dma_start3A_250] : memref<10240x16xf32, #tpu.memory_space<vmem_shared>> -> memref<10240x16xf32, #tpu.memory_space<vmem_shared>>
    tpu.enqueue_indirect_dma source(%dma_start3A_245 : memref<2000x16xf32, #tpu.memory_space<vmem>>) target(%dma_start3A_251 : memref<10240x16xf32, #tpu.memory_space<vmem_shared>>) offsets(%dma_start3A_248 : memref<2000xi32, #tpu.memory_space<vmem>>) semaphore(%arg19 : memref<!tpu.dma_semaphore, #tpu.memory_space<semaphore_mem>>) {add = true}
    %dma_wait3A_252 = arith.constant 0 : i32
    %dma_wait3A_253 = arith.constant 0 : i32
    %dma_wait3A_254 = arith.constant 0 : i32
    %dma_wait3A_255 = arith.constant 0 : i32
    %dma_wait3A_256 = tpu.memref_slice %arg11[%dma_wait3A_253, %dma_wait3A_254, %dma_wait3A_255] : memref<2x2000x16xf32, #tpu.memory_space<vmem>> -> memref<1x2000x16xf32, #tpu.memory_space<vmem>>
    %dma_wait3A_257 = tpu.memref_squeeze %dma_wait3A_256 : memref<1x2000x16xf32, #tpu.memory_space<vmem>> -> memref<2000x16xf32, #tpu.memory_space<vmem>>
    %dma_wait3A_258 = arith.constant 0 : i32
    %dma_wait3A_259 = tpu.memref_slice %arg8[%dma_wait3A_252, %dma_wait3A_258] : memref<2x2000xi32, #tpu.memory_space<vmem>> -> memref<1x2000xi32, #tpu.memory_space<vmem>>
    %dma_wait3A_260 = tpu.memref_squeeze %dma_wait3A_259 : memref<1x2000xi32, #tpu.memory_space<vmem>> -> memref<2000xi32, #tpu.memory_space<vmem>>
    %dma_wait3A_261 = arith.constant 0 : i32
    %dma_wait3A_262 = arith.constant 0 : i32
    %dma_wait3A_263 = tpu.memref_slice %arg15[%dma_wait3A_261, %dma_wait3A_262] : memref<10240x16xf32, #tpu.memory_space<vmem_shared>> -> memref<10240x16xf32, #tpu.memory_space<vmem_shared>>
    tpu.wait_indirect_dma semaphore(%arg16 : memref<!tpu.dma_semaphore, #tpu.memory_space<semaphore_mem>>) src(%dma_wait3A_263 : memref<10240x16xf32, #tpu.memory_space<vmem_shared>>) dst(%dma_wait3A_257 : memref<2000x16xf32, #tpu.memory_space<vmem>>)
    %parallel_loop3A_264 = arith.constant 0 : i32
    %parallel_loop3A_265 = arith.constant 125 : i32
    %parallel_loop3A_266 = arith.constant 1 : i32
    scf.for %parallel_loop3A_311 = %parallel_loop3A_264 to %parallel_loop3A_265 step %parallel_loop3A_266  : i32 {
      %parallel_loop3A_312 = arith.constant 16 : i32
      %parallel_loop3A_313 = arith.muli %parallel_loop3A_311, %parallel_loop3A_312 : i32
      %parallel_loop3A_314 = arith.constant 0 : i32
      %parallel_loop3A_315 = arith.index_cast %parallel_loop3A_314 : i32 to index
      %parallel_loop3A_316 = arith.index_cast %parallel_loop3A_313 : i32 to index
      %parallel_loop3A_317 = tpu.vector_load %arg8[%parallel_loop3A_315, %parallel_loop3A_316] {strides = array<i32>} : memref<2x2000xi32, #tpu.memory_space<vmem>>, vector<16xi32>,
      %parallel_loop3A_318 = tpu.vector_load_idx %arg12[%parallel_loop3A_317] : memref<10240xf32, #tpu.memory_space<vmem>>[vector<16xi32>], vector<16xf32>,
      %parallel_loop3A_319 = arith.constant 16 : i32
      %parallel_loop3A_320 = arith.muli %parallel_loop3A_311, %parallel_loop3A_319 : i32
      %parallel_loop3A_321 = arith.constant 0 : i32
      %parallel_loop3A_322 = arith.index_cast %parallel_loop3A_321 : i32 to index
      %parallel_loop3A_323 = arith.index_cast %parallel_loop3A_320 : i32 to index
      %parallel_loop3A_324 = tpu.vector_load %arg10[%parallel_loop3A_322, %parallel_loop3A_323] {strides = array<i32>} : memref<2x2000xf32, #tpu.memory_space<vmem>>, vector<16xf32>,
      %parallel_loop3A_325 = arith.mulf %parallel_loop3A_324, %parallel_loop3A_318 : vector<16xf32>
      %parallel_loop3A_326 = arith.constant 16 : i32
      %parallel_loop3A_327 = arith.muli %parallel_loop3A_311, %parallel_loop3A_326 : i32
      %parallel_loop3A_328 = arith.constant 0 : i32
      %parallel_loop3A_329 = arith.index_cast %parallel_loop3A_328 : i32 to index
      %parallel_loop3A_330 = arith.index_cast %parallel_loop3A_327 : i32 to index
      %parallel_loop3A_331 = tpu.vector_load %arg10[%parallel_loop3A_329, %parallel_loop3A_330] {strides = array<i32>} : memref<2x2000xf32, #tpu.memory_space<vmem>>, vector<16xf32>,
      tpu.vector_store %arg10[%parallel_loop3A_329, %parallel_loop3A_330], %parallel_loop3A_325 {strides = array<i32>} : memref<2x2000xf32, #tpu.memory_space<vmem>>, vector<16xf32>,
    } {sc.loop_unroll_factor = 4 : i64, sc.parallel_access}
    %parallel_loop3A_267 = arith.constant 0 : i32
    %parallel_loop3A_268 = arith.constant 125 : i32
    %parallel_loop3A_269 = arith.constant 1 : i32
    scf.for %parallel_loop3A_311 = %parallel_loop3A_267 to %parallel_loop3A_268 step %parallel_loop3A_269  : i32 {
      %parallel_loop3A_312 = arith.constant 16 : i32
      %parallel_loop3A_313 = arith.muli %parallel_loop3A_311, %parallel_loop3A_312 : i32
      %parallel_loop3A_314 = arith.constant 0 : i32
      %parallel_loop3A_315 = arith.index_cast %parallel_loop3A_314 : i32 to index
      %parallel_loop3A_316 = arith.index_cast %parallel_loop3A_313 : i32 to index
      %parallel_loop3A_317 = tpu.vector_load %arg10[%parallel_loop3A_315, %parallel_loop3A_316] {strides = array<i32>} : memref<2x2000xf32, #tpu.memory_space<vmem>>, vector<16xf32>,
      %parallel_loop3A_318 = arith.constant 16 : i32
      %parallel_loop3A_319 = arith.muli %parallel_loop3A_311, %parallel_loop3A_318 : i32
      %parallel_loop3A_320 = arith.constant 0 : i32
      %parallel_loop3A_321 = arith.addi %parallel_loop3A_319, %parallel_loop3A_320 : i32
      %parallel_loop3A_322 = arith.constant 0 : i32
      %parallel_loop3A_323 = arith.index_cast %parallel_loop3A_322 : i32 to index
      %parallel_loop3A_324 = arith.index_cast %parallel_loop3A_321 : i32 to index
      %parallel_loop3A_325 = arith.constant 0 : index
      %parallel_loop3A_326 = tpu.vector_load %arg11[%parallel_loop3A_323, %parallel_loop3A_324, %parallel_loop3A_325] {strides = array<i32>} : memref<2x2000x16xf32, #tpu.memory_space<vmem>>, vector<16xf32>,
      %parallel_loop3A_327 = vector.extract_strided_slice %parallel_loop3A_317 {offsets = [0], sizes = [1], strides = [1]} : vector<16xf32> to vector<1xf32>
      %parallel_loop3A_328 = vector.extract %parallel_loop3A_327[0] : f32 from vector<1xf32>
      %parallel_loop3A_329 = vector.broadcast %parallel_loop3A_328 : f32 to vector<16xf32>
      %parallel_loop3A_330 = arith.mulf %parallel_loop3A_326, %parallel_loop3A_329 : vector<16xf32>
      %parallel_loop3A_331 = arith.constant 0 : i32
      %parallel_loop3A_332 = arith.addi %parallel_loop3A_319, %parallel_loop3A_331 : i32
      %parallel_loop3A_333 = arith.constant 0 : i32
      %parallel_loop3A_334 = arith.index_cast %parallel_loop3A_333 : i32 to index
      %parallel_loop3A_335 = arith.index_cast %parallel_loop3A_332 : i32 to index
      %parallel_loop3A_336 = arith.constant 0 : index
      %parallel_loop3A_337 = tpu.vector_load %arg11[%parallel_loop3A_334, %parallel_loop3A_335, %parallel_loop3A_336] {strides = array<i32>} : memref<2x2000x16xf32, #tpu.memory_space<vmem>>, vector<16xf32>,
      tpu.vector_store %arg11[%parallel_loop3A_334, %parallel_loop3A_335, %parallel_loop3A_336], %parallel_loop3A_330 {strides = array<i32>} : memref<2x2000x16xf32, #tpu.memory_space<vmem>>, vector<16xf32>,
      %parallel_loop3A_338 = arith.constant 1 : i32
      %parallel_loop3A_339 = arith.addi %parallel_loop3A_319, %parallel_loop3A_338 : i32
      %parallel_loop3A_340 = arith.constant 0 : i32
      %parallel_loop3A_341 = arith.index_cast %parallel_loop3A_340 : i32 to index
      %parallel_loop3A_342 = arith.index_cast %parallel_loop3A_339 : i32 to index
      %parallel_loop3A_343 = arith.constant 0 : index
      %parallel_loop3A_344 = tpu.vector_load %arg11[%parallel_loop3A_341, %parallel_loop3A_342, %parallel_loop3A_343] {strides = array<i32>} : memref<2x2000x16xf32, #tpu.memory_space<vmem>>, vector<16xf32>,
      %parallel_loop3A_345 = vector.extract_strided_slice %parallel_loop3A_317 {offsets = [1], sizes = [1], strides = [1]} : vector<16xf32> to vector<1xf32>
      %parallel_loop3A_346 = vector.extract %parallel_loop3A_345[0] : f32 from vector<1xf32>
      %parallel_loop3A_347 = vector.broadcast %parallel_loop3A_346 : f32 to vector<16xf32>
      %parallel_loop3A_348 = arith.mulf %parallel_loop3A_344, %parallel_loop3A_347 : vector<16xf32>
      %parallel_loop3A_349 = arith.constant 1 : i32
      %parallel_loop3A_350 = arith.addi %parallel_loop3A_319, %parallel_loop3A_349 : i32
      %parallel_loop3A_351 = arith.constant 0 : i32
      %parallel_loop3A_352 = arith.index_cast %parallel_loop3A_351 : i32 to index
      %parallel_loop3A_353 = arith.index_cast %parallel_loop3A_350 : i32 to index
      %parallel_loop3A_354 = arith.constant 0 : index
      %parallel_loop3A_355 = tpu.vector_load %arg11[%parallel_loop3A_352, %parallel_loop3A_353, %parallel_loop3A_354] {strides = array<i32>} : memref<2x2000x16xf32, #tpu.memory_space<vmem>>, vector<16xf32>,
      tpu.vector_store %arg11[%parallel_loop3A_352, %parallel_loop3A_353, %parallel_loop3A_354], %parallel_loop3A_348 {strides = array<i32>} : memref<2x2000x16xf32, #tpu.memory_space<vmem>>, vector<16xf32>,
      %parallel_loop3A_356 = arith.constant 2 : i32
      %parallel_loop3A_357 = arith.addi %parallel_loop3A_319, %parallel_loop3A_356 : i32
      %parallel_loop3A_358 = arith.constant 0 : i32
      %parallel_loop3A_359 = arith.index_cast %parallel_loop3A_358 : i32 to index
      %parallel_loop3A_360 = arith.index_cast %parallel_loop3A_357 : i32 to index
      %parallel_loop3A_361 = arith.constant 0 : index
      %parallel_loop3A_362 = tpu.vector_load %arg11[%parallel_loop3A_359, %parallel_loop3A_360, %parallel_loop3A_361] {strides = array<i32>} : memref<2x2000x16xf32, #tpu.memory_space<vmem>>, vector<16xf32>,
      %parallel_loop3A_363 = vector.extract_strided_slice %parallel_loop3A_317 {offsets = [2], sizes = [1], strides = [1]} : vector<16xf32> to vector<1xf32>
      %parallel_loop3A_364 = vector.extract %parallel_loop3A_363[0] : f32 from vector<1xf32>
      %parallel_loop3A_365 = vector.broadcast %parallel_loop3A_364 : f32 to vector<16xf32>
      %parallel_loop3A_366 = arith.mulf %parallel_loop3A_362, %parallel_loop3A_365 : vector<16xf32>
      %parallel_loop3A_367 = arith.constant 2 : i32
      %parallel_loop3A_368 = arith.addi %parallel_loop3A_319, %parallel_loop3A_367 : i32
      %parallel_loop3A_369 = arith.constant 0 : i32
      %parallel_loop3A_370 = arith.index_cast %parallel_loop3A_369 : i32 to index
      %parallel_loop3A_371 = arith.index_cast %parallel_loop3A_368 : i32 to index
      %parallel_loop3A_372 = arith.constant 0 : index
      %parallel_loop3A_373 = tpu.vector_load %arg11[%parallel_loop3A_370, %parallel_loop3A_371, %parallel_loop3A_372] {strides = array<i32>} : memref<2x2000x16xf32, #tpu.memory_space<vmem>>, vector<16xf32>,
      tpu.vector_store %arg11[%parallel_loop3A_370, %parallel_loop3A_371, %parallel_loop3A_372], %parallel_loop3A_366 {strides = array<i32>} : memref<2x2000x16xf32, #tpu.memory_space<vmem>>, vector<16xf32>,
      %parallel_loop3A_374 = arith.constant 3 : i32
      %parallel_loop3A_375 = arith.addi %parallel_loop3A_319, %parallel_loop3A_374 : i32
      %parallel_loop3A_376 = arith.constant 0 : i32
      %parallel_loop3A_377 = arith.index_cast %parallel_loop3A_376 : i32 to index
      %parallel_loop3A_378 = arith.index_cast %parallel_loop3A_375 : i32 to index
      %parallel_loop3A_379 = arith.constant 0 : index
      %parallel_loop3A_380 = tpu.vector_load %arg11[%parallel_loop3A_377, %parallel_loop3A_378, %parallel_loop3A_379] {strides = array<i32>} : memref<2x2000x16xf32, #tpu.memory_space<vmem>>, vector<16xf32>,
      %parallel_loop3A_381 = vector.extract_strided_slice %parallel_loop3A_317 {offsets = [3], sizes = [1], strides = [1]} : vector<16xf32> to vector<1xf32>
      %parallel_loop3A_382 = vector.extract %parallel_loop3A_381[0] : f32 from vector<1xf32>
      %parallel_loop3A_383 = vector.broadcast %parallel_loop3A_382 : f32 to vector<16xf32>
      %parallel_loop3A_384 = arith.mulf %parallel_loop3A_380, %parallel_loop3A_383 : vector<16xf32>
      %parallel_loop3A_385 = arith.constant 3 : i32
      %parallel_loop3A_386 = arith.addi %parallel_loop3A_319, %parallel_loop3A_385 : i32
      %parallel_loop3A_387 = arith.constant 0 : i32
      %parallel_loop3A_388 = arith.index_cast %parallel_loop3A_387 : i32 to index
      %parallel_loop3A_389 = arith.index_cast %parallel_loop3A_386 : i32 to index
      %parallel_loop3A_390 = arith.constant 0 : index
      %parallel_loop3A_391 = tpu.vector_load %arg11[%parallel_loop3A_388, %parallel_loop3A_389, %parallel_loop3A_390] {strides = array<i32>} : memref<2x2000x16xf32, #tpu.memory_space<vmem>>, vector<16xf32>,
      tpu.vector_store %arg11[%parallel_loop3A_388, %parallel_loop3A_389, %parallel_loop3A_390], %parallel_loop3A_384 {strides = array<i32>} : memref<2x2000x16xf32, #tpu.memory_space<vmem>>, vector<16xf32>,
      %parallel_loop3A_392 = arith.constant 4 : i32
      %parallel_loop3A_393 = arith.addi %parallel_loop3A_319, %parallel_loop3A_392 : i32
      %parallel_loop3A_394 = arith.constant 0 : i32
      %parallel_loop3A_395 = arith.index_cast %parallel_loop3A_394 : i32 to index
      %parallel_loop3A_396 = arith.index_cast %parallel_loop3A_393 : i32 to index
      %parallel_loop3A_397 = arith.constant 0 : index
      %parallel_loop3A_398 = tpu.vector_load %arg11[%parallel_loop3A_395, %parallel_loop3A_396, %parallel_loop3A_397] {strides = array<i32>} : memref<2x2000x16xf32, #tpu.memory_space<vmem>>, vector<16xf32>,
      %parallel_loop3A_399 = vector.extract_strided_slice %parallel_loop3A_317 {offsets = [4], sizes = [1], strides = [1]} : vector<16xf32> to vector<1xf32>
      %parallel_loop3A_400 = vector.extract %parallel_loop3A_399[0] : f32 from vector<1xf32>
      %parallel_loop3A_401 = vector.broadcast %parallel_loop3A_400 : f32 to vector<16xf32>
      %parallel_loop3A_402 = arith.mulf %parallel_loop3A_398, %parallel_loop3A_401 : vector<16xf32>
      %parallel_loop3A_403 = arith.constant 4 : i32
      %parallel_loop3A_404 = arith.addi %parallel_loop3A_319, %parallel_loop3A_403 : i32
      %parallel_loop3A_405 = arith.constant 0 : i32
      %parallel_loop3A_406 = arith.index_cast %parallel_loop3A_405 : i32 to index
      %parallel_loop3A_407 = arith.index_cast %parallel_loop3A_404 : i32 to index
      %parallel_loop3A_408 = arith.constant 0 : index
      %parallel_loop3A_409 = tpu.vector_load %arg11[%parallel_loop3A_406, %parallel_loop3A_407, %parallel_loop3A_408] {strides = array<i32>} : memref<2x2000x16xf32, #tpu.memory_space<vmem>>, vector<16xf32>,
      tpu.vector_store %arg11[%parallel_loop3A_406, %parallel_loop3A_407, %parallel_loop3A_408], %parallel_loop3A_402 {strides = array<i32>} : memref<2x2000x16xf32, #tpu.memory_space<vmem>>, vector<16xf32>,
      %parallel_loop3A_410 = arith.constant 5 : i32
      %parallel_loop3A_411 = arith.addi %parallel_loop3A_319, %parallel_loop3A_410 : i32
      %parallel_loop3A_412 = arith.constant 0 : i32
      %parallel_loop3A_413 = arith.index_cast %parallel_loop3A_412 : i32 to index
      %parallel_loop3A_414 = arith.index_cast %parallel_loop3A_411 : i32 to index
      %parallel_loop3A_415 = arith.constant 0 : index
      %parallel_loop3A_416 = tpu.vector_load %arg11[%parallel_loop3A_413, %parallel_loop3A_414, %parallel_loop3A_415] {strides = array<i32>} : memref<2x2000x16xf32, #tpu.memory_space<vmem>>, vector<16xf32>,
      %parallel_loop3A_417 = vector.extract_strided_slice %parallel_loop3A_317 {offsets = [5], sizes = [1], strides = [1]} : vector<16xf32> to vector<1xf32>
      %parallel_loop3A_418 = vector.extract %parallel_loop3A_417[0] : f32 from vector<1xf32>
      %parallel_loop3A_419 = vector.broadcast %parallel_loop3A_418 : f32 to vector<16xf32>
      %parallel_loop3A_420 = arith.mulf %parallel_loop3A_416, %parallel_loop3A_419 : vector<16xf32>
      %parallel_loop3A_421 = arith.constant 5 : i32
      %parallel_loop3A_422 = arith.addi %parallel_loop3A_319, %parallel_loop3A_421 : i32
      %parallel_loop3A_423 = arith.constant 0 : i32
      %parallel_loop3A_424 = arith.index_cast %parallel_loop3A_423 : i32 to index
      %parallel_loop3A_425 = arith.index_cast %parallel_loop3A_422 : i32 to index
      %parallel_loop3A_426 = arith.constant 0 : index
      %parallel_loop3A_427 = tpu.vector_load %arg11[%parallel_loop3A_424, %parallel_loop3A_425, %parallel_loop3A_426] {strides = array<i32>} : memref<2x2000x16xf32, #tpu.memory_space<vmem>>, vector<16xf32>,
      tpu.vector_store %arg11[%parallel_loop3A_424, %parallel_loop3A_425, %parallel_loop3A_426], %parallel_loop3A_420 {strides = array<i32>} : memref<2x2000x16xf32, #tpu.memory_space<vmem>>, vector<16xf32>,
      %parallel_loop3A_428 = arith.constant 6 : i32
      %parallel_loop3A_429 = arith.addi %parallel_loop3A_319, %parallel_loop3A_428 : i32
      %parallel_loop3A_430 = arith.constant 0 : i32
      %parallel_loop3A_431 = arith.index_cast %parallel_loop3A_430 : i32 to index
      %parallel_loop3A_432 = arith.index_cast %parallel_loop3A_429 : i32 to index
      %parallel_loop3A_433 = arith.constant 0 : index
      %parallel_loop3A_434 = tpu.vector_load %arg11[%parallel_loop3A_431, %parallel_loop3A_432, %parallel_loop3A_433] {strides = array<i32>} : memref<2x2000x16xf32, #tpu.memory_space<vmem>>, vector<16xf32>,
      %parallel_loop3A_435 = vector.extract_strided_slice %parallel_loop3A_317 {offsets = [6], sizes = [1], strides = [1]} : vector<16xf32> to vector<1xf32>
      %parallel_loop3A_436 = vector.extract %parallel_loop3A_435[0] : f32 from vector<1xf32>
      %parallel_loop3A_437 = vector.broadcast %parallel_loop3A_436 : f32 to vector<16xf32>
      %parallel_loop3A_438 = arith.mulf %parallel_loop3A_434, %parallel_loop3A_437 : vector<16xf32>
      %parallel_loop3A_439 = arith.constant 6 : i32
      %parallel_loop3A_440 = arith.addi %parallel_loop3A_319, %parallel_loop3A_439 : i32
      %parallel_loop3A_441 = arith.constant 0 : i32
      %parallel_loop3A_442 = arith.index_cast %parallel_loop3A_441 : i32 to index
      %parallel_loop3A_443 = arith.index_cast %parallel_loop3A_440 : i32 to index
      %parallel_loop3A_444 = arith.constant 0 : index
      %parallel_loop3A_445 = tpu.vector_load %arg11[%parallel_loop3A_442, %parallel_loop3A_443, %parallel_loop3A_444] {strides = array<i32>} : memref<2x2000x16xf32, #tpu.memory_space<vmem>>, vector<16xf32>,
      tpu.vector_store %arg11[%parallel_loop3A_442, %parallel_loop3A_443, %parallel_loop3A_444], %parallel_loop3A_438 {strides = array<i32>} : memref<2x2000x16xf32, #tpu.memory_space<vmem>>, vector<16xf32>,
      %parallel_loop3A_446 = arith.constant 7 : i32
      %parallel_loop3A_447 = arith.addi %parallel_loop3A_319, %parallel_loop3A_446 : i32
      %parallel_loop3A_448 = arith.constant 0 : i32
      %parallel_loop3A_449 = arith.index_cast %parallel_loop3A_448 : i32 to index
      %parallel_loop3A_450 = arith.index_cast %parallel_loop3A_447 : i32 to index
      %parallel_loop3A_451 = arith.constant 0 : index
      %parallel_loop3A_452 = tpu.vector_load %arg11[%parallel_loop3A_449, %parallel_loop3A_450, %parallel_loop3A_451] {strides = array<i32>} : memref<2x2000x16xf32, #tpu.memory_space<vmem>>, vector<16xf32>,
      %parallel_loop3A_453 = vector.extract_strided_slice %parallel_loop3A_317 {offsets = [7], sizes = [1], strides = [1]} : vector<16xf32> to vector<1xf32>
      %parallel_loop3A_454 = vector.extract %parallel_loop3A_453[0] : f32 from vector<1xf32>
      %parallel_loop3A_455 = vector.broadcast %parallel_loop3A_454 : f32 to vector<16xf32>
      %parallel_loop3A_456 = arith.mulf %parallel_loop3A_452, %parallel_loop3A_455 : vector<16xf32>
      %parallel_loop3A_457 = arith.constant 7 : i32
      %parallel_loop3A_458 = arith.addi %parallel_loop3A_319, %parallel_loop3A_457 : i32
      %parallel_loop3A_459 = arith.constant 0 : i32
      %parallel_loop3A_460 = arith.index_cast %parallel_loop3A_459 : i32 to index
      %parallel_loop3A_461 = arith.index_cast %parallel_loop3A_458 : i32 to index
      %parallel_loop3A_462 = arith.constant 0 : index
      %parallel_loop3A_463 = tpu.vector_load %arg11[%parallel_loop3A_460, %parallel_loop3A_461, %parallel_loop3A_462] {strides = array<i32>} : memref<2x2000x16xf32, #tpu.memory_space<vmem>>, vector<16xf32>,
      tpu.vector_store %arg11[%parallel_loop3A_460, %parallel_loop3A_461, %parallel_loop3A_462], %parallel_loop3A_456 {strides = array<i32>} : memref<2x2000x16xf32, #tpu.memory_space<vmem>>, vector<16xf32>,
      %parallel_loop3A_464 = arith.constant 8 : i32
      %parallel_loop3A_465 = arith.addi %parallel_loop3A_319, %parallel_loop3A_464 : i32
      %parallel_loop3A_466 = arith.constant 0 : i32
      %parallel_loop3A_467 = arith.index_cast %parallel_loop3A_466 : i32 to index
      %parallel_loop3A_468 = arith.index_cast %parallel_loop3A_465 : i32 to index
      %parallel_loop3A_469 = arith.constant 0 : index
      %parallel_loop3A_470 = tpu.vector_load %arg11[%parallel_loop3A_467, %parallel_loop3A_468, %parallel_loop3A_469] {strides = array<i32>} : memref<2x2000x16xf32, #tpu.memory_space<vmem>>, vector<16xf32>,
      %parallel_loop3A_471 = vector.extract_strided_slice %parallel_loop3A_317 {offsets = [8], sizes = [1], strides = [1]} : vector<16xf32> to vector<1xf32>
      %parallel_loop3A_472 = vector.extract %parallel_loop3A_471[0] : f32 from vector<1xf32>
      %parallel_loop3A_473 = vector.broadcast %parallel_loop3A_472 : f32 to vector<16xf32>
      %parallel_loop3A_474 = arith.mulf %parallel_loop3A_470, %parallel_loop3A_473 : vector<16xf32>
      %parallel_loop3A_475 = arith.constant 8 : i32
      %parallel_loop3A_476 = arith.addi %parallel_loop3A_319, %parallel_loop3A_475 : i32
      %parallel_loop3A_477 = arith.constant 0 : i32
      %parallel_loop3A_478 = arith.index_cast %parallel_loop3A_477 : i32 to index
      %parallel_loop3A_479 = arith.index_cast %parallel_loop3A_476 : i32 to index
      %parallel_loop3A_480 = arith.constant 0 : index
      %parallel_loop3A_481 = tpu.vector_load %arg11[%parallel_loop3A_478, %parallel_loop3A_479, %parallel_loop3A_480] {strides = array<i32>} : memref<2x2000x16xf32, #tpu.memory_space<vmem>>, vector<16xf32>,
      tpu.vector_store %arg11[%parallel_loop3A_478, %parallel_loop3A_479, %parallel_loop3A_480], %parallel_loop3A_474 {strides = array<i32>} : memref<2x2000x16xf32, #tpu.memory_space<vmem>>, vector<16xf32>,
      %parallel_loop3A_482 = arith.constant 9 : i32
      %parallel_loop3A_483 = arith.addi %parallel_loop3A_319, %parallel_loop3A_482 : i32
      %parallel_loop3A_484 = arith.constant 0 : i32
      %parallel_loop3A_485 = arith.index_cast %parallel_loop3A_484 : i32 to index
      %parallel_loop3A_486 = arith.index_cast %parallel_loop3A_483 : i32 to index
      %parallel_loop3A_487 = arith.constant 0 : index
      %parallel_loop3A_488 = tpu.vector_load %arg11[%parallel_loop3A_485, %parallel_loop3A_486, %parallel_loop3A_487] {strides = array<i32>} : memref<2x2000x16xf32, #tpu.memory_space<vmem>>, vector<16xf32>,
      %parallel_loop3A_489 = vector.extract_strided_slice %parallel_loop3A_317 {offsets = [9], sizes = [1], strides = [1]} : vector<16xf32> to vector<1xf32>
      %parallel_loop3A_490 = vector.extract %parallel_loop3A_489[0] : f32 from vector<1xf32>
      %parallel_loop3A_491 = vector.broadcast %parallel_loop3A_490 : f32 to vector<16xf32>
      %parallel_loop3A_492 = arith.mulf %parallel_loop3A_488, %parallel_loop3A_491 : vector<16xf32>
      %parallel_loop3A_493 = arith.constant 9 : i32
      %parallel_loop3A_494 = arith.addi %parallel_loop3A_319, %parallel_loop3A_493 : i32
      %parallel_loop3A_495 = arith.constant 0 : i32
      %parallel_loop3A_496 = arith.index_cast %parallel_loop3A_495 : i32 to index
      %parallel_loop3A_497 = arith.index_cast %parallel_loop3A_494 : i32 to index
      %parallel_loop3A_498 = arith.constant 0 : index
      %parallel_loop3A_499 = tpu.vector_load %arg11[%parallel_loop3A_496, %parallel_loop3A_497, %parallel_loop3A_498] {strides = array<i32>} : memref<2x2000x16xf32, #tpu.memory_space<vmem>>, vector<16xf32>,
      tpu.vector_store %arg11[%parallel_loop3A_496, %parallel_loop3A_497, %parallel_loop3A_498], %parallel_loop3A_492 {strides = array<i32>} : memref<2x2000x16xf32, #tpu.memory_space<vmem>>, vector<16xf32>,
      %parallel_loop3A_500 = arith.constant 10 : i32
      %parallel_loop3A_501 = arith.addi %parallel_loop3A_319, %parallel_loop3A_500 : i32
      %parallel_loop3A_502 = arith.constant 0 : i32
      %parallel_loop3A_503 = arith.index_cast %parallel_loop3A_502 : i32 to index
      %parallel_loop3A_504 = arith.index_cast %parallel_loop3A_501 : i32 to index
      %parallel_loop3A_505 = arith.constant 0 : index
      %parallel_loop3A_506 = tpu.vector_load %arg11[%parallel_loop3A_503, %parallel_loop3A_504, %parallel_loop3A_505] {strides = array<i32>} : memref<2x2000x16xf32, #tpu.memory_space<vmem>>, vector<16xf32>,
      %parallel_loop3A_507 = vector.extract_strided_slice %parallel_loop3A_317 {offsets = [10], sizes = [1], strides = [1]} : vector<16xf32> to vector<1xf32>
      %parallel_loop3A_508 = vector.extract %parallel_loop3A_507[0] : f32 from vector<1xf32>
      %parallel_loop3A_509 = vector.broadcast %parallel_loop3A_508 : f32 to vector<16xf32>
      %parallel_loop3A_510 = arith.mulf %parallel_loop3A_506, %parallel_loop3A_509 : vector<16xf32>
      %parallel_loop3A_511 = arith.constant 10 : i32
      %parallel_loop3A_512 = arith.addi %parallel_loop3A_319, %parallel_loop3A_511 : i32
      %parallel_loop3A_513 = arith.constant 0 : i32
      %parallel_loop3A_514 = arith.index_cast %parallel_loop3A_513 : i32 to index
      %parallel_loop3A_515 = arith.index_cast %parallel_loop3A_512 : i32 to index
      %parallel_loop3A_516 = arith.constant 0 : index
      %parallel_loop3A_517 = tpu.vector_load %arg11[%parallel_loop3A_514, %parallel_loop3A_515, %parallel_loop3A_516] {strides = array<i32>} : memref<2x2000x16xf32, #tpu.memory_space<vmem>>, vector<16xf32>,
      tpu.vector_store %arg11[%parallel_loop3A_514, %parallel_loop3A_515, %parallel_loop3A_516], %parallel_loop3A_510 {strides = array<i32>} : memref<2x2000x16xf32, #tpu.memory_space<vmem>>, vector<16xf32>,
      %parallel_loop3A_518 = arith.constant 11 : i32
      %parallel_loop3A_519 = arith.addi %parallel_loop3A_319, %parallel_loop3A_518 : i32
      %parallel_loop3A_520 = arith.constant 0 : i32
      %parallel_loop3A_521 = arith.index_cast %parallel_loop3A_520 : i32 to index
      %parallel_loop3A_522 = arith.index_cast %parallel_loop3A_519 : i32 to index
      %parallel_loop3A_523 = arith.constant 0 : index
      %parallel_loop3A_524 = tpu.vector_load %arg11[%parallel_loop3A_521, %parallel_loop3A_522, %parallel_loop3A_523] {strides = array<i32>} : memref<2x2000x16xf32, #tpu.memory_space<vmem>>, vector<16xf32>,
      %parallel_loop3A_525 = vector.extract_strided_slice %parallel_loop3A_317 {offsets = [11], sizes = [1], strides = [1]} : vector<16xf32> to vector<1xf32>
      %parallel_loop3A_526 = vector.extract %parallel_loop3A_525[0] : f32 from vector<1xf32>
      %parallel_loop3A_527 = vector.broadcast %parallel_loop3A_526 : f32 to vector<16xf32>
      %parallel_loop3A_528 = arith.mulf %parallel_loop3A_524, %parallel_loop3A_527 : vector<16xf32>
      %parallel_loop3A_529 = arith.constant 11 : i32
      %parallel_loop3A_530 = arith.addi %parallel_loop3A_319, %parallel_loop3A_529 : i32
      %parallel_loop3A_531 = arith.constant 0 : i32
      %parallel_loop3A_532 = arith.index_cast %parallel_loop3A_531 : i32 to index
      %parallel_loop3A_533 = arith.index_cast %parallel_loop3A_530 : i32 to index
      %parallel_loop3A_534 = arith.constant 0 : index
      %parallel_loop3A_535 = tpu.vector_load %arg11[%parallel_loop3A_532, %parallel_loop3A_533, %parallel_loop3A_534] {strides = array<i32>} : memref<2x2000x16xf32, #tpu.memory_space<vmem>>, vector<16xf32>,
      tpu.vector_store %arg11[%parallel_loop3A_532, %parallel_loop3A_533, %parallel_loop3A_534], %parallel_loop3A_528 {strides = array<i32>} : memref<2x2000x16xf32, #tpu.memory_space<vmem>>, vector<16xf32>,
      %parallel_loop3A_536 = arith.constant 12 : i32
      %parallel_loop3A_537 = arith.addi %parallel_loop3A_319, %parallel_loop3A_536 : i32
      %parallel_loop3A_538 = arith.constant 0 : i32
      %parallel_loop3A_539 = arith.index_cast %parallel_loop3A_538 : i32 to index
      %parallel_loop3A_540 = arith.index_cast %parallel_loop3A_537 : i32 to index
      %parallel_loop3A_541 = arith.constant 0 : index
      %parallel_loop3A_542 = tpu.vector_load %arg11[%parallel_loop3A_539, %parallel_loop3A_540, %parallel_loop3A_541] {strides = array<i32>} : memref<2x2000x16xf32, #tpu.memory_space<vmem>>, vector<16xf32>,
      %parallel_loop3A_543 = vector.extract_strided_slice %parallel_loop3A_317 {offsets = [12], sizes = [1], strides = [1]} : vector<16xf32> to vector<1xf32>
      %parallel_loop3A_544 = vector.extract %parallel_loop3A_543[0] : f32 from vector<1xf32>
      %parallel_loop3A_545 = vector.broadcast %parallel_loop3A_544 : f32 to vector<16xf32>
      %parallel_loop3A_546 = arith.mulf %parallel_loop3A_542, %parallel_loop3A_545 : vector<16xf32>
      %parallel_loop3A_547 = arith.constant 12 : i32
      %parallel_loop3A_548 = arith.addi %parallel_loop3A_319, %parallel_loop3A_547 : i32
      %parallel_loop3A_549 = arith.constant 0 : i32
      %parallel_loop3A_550 = arith.index_cast %parallel_loop3A_549 : i32 to index
      %parallel_loop3A_551 = arith.index_cast %parallel_loop3A_548 : i32 to index
      %parallel_loop3A_552 = arith.constant 0 : index
      %parallel_loop3A_553 = tpu.vector_load %arg11[%parallel_loop3A_550, %parallel_loop3A_551, %parallel_loop3A_552] {strides = array<i32>} : memref<2x2000x16xf32, #tpu.memory_space<vmem>>, vector<16xf32>,
      tpu.vector_store %arg11[%parallel_loop3A_550, %parallel_loop3A_551, %parallel_loop3A_552], %parallel_loop3A_546 {strides = array<i32>} : memref<2x2000x16xf32, #tpu.memory_space<vmem>>, vector<16xf32>,
      %parallel_loop3A_554 = arith.constant 13 : i32
      %parallel_loop3A_555 = arith.addi %parallel_loop3A_319, %parallel_loop3A_554 : i32
      %parallel_loop3A_556 = arith.constant 0 : i32
      %parallel_loop3A_557 = arith.index_cast %parallel_loop3A_556 : i32 to index
      %parallel_loop3A_558 = arith.index_cast %parallel_loop3A_555 : i32 to index
      %parallel_loop3A_559 = arith.constant 0 : index
      %parallel_loop3A_560 = tpu.vector_load %arg11[%parallel_loop3A_557, %parallel_loop3A_558, %parallel_loop3A_559] {strides = array<i32>} : memref<2x2000x16xf32, #tpu.memory_space<vmem>>, vector<16xf32>,
      %parallel_loop3A_561 = vector.extract_strided_slice %parallel_loop3A_317 {offsets = [13], sizes = [1], strides = [1]} : vector<16xf32> to vector<1xf32>
      %parallel_loop3A_562 = vector.extract %parallel_loop3A_561[0] : f32 from vector<1xf32>
      %parallel_loop3A_563 = vector.broadcast %parallel_loop3A_562 : f32 to vector<16xf32>
      %parallel_loop3A_564 = arith.mulf %parallel_loop3A_560, %parallel_loop3A_563 : vector<16xf32>
      %parallel_loop3A_565 = arith.constant 13 : i32
      %parallel_loop3A_566 = arith.addi %parallel_loop3A_319, %parallel_loop3A_565 : i32
      %parallel_loop3A_567 = arith.constant 0 : i32
      %parallel_loop3A_568 = arith.index_cast %parallel_loop3A_567 : i32 to index
      %parallel_loop3A_569 = arith.index_cast %parallel_loop3A_566 : i32 to index
      %parallel_loop3A_570 = arith.constant 0 : index
      %parallel_loop3A_571 = tpu.vector_load %arg11[%parallel_loop3A_568, %parallel_loop3A_569, %parallel_loop3A_570] {strides = array<i32>} : memref<2x2000x16xf32, #tpu.memory_space<vmem>>, vector<16xf32>,
      tpu.vector_store %arg11[%parallel_loop3A_568, %parallel_loop3A_569, %parallel_loop3A_570], %parallel_loop3A_564 {strides = array<i32>} : memref<2x2000x16xf32, #tpu.memory_space<vmem>>, vector<16xf32>,
      %parallel_loop3A_572 = arith.constant 14 : i32
      %parallel_loop3A_573 = arith.addi %parallel_loop3A_319, %parallel_loop3A_572 : i32
      %parallel_loop3A_574 = arith.constant 0 : i32
      %parallel_loop3A_575 = arith.index_cast %parallel_loop3A_574 : i32 to index
      %parallel_loop3A_576 = arith.index_cast %parallel_loop3A_573 : i32 to index
      %parallel_loop3A_577 = arith.constant 0 : index
      %parallel_loop3A_578 = tpu.vector_load %arg11[%parallel_loop3A_575, %parallel_loop3A_576, %parallel_loop3A_577] {strides = array<i32>} : memref<2x2000x16xf32, #tpu.memory_space<vmem>>, vector<16xf32>,
      %parallel_loop3A_579 = vector.extract_strided_slice %parallel_loop3A_317 {offsets = [14], sizes = [1], strides = [1]} : vector<16xf32> to vector<1xf32>
      %parallel_loop3A_580 = vector.extract %parallel_loop3A_579[0] : f32 from vector<1xf32>
      %parallel_loop3A_581 = vector.broadcast %parallel_loop3A_580 : f32 to vector<16xf32>
      %parallel_loop3A_582 = arith.mulf %parallel_loop3A_578, %parallel_loop3A_581 : vector<16xf32>
      %parallel_loop3A_583 = arith.constant 14 : i32
      %parallel_loop3A_584 = arith.addi %parallel_loop3A_319, %parallel_loop3A_583 : i32
      %parallel_loop3A_585 = arith.constant 0 : i32
      %parallel_loop3A_586 = arith.index_cast %parallel_loop3A_585 : i32 to index
      %parallel_loop3A_587 = arith.index_cast %parallel_loop3A_584 : i32 to index
      %parallel_loop3A_588 = arith.constant 0 : index
      %parallel_loop3A_589 = tpu.vector_load %arg11[%parallel_loop3A_586, %parallel_loop3A_587, %parallel_loop3A_588] {strides = array<i32>} : memref<2x2000x16xf32, #tpu.memory_space<vmem>>, vector<16xf32>,
      tpu.vector_store %arg11[%parallel_loop3A_586, %parallel_loop3A_587, %parallel_loop3A_588], %parallel_loop3A_582 {strides = array<i32>} : memref<2x2000x16xf32, #tpu.memory_space<vmem>>, vector<16xf32>,
      %parallel_loop3A_590 = arith.constant 15 : i32
      %parallel_loop3A_591 = arith.addi %parallel_loop3A_319, %parallel_loop3A_590 : i32
      %parallel_loop3A_592 = arith.constant 0 : i32
      %parallel_loop3A_593 = arith.index_cast %parallel_loop3A_592 : i32 to index
      %parallel_loop3A_594 = arith.index_cast %parallel_loop3A_591 : i32 to index
      %parallel_loop3A_595 = arith.constant 0 : index
      %parallel_loop3A_596 = tpu.vector_load %arg11[%parallel_loop3A_593, %parallel_loop3A_594, %parallel_loop3A_595] {strides = array<i32>} : memref<2x2000x16xf32, #tpu.memory_space<vmem>>, vector<16xf32>,
      %parallel_loop3A_597 = vector.extract_strided_slice %parallel_loop3A_317 {offsets = [15], sizes = [1], strides = [1]} : vector<16xf32> to vector<1xf32>
      %parallel_loop3A_598 = vector.extract %parallel_loop3A_597[0] : f32 from vector<1xf32>
      %parallel_loop3A_599 = vector.broadcast %parallel_loop3A_598 : f32 to vector<16xf32>
      %parallel_loop3A_600 = arith.mulf %parallel_loop3A_596, %parallel_loop3A_599 : vector<16xf32>
      %parallel_loop3A_601 = arith.constant 15 : i32
      %parallel_loop3A_602 = arith.addi %parallel_loop3A_319, %parallel_loop3A_601 : i32
      %parallel_loop3A_603 = arith.constant 0 : i32
      %parallel_loop3A_604 = arith.index_cast %parallel_loop3A_603 : i32 to index
      %parallel_loop3A_605 = arith.index_cast %parallel_loop3A_602 : i32 to index
      %parallel_loop3A_606 = arith.constant 0 : index
      %parallel_loop3A_607 = tpu.vector_load %arg11[%parallel_loop3A_604, %parallel_loop3A_605, %parallel_loop3A_606] {strides = array<i32>} : memref<2x2000x16xf32, #tpu.memory_space<vmem>>, vector<16xf32>,
      tpu.vector_store %arg11[%parallel_loop3A_604, %parallel_loop3A_605, %parallel_loop3A_606], %parallel_loop3A_600 {strides = array<i32>} : memref<2x2000x16xf32, #tpu.memory_space<vmem>>, vector<16xf32>,
    } {sc.loop_unroll_factor = 2 : i64, sc.parallel_access}
    %dma_start3A_270 = arith.constant 0 : i32
    %dma_start3A_271 = arith.constant 0 : i32
    %dma_start3A_272 = arith.constant 0 : i32
    %dma_start3A_273 = arith.constant 0 : i32
    %dma_start3A_274 = tpu.memref_slice %arg11[%dma_start3A_270, %dma_start3A_272, %dma_start3A_273] : memref<2x2000x16xf32, #tpu.memory_space<vmem>> -> memref<1x2000x16xf32, #tpu.memory_space<vmem>>
    %dma_start3A_275 = tpu.memref_squeeze %dma_start3A_274 : memref<1x2000x16xf32, #tpu.memory_space<vmem>> -> memref<2000x16xf32, #tpu.memory_space<vmem>>
    %dma_start3A_276 = arith.constant 0 : i32
    %dma_start3A_277 = tpu.memref_slice %arg9[%dma_start3A_271, %dma_start3A_276] : memref<2x2000xi32, #tpu.memory_space<vmem>> -> memref<1x2000xi32, #tpu.memory_space<vmem>>
    %dma_start3A_278 = tpu.memref_squeeze %dma_start3A_277 : memref<1x2000xi32, #tpu.memory_space<vmem>> -> memref<2000xi32, #tpu.memory_space<vmem>>
    %dma_start3A_279 = arith.constant 0 : i32
    %dma_start3A_280 = arith.constant 0 : i32
    %dma_start3A_281 = tpu.memref_slice %arg14[%dma_start3A_279, %dma_start3A_280] : memref<10240x16xf32, #tpu.memory_space<vmem_shared>> -> memref<10240x16xf32, #tpu.memory_space<vmem_shared>>
    tpu.enqueue_indirect_dma source(%dma_start3A_275 : memref<2000x16xf32, #tpu.memory_space<vmem>>) target(%dma_start3A_281 : memref<10240x16xf32, #tpu.memory_space<vmem_shared>>) offsets(%dma_start3A_278 : memref<2000xi32, #tpu.memory_space<vmem>>) semaphore(%arg18 : memref<!tpu.dma_semaphore, #tpu.memory_space<semaphore_mem>>) {add = true}
    %dma_wait3A_282 = arith.constant 0 : i32
    %dma_wait3A_283 = arith.constant 0 : i32
    %dma_wait3A_284 = arith.constant 0 : i32
    %dma_wait3A_285 = arith.constant 0 : i32
    %dma_wait3A_286 = tpu.memref_slice %arg11[%dma_wait3A_282, %dma_wait3A_284, %dma_wait3A_285] : memref<2x2000x16xf32, #tpu.memory_space<vmem>> -> memref<1x2000x16xf32, #tpu.memory_space<vmem>>
    %dma_wait3A_287 = tpu.memref_squeeze %dma_wait3A_286 : memref<1x2000x16xf32, #tpu.memory_space<vmem>> -> memref<2000x16xf32, #tpu.memory_space<vmem>>
    %dma_wait3A_288 = arith.constant 0 : i32
    %dma_wait3A_289 = tpu.memref_slice %arg9[%dma_wait3A_283, %dma_wait3A_288] : memref<2x2000xi32, #tpu.memory_space<vmem>> -> memref<1x2000xi32, #tpu.memory_space<vmem>>
    %dma_wait3A_290 = tpu.memref_squeeze %dma_wait3A_289 : memref<1x2000xi32, #tpu.memory_space<vmem>> -> memref<2000xi32, #tpu.memory_space<vmem>>
    %dma_wait3A_291 = arith.constant 0 : i32
    %dma_wait3A_292 = arith.constant 0 : i32
    %dma_wait3A_293 = tpu.memref_slice %arg14[%dma_wait3A_291, %dma_wait3A_292] : memref<10240x16xf32, #tpu.memory_space<vmem_shared>> -> memref<10240x16xf32, #tpu.memory_space<vmem_shared>>
    tpu.wait_indirect_dma semaphore(%arg18 : memref<!tpu.dma_semaphore, #tpu.memory_space<semaphore_mem>>) src(%dma_wait3A_287 : memref<2000x16xf32, #tpu.memory_space<vmem>>) dst(%dma_wait3A_293 : memref<10240x16xf32, #tpu.memory_space<vmem_shared>>)
    %dma_wait3A_294 = arith.constant 1 : i32
    %dma_wait3A_295 = arith.constant 1 : i32
    %dma_wait3A_296 = arith.constant 0 : i32
    %dma_wait3A_297 = arith.constant 0 : i32
    %dma_wait3A_298 = tpu.memref_slice %arg11[%dma_wait3A_294, %dma_wait3A_296, %dma_wait3A_297] : memref<2x2000x16xf32, #tpu.memory_space<vmem>> -> memref<1x2000x16xf32, #tpu.memory_space<vmem>>
    %dma_wait3A_299 = tpu.memref_squeeze %dma_wait3A_298 : memref<1x2000x16xf32, #tpu.memory_space<vmem>> -> memref<2000x16xf32, #tpu.memory_space<vmem>>
    %dma_wait3A_300 = arith.constant 0 : i32
    %dma_wait3A_301 = tpu.memref_slice %arg9[%dma_wait3A_295, %dma_wait3A_300] : memref<2x2000xi32, #tpu.memory_space<vmem>> -> memref<1x2000xi32, #tpu.memory_space<vmem>>
    %dma_wait3A_302 = tpu.memref_squeeze %dma_wait3A_301 : memref<1x2000xi32, #tpu.memory_space<vmem>> -> memref<2000xi32, #tpu.memory_space<vmem>>
    %dma_wait3A_303 = arith.constant 0 : i32
    %dma_wait3A_304 = arith.constant 0 : i32
    %dma_wait3A_305 = tpu.memref_slice %arg14[%dma_wait3A_303, %dma_wait3A_304] : memref<10240x16xf32, #tpu.memory_space<vmem_shared>> -> memref<10240x16xf32, #tpu.memory_space<vmem_shared>>
    tpu.wait_indirect_dma semaphore(%arg19 : memref<!tpu.dma_semaphore, #tpu.memory_space<semaphore_mem>>) src(%dma_wait3A_299 : memref<2000x16xf32, #tpu.memory_space<vmem>>) dst(%dma_wait3A_305 : memref<10240x16xf32, #tpu.memory_space<vmem_shared>>)
    %barrier3A_306 = arith.constant 0 : index
    tpu.barrier barrier_id(%barrier3A_306)
    %mul3A_307 = arith.constant 640 : i32
    %mul3A_308 = arith.muli %arg1, %mul3A_307 : i32
    %mul3A_309 = arith.constant 640 : i32
    %mul3A_310 = arith.muli %arg1, %mul3A_309 : i32
    "tpu.region"() ({
      %run_scoped3A_311 = tpu.sem_alloc : memref<!tpu.dma_semaphore, #tpu.memory_space<semaphore_mem>>
      %dma_start3A_312 = arith.constant 0 : i32
      %dma_start3A_313 = tpu.memref_slice %arg7[%arg0, %mul3A_310, %dma_start3A_312] : memref<2x10240x16xf32, #tpu.memory_space<hbm>> -> memref<1x640x16xf32, #tpu.memory_space<hbm>>
      %dma_start3A_314 = tpu.memref_squeeze %dma_start3A_313 : memref<1x640x16xf32, #tpu.memory_space<hbm>> -> memref<640x16xf32, #tpu.memory_space<hbm>>
      %dma_start3A_315 = arith.constant 0 : i32
      %dma_start3A_316 = tpu.memref_slice %arg14[%mul3A_308, %dma_start3A_315] : memref<10240x16xf32, #tpu.memory_space<vmem_shared>> -> memref<640x16xf32, #tpu.memory_space<vmem_shared>>
      tpu.enqueue_dma source(%dma_start3A_316 : memref<640x16xf32, #tpu.memory_space<vmem_shared>>) target(%dma_start3A_314 : memref<640x16xf32, #tpu.memory_space<hbm>>) target_semaphore(%run_scoped3A_311 : memref<!tpu.dma_semaphore, #tpu.memory_space<semaphore_mem>>)
      %dma_wait3A_317 = arith.constant 0 : i32
      %dma_wait3A_318 = tpu.memref_slice %arg7[%arg0, %mul3A_310, %dma_wait3A_317] : memref<2x10240x16xf32, #tpu.memory_space<hbm>> -> memref<1x640x16xf32, #tpu.memory_space<hbm>>
      %dma_wait3A_319 = tpu.memref_squeeze %dma_wait3A_318 : memref<1x640x16xf32, #tpu.memory_space<hbm>> -> memref<640x16xf32, #tpu.memory_space<hbm>>
      %dma_wait3A_320 = arith.constant 0 : i32
      %dma_wait3A_321 = tpu.memref_slice %arg14[%mul3A_308, %dma_wait3A_320] : memref<10240x16xf32, #tpu.memory_space<vmem_shared>> -> memref<640x16xf32, #tpu.memory_space<vmem_shared>>
      tpu.wait_dma2 semaphore(%run_scoped3A_311 : memref<!tpu.dma_semaphore, #tpu.memory_space<semaphore_mem>>) src(%dma_wait3A_321 : memref<640x16xf32, #tpu.memory_space<vmem_shared>>) dst(%dma_wait3A_319 : memref<640x16xf32, #tpu.memory_space<hbm>>)
      tpu.yield
    }) : () -> ()
    return
  }
}

module attributes {stable_mosaic.version = 14 : i64} {
  func.func @_tc1_body(%arg0: memref<10000x128xf32, #tpu.memory_space<vmem>>, %arg1: memref<128x16xf32, #tpu.memory_space<vmem>>, %arg2: memref<2x10240xf32, #tpu.memory_space<vmem>>, %arg3: memref<10240x16xf32, #tpu.memory_space<vmem>>, %arg4: memref<10240xf32, #tpu.memory_space<vmem>>) attributes {dimension_semantics = [], scalar_prefetch = 0 : i64, scratch_operands = 0 : i64, tpu.core_type = #tpu.core_type<tc>} {
    %get3A = arith.constant 0 : index
    %get3A_0 = arith.constant 0 : index
    %get3A_1 = vector.load %arg0[%get3A, %get3A_0] : memref<10000x128xf32, #tpu.memory_space<vmem>>, vector<10000x128xf32>
    %get3A_2 = arith.constant 0 : index
    %get3A_3 = arith.constant 0 : index
    %get3A_4 = vector.load %arg1[%get3A_2, %get3A_3] : memref<128x16xf32, #tpu.memory_space<vmem>>, vector<128x16xf32>
    %dot_general3A = arith.constant dense<0.000000e+00> : vector<10000x16xf32>
    %dot_general3A_5 = tpu.matmul %get3A_1, %get3A_4, %dot_general3A {dimension_numbers = #tpu.dot_dimension_numbers<[1], [0], [0], [1], [0, 0, 1, 1], [], []>, transpose_lhs_hint = false} : vector<10000x128xf32>, vector<128x16xf32>, vector<10000x16xf32> -> vector<10000x16xf32>
    %swap3A = arith.constant 0 : index
    %swap3A_6 = arith.constant 0 : index
    %swap3A_7 = vector.load %arg3[%swap3A, %swap3A_6] : memref<10240x16xf32, #tpu.memory_space<vmem>>, vector<10000x16xf32>
    tpu.vector_store %arg3[%swap3A, %swap3A_6], %dot_general3A_5 {strides = array<i32>} : memref<10240x16xf32, #tpu.memory_space<vmem>>, vector<10000x16xf32>,
    %get3A_8 = arith.constant 0 : index
    %get3A_9 = arith.constant 0 : index
    %get3A_10 = vector.load %arg2[%get3A_8, %get3A_9] : memref<2x10240xf32, #tpu.memory_space<vmem>>, vector<1x10240xf32>
    %get3A_11 = vector.shape_cast %get3A_10 : vector<1x10240xf32> to vector<10240xf32>
    %get3A_12 = arith.constant 1 : index
    %get3A_13 = arith.constant 0 : index
    %get3A_14 = vector.load %arg2[%get3A_12, %get3A_13] : memref<2x10240xf32, #tpu.memory_space<vmem>>, vector<1x10240xf32>
    %get3A_15 = vector.shape_cast %get3A_14 : vector<1x10240xf32> to vector<10240xf32>
    %add3A = arith.addf %get3A_11, %get3A_15 : vector<10240xf32>
    %add3A_16 = arith.constant 1.000000e+00 : f32
    %add3A_17 = vector.broadcast %add3A_16 : f32 to vector<10240xf32>
    %add3A_18 = arith.addf %add3A, %add3A_17 : vector<10240xf32>
    %gt3A = arith.constant 0.000000e+00 : f32
    %gt3A_19 = vector.broadcast %gt3A : f32 to vector<10240xf32>
    %gt3A_20 = arith.cmpf ogt, %add3A_18, %gt3A_19 : vector<10240xf32>
    %max3A = arith.constant 1.000000e-30 : f32
    %max3A_21 = vector.broadcast %max3A : f32 to vector<10240xf32>
    %max3A_22 = arith.maximumf %add3A_18, %max3A_21 : vector<10240xf32>
    %rsqrt3A = math.rsqrt %max3A_22 : vector<10240xf32>
    %jit3A = arith.constant 0.000000e+00 : f32
    %broadcast_in_dim3A = vector.broadcast %jit3A : f32 to vector<10240xf32>
    %select_n3A = arith.select %gt3A_20, %rsqrt3A, %broadcast_in_dim3A : vector<10240xi1>, vector<10240xf32>
    %swap3A_23 = arith.constant 0 : index
    %swap3A_24 = vector.load %arg4[%swap3A_23] : memref<10240xf32, #tpu.memory_space<vmem>>, vector<10240xf32>
    tpu.vector_store %arg4[%swap3A_23], %select_n3A {strides = array<i32>} : memref<10240xf32, #tpu.memory_space<vmem>>, vector<10240xf32>,
    return
  }
}

module attributes {stable_mosaic.version = 14 : i64} {
  func.func @_tc2_body(%arg0: memref<2x10240x16xf32, #tpu.memory_space<vmem>>, %arg1: memref<10240x1xf32, #tpu.memory_space<vmem>>, %arg2: memref<10240x16xf32, #tpu.memory_space<vmem>>, %arg3: memref<1x16xf32, #tpu.memory_space<vmem>>, %arg4: memref<16x40xf32, #tpu.memory_space<vmem>>, %arg5: memref<1x40xf32, #tpu.memory_space<vmem>>, %arg6: memref<10000x40xf32, #tpu.memory_space<vmem>>) attributes {dimension_semantics = [], scalar_prefetch = 0 : i64, scratch_operands = 0 : i64, tpu.core_type = #tpu.core_type<tc>} {
    %get3A = arith.constant 0 : index
    %get3A_0 = arith.constant 0 : index
    %get3A_1 = vector.load %arg1[%get3A, %get3A_0] : memref<10240x1xf32, #tpu.memory_space<vmem>>, vector<10000x1xf32>
    %get3A_2 = arith.constant 0 : index
    %get3A_3 = arith.constant 0 : index
    %get3A_4 = arith.constant 0 : index
    %get3A_5 = vector.load %arg0[%get3A_2, %get3A_3, %get3A_4] : memref<2x10240x16xf32, #tpu.memory_space<vmem>>, vector<1x10000x16xf32>
    %get3A_6 = vector.shape_cast %get3A_5 : vector<1x10000x16xf32> to vector<10000x16xf32>
    %get3A_7 = arith.constant 1 : index
    %get3A_8 = arith.constant 0 : index
    %get3A_9 = arith.constant 0 : index
    %get3A_10 = vector.load %arg0[%get3A_7, %get3A_8, %get3A_9] : memref<2x10240x16xf32, #tpu.memory_space<vmem>>, vector<1x10000x16xf32>
    %get3A_11 = vector.shape_cast %get3A_10 : vector<1x10000x16xf32> to vector<10000x16xf32>
    %add3A = arith.addf %get3A_6, %get3A_11 : vector<10000x16xf32>
    %mul3A = vector.broadcast %get3A_1 : vector<10000x1xf32> to vector<10000x16xf32>
    %mul3A_12 = arith.mulf %add3A, %mul3A : vector<10000x16xf32>
    %get3A_13 = arith.constant 0 : index
    %get3A_14 = arith.constant 0 : index
    %get3A_15 = vector.load %arg2[%get3A_13, %get3A_14] : memref<10240x16xf32, #tpu.memory_space<vmem>>, vector<10000x16xf32>
    %mul3A_16 = arith.mulf %get3A_1, %get3A_1 : vector<10000x1xf32>
    %mul3A_17 = vector.broadcast %mul3A_16 : vector<10000x1xf32> to vector<10000x16xf32>
    %mul3A_18 = arith.mulf %get3A_15, %mul3A_17 : vector<10000x16xf32>
    %add3A_19 = arith.addf %mul3A_12, %mul3A_18 : vector<10000x16xf32>
    %get3A_20 = arith.constant 0 : index
    %get3A_21 = arith.constant 0 : index
    %get3A_22 = vector.load %arg3[%get3A_20, %get3A_21] : memref<1x16xf32, #tpu.memory_space<vmem>>, vector<1x16xf32>
    %add3A_23 = vector.broadcast %get3A_22 : vector<1x16xf32> to vector<10000x16xf32>
    %add3A_24 = arith.addf %add3A_19, %add3A_23 : vector<10000x16xf32>
    %max3A = arith.constant 0.000000e+00 : f32
    %max3A_25 = vector.broadcast %max3A : f32 to vector<10000x16xf32>
    %max3A_26 = arith.maximumf %add3A_24, %max3A_25 : vector<10000x16xf32>
    %get3A_27 = arith.constant 0 : index
    %get3A_28 = arith.constant 0 : index
    %get3A_29 = vector.load %arg4[%get3A_27, %get3A_28] : memref<16x40xf32, #tpu.memory_space<vmem>>, vector<16x40xf32>
    %dot_general3A = arith.constant dense<0.000000e+00> : vector<10000x40xf32>
    %dot_general3A_30 = tpu.matmul %max3A_26, %get3A_29, %dot_general3A {dimension_numbers = #tpu.dot_dimension_numbers<[1], [0], [0], [1], [0, 0, 1, 1], [], []>, transpose_lhs_hint = false} : vector<10000x16xf32>, vector<16x40xf32>, vector<10000x40xf32> -> vector<10000x40xf32>
    %get3A_31 = arith.constant 0 : index
    %get3A_32 = arith.constant 0 : index
    %get3A_33 = vector.load %arg5[%get3A_31, %get3A_32] : memref<1x40xf32, #tpu.memory_space<vmem>>, vector<1x40xf32>
    %add3A_34 = vector.broadcast %get3A_33 : vector<1x40xf32> to vector<10000x40xf32>
    %add3A_35 = arith.addf %dot_general3A_30, %add3A_34 : vector<10000x40xf32>
    %swap3A = arith.constant 0 : index
    %swap3A_36 = arith.constant 0 : index
    %swap3A_37 = vector.load %arg6[%swap3A, %swap3A_36] : memref<10000x40xf32, #tpu.memory_space<vmem>>, vector<10000x40xf32>
    tpu.vector_store %arg6[%swap3A, %swap3A_36], %add3A_35 {strides = array<i32>} : memref<10000x40xf32, #tpu.memory_space<vmem>>, vector<10000x40xf32>,
    return
  }
}

</mosaic_0001>

<sc_bundles>
// kernel: kernel.6.cloned.1.call-start
scs
__scs_entry_jumppad:
0x0: {  	(pc) =	sbr.rel $0x88, $3  }
0x1: {  	(tag) =	ssettag $0x0;
	lr =	simm.s32 $0x1  }
0x2: {  	[smem:$0x3F9A] =	sst lr;
	_ =	strace $0xD0000000  }
0x3: {  	_ = 	snop  }
0x4: {  	_ = 	snop  }
0x5: {  	_ = 	snop  }
0x6: {  	_ = 	snop  }
0x7: {  	_ = 	snop  }
__scs_overlays_trampoline_lowered:
0x8: {  	[smem:$0x3FA9] =	sst s0  }
0x9: {  	[smem:$0x3FAA] =	sst s1  }
0xa: {  	[smem:$0x3FAB] =	sst s2  }
0xb: {  	[smem:$0x3FAC] =	sst s3  }
0xc: {  	[smem:$0x3FAD] =	sst s4  }
0xd: {  	[smem:$0x3FAE] =	sst s5  }
0xe: {  	[smem:$0x3FAF] =	sst s6  }
0xf: {  	[smem:$0x3FB0] =	sst s7  }
0x10: {  	[smem:$0x3FB1] =	sst s8  }
0x11: {  	[smem:$0x3FB2] =	sst s9;
	s0 =	simm.s32 @!p0 $0x0  }
0x12: {  	s1 =	sld [smem:$0x3F98];
	s0 =	simm.s32 @p0 $0x1  }
0x13: {  	[smem:$0x3FB3] =	sst s0;
	s0 =	simm.s32 @!p1 $0x0  }
0x14: {  	s2 =	sld [smem:$0x3F97];
	s0 =	simm.s32 @p1 $0x1  }
0x15: {  	[smem:$0x3FB4] =	sst s0;
	s0 =	simm.s32 @!p2 $0x0  }
0x16: {  	s3 =	sld [smem:$0x3FDB];
	s0 =	simm.s32 @p2 $0x1  }
0x17: {  	s4 =	simm.s32 $0x1BF5;
	[smem:$0x3FB6] =	sst s0  }
0x18: {  	s0 =	sld [smem:$0x3F99];
	_ =	swait.ge [sflag:s4], $0x0  }
0x19: {  	s7 =	sld [smem:$0x3F9A]  }
0x1a: {  	s8 =	sadd.s32 $0xFFFFE003, lr  }
0x1b: {  	s9 =	sadd.s32 $0xFFFFFEF7, lr;
	s5 =	simm.s32 $0xFFFFFFFF;
	p2 =	slt.u32 s8, $0xFFFFF086  }
0x1c: {  	p1 =	slt.u32 s9, $0xF7A;
	s5 =	simm.s32 @!p2 $0x0  }
0x1d: {  	s5 =	simm.s32 @p1 $0x1;
	p0 =	seq.s32 s7, s2  }
0x1e: {  	s7 =	smul.u32 @!p0 $0xF7A, s2;
	p2 =	seq.s32 @!p0 s5, $0x0  }
0x1f: {  	s9 =	smul.u32 $0xF7A, s1;
	s8 =	simm.s32 @!p0 $0x1BF5;
	p2 =	por !p2, p0  }
0x20: {  	[sflag:s8] =	ssyncset.s32 @!p0 $0xFFFFF086;
	s6 =	sadd.s32 @!p0 s3, s7;
	s7 =	simm.s32 @!p0 $0x108  }
0x21: {  	s3 =	sadd.s32 s3, s9;
	s6 =	sadd.s32 @!p0 $0x88, s6;
	s7 =	simm.s32 @p2 $0x1082  }
0x22: {  	[simem:s7], [sflag:s8] =	dma.local @!p0 [hbm:s6], $0xF7A  }
0x23: {  	s9 =	sor.u32 $0xD0000000, s2;
	s6 =	simm.s32 $0x108;
	_ =	swait.ge @!p0 [sflag:s8], $0x0  }
0x24: {  	s3 =	sadd.s32 $0x88, s3;
	s6 =	simm.s32 @!p1 $0x1082;
	[sflag:s4] =	ssyncset.s32 $0xFFFFF086  }
0x25: {  	[simem:s6], [sflag:s4] =	dma.local [hbm:s3], $0xF7A  }
0x26: {  	[smem:$0x3F9A] =	sst s1;
	(tag) =	ssettag s2;
	_ =	strace s9  }
0x27: {  	s1 =	sld [smem:$0x3FAA]  }
0x28: {  	s2 =	sld [smem:$0x3FAB]  }
0x29: {  	s4 =	sld [smem:$0x3FAD]  }
0x2a: {  	p0 =	seq.s32 s5, $0x0;
	s5 =	sld [smem:$0x3FAE]  }
0x2b: {  	s6 =	sld [smem:$0x3FAF]  }
0x2c: {  	s7 =	sld [smem:$0x3FB0]  }
0x2d: {  	s3 =	simm.s32 $0x108;
	s8 =	sld [smem:$0x3FB1]  }
0x2e: {  	s3 =	simm.s32 @!p0 $0x1082;
	s9 =	sld [smem:$0x3FB2]  }
0x2f: {  	lr =	sadd.s32 s0, s3;
	s0 =	sld [smem:$0x3FA9]  }
0x30: {  	s3 =	sld [smem:$0x3FAC]  }
0x31: {  	[smem:$0x3FB5] =	sst s10  }
0x32: {  	s10 =	sld [smem:$0x3FB3];
	_ =	sdelay $0x3  }
0x33: {  	p0 =	seq.s32 s10, $0x1;
	s10 =	sld [smem:$0x3FB5];
	_ =	sdelay $0x3  }
0x34: {  	[smem:$0x3FB5] =	sst s10  }
0x35: {  	s10 =	sld [smem:$0x3FB4];
	_ =	sdelay $0x3  }
0x36: {  	p1 =	seq.s32 s10, $0x1;
	s10 =	sld [smem:$0x3FB5];
	_ =	sdelay $0x3  }
0x37: {  	[smem:$0x3FB5] =	sst s10  }
0x38: {  	s10 =	sld [smem:$0x3FB6]  }
0x39: {  	_ = 	snop;
	(pc) =	sbr.ind lr, $3  }
0x3a: {  	_ = 	snop  }
0x3b: {  	_ = 	snop  }
0x3c: {  	p2 =	seq.s32 s10, $0x1;
	s10 =	sld [smem:$0x3FB5]  }
0x3d: {  	_ =	shalt  }
0x3e: {  	_ =	shalt  }
0x3f: {  	_ =	shalt  }
0x40: {  	_ =	shalt  }
0x41: {  	_ =	shalt  }
0x42: {  	_ =	shalt  }
0x43: {  	_ =	shalt  }
0x44: {  	_ =	shalt  }
0x45: {  	_ =	shalt  }
0x46: {  	_ =	shalt  }
0x47: {  	_ =	shalt  }
0x48: {  	_ =	shalt  }
0x49: {  	_ =	shalt  }
0x4a: {  	_ =	shalt  }
0x4b: {  	_ =	shalt  }
0x4c: {  	_ =	shalt  }
0x4d: {  	_ =	shalt  }
0x4e: {  	_ =	shalt  }
0x4f: {  	_ =	shalt  }
0x50: {  	_ =	shalt  }
0x51: {  	_ =	shalt  }
0x52: {  	_ =	shalt  }
0x53: {  	_ =	shalt  }
0x54: {  	_ =	shalt  }
0x55: {  	_ =	shalt  }
0x56: {  	_ =	shalt  }
0x57: {  	_ =	shalt  }
0x58: {  	_ =	shalt  }
0x59: {  	_ =	shalt  }
0x5a: {  	_ =	shalt  }
0x5b: {  	_ =	shalt  }
0x5c: {  	_ =	shalt  }
0x5d: {  	_ =	shalt  }
0x5e: {  	_ =	shalt  }
0x5f: {  	_ =	shalt  }
0x60: {  	_ =	shalt  }
0x61: {  	_ =	shalt  }
0x62: {  	_ =	shalt  }
0x63: {  	_ =	shalt  }
0x64: {  	_ =	shalt  }
0x65: {  	_ =	shalt  }
0x66: {  	_ =	shalt  }
0x67: {  	_ =	shalt  }
0x68: {  	_ =	shalt  }
0x69: {  	_ =	shalt  }
0x6a: {  	_ =	shalt  }
0x6b: {  	_ =	shalt  }
0x6c: {  	_ =	shalt  }
0x6d: {  	_ =	shalt  }
0x6e: {  	_ =	shalt  }
0x6f: {  	_ =	shalt  }
0x70: {  	_ =	shalt  }
0x71: {  	_ =	shalt  }
0x72: {  	_ =	shalt  }
0x73: {  	_ =	shalt  }
0x74: {  	_ =	shalt  }
0x75: {  	_ =	shalt  }
0x76: {  	_ =	shalt  }
0x77: {  	_ =	shalt  }
0x78: {  	_ =	shalt  }
0x79: {  	_ =	shalt  }
0x7a: {  	_ =	shalt  }
0x7b: {  	_ =	shalt  }
0x7c: {  	_ =	shalt  }
0x7d: {  	_ =	shalt  }
0x7e: {  	_ =	shalt  }
0x7f: {  	_ =	shalt  }
0x80: {  	_ =	shalt  }
0x81: {  	_ =	shalt  }
0x82: {  	_ =	shalt  }
0x83: {  	_ =	shalt  }
0x84: {  	_ =	shalt  }
0x85: {  	_ =	shalt  }
0x86: {  	_ =	shalt  }
0x87: {  	_ =	shalt  }
.Lfunc_end0:
.L_simem_size_0:
called_computation_lowered:
.L_overlay_start_0:
0x88: {  	s2 =	sld [smem:$0x3FD9]  }
0x89: {  	s3 =	sld [smem:$0x3FFE];
	_ =	sdelay $0x1  }
0x8a: {  	s1 =	srdreg.scid  }
0x8b: {  	s0 =	sand.u32 $0x1, s1  }
0x8c: {  	s17 =	sshll.u32 s0, $0xA;
	s2 =	sadd.s32 s3, s2  }
0x8d: {  	s2 =	sadd.s32 s2, s17  }
0x8e: {  	[smem:$0x3FC1] =	sst s2  }
0x8f: {  	_ = 	snop  }
0x90: {  	s2 =	sld [smem:$0x3FC7]  }
0x91: {  	s18 =	sld [smem:$0x3FD0];
	(tm) =	ssettm $0x1  }
0x92: {  	s4 =	sld [smem:$0x3FFB];
	_ =	sdelay $0x3  }
0x93: {  	_ =	strace s4  }
0x94: {  	s4 =	sld [smem:$0x3FFC];
	_ =	sdelay $0x3  }
0x95: {  	_ =	strace s4  }
0x96: {  	s4 =	sld [smem:$0x3FFD];
	_ =	sdelay $0x3  }
0x97: {  	_ =	strace s4  }
0x98: {  	_ =	strace $0x8FFFFFFF  }
0x99: {  	s19 =	sld [smem:$0x3FDB];
	_ =	sdelay $0x1  }
0x9a: {  	s5 =	simm.s32 $_scs_section_size  }
0x9b: {  	s6 =	simm.s32 $_size__tile_overlayer_lowered;
	s7 =	simm.s32 $_tile_overlayer_lowered  }
0x9c: {  	s22 =	simm.s32 $0x1BFF;
	s21 =	sshll.u32 s7, $0x1;
	s4 =	sadd.s32 s5, s19  }
0x9d: {  	s8 =	simm.s32 $0x0;
	s20 =	sshll.u32 s6, $0x1;
	s6 =	sadd.s32 s21, s4  }
0x9e: {  	[timem:s8], [sflag:s22] =	dma.local [hbm:s6], s20  }
0x9f: {  	_ =	swait.ge [sflag:s22], s20  }
0xa0: {  	s5 =	ssub.s32 $0x0, s20;
	[sflag:s22] =	ssyncset.done $0x0  }
0xa1: {  	[sflag:s22] =	ssyncadd.s32 s5;
	_ =	sdelay $0x1  }
0xa2: {  	s23 =	simm.s32 $0x1B8B  }
0xa3: {  	_ =	swait.ge [sflag:s23], $0x1  }
0xa4: {  	[sflag:s23] =	ssyncset.done $0x0  }
0xa5: {  	s25 =	simm.s32 $0x1B8E;
	s24 =	sld [smem:$0x3FFE];
	[sflag:s23] =	ssyncadd.s32 $0xFFFFFFFF  }
0xa6: {  	s26 =	simm.s32 $execute0_lowered;
	[smem:$0x3FD2] =	sst s25  }
0xa7: {  	s6 =	sshll.u32 s26, $0x1;
	_ =	strace $0x80000046;
	[dreg:$0x1] =	wrdreg $0xFFFFFFFF  }
0xa8: {  	s28 =	simm.s32 $_size_execute0_lowered;
	s4 =	sadd.s32 s4, s6;
	[dreg:$0x0] =	wrdreg $0x0  }
0xa9: {  	s6 =	sshll.u32 s28, $0x1;
	[dreg:$0x2] =	wrdreg s4  }
0xaa: {  	[dreg:$0x3] =	wrdreg s6  }
0xab: {  	[dreg:$0x4] =	wrdreg $0xC0  }
0xac: {  	_ =	task [dreg:s8], $0x5FFFF  }
0xad: {  	[dreg:$0x1] =	wrdreg $0xFFFFFFFF  }
0xae: {  	[dreg:$0x0] =	wrdreg $0x60  }
0xaf: {  	[dreg:$0x2] =	wrdreg s24  }
0xb0: {  	[dreg:$0x3] =	wrdreg s2  }
0xb1: {  	[dreg:$0x4] =	wrdreg s18  }
0xb2: {  	[dreg:$0x5] =	wrdreg $0x51800  }
0xb3: {  	[dreg:$0x6] =	wrdreg $0x9  }
0xb4: {  	_ =	task.clear_ibuf [dreg:s8], $0x7FFFF;
	_ =	strace $0x90000046  }
0xb5: {  	s29 =	simm.s32 $0x9;
	_ =	strace $0x80000048  }
0xb6: {  	_ =	swait.ge [sflag:s29], $0x1  }
0xb7: {  	[sflag:s29] =	ssyncadd.s32 $0xFFFFFFFF  }
0xb8: {  	_ =	strace $0x90000048  }
0xb9: {  	_ =	sfence  }
0xba: {  	s30 =	sld [smem:$0x0];
	_ =	sdelay $0x2  }
0xbb: {  	s31 =	sshll.u32 s1, $0xD;
	s1 =	sshrl.u32 s1, $0x2  }
0xbc: {  	s3 =	sand.u32 $0x4000, s31;
	s1 =	sadd.s32 s1, s30  }
0xbd: {  	s0 =	sor.u32 s3, s0;
	s1 =	sshll.u32 s1, $0x11  }
0xbe: {  	s0 =	sor.u32 s1, s0  }
0xbf: {  	s0 =	sadd.s32 $0x8F2B, s0  }
0xc0: {  	[sflag:s0] =	ssyncadd.remote.s32 $0x1  }
0xc1: {  	_ =	sfence.sel $0xFFFF  }
0xc2: {  	[dreg:$0x0] =	wrdreg $0xFFFFFFFF;
	(pc) =	sbr.abs _section_cstart, $3  }
0xc3: {  	[dreg:$0x1] =	wrdreg $0xFFFFFFFF  }
0xc4: {  	_ =	task.clear_ibuf [dreg:s8], $0x2FFFF;
	_ =	strace $0x9FFFFFFF  }
0xc5: {  	(tm) =	ssettm $0x7FFFFFFF  }
tec
execute0_lowered:
.L_overlay_start_1:
0x0: {  	(tag) =	ssettag $0x1  }
0x1: {  	s7 =	rddreg [dreg:$0x0]  }
0x2: {  	s8 =	rddreg [dreg:$0x1]  }
0x3: {  	s11 =	rddreg [dreg:$0x2]  }
0x4: {  	s1 =	rddreg [dreg:$0x3];
	s2 =	simm.s32 $0x0  }
0x5: {  	v0 =	vimm.f32 $0.0e+00;
	[smem:$0x7FF] =	sst s2  }
0x6: {  	s0 =	rddreg [dreg:$0x4];
	_ =	strace $0x80000047;
	[tilespmem:$0x4F20] =	vst v0  }
0x7: {  	[tilespmem:$0x4F30] =	vst v0  }
0x8: {  	[tilespmem:$0x4F40] =	vst v0  }
0x9: {  	[tilespmem:$0x4F00] =	vst v0  }
0xa: {  	[tilespmem:$0x5170] =	vst v0  }
0xb: {  	[tilespmem:$0x5160] =	vst v0  }
0xc: {  	[tilespmem:$0x5150] =	vst v0  }
0xd: {  	[tilespmem:$0x5140] =	vst v0  }
0xe: {  	[tilespmem:$0x5130] =	vst v0  }
0xf: {  	[tilespmem:$0x5120] =	vst v0  }
0x10: {  	[tilespmem:$0x5110] =	vst v0  }
0x11: {  	[tilespmem:$0x5100] =	vst v0  }
0x12: {  	[tilespmem:$0x50F0] =	vst v0  }
0x13: {  	[tilespmem:$0x50E0] =	vst v0  }
0x14: {  	[tilespmem:$0x50D0] =	vst v0  }
0x15: {  	[tilespmem:$0x50C0] =	vst v0  }
0x16: {  	[tilespmem:$0x50B0] =	vst v0  }
0x17: {  	[tilespmem:$0x50A0] =	vst v0  }
0x18: {  	[tilespmem:$0x5090] =	vst v0  }
0x19: {  	[tilespmem:$0x5080] =	vst v0  }
0x1a: {  	[tilespmem:$0x5070] =	vst v0  }
0x1b: {  	[tilespmem:$0x5060] =	vst v0  }
0x1c: {  	[tilespmem:$0x5050] =	vst v0  }
0x1d: {  	[tilespmem:$0x5040] =	vst v0  }
0x1e: {  	[tilespmem:$0x5030] =	vst v0  }
0x1f: {  	[tilespmem:$0x5020] =	vst v0  }
0x20: {  	[tilespmem:$0x5010] =	vst v0  }
0x21: {  	[tilespmem:$0x5000] =	vst v0  }
0x22: {  	[tilespmem:$0x4FF0] =	vst v0  }
0x23: {  	[tilespmem:$0x4FE0] =	vst v0  }
0x24: {  	[tilespmem:$0x4FD0] =	vst v0  }
0x25: {  	[tilespmem:$0x4FC0] =	vst v0  }
0x26: {  	[tilespmem:$0x4FB0] =	vst v0  }
0x27: {  	[tilespmem:$0x4FA0] =	vst v0  }
0x28: {  	[tilespmem:$0x4F90] =	vst v0  }
0x29: {  	s3 =	stileid.u32;
	[tilespmem:$0x4F80] =	vst v0  }
0x2a: {  	s5 =	smul.u32 $0xA00, s3;
	[tilespmem:$0x4F70] =	vst v0  }
0x2b: {  	s4 =	srdreg.scid;
	s6 =	simm.s32 $0x4F00;
	[tilespmem:$0x4F60] =	vst v0  }
0x2c: {  	s10 =	sand.u32 $0x1, s4;
	s29 =	sshll.u32 s3, $0x1;
	[tilespmem:$0x4F50] =	vst v0;
	s30 =	sshrl.u32 s5, $0x2  }
0x2d: {  	s9 =	sor.u32 s10, s29;
	[tilespmem:$0x4F10] =	vst v0;
	s5 =	simm.s32 $0x1;
	s4 =	sadd.s32 s30, s1  }
0x2e: {  	[spmem:s4] =	stream.linear.scatter [tilespmem:s6], [sflag:$0x1], $0x280, $0x38;
	[tilespmem:$0x5400] =	vst v63  }
0x2f: {  	s9 =	smul.u32 $0x4E2, s9;
	_ =	swait.ge [sflag:s5], $0x280  }
0x30: {  	[sflag:s5] =	ssyncset.done $0x0  }
0x31: {  	s7 =	sadd.s32 s9, s7;
	[sflag:s5] =	ssyncadd.s32 $0xFFFFFD80  }
0x32: {  	s7 =	sadd.s32 $0x1800, s7;
	[bflag:$0x0] =	sbarrier.arrive $0xFFFF  }
0x33: {  	[tilespmem:s2], [sflag:$0x1] =	stream.linear.gather [hbm4b:s7+s2], $0x2710, $0x38;
	[tilespmem:$0x5400] =	vst v63  }
0x34: {  	s12 =	smul.u32 $0x500, s3;
	_ =	swait.ge [sflag:s5], $0x2710  }
0x35: {  	s13 =	ssub.s32 $0x2, s10;
	s10 =	sshll.u32 s10, $0x7;
	[sflag:s5] =	ssyncset.done $0x0  }
0x36: {  	s8 =	sadd.s32 s8, s9;
	s9 =	simm.s32 $0x2780;
	[sflag:s5] =	ssyncadd.s32 $0xFFFFD8F0  }
0x37: {  	[tilespmem:s9], [sflag:$0x1] =	stream.linear.gather [hbm4b:s8+s2], $0x2710, $0x38;
	[tilespmem:$0x5400] =	vst v63  }
0x38: {  	s15 =	simm.s32 $0x10;
	s10 =	sor.u32 s10, s12;
	_ =	swait.ge [sflag:s5], $0x2710  }
0x39: {  	s14 =	sshrl.u32 s13, $0x1;
	s12 =	sshrl.u32 s10, $0x3;
	[sflag:s5] =	ssyncset.done $0x0  }
0x3a: {  	s10 =	simm.s32 $0x2710;
	s13 =	ssub.s32 s13, s14;
	[sflag:s5] =	ssyncadd.s32 $0xFFFFD8F0  }
0x3b: {  	[spmem:s1] =	stream.indirect.scatter.add.f32 [tilespmem:s9], [sflag:$0x1], $0x1, s2, s10, $0xb8;
	[tilespmem:$0x5400] =	vst v63  }
0x3c: {  	s31 =	sshll.u32 s3, $0x6;
	s16 =	smax.u32 s13, $0x1;
	_ =	swait.ge [sflag:s5], $0x2710  }
0x3d: {  	s14 =	simm.s32 $0x20;
	p0 =	sne.s32 s16, $0x1;
	[sflag:s5] =	ssyncset.done $0x0  }
.Ltmp0:
0x3e: {  	s11 =	sadd.s32 s11, s12;
	[sflag:s5] =	ssyncadd.s32 $0xFFFFD8F0;
	(pc) =	sbr.rel @!p0 .LBB2_2-.Ltmp0, $4  }
0x3f: {  	s12 =	sor.u32 $0x1C01, s31;
	s13 =	sshrl.u32 s4, $0x3;
	[bflag:$0x0] =	sbarrier.arrive $0xFFFF  }
0x40: {  	[hbm:s11@s14], [sflag:s12] =	dma.strided [spmem:s13@s15], $0x50, s5, $0x10   }
0x41: {  	_ =	swait.ge [sflag:s5], $0x50  }
0x42: {  	s16 =	sadd.s32 $0xFFFFFFFF, s16;
	[sflag:s5] =	ssyncset.done $0x0  }
.LBB2_1:
0x43: {  	p0 =	sne.s32 s16, $0x1;
	s16 =	sadd.s32 $0xFFFFFFFF, s16;
	[sflag:s5] =	ssyncadd.s32 $0xFFFFFFB0  }
0x44: {  	[tilespmem:$0x4F20] =	vst v0  }
0x45: {  	[tilespmem:$0x4F30] =	vst v0  }
0x46: {  	[tilespmem:$0x4F40] =	vst v0  }
0x47: {  	[tilespmem:$0x4F00] =	vst v0  }
0x48: {  	[tilespmem:$0x5170] =	vst v0  }
0x49: {  	[tilespmem:$0x5160] =	vst v0  }
0x4a: {  	[tilespmem:$0x5150] =	vst v0  }
0x4b: {  	[tilespmem:$0x5140] =	vst v0  }
0x4c: {  	[tilespmem:$0x5130] =	vst v0  }
0x4d: {  	[tilespmem:$0x5120] =	vst v0  }
0x4e: {  	[tilespmem:$0x5110] =	vst v0  }
0x4f: {  	[tilespmem:$0x5100] =	vst v0  }
0x50: {  	[tilespmem:$0x50F0] =	vst v0  }
0x51: {  	[tilespmem:$0x50E0] =	vst v0  }
0x52: {  	[tilespmem:$0x50D0] =	vst v0  }
0x53: {  	[tilespmem:$0x50C0] =	vst v0  }
0x54: {  	[tilespmem:$0x50B0] =	vst v0  }
0x55: {  	[tilespmem:$0x50A0] =	vst v0  }
0x56: {  	[tilespmem:$0x5090] =	vst v0  }
0x57: {  	[tilespmem:$0x5080] =	vst v0  }
0x58: {  	[tilespmem:$0x5070] =	vst v0  }
0x59: {  	[tilespmem:$0x5060] =	vst v0  }
0x5a: {  	[tilespmem:$0x5050] =	vst v0  }
0x5b: {  	[tilespmem:$0x5040] =	vst v0  }
0x5c: {  	[tilespmem:$0x5030] =	vst v0  }
0x5d: {  	[tilespmem:$0x5020] =	vst v0  }
0x5e: {  	[tilespmem:$0x5010] =	vst v0  }
0x5f: {  	[tilespmem:$0x5000] =	vst v0  }
0x60: {  	[tilespmem:$0x4FF0] =	vst v0  }
0x61: {  	[tilespmem:$0x4FE0] =	vst v0  }
0x62: {  	[tilespmem:$0x4FD0] =	vst v0  }
0x63: {  	[tilespmem:$0x4FC0] =	vst v0  }
0x64: {  	[tilespmem:$0x4FB0] =	vst v0  }
0x65: {  	[tilespmem:$0x4FA0] =	vst v0  }
0x66: {  	[tilespmem:$0x4F90] =	vst v0  }
0x67: {  	[tilespmem:$0x4F80] =	vst v0  }
0x68: {  	[tilespmem:$0x4F70] =	vst v0  }
0x69: {  	[tilespmem:$0x4F60] =	vst v0  }
0x6a: {  	[tilespmem:$0x4F50] =	vst v0  }
0x6b: {  	[tilespmem:$0x4F10] =	vst v0  }
0x6c: {  	[spmem:s4] =	stream.linear.scatter [tilespmem:s6], [sflag:$0x1], $0x280, $0x38;
	[tilespmem:$0x5400] =	vst v63  }
0x6d: {  	_ =	swait.ge [sflag:s5], $0x280  }
0x6e: {  	[sflag:s5] =	ssyncset.done $0x0  }
0x6f: {  	[sflag:s5] =	ssyncadd.s32 $0xFFFFFD80  }
0x70: {  	[bflag:$0x0] =	sbarrier.arrive $0xFFFF  }
0x71: {  	[tilespmem:s2], [sflag:$0x1] =	stream.linear.gather [hbm4b:s7+s2], $0x2710, $0x38;
	[tilespmem:$0x5400] =	vst v63  }
0x72: {  	_ =	swait.ge [sflag:s5], $0x2710  }
0x73: {  	[sflag:s5] =	ssyncset.done $0x0  }
0x74: {  	[sflag:s5] =	ssyncadd.s32 $0xFFFFD8F0  }
0x75: {  	[tilespmem:s9], [sflag:$0x1] =	stream.linear.gather [hbm4b:s8+s2], $0x2710, $0x38;
	[tilespmem:$0x5400] =	vst v63  }
0x76: {  	_ =	swait.ge [sflag:s5], $0x2710  }
0x77: {  	[sflag:s5] =	ssyncset.done $0x0  }
0x78: {  	[sflag:s5] =	ssyncadd.s32 $0xFFFFD8F0  }
0x79: {  	[spmem:s1] =	stream.indirect.scatter.add.f32 [tilespmem:s9], [sflag:$0x1], $0x1, s2, s10, $0xb8;
	[tilespmem:$0x5400] =	vst v63  }
0x7a: {  	_ =	swait.ge [sflag:s5], $0x2710  }
0x7b: {  	[sflag:s5] =	ssyncset.done $0x0  }
.Ltmp1:
0x7c: {  	[sflag:s5] =	ssyncadd.s32 $0xFFFFD8F0;
	(pc) =	sbr.rel @p0 .LBB2_1-.Ltmp1, $4  }
0x7d: {  	[bflag:$0x0] =	sbarrier.arrive $0xFFFF  }
0x7e: {  	[hbm:s11@s14], [sflag:s12] =	dma.strided [spmem:s13@s15], $0x50, s5, $0x10   }
0x7f: {  	_ =	swait.ge [sflag:s5], $0x50  }
0x80: {  	[sflag:s5] =	ssyncset.done $0x0  }
.LBB2_2:
0x81: {  	[sflag:s5] =	ssyncadd.s32 $0xFFFFFFB0  }
0x82: {  	_ =	sfence.sel $0x180000  }
0x83: {  	[bflag:$0x0] =	sbarrier.arrive $0xFFFF  }
0x84: {  	p0 =	sne.s32 s3, $0x0;
	_ =	strace $0x90000047  }
0x85: {  	s0 =	sadd.s32 @!p0 $0x100000, s0;
	[bflag:$0x2] =	sbarrier.arrive $0xFFFF  }
0x86: {  	[sflag:s0] =	ssyncadd.tile.s32 @!p0 $0x1;
	_ =	shalt  }
.Lfunc_end2:
_tile_overlayer_lowered:
.L_overlay_start_2:
0x87: {  	(tag) =	ssettag $0x2  }
0x88: {  	s0 =	rddreg [dreg:$0x0];
	s2 =	stileid.u32  }
0x89: {  	s1 =	rddreg [dreg:$0x1];
	p0 =	sne.s32 s2, $0x0  }
0x8a: {  	s3 =	rddreg [dreg:$0x2];
	[bflag:$0x3] =	sbarrier.arrive $0xFFFF;
	s2 =	simm.s32 @!p0 $0x1C01  }
0x8b: {  	[timem:s3], [sflag:s2] =	dma.local @!p0 [hbm:s0], s1  }
0x8c: {  	s0 =	simm.s32 @!p0 $0x1  }
0x8d: {  	_ =	swait.ge @!p0 [sflag:s0], s1  }
0x8e: {  	s1 =	ssub.s32 @!p0 $0x0, s1;
	[sflag:s0] =	ssyncset.done @!p0 $0x0  }
0x8f: {  	[sflag:s0] =	ssyncadd.s32 @!p0 s1  }
0x90: {  	[bflag:$0x3] =	sbarrier.arrive $0xFFFF  }
0x91: {  	_ =	shalt  }

// kernel: kernel.9.cloned.1.call-start
scs
__scs_entry_jumppad:
0x0: {  	(pc) =	sbr.rel $0x88, $3  }
0x1: {  	(tag) =	ssettag $0x0;
	lr =	simm.s32 $0x1  }
0x2: {  	[smem:$0x3F9A] =	sst lr;
	_ =	strace $0xD0000000  }
0x3: {  	_ = 	snop  }
0x4: {  	_ = 	snop  }
0x5: {  	_ = 	snop  }
0x6: {  	_ = 	snop  }
0x7: {  	_ = 	snop  }
__scs_overlays_trampoline_lowered:
0x8: {  	[smem:$0x3FA9] =	sst s0  }
0x9: {  	[smem:$0x3FAA] =	sst s1  }
0xa: {  	[smem:$0x3FAB] =	sst s2  }
0xb: {  	[smem:$0x3FAC] =	sst s3  }
0xc: {  	[smem:$0x3FAD] =	sst s4  }
0xd: {  	[smem:$0x3FAE] =	sst s5  }
0xe: {  	[smem:$0x3FAF] =	sst s6  }
0xf: {  	[smem:$0x3FB0] =	sst s7  }
0x10: {  	[smem:$0x3FB1] =	sst s8  }
0x11: {  	[smem:$0x3FB2] =	sst s9;
	s0 =	simm.s32 @!p0 $0x0  }
0x12: {  	s1 =	sld [smem:$0x3F98];
	s0 =	simm.s32 @p0 $0x1  }
0x13: {  	[smem:$0x3FB3] =	sst s0;
	s0 =	simm.s32 @!p1 $0x0  }
0x14: {  	s2 =	sld [smem:$0x3F97];
	s0 =	simm.s32 @p1 $0x1  }
0x15: {  	[smem:$0x3FB4] =	sst s0;
	s0 =	simm.s32 @!p2 $0x0  }
0x16: {  	s3 =	sld [smem:$0x3FDB];
	s0 =	simm.s32 @p2 $0x1  }
0x17: {  	s4 =	simm.s32 $0x1BF5;
	[smem:$0x3FB6] =	sst s0  }
0x18: {  	s0 =	sld [smem:$0x3F99];
	_ =	swait.ge [sflag:s4], $0x0  }
0x19: {  	s7 =	sld [smem:$0x3F9A]  }
0x1a: {  	s8 =	sadd.s32 $0xFFFFE003, lr  }
0x1b: {  	s9 =	sadd.s32 $0xFFFFFEF7, lr;
	s5 =	simm.s32 $0xFFFFFFFF;
	p2 =	slt.u32 s8, $0xFFFFF086  }
0x1c: {  	p1 =	slt.u32 s9, $0xF7A;
	s5 =	simm.s32 @!p2 $0x0  }
0x1d: {  	s5 =	simm.s32 @p1 $0x1;
	p0 =	seq.s32 s7, s2  }
0x1e: {  	s7 =	smul.u32 @!p0 $0xF7A, s2;
	p2 =	seq.s32 @!p0 s5, $0x0  }
0x1f: {  	s9 =	smul.u32 $0xF7A, s1;
	s8 =	simm.s32 @!p0 $0x1BF5;
	p2 =	por !p2, p0  }
0x20: {  	[sflag:s8] =	ssyncset.s32 @!p0 $0xFFFFF086;
	s6 =	sadd.s32 @!p0 s3, s7;
	s7 =	simm.s32 @!p0 $0x108  }
0x21: {  	s3 =	sadd.s32 s3, s9;
	s6 =	sadd.s32 @!p0 $0x88, s6;
	s7 =	simm.s32 @p2 $0x1082  }
0x22: {  	[simem:s7], [sflag:s8] =	dma.local @!p0 [hbm:s6], $0xF7A  }
0x23: {  	s9 =	sor.u32 $0xD0000000, s2;
	s6 =	simm.s32 $0x108;
	_ =	swait.ge @!p0 [sflag:s8], $0x0  }
0x24: {  	s3 =	sadd.s32 $0x88, s3;
	s6 =	simm.s32 @!p1 $0x1082;
	[sflag:s4] =	ssyncset.s32 $0xFFFFF086  }
0x25: {  	[simem:s6], [sflag:s4] =	dma.local [hbm:s3], $0xF7A  }
0x26: {  	[smem:$0x3F9A] =	sst s1;
	(tag) =	ssettag s2;
	_ =	strace s9  }
0x27: {  	s1 =	sld [smem:$0x3FAA]  }
0x28: {  	s2 =	sld [smem:$0x3FAB]  }
0x29: {  	s4 =	sld [smem:$0x3FAD]  }
0x2a: {  	p0 =	seq.s32 s5, $0x0;
	s5 =	sld [smem:$0x3FAE]  }
0x2b: {  	s6 =	sld [smem:$0x3FAF]  }
0x2c: {  	s7 =	sld [smem:$0x3FB0]  }
0x2d: {  	s3 =	simm.s32 $0x108;
	s8 =	sld [smem:$0x3FB1]  }
0x2e: {  	s3 =	simm.s32 @!p0 $0x1082;
	s9 =	sld [smem:$0x3FB2]  }
0x2f: {  	lr =	sadd.s32 s0, s3;
	s0 =	sld [smem:$0x3FA9]  }
0x30: {  	s3 =	sld [smem:$0x3FAC]  }
0x31: {  	[smem:$0x3FB5] =	sst s10  }
0x32: {  	s10 =	sld [smem:$0x3FB3];
	_ =	sdelay $0x3  }
0x33: {  	p0 =	seq.s32 s10, $0x1;
	s10 =	sld [smem:$0x3FB5];
	_ =	sdelay $0x3  }
0x34: {  	[smem:$0x3FB5] =	sst s10  }
0x35: {  	s10 =	sld [smem:$0x3FB4];
	_ =	sdelay $0x3  }
0x36: {  	p1 =	seq.s32 s10, $0x1;
	s10 =	sld [smem:$0x3FB5];
	_ =	sdelay $0x3  }
0x37: {  	[smem:$0x3FB5] =	sst s10  }
0x38: {  	s10 =	sld [smem:$0x3FB6]  }
0x39: {  	_ = 	snop;
	(pc) =	sbr.ind lr, $3  }
0x3a: {  	_ = 	snop  }
0x3b: {  	_ = 	snop  }
0x3c: {  	p2 =	seq.s32 s10, $0x1;
	s10 =	sld [smem:$0x3FB5]  }
0x3d: {  	_ =	shalt  }
0x3e: {  	_ =	shalt  }
0x3f: {  	_ =	shalt  }
0x40: {  	_ =	shalt  }
0x41: {  	_ =	shalt  }
0x42: {  	_ =	shalt  }
0x43: {  	_ =	shalt  }
0x44: {  	_ =	shalt  }
0x45: {  	_ =	shalt  }
0x46: {  	_ =	shalt  }
0x47: {  	_ =	shalt  }
0x48: {  	_ =	shalt  }
0x49: {  	_ =	shalt  }
0x4a: {  	_ =	shalt  }
0x4b: {  	_ =	shalt  }
0x4c: {  	_ =	shalt  }
0x4d: {  	_ =	shalt  }
0x4e: {  	_ =	shalt  }
0x4f: {  	_ =	shalt  }
0x50: {  	_ =	shalt  }
0x51: {  	_ =	shalt  }
0x52: {  	_ =	shalt  }
0x53: {  	_ =	shalt  }
0x54: {  	_ =	shalt  }
0x55: {  	_ =	shalt  }
0x56: {  	_ =	shalt  }
0x57: {  	_ =	shalt  }
0x58: {  	_ =	shalt  }
0x59: {  	_ =	shalt  }
0x5a: {  	_ =	shalt  }
0x5b: {  	_ =	shalt  }
0x5c: {  	_ =	shalt  }
0x5d: {  	_ =	shalt  }
0x5e: {  	_ =	shalt  }
0x5f: {  	_ =	shalt  }
0x60: {  	_ =	shalt  }
0x61: {  	_ =	shalt  }
0x62: {  	_ =	shalt  }
0x63: {  	_ =	shalt  }
0x64: {  	_ =	shalt  }
0x65: {  	_ =	shalt  }
0x66: {  	_ =	shalt  }
0x67: {  	_ =	shalt  }
0x68: {  	_ =	shalt  }
0x69: {  	_ =	shalt  }
0x6a: {  	_ =	shalt  }
0x6b: {  	_ =	shalt  }
0x6c: {  	_ =	shalt  }
0x6d: {  	_ =	shalt  }
0x6e: {  	_ =	shalt  }
0x6f: {  	_ =	shalt  }
0x70: {  	_ =	shalt  }
0x71: {  	_ =	shalt  }
0x72: {  	_ =	shalt  }
0x73: {  	_ =	shalt  }
0x74: {  	_ =	shalt  }
0x75: {  	_ =	shalt  }
0x76: {  	_ =	shalt  }
0x77: {  	_ =	shalt  }
0x78: {  	_ =	shalt  }
0x79: {  	_ =	shalt  }
0x7a: {  	_ =	shalt  }
0x7b: {  	_ =	shalt  }
0x7c: {  	_ =	shalt  }
0x7d: {  	_ =	shalt  }
0x7e: {  	_ =	shalt  }
0x7f: {  	_ =	shalt  }
0x80: {  	_ =	shalt  }
0x81: {  	_ =	shalt  }
0x82: {  	_ =	shalt  }
0x83: {  	_ =	shalt  }
0x84: {  	_ =	shalt  }
0x85: {  	_ =	shalt  }
0x86: {  	_ =	shalt  }
0x87: {  	_ =	shalt  }
.Lfunc_end0:
.L_simem_size_0:
called_computation.1_lowered:
.L_overlay_start_0:
0x88: {  	s2 =	sld [smem:$0x3FD9]  }
0x89: {  	s3 =	sld [smem:$0x3FFE];
	_ =	sdelay $0x1  }
0x8a: {  	s1 =	srdreg.scid  }
0x8b: {  	s0 =	sand.u32 $0x1, s1  }
0x8c: {  	s17 =	sshll.u32 s0, $0xA;
	s2 =	sadd.s32 s3, s2  }
0x8d: {  	s2 =	sadd.s32 s2, s17  }
0x8e: {  	[smem:$0x3FC1] =	sst s2  }
0x8f: {  	_ = 	snop  }
0x90: {  	s2 =	sld [smem:$0x3FC7]  }
0x91: {  	s18 =	sld [smem:$0x3FD0];
	(tm) =	ssettm $0x1  }
0x92: {  	s4 =	sld [smem:$0x3FFB];
	_ =	sdelay $0x3  }
0x93: {  	_ =	strace s4  }
0x94: {  	s4 =	sld [smem:$0x3FFC];
	_ =	sdelay $0x3  }
0x95: {  	_ =	strace s4  }
0x96: {  	s4 =	sld [smem:$0x3FFD];
	_ =	sdelay $0x3  }
0x97: {  	_ =	strace s4  }
0x98: {  	_ =	strace $0x8FFFFFFF  }
0x99: {  	s19 =	sld [smem:$0x3FDB];
	_ =	sdelay $0x1  }
0x9a: {  	s5 =	simm.s32 $_scs_section_size  }
0x9b: {  	s6 =	simm.s32 $_size__tile_overlayer_lowered;
	s7 =	simm.s32 $_tile_overlayer_lowered  }
0x9c: {  	s22 =	simm.s32 $0x1BFF;
	s21 =	sshll.u32 s7, $0x1;
	s4 =	sadd.s32 s5, s19  }
0x9d: {  	s8 =	simm.s32 $0x0;
	s20 =	sshll.u32 s6, $0x1;
	s6 =	sadd.s32 s21, s4  }
0x9e: {  	[timem:s8], [sflag:s22] =	dma.local [hbm:s6], s20  }
0x9f: {  	_ =	swait.ge [sflag:s22], s20  }
0xa0: {  	s5 =	ssub.s32 $0x0, s20;
	[sflag:s22] =	ssyncset.done $0x0  }
0xa1: {  	[sflag:s22] =	ssyncadd.s32 s5;
	_ =	sdelay $0x1  }
0xa2: {  	s23 =	simm.s32 $0x1B8B  }
0xa3: {  	_ =	swait.ge [sflag:s23], $0x1  }
0xa4: {  	[sflag:s23] =	ssyncset.done $0x0  }
0xa5: {  	s25 =	simm.s32 $0x1B8E;
	s24 =	sld [smem:$0x3FFE];
	[sflag:s23] =	ssyncadd.s32 $0xFFFFFFFF  }
0xa6: {  	s26 =	simm.s32 $execute0_lowered;
	[smem:$0x3FD2] =	sst s25  }
0xa7: {  	s6 =	sshll.u32 s26, $0x1;
	_ =	strace $0x80000049;
	[dreg:$0x1] =	wrdreg $0xFFFFFFFF  }
0xa8: {  	s28 =	simm.s32 $_size_execute0_lowered;
	s4 =	sadd.s32 s4, s6;
	[dreg:$0x0] =	wrdreg $0x0  }
0xa9: {  	s6 =	sshll.u32 s28, $0x1;
	[dreg:$0x2] =	wrdreg s4  }
0xaa: {  	[dreg:$0x3] =	wrdreg s6  }
0xab: {  	[dreg:$0x4] =	wrdreg $0xC0  }
0xac: {  	_ =	task [dreg:s8], $0x5FFFF  }
0xad: {  	[dreg:$0x1] =	wrdreg $0xFFFFFFFF  }
0xae: {  	[dreg:$0x0] =	wrdreg $0x60  }
0xaf: {  	[dreg:$0x2] =	wrdreg s24  }
0xb0: {  	[dreg:$0x3] =	wrdreg s2  }
0xb1: {  	[dreg:$0x4] =	wrdreg s18  }
0xb2: {  	[dreg:$0x5] =	wrdreg $0x178E00  }
0xb3: {  	[dreg:$0x6] =	wrdreg $0x1A0E00  }
0xb4: {  	[dreg:$0x7] =	wrdreg $0x9  }
0xb5: {  	_ =	task.clear_ibuf [dreg:s8], $0x8FFFF;
	_ =	strace $0x90000049  }
0xb6: {  	s29 =	simm.s32 $0x9;
	_ =	strace $0x8000004B  }
0xb7: {  	_ =	swait.ge [sflag:s29], $0x1  }
0xb8: {  	[sflag:s29] =	ssyncadd.s32 $0xFFFFFFFF  }
0xb9: {  	_ =	strace $0x9000004B  }
0xba: {  	_ =	sfence  }
0xbb: {  	s30 =	sld [smem:$0x0];
	_ =	sdelay $0x2  }
0xbc: {  	s31 =	sshll.u32 s1, $0xD;
	s1 =	sshrl.u32 s1, $0x2  }
0xbd: {  	s3 =	sand.u32 $0x4000, s31;
	s1 =	sadd.s32 s1, s30  }
0xbe: {  	s0 =	sor.u32 s3, s0;
	s1 =	sshll.u32 s1, $0x11  }
0xbf: {  	s0 =	sor.u32 s1, s0  }
0xc0: {  	s0 =	sadd.s32 $0x8F2B, s0  }
0xc1: {  	[sflag:s0] =	ssyncadd.remote.s32 $0x1  }
0xc2: {  	_ =	sfence.sel $0xFFFF  }
0xc3: {  	[dreg:$0x0] =	wrdreg $0xFFFFFFFF;
	(pc) =	sbr.abs _section_cstart, $3  }
0xc4: {  	[dreg:$0x1] =	wrdreg $0xFFFFFFFF  }
0xc5: {  	_ =	task.clear_ibuf [dreg:s8], $0x2FFFF;
	_ =	strace $0x9FFFFFFF  }
0xc6: {  	(tm) =	ssettm $0x7FFFFFFF  }
0xc7: {  	_ =	shalt  }
tec
execute0_lowered:
.L_overlay_start_1:
0x0: {  	(tag) =	ssettag $0x1  }
0x1: {  	s0 =	rddreg [dreg:$0x0]  }
0x2: {  	s1 =	rddreg [dreg:$0x1]  }
0x3: {  	s5 =	rddreg [dreg:$0x2];
	s12 =	stileid.u32  }
0x4: {  	s3 =	srdreg.scid;
	s2 =	rddreg [dreg:$0x3];
	s28 =	simm.s32 $0x5  }
0x5: {  	s29 =	simm.s32 $0x128E0;
	s30 =	simm.s32 $0xFA0;
	s31 =	simm.s32 $0x1F40  }
0x6: {  	s6 =	sand.u32 $0x1, s3;
	s4 =	sshll.u32 s12, $0x1;
	s3 =	rddreg [dreg:$0x4]  }
0x7: {  	s8 =	sadd.s32 $0xB600, s0;
	s12 =	smul.u32 $0x2800, s12;
	s7 =	sor.u32 s6, s4  }
0x8: {  	s4 =	simm.s32 $0x0;
	s9 =	ssub.s32 $0x2, s6;
	s6 =	smul.u32 $0x28000, s6  }
0x9: {  	s10 =	sadd.s32 $0x1800, s0;
	s7 =	smul.u32 $0x2710, s7;
	[smem:$0x7FF] =	sst s4  }
0xa: {  	s11 =	sshrl.u32 s9, $0x1;
	s26 =	sshrl.u32 s12, $0x3;
	s6 =	sadd.s32 s12, s6  }
0xb: {  	s9 =	ssub.s32 s9, s11;
	s7 =	sshrl.u32 s7, $0x3;
	s6 =	sshrl.u32 s6, $0x3  }
0xc: {  	s16 =	sadd.s32 s8, s7;
	s17 =	sadd.s32 s10, s7;
	s18 =	sadd.s32 s1, s7  }
0xd: {  	s19 =	sadd.s32 $0xFA, s7;
	s21 =	sadd.s32 $0x1F4, s7;
	[dreg:$0x6] =	wrdreg s16  }
0xe: {  	s23 =	sadd.s32 $0x2EE, s7;
	s7 =	sadd.s32 $0x3E8, s7;
	[dreg:$0x7] =	wrdreg s17  }
0xf: {  	[dreg:$0x8] =	wrdreg s18;
	s13 =	sadd.s32 s8, s19;
	s20 =	sadd.s32 s10, s19  }
0x10: {  	s11 =	sadd.s32 s1, s19;
	s22 =	sadd.s32 s8, s21;
	[dreg:$0x9] =	wrdreg s13  }
0x11: {  	s14 =	sadd.s32 s10, s21;
	s24 =	sadd.s32 s8, s23;
	[dreg:$0xa] =	wrdreg s20  }
0x12: {  	s25 =	sadd.s32 s10, s23;
	s16 =	sadd.s32 s1, s23;
	[dreg:$0xb] =	wrdreg s11  }
0x13: {  	s17 =	sadd.s32 s8, s7;
	s18 =	sadd.s32 s10, s7;
	[dreg:$0xc] =	wrdreg s22  }
0x14: {  	s19 =	sadd.s32 s1, s7;
	s7 =	simm.s32 $0x1;
	[dreg:$0xd] =	wrdreg s14  }
0x15: {  	s8 =	simm.s32 $0x3;
	s10 =	simm.s32 $0x4;
	[dreg:$0xf] =	wrdreg s24  }
0x16: {  	s13 =	sadd.s32 s1, s21;
	[dreg:$0x10] =	wrdreg s25;
	s1 =	sadd.s32 s26, s0  }
0x17: {  	s20 =	sadd.s32 $0x15400, s0;
	s21 =	sadd.s32 s5, s6;
	s22 =	sadd.s32 s12, s2  }
0x18: {  	s24 =	sadd.s32 s12, s3;
	s25 =	smax.u32 s9, $0x1;
	s26 =	simm.s32 $0x150E0  }
0x19: {  	s0 =	simm.s32 $0x2EE0;
	s5 =	simm.s32 $0x1770;
	s6 =	simm.s32 $0xABE0  }
0x1a: {  	s9 =	simm.s32 $0x2;
	s11 =	simm.s32 $0x0;
	[dreg:$0xe] =	wrdreg s13  }
0x1b: {  	v0 =	vimm.f32 $0.0e+00;
	s23 =	sadd.s32 $0x15A00, s1;
	s1 =	simm.s32 $0x7D0;
	_ =	strace $0x8000004A  }
.LBB2_1:
0x1c: {  	s12 =	simm.s32 $0x15100  }
0x1d: {  	[tilespmem:s12+$0xFFFFFFE0] =	vst v0  }
0x1e: {  	[tilespmem:s12+$0x10] =	vst v0  }
0x1f: {  	s13 =	simm.s32 $0x0;
	[tilespmem:s12+$0x0] =	vst v0  }
.LBB2_2:
0x20: {  	s13 =	sadd.s32 $0x4, s13  }
0x21: {  	[tilespmem:s12+$0xFFFFFFF0] =	vst v0;
	s12 =	sadd.s32 $0x40, s12;
	p0 =	slt.u32 s13, $0x27C  }
.Ltmp0:
0x22: {  	[tilespmem:s12+$0xFFFFFFE0] =	vst v0;
	(pc) =	sbr.rel @p0 .LBB2_2-.Ltmp0, $3  }
0x23: {  	_ =	sdelay $0x1  }
0x24: {  	[tilespmem:s12+$0x10] =	vst v0  }
0x25: {  	[tilespmem:s12+$0x0] =	vst v0  }
0x26: {  	[tilespmem:s12+$0xFFFFFFF0] =	vst v0  }
0x27: {  	[spmem:s22] =	stream.linear.scatter [tilespmem:s26], [sflag:$0x5], $0x2800, $0x38;
	[tilespmem:$0x1C8E0] =	vst v63  }
0x28: {  	_ =	swait.ge [sflag:s28], $0x2800  }
0x29: {  	[sflag:s28] =	ssyncset.done $0x0  }
0x2a: {  	[sflag:s28] =	ssyncadd.s32 $0xFFFFD800  }
0x2b: {  	[tilespmem:s26], [sflag:$0x5] =	stream.linear.gather [hbm4b:s23+s4], $0x2800, $0x38;
	[tilespmem:$0x1C8E0] =	vst v63  }
0x2c: {  	_ =	swait.ge [sflag:s28], $0x2800  }
0x2d: {  	[sflag:s28] =	ssyncset.done $0x0  }
0x2e: {  	[sflag:s28] =	ssyncadd.s32 $0xFFFFD800  }
0x2f: {  	[spmem:s24] =	stream.linear.scatter [tilespmem:s26], [sflag:$0x5], $0x2800, $0x38;
	[tilespmem:$0x1C8E0] =	vst v63  }
0x30: {  	_ =	swait.ge [sflag:s28], $0x2800  }
0x31: {  	[sflag:s28] =	ssyncset.done $0x0  }
0x32: {  	[sflag:s28] =	ssyncadd.s32 $0xFFFFD800  }
0x33: {  	[tilespmem:s29], [sflag:$0x5] =	stream.linear.gather [hbm4b:s20+s4], $0x2800, $0x38;
	[tilespmem:$0x1C8E0] =	vst v63  }
0x34: {  	_ =	swait.ge [sflag:s28], $0x2800  }
0x35: {  	[sflag:s28] =	ssyncset.done $0x0  }
0x36: {  	[sflag:s28] =	ssyncadd.s32 $0xFFFFD800  }
0x37: {  	[bflag:$0x0] =	sbarrier.arrive $0xFFFF  }
0x38: {  	s13 =	rddreg [dreg:$0x6]  }
0x39: {  	[tilespmem:s4], [sflag:$0x5] =	stream.linear.gather [hbm4b:s13+s4], $0x7D0, $0x38;
	[tilespmem:$0x1C8E0] =	vst v63  }
0x3a: {  	_ =	swait.ge [sflag:s28], $0x7D0  }
0x3b: {  	[sflag:s28] =	ssyncset.done $0x0  }
0x3c: {  	s14 =	rddreg [dreg:$0x7];
	[sflag:s28] =	ssyncadd.s32 $0xFFFFF830  }
0x3d: {  	[tilespmem:s30], [sflag:$0x5] =	stream.linear.gather [hbm4b:s14+s4], $0x7D0, $0x38;
	[tilespmem:$0x1C8E0] =	vst v63  }
0x3e: {  	_ =	swait.ge [sflag:s28], $0x7D0  }
0x3f: {  	[sflag:s28] =	ssyncset.done $0x0  }
0x40: {  	s15 =	rddreg [dreg:$0x8];
	[sflag:s28] =	ssyncadd.s32 $0xFFFFF830  }
0x41: {  	[tilespmem:s31], [sflag:$0x5] =	stream.linear.gather [hbm4b:s15+s4], $0x7D0, $0x38;
	[tilespmem:$0x1C8E0] =	vst v63  }
0x42: {  	_ =	swait.ge [sflag:s28], $0x7D0  }
0x43: {  	[sflag:s28] =	ssyncset.done $0x0  }
0x44: {  	[sflag:s28] =	ssyncadd.s32 $0xFFFFF830  }
0x45: {  	[tilespmem:s0], [sflag:$0x1] =	stream.indirect.gather [spmem:s3], $0x10, s4, s1, $0xb8;
	[tilespmem:$0x1C8E0] =	vst v63  }
0x46: {  	s13 =	rddreg [dreg:$0x9]  }
0x47: {  	[tilespmem:s1], [sflag:$0x5] =	stream.linear.gather [hbm4b:s13+s4], $0x7D0, $0x38;
	[tilespmem:$0x1C8E0] =	vst v63  }
0x48: {  	_ =	swait.ge [sflag:s28], $0x7D0  }
0x49: {  	[sflag:s28] =	ssyncset.done $0x0  }
0x4a: {  	s14 =	rddreg [dreg:$0xa];
	[sflag:s28] =	ssyncadd.s32 $0xFFFFF830  }
0x4b: {  	[tilespmem:s5], [sflag:$0x5] =	stream.linear.gather [hbm4b:s14+s4], $0x7D0, $0x38;
	[tilespmem:$0x1C8E0] =	vst v63  }
0x4c: {  	_ =	swait.ge [sflag:s28], $0x7D0  }
0x4d: {  	[sflag:s28] =	ssyncset.done $0x0  }
0x4e: {  	s13 =	simm.s32 $0x2710;
	s15 =	rddreg [dreg:$0xb];
	[sflag:s28] =	ssyncadd.s32 $0xFFFFF830  }
0x4f: {  	[tilespmem:s13], [sflag:$0x5] =	stream.linear.gather [hbm4b:s15+s4], $0x7D0, $0x38;
	[tilespmem:$0x1C8E0] =	vst v63  }
0x50: {  	_ =	swait.ge [sflag:s28], $0x7D0  }
0x51: {  	[sflag:s28] =	ssyncset.done $0x0  }
0x52: {  	[sflag:s28] =	ssyncadd.s32 $0xFFFFF830  }
0x53: {  	[tilespmem:s6], [sflag:$0x2] =	stream.indirect.gather [spmem:s3], $0x10, s1, s1, $0xb8;
	[tilespmem:$0x1C8E0] =	vst v63  }
0x54: {  	_ =	swait.ge [sflag:s7], $0x7D00  }
0x55: {  	[sflag:s7] =	ssyncset.done $0x0  }
0x56: {  	s14 =	simm.s32 $0x20;
	[sflag:s7] =	ssyncadd.s32 $0xFFFF8300  }
0x57: {  	v1 =	vld [tilespmem:s14+$0x10]  }
0x58: {  	v2 =	vld [tilespmem:s14+$0xFFFFFFF0]  }
0x59: {  	v3 =	vld [tilespmem:s14+$0xFFFFFFE0]  }
0x5a: {  	s12 =	simm.s32 $0x1F60;
	v4 =	vld [tilespmem:s14+$0x0]  }
0x5b: {  	s15 =	simm.s32 $0x60;
	v7 =	vld [tilespmem:s12+$0x10]  }
0x5c: {  	v5 =	vld [tilespmem:s15+$0x10]  }
0x5d: {  	v10 =	vld [tilespmem:s15+$0xFFFFFFF0]  }
0x5e: {  	v11 =	vld [tilespmem:s15+$0xFFFFFFE0]  }
0x5f: {  	v12 =	vld [tilespmem:s12+$0xFFFFFFE0]  }
0x60: {  	v13 =	vld [tilespmem:s12+$0xFFFFFFF0]  }
0x61: {  	v6 =	vld [tilespmem:s12+$0x0]  }
0x62: {  	v1 =	vld.idx.msk [tilespmem:v1+s29+$0x0], $0xffff  }
0x63: {  	v9 =	vld.idx.msk [tilespmem:v2+s29+$0x0], $0xffff  }
0x64: {  	v8 =	vld.idx.msk [tilespmem:v3+s29+$0x0], $0xffff  }
0x65: {  	v2 =	vld [tilespmem:s15+$0x0]  }
0x66: {  	v3 =	vld.idx.msk [tilespmem:v4+s29+$0x0], $0xffff  }
0x67: {  	s13 =	simm.s32 $0x1FA0;
	v5 =	vld.idx.msk [tilespmem:v5+s29+$0x0], $0xffff  }
0x68: {  	v1 =	vmul.f32 v7, v1;
	v7 =	vld [tilespmem:s13+$0x10]  }
0x69: {  	v4 =	vld.idx.msk [tilespmem:v10+s29+$0x0], $0xffff;
	v8 =	vmul.f32 v12, v8  }
0x6a: {  	s14 =	simm.s32 $0x4;
	s15 =	simm.s32 $0xA0;
	v9 =	vmul.f32 v13, v9;
	[tilespmem:s12+$0x10] =	vst v1;
	v1 =	vld.idx.msk [tilespmem:v11+s29+$0x0], $0xffff  }
.LBB2_4:
0x6b: {  	v10 =	vld [tilespmem:s15+$0x10];
	s14 =	sadd.s32 $0x4, s14;
	[tilespmem:s12+$0xFFFFFFE0] =	vst v8;
	v3 =	vmul.f32 v6, v3  }
0x6c: {  	v8 =	vld [tilespmem:s15+$0xFFFFFFF0];
	p0 =	slt.u32 s14, $0x78;
	[tilespmem:s12+$0xFFFFFFF0] =	vst v9  }
0x6d: {  	v9 =	vld [tilespmem:s15+$0x0];
	v5 =	vmul.f32 v7, v5;
	[tilespmem:s12+$0x0] =	vst v3;
	s12 =	smov.u32 s13  }
0x6e: {  	v11 =	vld [tilespmem:s15+$0xFFFFFFE0]  }
0x6f: {  	v12 =	vmov v4;
	v3 =	vld.idx.msk [tilespmem:v2+s29+$0x0], $0xffff;
	[tilespmem:s13+$0x10] =	vst v5  }
0x70: {  	v13 =	vld [tilespmem:s13+$0xFFFFFFE0]  }
0x71: {  	v14 =	vld [tilespmem:s13+$0xFFFFFFF0]  }
.Ltmp1:
0x72: {  	v6 =	vld [tilespmem:s13+$0x0];
	v2 =	vmov v9;
	(pc) =	sbr.rel @p0 .LBB2_4-.Ltmp1, $4  }
0x73: {  	s13 =	sadd.s32 $0x40, s13;
	v5 =	vld.idx.msk [tilespmem:v10+s29+$0x0], $0xffff  }
0x74: {  	v7 =	vld [tilespmem:s13+$0x10]  }
0x75: {  	v4 =	vld.idx.msk [tilespmem:v8+s29+$0x0], $0xffff;
	v8 =	vmul.f32 v13, v1  }
0x76: {  	s15 =	sadd.s32 $0x40, s15;
	v1 =	vld.idx.msk [tilespmem:v11+s29+$0x0], $0xffff;
	v9 =	vmul.f32 v14, v12  }
0x77: {  	_ =	sdelay $0x3  }
0x78: {  	v2 =	vld.idx.msk [tilespmem:v2+s29+$0x0], $0xffff  }
0x79: {  	v10 =	vld [tilespmem:s13+$0xFFFFFFE0]  }
0x7a: {  	v11 =	vld [tilespmem:s13+$0xFFFFFFF0]  }
0x7b: {  	v12 =	vld [tilespmem:s13+$0x0]  }
0x7c: {  	[tilespmem:s12+$0xFFFFFFE0] =	vst v8;
	v3 =	vmul.f32 v6, v3  }
0x7d: {  	[tilespmem:s12+$0xFFFFFFF0] =	vst v9;
	v5 =	vmul.f32 v7, v5  }
0x7e: {  	[tilespmem:s12+$0x0] =	vst v3;
	v1 =	vmul.f32 v10, v1  }
0x7f: {  	[tilespmem:s13+$0x10] =	vst v5;
	v3 =	vmul.f32 v11, v4  }
0x80: {  	[tilespmem:s13+$0xFFFFFFE0] =	vst v1;
	v1 =	vmul.f32 v12, v2  }
0x81: {  	[tilespmem:s13+$0xFFFFFFF0] =	vst v3  }
0x82: {  	[tilespmem:s13+$0x0] =	vst v1  }
0x83: {  	v1 =	vld [tilespmem:$0x7C0];
	_ =	sdelay $0x6  }
0x84: {  	v2 =	vld [tilespmem:$0x2700]  }
0x85: {  	v1 =	vld.idx.msk [tilespmem:v1+s29+$0x0], $0xffff;
	_ =	sdelay $0x4  }
0x86: {  	v1 =	vmul.f32 v2, v1;
	_ =	sdelay $0x1  }
0x87: {  	s15 =	simm.s32 $0x1F50;
	[tilespmem:$0x2700] =	vst v1  }
0x88: {  	v2 =	vld [tilespmem:s15+$0x0]  }
0x89: {  	s12 =	simm.s32 $0x2FE0;
	v1 =	vld [tilespmem:s15+$0xFFFFFFF0]  }
0x8a: {  	v3 =	vld [tilespmem:s12+$0xF0]  }
0x8b: {  	v7 =	vld [tilespmem:s12+$0xFFFFFF00]  }
0x8c: {  	v8 =	vld [tilespmem:s12+$0xFFFFFF10]  }
0x8d: {  	v9 =	vld [tilespmem:s12+$0xFFFFFF20];
	v10 =	vbroadcast v2, $0x0;
	v4 =	vbroadcast v2, $0xF  }
0x8e: {  	v13 =	vld [tilespmem:s12+$0xFFFFFF30];
	v11 =	vbroadcast v1, $0x0;
	v12 =	vbroadcast v1, $0x1  }
0x8f: {  	v15 =	vld [tilespmem:s12+$0xFFFFFF40];
	v14 =	vbroadcast v1, $0x2;
	v16 =	vbroadcast v1, $0x3  }
0x90: {  	v18 =	vld [tilespmem:s12+$0xFFFFFF50];
	v17 =	vbroadcast v1, $0x4;
	v19 =	vbroadcast v1, $0x5  }
0x91: {  	v20 =	vld [tilespmem:s12+$0xFFFFFF60];
	v21 =	vbroadcast v1, $0x6;
	v23 =	vbroadcast v1, $0x7  }
0x92: {  	v22 =	vld [tilespmem:s12+$0xFFFFFF70];
	v24 =	vbroadcast v1, $0x8;
	v26 =	vbroadcast v1, $0x9  }
0x93: {  	v25 =	vld [tilespmem:s12+$0xFFFFFF80];
	v27 =	vbroadcast v1, $0xA;
	v29 =	vbroadcast v1, $0xB  }
0x94: {  	v28 =	vld [tilespmem:s12+$0xFFFFFF90];
	v30 =	vbroadcast v1, $0xC;
	v32 =	vbroadcast v1, $0xD  }
0x95: {  	v31 =	vld [tilespmem:s12+$0xFFFFFFA0];
	v33 =	vbroadcast v1, $0xE;
	v35 =	vbroadcast v1, $0xF  }
0x96: {  	v34 =	vld [tilespmem:s12+$0xFFFFFFB0];
	v36 =	vbroadcast v2, $0x1;
	v38 =	vbroadcast v2, $0x2  }
0x97: {  	v37 =	vld [tilespmem:s12+$0xFFFFFFC0];
	v39 =	vbroadcast v2, $0x3;
	v41 =	vbroadcast v2, $0x4  }
0x98: {  	v40 =	vld [tilespmem:s12+$0xFFFFFFD0];
	v42 =	vbroadcast v2, $0x5;
	v44 =	vbroadcast v2, $0x6  }
0x99: {  	v48 =	vld [tilespmem:s12+$0x0];
	v45 =	vbroadcast v2, $0x7;
	v47 =	vbroadcast v2, $0x8  }
0x9a: {  	v49 =	vld [tilespmem:s12+$0x10];
	v5 =	vbroadcast v2, $0x9;
	v6 =	vbroadcast v2, $0xA  }
0x9b: {  	v51 =	vld [tilespmem:s12+$0x40];
	v1 =	vbroadcast v2, $0xD;
	v3 =	vmul.f32 v3, v4  }
0x9c: {  	v43 =	vld [tilespmem:s12+$0xFFFFFFE0];
	v4 =	vbroadcast v2, $0xB;
	v7 =	vmul.f32 v11, v7  }
0x9d: {  	v46 =	vld [tilespmem:s12+$0xFFFFFFF0];
	v8 =	vmul.f32 v8, v12;
	v9 =	vmul.f32 v9, v14  }
0x9e: {  	v50 =	vld [tilespmem:s12+$0x30];
	v12 =	vmul.f32 v15, v17;
	v24 =	vmul.f32 v25, v24;
	[tilespmem:s12+$0xF0] =	vst v3  }
0x9f: {  	v52 =	vld [tilespmem:s12+$0x50];
	v17 =	vmul.f32 v37, v30;
	v14 =	vmul.f32 v10, v48;
	[tilespmem:s12+$0xFFFFFF00] =	vst v7  }
0xa0: {  	v63 =	vld [tilespmem:s12+$0x80];
	v15 =	vmul.f32 v49, v36;
	v10 =	vmul.f32 v51, v41;
	[tilespmem:s12+$0xFFFFFF10] =	vst v8  }
0xa1: {  	v11 =	vld [tilespmem:s12+$0x20];
	v3 =	vbroadcast v2, $0xC;
	v2 =	vbroadcast v2, $0xE;
	[tilespmem:s12+$0xFFFFFF20] =	vst v9  }
0xa2: {  	v25 =	vld [tilespmem:s12+$0x60];
	v7 =	vmul.f32 v13, v16;
	v8 =	vmul.f32 v18, v19;
	[tilespmem:s12+$0xFFFFFF40] =	vst v12  }
0xa3: {  	v13 =	vmul.f32 v20, v21;
	v9 =	vmul.f32 v22, v23;
	v21 =	vld [tilespmem:s12+$0x90];
	[tilespmem:s12+$0xFFFFFF80] =	vst v24  }
0xa4: {  	[tilespmem:s12+$0xFFFFFF30] =	vst v7;
	v7 =	vmul.f32 v28, v26;
	v26 =	vmul.f32 v31, v27;
	v27 =	vld [tilespmem:s12+$0x70]  }
0xa5: {  	v20 =	vmul.f32 v34, v29;
	v19 =	vmul.f32 v40, v32;
	v22 =	vld [tilespmem:s12+$0xA0];
	[tilespmem:s12+$0xFFFFFF50] =	vst v8  }
0xa6: {  	v16 =	vmul.f32 v43, v33;
	v18 =	vmul.f32 v46, v35;
	v23 =	vld [tilespmem:s12+$0xB0];
	[tilespmem:s12+$0xFFFFFF60] =	vst v13  }
0xa7: {  	v24 =	vld [tilespmem:s12+$0xC0];
	[tilespmem:s12+$0xFFFFFF70] =	vst v9;
	v13 =	vmul.f32 v50, v39;
	v12 =	vmul.f32 v11, v38  }
0xa8: {  	v11 =	vmul.f32 v52, v42;
	v8 =	vmul.f32 v25, v44;
	v25 =	vld [tilespmem:s12+$0xD0];
	[tilespmem:s12+$0xFFFFFF90] =	vst v7  }
0xa9: {  	s14 =	simm.s32 $0x0;
	s13 =	simm.s32 $0x2FE0;
	s15 =	simm.s32 $0x1F70;
	[tilespmem:s12+$0xFFFFFFA0] =	vst v26;
	v7 =	vmul.f32 v63, v47;
	v26 =	vld [tilespmem:s12+$0xE0];
	v9 =	vmul.f32 v27, v45  }
.LBB2_6:
0xaa: {  	v27 =	vld [tilespmem:s15+$0x0];
	s14 =	sadd.s32 $0x2, s14;
	[tilespmem:s12+$0xFFFFFFB0] =	vst v20;
	v5 =	vmul.f32 v21, v5;
	v6 =	vmul.f32 v22, v6  }
0xab: {  	s12 =	sadd.s32 $0x200, s12;
	v20 =	vld [tilespmem:s15+$0xFFFFFFF0];
	p0 =	slt.u32 s14, $0x7A;
	[tilespmem:s13+$0xFFFFFFC0] =	vst v17;
	v4 =	vmul.f32 v23, v4  }
0xac: {  	v17 =	vld [tilespmem:s12+$0xF0];
	[tilespmem:s13+$0xFFFFFFD0] =	vst v19;
	v3 =	vmul.f32 v24, v3  }
0xad: {  	v19 =	vld [tilespmem:s12+$0xFFFFFF00];
	[tilespmem:s13+$0xFFFFFFE0] =	vst v16;
	v1 =	vmul.f32 v25, v1  }
0xae: {  	v16 =	vld [tilespmem:s12+$0xFFFFFF10];
	[tilespmem:s13+$0xFFFFFFF0] =	vst v18;
	v2 =	vmul.f32 v26, v2  }
0xaf: {  	v18 =	vld [tilespmem:s12+$0xFFFFFF20];
	v22 =	vbroadcast v27, $0x0;
	v21 =	vbroadcast v27, $0xF;
	[tilespmem:s13+$0x0] =	vst v14  }
0xb0: {  	v14 =	vbroadcast v20, $0x0;
	v23 =	vbroadcast v20, $0x1;
	v24 =	vld [tilespmem:s12+$0xFFFFFF30];
	[tilespmem:s13+$0x10] =	vst v15  }
0xb1: {  	v15 =	vbroadcast v20, $0x2;
	v25 =	vld [tilespmem:s12+$0xFFFFFF40];
	v17 =	vmul.f32 v17, v21;
	[tilespmem:s13+$0x20] =	vst v12  }
0xb2: {  	v12 =	vbroadcast v20, $0x3;
	v21 =	vbroadcast v20, $0x4;
	v26 =	vld [tilespmem:s12+$0xFFFFFF50];
	[tilespmem:s13+$0x30] =	vst v13  }
0xb3: {  	v29 =	vbroadcast v20, $0x6;
	v13 =	vbroadcast v20, $0x5;
	v28 =	vld [tilespmem:s12+$0xFFFFFF60];
	[tilespmem:s12+$0xF0] =	vst v17  }
0xb4: {  	v30 =	vbroadcast v20, $0x7;
	v31 =	vbroadcast v20, $0x8;
	v17 =	vld [tilespmem:s12+$0xFFFFFF70];
	[tilespmem:s13+$0x40] =	vst v10  }
0xb5: {  	v32 =	vbroadcast v20, $0x9;
	v33 =	vbroadcast v20, $0xA;
	v10 =	vld [tilespmem:s12+$0xFFFFFF80];
	[tilespmem:s13+$0x50] =	vst v11  }
0xb6: {  	v34 =	vbroadcast v20, $0xB;
	v35 =	vbroadcast v20, $0xC;
	v11 =	vld [tilespmem:s12+$0xFFFFFF90];
	[tilespmem:s13+$0x60] =	vst v8  }
0xb7: {  	v36 =	vbroadcast v20, $0xD;
	v37 =	vbroadcast v20, $0xE;
	v8 =	vld [tilespmem:s12+$0xFFFFFFA0];
	[tilespmem:s13+$0x70] =	vst v9  }
0xb8: {  	v39 =	vbroadcast v27, $0x1;
	v38 =	vbroadcast v20, $0xF;
	v9 =	vld [tilespmem:s12+$0xFFFFFFB0];
	[tilespmem:s13+$0x80] =	vst v7  }
0xb9: {  	v40 =	vbroadcast v27, $0x2;
	v41 =	vbroadcast v27, $0x3;
	v7 =	vld [tilespmem:s12+$0xFFFFFFC0];
	[tilespmem:s13+$0x90] =	vst v5  }
0xba: {  	v43 =	vbroadcast v27, $0x4;
	v44 =	vbroadcast v27, $0x5;
	v42 =	vld [tilespmem:s12+$0xFFFFFFD0];
	[tilespmem:s13+$0xA0] =	vst v6  }
0xbb: {  	v46 =	vbroadcast v27, $0x6;
	v47 =	vbroadcast v27, $0x7;
	v45 =	vld [tilespmem:s12+$0xFFFFFFE0];
	[tilespmem:s13+$0xB0] =	vst v4  }
0xbc: {  	v49 =	vbroadcast v27, $0x8;
	v5 =	vbroadcast v27, $0x9;
	v48 =	vld [tilespmem:s12+$0xFFFFFFF0];
	[tilespmem:s13+$0xC0] =	vst v3  }
0xbd: {  	v6 =	vbroadcast v27, $0xA;
	v4 =	vbroadcast v27, $0xB;
	v50 =	vld [tilespmem:s12+$0x0];
	[tilespmem:s13+$0xD0] =	vst v1  }
0xbe: {  	v3 =	vbroadcast v27, $0xC;
	v1 =	vbroadcast v27, $0xD;
	v51 =	vld [tilespmem:s12+$0x10];
	[tilespmem:s13+$0xE0] =	vst v2;
	s13 =	smov.u32 s12  }
0xbf: {  	v14 =	vmul.f32 v14, v19;
	v2 =	vbroadcast v27, $0xE;
	v52 =	vld [tilespmem:s12+$0x20]  }
0xc0: {  	v16 =	vmul.f32 v16, v23;
	v15 =	vmul.f32 v18, v15;
	v27 =	vld [tilespmem:s12+$0x30]  }
0xc1: {  	v12 =	vmul.f32 v24, v12;
	[tilespmem:s12+$0xFFFFFF00] =	vst v14;
	v14 =	vmul.f32 v25, v21;
	v24 =	vld [tilespmem:s12+$0x40]  }
0xc2: {  	v13 =	vmul.f32 v26, v13;
	v18 =	vmul.f32 v28, v29;
	[tilespmem:s12+$0xFFFFFF10] =	vst v16;
	v25 =	vld [tilespmem:s12+$0x50]  }
0xc3: {  	v10 =	vmul.f32 v10, v31;
	[tilespmem:s12+$0xFFFFFF20] =	vst v15;
	v15 =	vmul.f32 v17, v30;
	v26 =	vld [tilespmem:s12+$0x60]  }
0xc4: {  	v11 =	vmul.f32 v11, v32;
	v28 =	vmul.f32 v8, v33;
	[tilespmem:s12+$0xFFFFFF30] =	vst v12;
	v29 =	vld [tilespmem:s12+$0x70]  }
0xc5: {  	v20 =	vmul.f32 v9, v34;
	v17 =	vmul.f32 v7, v35;
	[tilespmem:s12+$0xFFFFFF40] =	vst v14;
	v7 =	vld [tilespmem:s12+$0x80]  }
0xc6: {  	v19 =	vmul.f32 v42, v36;
	v16 =	vmul.f32 v45, v37;
	[tilespmem:s12+$0xFFFFFF50] =	vst v13;
	v21 =	vld [tilespmem:s12+$0x90]  }
.Ltmp2:
0xc7: {  	v14 =	vmul.f32 v22, v50;
	[tilespmem:s12+$0xFFFFFF60] =	vst v18;
	v18 =	vmul.f32 v48, v38;
	v22 =	vld [tilespmem:s12+$0xA0];
	(pc) =	sbr.rel @p0 .LBB2_6-.Ltmp2, $4  }
0xc8: {  	v12 =	vmul.f32 v52, v40;
	[tilespmem:s12+$0xFFFFFF70] =	vst v15;
	v15 =	vmul.f32 v51, v39;
	v23 =	vld [tilespmem:s12+$0xB0]  }
0xc9: {  	v13 =	vmul.f32 v27, v41;
	[tilespmem:s12+$0xFFFFFF80] =	vst v10;
	v10 =	vmul.f32 v24, v43;
	v24 =	vld [tilespmem:s12+$0xC0]  }
0xca: {  	v8 =	vmul.f32 v26, v46;
	[tilespmem:s12+$0xFFFFFF90] =	vst v11;
	v11 =	vmul.f32 v25, v44;
	v25 =	vld [tilespmem:s12+$0xD0]  }
0xcb: {  	s15 =	sadd.s32 $0x20, s15;
	v9 =	vmul.f32 v29, v47;
	v7 =	vmul.f32 v7, v49;
	[tilespmem:s12+$0xFFFFFFA0] =	vst v28;
	v26 =	vld [tilespmem:s12+$0xE0]  }
0xcc: {  	[tilespmem:s12+$0xFFFFFFB0] =	vst v20  }
0xcd: {  	[tilespmem:s13+$0x0] =	vst v14  }
0xce: {  	[tilespmem:s13+$0x10] =	vst v15  }
0xcf: {  	[tilespmem:s13+$0x20] =	vst v12  }
0xd0: {  	[tilespmem:s13+$0x30] =	vst v13  }
0xd1: {  	[tilespmem:s13+$0x40] =	vst v10  }
0xd2: {  	[tilespmem:s13+$0x50] =	vst v11  }
0xd3: {  	[tilespmem:s13+$0x60] =	vst v8  }
0xd4: {  	[tilespmem:s13+$0xFFFFFFC0] =	vst v17  }
0xd5: {  	[tilespmem:s13+$0xFFFFFFD0] =	vst v19  }
0xd6: {  	[tilespmem:s13+$0xFFFFFFE0] =	vst v16  }
0xd7: {  	[tilespmem:s13+$0xFFFFFFF0] =	vst v18  }
0xd8: {  	v5 =	vmul.f32 v21, v5;
	[tilespmem:s13+$0x70] =	vst v9  }
0xd9: {  	v6 =	vmul.f32 v22, v6;
	[tilespmem:s13+$0x80] =	vst v7  }
0xda: {  	v4 =	vmul.f32 v23, v4;
	[tilespmem:s13+$0x90] =	vst v5  }
0xdb: {  	v3 =	vmul.f32 v24, v3;
	[tilespmem:s13+$0xA0] =	vst v6  }
0xdc: {  	v1 =	vmul.f32 v25, v1;
	[tilespmem:s13+$0xB0] =	vst v4  }
0xdd: {  	v2 =	vmul.f32 v26, v2;
	[tilespmem:s13+$0xC0] =	vst v3  }
0xde: {  	[tilespmem:s13+$0xD0] =	vst v1  }
0xdf: {  	[tilespmem:s13+$0xE0] =	vst v2  }
0xe0: {  	v1 =	vld [tilespmem:$0x2700];
	_ =	sdelay $0x1  }
0xe1: {  	v2 =	vld [tilespmem:$0xAAE0]  }
0xe2: {  	v3 =	vld [tilespmem:$0xAAF0]  }
0xe3: {  	v4 =	vld [tilespmem:$0xAB00]  }
0xe4: {  	v6 =	vld [tilespmem:$0xAB10];
	v5 =	vbroadcast v1, $0x0  }
0xe5: {  	v8 =	vld [tilespmem:$0xAB20];
	v7 =	vbroadcast v1, $0x1  }
0xe6: {  	v9 =	vld [tilespmem:$0xAB30];
	v2 =	vmul.f32 v5, v2;
	v5 =	vbroadcast v1, $0x2  }
0xe7: {  	v10 =	vld [tilespmem:$0xAB40];
	v3 =	vmul.f32 v3, v7;
	v7 =	vbroadcast v1, $0x3  }
0xe8: {  	[tilespmem:$0xAAE0] =	vst v2;
	v2 =	vmul.f32 v4, v5;
	v4 =	vbroadcast v1, $0x4;
	v5 =	vld [tilespmem:$0xAB50]  }
0xe9: {  	[tilespmem:$0xAAF0] =	vst v3;
	v3 =	vmul.f32 v6, v7;
	v6 =	vbroadcast v1, $0x5;
	v7 =	vld [tilespmem:$0xAB60]  }
0xea: {  	[tilespmem:$0xAB00] =	vst v2;
	v2 =	vmul.f32 v8, v4;
	v4 =	vbroadcast v1, $0x6;
	v8 =	vld [tilespmem:$0xAB70]  }
0xeb: {  	[tilespmem:$0xAB10] =	vst v3;
	v3 =	vmul.f32 v9, v6;
	v6 =	vbroadcast v1, $0x7;
	v9 =	vld [tilespmem:$0xAB80]  }
0xec: {  	[tilespmem:$0xAB20] =	vst v2;
	v2 =	vmul.f32 v10, v4;
	v4 =	vbroadcast v1, $0x8;
	v10 =	vld [tilespmem:$0xAB90]  }
0xed: {  	[tilespmem:$0xAB30] =	vst v3;
	v3 =	vmul.f32 v5, v6;
	v5 =	vbroadcast v1, $0x9;
	v6 =	vld [tilespmem:$0xABA0]  }
0xee: {  	[tilespmem:$0xAB40] =	vst v2;
	v2 =	vmul.f32 v7, v4;
	v4 =	vbroadcast v1, $0xA;
	v7 =	vld [tilespmem:$0xABB0]  }
0xef: {  	[tilespmem:$0xAB50] =	vst v3;
	v3 =	vmul.f32 v8, v5;
	v5 =	vbroadcast v1, $0xB;
	v8 =	vld [tilespmem:$0xABC0]  }
0xf0: {  	[tilespmem:$0xAB60] =	vst v2;
	v2 =	vmul.f32 v9, v4;
	v4 =	vbroadcast v1, $0xC;
	v9 =	vld [tilespmem:$0xABD0]  }
0xf1: {  	[tilespmem:$0xAB70] =	vst v3;
	v3 =	vmul.f32 v10, v5;
	v5 =	vbroadcast v1, $0xD  }
0xf2: {  	[tilespmem:$0xAB80] =	vst v2;
	v2 =	vmul.f32 v6, v4;
	v4 =	vbroadcast v1, $0xE  }
0xf3: {  	v1 =	vbroadcast v1, $0xF;
	[tilespmem:$0xAB90] =	vst v3;
	v3 =	vmul.f32 v7, v5  }
0xf4: {  	[tilespmem:$0xABA0] =	vst v2;
	v2 =	vmul.f32 v8, v4  }
0xf5: {  	[tilespmem:$0xABB0] =	vst v3;
	v1 =	vmul.f32 v9, v1  }
0xf6: {  	[tilespmem:$0xABC0] =	vst v2  }
0xf7: {  	[tilespmem:$0xABD0] =	vst v1  }
0xf8: {  	[spmem:s2] =	stream.indirect.scatter.add.f32 [tilespmem:s0], [sflag:$0x3], $0x10, s30, s1, $0xb8;
	[tilespmem:$0x1C8E0] =	vst v63  }
0xf9: {  	_ =	swait.ge [sflag:s8], $0x7D00  }
0xfa: {  	[sflag:s8] =	ssyncset.done $0x0  }
0xfb: {  	s14 =	rddreg [dreg:$0xc];
	[sflag:s8] =	ssyncadd.s32 $0xFFFF8300  }
0xfc: {  	[tilespmem:s4], [sflag:$0x5] =	stream.linear.gather [hbm4b:s14+s4], $0x7D0, $0x38;
	[tilespmem:$0x1C8E0] =	vst v63  }
0xfd: {  	_ =	swait.ge [sflag:s28], $0x7D0  }
0xfe: {  	[sflag:s28] =	ssyncset.done $0x0  }
0xff: {  	s15 =	rddreg [dreg:$0xd];
	[sflag:s28] =	ssyncadd.s32 $0xFFFFF830  }
0x100: {  	[tilespmem:s30], [sflag:$0x5] =	stream.linear.gather [hbm4b:s15+s4], $0x7D0, $0x38;
	[tilespmem:$0x1C8E0] =	vst v63  }
0x101: {  	_ =	swait.ge [sflag:s28], $0x7D0  }
0x102: {  	[sflag:s28] =	ssyncset.done $0x0  }
0x103: {  	s13 =	rddreg [dreg:$0xe];
	[sflag:s28] =	ssyncadd.s32 $0xFFFFF830  }
0x104: {  	[tilespmem:s31], [sflag:$0x5] =	stream.linear.gather [hbm4b:s13+s4], $0x7D0, $0x38;
	[tilespmem:$0x1C8E0] =	vst v63  }
0x105: {  	_ =	swait.ge [sflag:s28], $0x7D0  }
0x106: {  	[sflag:s28] =	ssyncset.done $0x0  }
0x107: {  	[sflag:s28] =	ssyncadd.s32 $0xFFFFF830  }
0x108: {  	[tilespmem:s0], [sflag:$0x1] =	stream.indirect.gather [spmem:s3], $0x10, s4, s1, $0xb8;
	[tilespmem:$0x1C8E0] =	vst v63  }
0x109: {  	_ =	swait.ge [sflag:s9], $0x7D00  }
0x10a: {  	[sflag:s9] =	ssyncset.done $0x0  }
0x10b: {  	s14 =	simm.s32 $0x800;
	[sflag:s9] =	ssyncadd.s32 $0xFFFF8300  }
0x10c: {  	v1 =	vld [tilespmem:s14+$0x0]  }
0x10d: {  	v2 =	vld [tilespmem:s14+$0xFFFFFFE0]  }
0x10e: {  	v3 =	vld [tilespmem:s14+$0xFFFFFFD0]  }
0x10f: {  	s12 =	simm.s32 $0x2740;
	v4 =	vld [tilespmem:s14+$0xFFFFFFF0]  }
0x110: {  	s15 =	simm.s32 $0x840;
	v7 =	vld [tilespmem:s12+$0x0]  }
0x111: {  	v5 =	vld [tilespmem:s15+$0x0]  }
0x112: {  	v10 =	vld [tilespmem:s15+$0xFFFFFFE0]  }
0x113: {  	v11 =	vld [tilespmem:s15+$0xFFFFFFD0]  }
0x114: {  	v62 =	vld [tilespmem:s12+$0xFFFFFFD0]  }
0x115: {  	v63 =	vld [tilespmem:s12+$0xFFFFFFE0]  }
0x116: {  	v6 =	vld [tilespmem:s12+$0xFFFFFFF0]  }
0x117: {  	v1 =	vld.idx.msk [tilespmem:v1+s29+$0x0], $0xffff  }
0x118: {  	v9 =	vld.idx.msk [tilespmem:v2+s29+$0x0], $0xffff  }
0x119: {  	v8 =	vld.idx.msk [tilespmem:v3+s29+$0x0], $0xffff  }
0x11a: {  	v2 =	vld [tilespmem:s15+$0xFFFFFFF0]  }
0x11b: {  	v3 =	vld.idx.msk [tilespmem:v4+s29+$0x0], $0xffff  }
0x11c: {  	s13 =	simm.s32 $0x2780;
	v5 =	vld.idx.msk [tilespmem:v5+s29+$0x0], $0xffff  }
0x11d: {  	v1 =	vmul.f32 v7, v1;
	v7 =	vld [tilespmem:s13+$0x0]  }
0x11e: {  	v4 =	vld.idx.msk [tilespmem:v10+s29+$0x0], $0xffff;
	v8 =	vmul.f32 v62, v8  }
0x11f: {  	s14 =	simm.s32 $0x4;
	s15 =	simm.s32 $0x880;
	v9 =	vmul.f32 v63, v9;
	[tilespmem:s12+$0x0] =	vst v1;
	v1 =	vld.idx.msk [tilespmem:v11+s29+$0x0], $0xffff  }
.LBB2_8:
0x120: {  	v10 =	vld [tilespmem:s15+$0x0];
	s14 =	sadd.s32 $0x4, s14;
	[tilespmem:s12+$0xFFFFFFD0] =	vst v8;
	v3 =	vmul.f32 v6, v3  }
0x121: {  	v8 =	vld [tilespmem:s15+$0xFFFFFFE0];
	p0 =	slt.u32 s14, $0x78;
	[tilespmem:s12+$0xFFFFFFE0] =	vst v9  }
0x122: {  	v9 =	vld [tilespmem:s15+$0xFFFFFFF0];
	v5 =	vmul.f32 v7, v5;
	[tilespmem:s12+$0xFFFFFFF0] =	vst v3;
	s12 =	smov.u32 s13  }
0x123: {  	v11 =	vld [tilespmem:s15+$0xFFFFFFD0]  }
0x124: {  	v12 =	vmov v4;
	v3 =	vld.idx.msk [tilespmem:v2+s29+$0x0], $0xffff;
	[tilespmem:s13+$0x0] =	vst v5  }
0x125: {  	v13 =	vld [tilespmem:s13+$0xFFFFFFD0]  }
0x126: {  	v14 =	vld [tilespmem:s13+$0xFFFFFFE0]  }
.Ltmp3:
0x127: {  	v6 =	vld [tilespmem:s13+$0xFFFFFFF0];
	v2 =	vmov v9;
	(pc) =	sbr.rel @p0 .LBB2_8-.Ltmp3, $4  }
0x128: {  	s13 =	sadd.s32 $0x40, s13;
	v5 =	vld.idx.msk [tilespmem:v10+s29+$0x0], $0xffff  }
0x129: {  	v7 =	vld [tilespmem:s13+$0x0]  }
0x12a: {  	v4 =	vld.idx.msk [tilespmem:v8+s29+$0x0], $0xffff;
	v8 =	vmul.f32 v13, v1  }
0x12b: {  	s15 =	sadd.s32 $0x40, s15;
	v1 =	vld.idx.msk [tilespmem:v11+s29+$0x0], $0xffff;
	v9 =	vmul.f32 v14, v12  }
0x12c: {  	_ =	sdelay $0x3  }
0x12d: {  	v2 =	vld.idx.msk [tilespmem:v2+s29+$0x0], $0xffff  }
0x12e: {  	v10 =	vld [tilespmem:s13+$0xFFFFFFD0]  }
0x12f: {  	v11 =	vld [tilespmem:s13+$0xFFFFFFE0]  }
0x130: {  	v12 =	vld [tilespmem:s13+$0xFFFFFFF0]  }
0x131: {  	[tilespmem:s12+$0xFFFFFFD0] =	vst v8;
	v3 =	vmul.f32 v6, v3  }
0x132: {  	[tilespmem:s12+$0xFFFFFFE0] =	vst v9;
	v5 =	vmul.f32 v7, v5  }
0x133: {  	[tilespmem:s12+$0xFFFFFFF0] =	vst v3;
	v1 =	vmul.f32 v10, v1  }
0x134: {  	[tilespmem:s13+$0x0] =	vst v5;
	v3 =	vmul.f32 v11, v4  }
0x135: {  	[tilespmem:s13+$0xFFFFFFD0] =	vst v1;
	v1 =	vmul.f32 v12, v2  }
0x136: {  	[tilespmem:s13+$0xFFFFFFE0] =	vst v3  }
0x137: {  	[tilespmem:s13+$0xFFFFFFF0] =	vst v1  }
0x138: {  	v1 =	vld [tilespmem:$0xF90];
	_ =	sdelay $0x6  }
0x139: {  	v2 =	vld [tilespmem:$0x2ED0]  }
0x13a: {  	v1 =	vld.idx.msk [tilespmem:v1+s29+$0x0], $0xffff;
	_ =	sdelay $0x4  }
0x13b: {  	v1 =	vmul.f32 v2, v1;
	_ =	sdelay $0x1  }
0x13c: {  	s15 =	simm.s32 $0x2720;
	[tilespmem:$0x2ED0] =	vst v1  }
0x13d: {  	v2 =	vld [tilespmem:s15+$0x0]  }
0x13e: {  	s12 =	simm.s32 $0xADD0;
	v1 =	vld [tilespmem:s15+$0xFFFFFFF0]  }
0x13f: {  	v3 =	vld [tilespmem:s12+$0x0]  }
0x140: {  	v7 =	vld [tilespmem:s12+$0xFFFFFE10]  }
0x141: {  	v8 =	vld [tilespmem:s12+$0xFFFFFE20]  }
0x142: {  	v9 =	vld [tilespmem:s12+$0xFFFFFE30];
	v10 =	vbroadcast v2, $0x0;
	v4 =	vbroadcast v2, $0xF  }
0x143: {  	v13 =	vld [tilespmem:s12+$0xFFFFFE40];
	v11 =	vbroadcast v1, $0x0;
	v12 =	vbroadcast v1, $0x1  }
0x144: {  	v15 =	vld [tilespmem:s12+$0xFFFFFE50];
	v14 =	vbroadcast v1, $0x2;
	v16 =	vbroadcast v1, $0x3  }
0x145: {  	v18 =	vld [tilespmem:s12+$0xFFFFFE60];
	v17 =	vbroadcast v1, $0x4;
	v19 =	vbroadcast v1, $0x5  }
0x146: {  	v20 =	vld [tilespmem:s12+$0xFFFFFE70];
	v21 =	vbroadcast v1, $0x6;
	v23 =	vbroadcast v1, $0x7  }
0x147: {  	v22 =	vld [tilespmem:s12+$0xFFFFFE80];
	v24 =	vbroadcast v1, $0x8;
	v26 =	vbroadcast v1, $0x9  }
0x148: {  	v25 =	vld [tilespmem:s12+$0xFFFFFE90];
	v27 =	vbroadcast v1, $0xA;
	v29 =	vbroadcast v1, $0xB  }
0x149: {  	v28 =	vld [tilespmem:s12+$0xFFFFFEA0];
	v30 =	vbroadcast v1, $0xC;
	v32 =	vbroadcast v1, $0xD  }
0x14a: {  	v31 =	vld [tilespmem:s12+$0xFFFFFEB0];
	v33 =	vbroadcast v1, $0xE;
	v35 =	vbroadcast v1, $0xF  }
0x14b: {  	v34 =	vld [tilespmem:s12+$0xFFFFFEC0];
	v36 =	vbroadcast v2, $0x1;
	v38 =	vbroadcast v2, $0x2  }
0x14c: {  	v37 =	vld [tilespmem:s12+$0xFFFFFED0];
	v39 =	vbroadcast v2, $0x3;
	v41 =	vbroadcast v2, $0x4  }
0x14d: {  	v40 =	vld [tilespmem:s12+$0xFFFFFEE0];
	v42 =	vbroadcast v2, $0x5;
	v44 =	vbroadcast v2, $0x6  }
0x14e: {  	v48 =	vld [tilespmem:s12+$0xFFFFFF10];
	v45 =	vbroadcast v2, $0x7;
	v47 =	vbroadcast v2, $0x8  }
0x14f: {  	v49 =	vld [tilespmem:s12+$0xFFFFFF20];
	v5 =	vbroadcast v2, $0x9;
	v6 =	vbroadcast v2, $0xA  }
0x150: {  	v51 =	vld [tilespmem:s12+$0xFFFFFF50];
	v1 =	vbroadcast v2, $0xD;
	v3 =	vmul.f32 v3, v4  }
0x151: {  	v43 =	vld [tilespmem:s12+$0xFFFFFEF0];
	v4 =	vbroadcast v2, $0xB;
	v7 =	vmul.f32 v11, v7  }
0x152: {  	v46 =	vld [tilespmem:s12+$0xFFFFFF00];
	v8 =	vmul.f32 v8, v12;
	v9 =	vmul.f32 v9, v14  }
0x153: {  	v50 =	vld [tilespmem:s12+$0xFFFFFF40];
	v12 =	vmul.f32 v15, v17;
	v24 =	vmul.f32 v25, v24;
	[tilespmem:s12+$0x0] =	vst v3  }
0x154: {  	v52 =	vld [tilespmem:s12+$0xFFFFFF60];
	v17 =	vmul.f32 v37, v30;
	v14 =	vmul.f32 v10, v48;
	[tilespmem:s12+$0xFFFFFE10] =	vst v7  }
0x155: {  	v63 =	vld [tilespmem:s12+$0xFFFFFF90];
	v15 =	vmul.f32 v49, v36;
	v10 =	vmul.f32 v51, v41;
	[tilespmem:s12+$0xFFFFFE20] =	vst v8  }
0x156: {  	v11 =	vld [tilespmem:s12+$0xFFFFFF30];
	v3 =	vbroadcast v2, $0xC;
	v2 =	vbroadcast v2, $0xE;
	[tilespmem:s12+$0xFFFFFE30] =	vst v9  }
0x157: {  	v25 =	vld [tilespmem:s12+$0xFFFFFF70];
	v7 =	vmul.f32 v13, v16;
	v8 =	vmul.f32 v18, v19;
	[tilespmem:s12+$0xFFFFFE50] =	vst v12  }
0x158: {  	v13 =	vmul.f32 v20, v21;
	v9 =	vmul.f32 v22, v23;
	v21 =	vld [tilespmem:s12+$0xFFFFFFA0];
	[tilespmem:s12+$0xFFFFFE90] =	vst v24  }
0x159: {  	[tilespmem:s12+$0xFFFFFE40] =	vst v7;
	v7 =	vmul.f32 v28, v26;
	v26 =	vmul.f32 v31, v27;
	v27 =	vld [tilespmem:s12+$0xFFFFFF80]  }
0x15a: {  	v20 =	vmul.f32 v34, v29;
	v19 =	vmul.f32 v40, v32;
	v22 =	vld [tilespmem:s12+$0xFFFFFFB0];
	[tilespmem:s12+$0xFFFFFE60] =	vst v8  }
0x15b: {  	v16 =	vmul.f32 v43, v33;
	v18 =	vmul.f32 v46, v35;
	v23 =	vld [tilespmem:s12+$0xFFFFFFC0];
	[tilespmem:s12+$0xFFFFFE70] =	vst v13  }
0x15c: {  	v24 =	vld [tilespmem:s12+$0xFFFFFFD0];
	[tilespmem:s12+$0xFFFFFE80] =	vst v9;
	v13 =	vmul.f32 v50, v39;
	v12 =	vmul.f32 v11, v38  }
0x15d: {  	v11 =	vmul.f32 v52, v42;
	v8 =	vmul.f32 v25, v44;
	v25 =	vld [tilespmem:s12+$0xFFFFFFE0];
	[tilespmem:s12+$0xFFFFFEA0] =	vst v7  }
0x15e: {  	s14 =	simm.s32 $0x0;
	s13 =	simm.s32 $0xADD0;
	s15 =	simm.s32 $0x2740;
	[tilespmem:s12+$0xFFFFFEB0] =	vst v26;
	v7 =	vmul.f32 v63, v47;
	v26 =	vld [tilespmem:s12+$0xFFFFFFF0];
	v9 =	vmul.f32 v27, v45  }
.LBB2_10:
0x15f: {  	v27 =	vld [tilespmem:s15+$0x0];
	s14 =	sadd.s32 $0x2, s14;
	[tilespmem:s12+$0xFFFFFEC0] =	vst v20;
	v5 =	vmul.f32 v21, v5;
	v6 =	vmul.f32 v22, v6  }
0x160: {  	s12 =	sadd.s32 $0x200, s12;
	v20 =	vld [tilespmem:s15+$0xFFFFFFF0];
	p0 =	slt.u32 s14, $0x7A;
	[tilespmem:s13+$0xFFFFFED0] =	vst v17;
	v4 =	vmul.f32 v23, v4  }
0x161: {  	v17 =	vld [tilespmem:s12+$0x0];
	[tilespmem:s13+$0xFFFFFEE0] =	vst v19;
	v3 =	vmul.f32 v24, v3  }
0x162: {  	v19 =	vld [tilespmem:s12+$0xFFFFFE10];
	[tilespmem:s13+$0xFFFFFEF0] =	vst v16;
	v1 =	vmul.f32 v25, v1  }
0x163: {  	v16 =	vld [tilespmem:s12+$0xFFFFFE20];
	[tilespmem:s13+$0xFFFFFF00] =	vst v18;
	v2 =	vmul.f32 v26, v2  }
0x164: {  	v18 =	vld [tilespmem:s12+$0xFFFFFE30];
	v22 =	vbroadcast v27, $0x0;
	v21 =	vbroadcast v27, $0xF;
	[tilespmem:s13+$0xFFFFFF10] =	vst v14  }
0x165: {  	v14 =	vbroadcast v20, $0x0;
	v23 =	vbroadcast v20, $0x1;
	v24 =	vld [tilespmem:s12+$0xFFFFFE40];
	[tilespmem:s13+$0xFFFFFF20] =	vst v15  }
0x166: {  	v15 =	vbroadcast v20, $0x2;
	v25 =	vld [tilespmem:s12+$0xFFFFFE50];
	v17 =	vmul.f32 v17, v21;
	[tilespmem:s13+$0xFFFFFF30] =	vst v12  }
0x167: {  	v12 =	vbroadcast v20, $0x3;
	v21 =	vbroadcast v20, $0x4;
	v26 =	vld [tilespmem:s12+$0xFFFFFE60];
	[tilespmem:s13+$0xFFFFFF40] =	vst v13  }
0x168: {  	v29 =	vbroadcast v20, $0x6;
	v13 =	vbroadcast v20, $0x5;
	v28 =	vld [tilespmem:s12+$0xFFFFFE70];
	[tilespmem:s12+$0x0] =	vst v17  }
0x169: {  	v30 =	vbroadcast v20, $0x7;
	v31 =	vbroadcast v20, $0x8;
	v17 =	vld [tilespmem:s12+$0xFFFFFE80];
	[tilespmem:s13+$0xFFFFFF50] =	vst v10  }
0x16a: {  	v32 =	vbroadcast v20, $0x9;
	v33 =	vbroadcast v20, $0xA;
	v10 =	vld [tilespmem:s12+$0xFFFFFE90];
	[tilespmem:s13+$0xFFFFFF60] =	vst v11  }
0x16b: {  	v34 =	vbroadcast v20, $0xB;
	v35 =	vbroadcast v20, $0xC;
	v11 =	vld [tilespmem:s12+$0xFFFFFEA0];
	[tilespmem:s13+$0xFFFFFF70] =	vst v8  }
0x16c: {  	v36 =	vbroadcast v20, $0xD;
	v37 =	vbroadcast v20, $0xE;
	v8 =	vld [tilespmem:s12+$0xFFFFFEB0];
	[tilespmem:s13+$0xFFFFFF80] =	vst v9  }
0x16d: {  	v39 =	vbroadcast v27, $0x1;
	v38 =	vbroadcast v20, $0xF;
	v9 =	vld [tilespmem:s12+$0xFFFFFEC0];
	[tilespmem:s13+$0xFFFFFF90] =	vst v7  }
0x16e: {  	v40 =	vbroadcast v27, $0x2;
	v41 =	vbroadcast v27, $0x3;
	v7 =	vld [tilespmem:s12+$0xFFFFFED0];
	[tilespmem:s13+$0xFFFFFFA0] =	vst v5  }
0x16f: {  	v43 =	vbroadcast v27, $0x4;
	v44 =	vbroadcast v27, $0x5;
	v42 =	vld [tilespmem:s12+$0xFFFFFEE0];
	[tilespmem:s13+$0xFFFFFFB0] =	vst v6  }
0x170: {  	v46 =	vbroadcast v27, $0x6;
	v47 =	vbroadcast v27, $0x7;
	v45 =	vld [tilespmem:s12+$0xFFFFFEF0];
	[tilespmem:s13+$0xFFFFFFC0] =	vst v4  }
0x171: {  	v49 =	vbroadcast v27, $0x8;
	v5 =	vbroadcast v27, $0x9;
	v48 =	vld [tilespmem:s12+$0xFFFFFF00];
	[tilespmem:s13+$0xFFFFFFD0] =	vst v3  }
0x172: {  	v6 =	vbroadcast v27, $0xA;
	v4 =	vbroadcast v27, $0xB;
	v50 =	vld [tilespmem:s12+$0xFFFFFF10];
	[tilespmem:s13+$0xFFFFFFE0] =	vst v1  }
0x173: {  	v3 =	vbroadcast v27, $0xC;
	v1 =	vbroadcast v27, $0xD;
	v51 =	vld [tilespmem:s12+$0xFFFFFF20];
	[tilespmem:s13+$0xFFFFFFF0] =	vst v2;
	s13 =	smov.u32 s12  }
0x174: {  	v14 =	vmul.f32 v14, v19;
	v2 =	vbroadcast v27, $0xE;
	v52 =	vld [tilespmem:s12+$0xFFFFFF30]  }
0x175: {  	v16 =	vmul.f32 v16, v23;
	v15 =	vmul.f32 v18, v15;
	v27 =	vld [tilespmem:s12+$0xFFFFFF40]  }
0x176: {  	v12 =	vmul.f32 v24, v12;
	[tilespmem:s12+$0xFFFFFE10] =	vst v14;
	v14 =	vmul.f32 v25, v21;
	v24 =	vld [tilespmem:s12+$0xFFFFFF50]  }
0x177: {  	v13 =	vmul.f32 v26, v13;
	v18 =	vmul.f32 v28, v29;
	[tilespmem:s12+$0xFFFFFE20] =	vst v16;
	v25 =	vld [tilespmem:s12+$0xFFFFFF60]  }
0x178: {  	v10 =	vmul.f32 v10, v31;
	[tilespmem:s12+$0xFFFFFE30] =	vst v15;
	v15 =	vmul.f32 v17, v30;
	v26 =	vld [tilespmem:s12+$0xFFFFFF70]  }
0x179: {  	v11 =	vmul.f32 v11, v32;
	v28 =	vmul.f32 v8, v33;
	[tilespmem:s12+$0xFFFFFE40] =	vst v12;
	v29 =	vld [tilespmem:s12+$0xFFFFFF80]  }
0x17a: {  	v20 =	vmul.f32 v9, v34;
	v17 =	vmul.f32 v7, v35;
	[tilespmem:s12+$0xFFFFFE50] =	vst v14;
	v7 =	vld [tilespmem:s12+$0xFFFFFF90]  }
0x17b: {  	v19 =	vmul.f32 v42, v36;
	v16 =	vmul.f32 v45, v37;
	[tilespmem:s12+$0xFFFFFE60] =	vst v13;
	v21 =	vld [tilespmem:s12+$0xFFFFFFA0]  }
.Ltmp4:
0x17c: {  	v14 =	vmul.f32 v22, v50;
	[tilespmem:s12+$0xFFFFFE70] =	vst v18;
	v18 =	vmul.f32 v48, v38;
	v22 =	vld [tilespmem:s12+$0xFFFFFFB0];
	(pc) =	sbr.rel @p0 .LBB2_10-.Ltmp4, $4  }
0x17d: {  	v12 =	vmul.f32 v52, v40;
	[tilespmem:s12+$0xFFFFFE80] =	vst v15;
	v15 =	vmul.f32 v51, v39;
	v23 =	vld [tilespmem:s12+$0xFFFFFFC0]  }
0x17e: {  	v13 =	vmul.f32 v27, v41;
	[tilespmem:s12+$0xFFFFFE90] =	vst v10;
	v10 =	vmul.f32 v24, v43;
	v24 =	vld [tilespmem:s12+$0xFFFFFFD0]  }
0x17f: {  	v8 =	vmul.f32 v26, v46;
	[tilespmem:s12+$0xFFFFFEA0] =	vst v11;
	v11 =	vmul.f32 v25, v44;
	v25 =	vld [tilespmem:s12+$0xFFFFFFE0]  }
0x180: {  	s15 =	sadd.s32 $0x20, s15;
	v9 =	vmul.f32 v29, v47;
	v7 =	vmul.f32 v7, v49;
	[tilespmem:s12+$0xFFFFFEB0] =	vst v28;
	v26 =	vld [tilespmem:s12+$0xFFFFFFF0]  }
0x181: {  	[tilespmem:s12+$0xFFFFFEC0] =	vst v20  }
0x182: {  	[tilespmem:s13+$0xFFFFFF10] =	vst v14  }
0x183: {  	[tilespmem:s13+$0xFFFFFF20] =	vst v15  }
0x184: {  	[tilespmem:s13+$0xFFFFFF30] =	vst v12  }
0x185: {  	[tilespmem:s13+$0xFFFFFF40] =	vst v13  }
0x186: {  	[tilespmem:s13+$0xFFFFFF50] =	vst v10  }
0x187: {  	[tilespmem:s13+$0xFFFFFF60] =	vst v11  }
0x188: {  	[tilespmem:s13+$0xFFFFFF70] =	vst v8  }
0x189: {  	[tilespmem:s13+$0xFFFFFED0] =	vst v17  }
0x18a: {  	[tilespmem:s13+$0xFFFFFEE0] =	vst v19  }
0x18b: {  	[tilespmem:s13+$0xFFFFFEF0] =	vst v16  }
0x18c: {  	[tilespmem:s13+$0xFFFFFF00] =	vst v18  }
0x18d: {  	v5 =	vmul.f32 v21, v5;
	[tilespmem:s13+$0xFFFFFF80] =	vst v9  }
0x18e: {  	v6 =	vmul.f32 v22, v6;
	[tilespmem:s13+$0xFFFFFF90] =	vst v7  }
0x18f: {  	v4 =	vmul.f32 v23, v4;
	[tilespmem:s13+$0xFFFFFFA0] =	vst v5  }
0x190: {  	v3 =	vmul.f32 v24, v3;
	[tilespmem:s13+$0xFFFFFFB0] =	vst v6  }
0x191: {  	v1 =	vmul.f32 v25, v1;
	[tilespmem:s13+$0xFFFFFFC0] =	vst v4  }
0x192: {  	v2 =	vmul.f32 v26, v2;
	[tilespmem:s13+$0xFFFFFFD0] =	vst v3  }
0x193: {  	[tilespmem:s13+$0xFFFFFFE0] =	vst v1  }
0x194: {  	[tilespmem:s13+$0xFFFFFFF0] =	vst v2  }
0x195: {  	v1 =	vld [tilespmem:$0x2ED0];
	_ =	sdelay $0x1  }
0x196: {  	v2 =	vld [tilespmem:$0x127E0]  }
0x197: {  	v3 =	vld [tilespmem:$0x127F0]  }
0x198: {  	v4 =	vld [tilespmem:$0x12800]  }
0x199: {  	v6 =	vld [tilespmem:$0x12810];
	v5 =	vbroadcast v1, $0x0  }
0x19a: {  	v8 =	vld [tilespmem:$0x12820];
	v7 =	vbroadcast v1, $0x1  }
0x19b: {  	v9 =	vld [tilespmem:$0x12830];
	v2 =	vmul.f32 v5, v2;
	v5 =	vbroadcast v1, $0x2  }
0x19c: {  	v10 =	vld [tilespmem:$0x12840];
	v3 =	vmul.f32 v3, v7;
	v7 =	vbroadcast v1, $0x3  }
0x19d: {  	[tilespmem:$0x127E0] =	vst v2;
	v2 =	vmul.f32 v4, v5;
	v4 =	vbroadcast v1, $0x4;
	v5 =	vld [tilespmem:$0x12850]  }
0x19e: {  	[tilespmem:$0x127F0] =	vst v3;
	v3 =	vmul.f32 v6, v7;
	v6 =	vbroadcast v1, $0x5;
	v7 =	vld [tilespmem:$0x12860]  }
0x19f: {  	[tilespmem:$0x12800] =	vst v2;
	v2 =	vmul.f32 v8, v4;
	v4 =	vbroadcast v1, $0x6;
	v8 =	vld [tilespmem:$0x12870]  }
0x1a0: {  	[tilespmem:$0x12810] =	vst v3;
	v3 =	vmul.f32 v9, v6;
	v6 =	vbroadcast v1, $0x7;
	v9 =	vld [tilespmem:$0x12880]  }
0x1a1: {  	[tilespmem:$0x12820] =	vst v2;
	v2 =	vmul.f32 v10, v4;
	v4 =	vbroadcast v1, $0x8;
	v10 =	vld [tilespmem:$0x12890]  }
0x1a2: {  	[tilespmem:$0x12830] =	vst v3;
	v3 =	vmul.f32 v5, v6;
	v5 =	vbroadcast v1, $0x9;
	v6 =	vld [tilespmem:$0x128A0]  }
0x1a3: {  	[tilespmem:$0x12840] =	vst v2;
	v2 =	vmul.f32 v7, v4;
	v4 =	vbroadcast v1, $0xA;
	v7 =	vld [tilespmem:$0x128B0]  }
0x1a4: {  	[tilespmem:$0x12850] =	vst v3;
	v3 =	vmul.f32 v8, v5;
	v5 =	vbroadcast v1, $0xB;
	v8 =	vld [tilespmem:$0x128C0]  }
0x1a5: {  	[tilespmem:$0x12860] =	vst v2;
	v2 =	vmul.f32 v9, v4;
	v4 =	vbroadcast v1, $0xC;
	v9 =	vld [tilespmem:$0x128D0]  }
0x1a6: {  	[tilespmem:$0x12870] =	vst v3;
	v3 =	vmul.f32 v10, v5;
	v5 =	vbroadcast v1, $0xD  }
0x1a7: {  	[tilespmem:$0x12880] =	vst v2;
	v2 =	vmul.f32 v6, v4;
	v4 =	vbroadcast v1, $0xE  }
0x1a8: {  	v1 =	vbroadcast v1, $0xF;
	[tilespmem:$0x12890] =	vst v3;
	v3 =	vmul.f32 v7, v5  }
0x1a9: {  	[tilespmem:$0x128A0] =	vst v2;
	v2 =	vmul.f32 v8, v4  }
0x1aa: {  	[tilespmem:$0x128B0] =	vst v3;
	v1 =	vmul.f32 v9, v1  }
0x1ab: {  	[tilespmem:$0x128C0] =	vst v2  }
0x1ac: {  	[tilespmem:$0x128D0] =	vst v1  }
0x1ad: {  	[spmem:s2] =	stream.indirect.scatter.add.f32 [tilespmem:s6], [sflag:$0x4], $0x10, s5, s1, $0xb8;
	[tilespmem:$0x1C8E0] =	vst v63  }
0x1ae: {  	_ =	swait.ge [sflag:s10], $0x7D00  }
0x1af: {  	[sflag:s10] =	ssyncset.done $0x0  }
0x1b0: {  	s14 =	rddreg [dreg:$0xf];
	[sflag:s10] =	ssyncadd.s32 $0xFFFF8300  }
0x1b1: {  	[tilespmem:s1], [sflag:$0x5] =	stream.linear.gather [hbm4b:s14+s4], $0x7D0, $0x38;
	[tilespmem:$0x1C8E0] =	vst v63  }
0x1b2: {  	_ =	swait.ge [sflag:s28], $0x7D0  }
0x1b3: {  	[sflag:s28] =	ssyncset.done $0x0  }
0x1b4: {  	s15 =	rddreg [dreg:$0x10];
	[sflag:s28] =	ssyncadd.s32 $0xFFFFF830  }
0x1b5: {  	[tilespmem:s5], [sflag:$0x5] =	stream.linear.gather [hbm4b:s15+s4], $0x7D0, $0x38;
	[tilespmem:$0x1C8E0] =	vst v63  }
0x1b6: {  	_ =	swait.ge [sflag:s28], $0x7D0  }
0x1b7: {  	[sflag:s28] =	ssyncset.done $0x0  }
0x1b8: {  	s13 =	simm.s32 $0x2710;
	[sflag:s28] =	ssyncadd.s32 $0xFFFFF830  }
0x1b9: {  	[tilespmem:s13], [sflag:$0x5] =	stream.linear.gather [hbm4b:s16+s4], $0x7D0, $0x38;
	[tilespmem:$0x1C8E0] =	vst v63  }
0x1ba: {  	_ =	swait.ge [sflag:s28], $0x7D0  }
0x1bb: {  	[sflag:s28] =	ssyncset.done $0x0  }
0x1bc: {  	[sflag:s28] =	ssyncadd.s32 $0xFFFFF830  }
0x1bd: {  	[tilespmem:s6], [sflag:$0x2] =	stream.indirect.gather [spmem:s3], $0x10, s1, s1, $0xb8;
	[tilespmem:$0x1C8E0] =	vst v63  }
0x1be: {  	_ =	swait.ge [sflag:s7], $0x7D00  }
0x1bf: {  	[sflag:s7] =	ssyncset.done $0x0  }
0x1c0: {  	s14 =	simm.s32 $0x20;
	[sflag:s7] =	ssyncadd.s32 $0xFFFF8300  }
0x1c1: {  	v1 =	vld [tilespmem:s14+$0x10]  }
0x1c2: {  	v2 =	vld [tilespmem:s14+$0xFFFFFFF0]  }
0x1c3: {  	v3 =	vld [tilespmem:s14+$0xFFFFFFE0]  }
0x1c4: {  	s12 =	simm.s32 $0x1F60;
	v4 =	vld [tilespmem:s14+$0x0]  }
0x1c5: {  	s15 =	simm.s32 $0x60;
	v7 =	vld [tilespmem:s12+$0x10]  }
0x1c6: {  	v5 =	vld [tilespmem:s15+$0x10]  }
0x1c7: {  	v10 =	vld [tilespmem:s15+$0xFFFFFFF0]  }
0x1c8: {  	v11 =	vld [tilespmem:s15+$0xFFFFFFE0]  }
0x1c9: {  	v62 =	vld [tilespmem:s12+$0xFFFFFFE0]  }
0x1ca: {  	v63 =	vld [tilespmem:s12+$0xFFFFFFF0]  }
0x1cb: {  	v6 =	vld [tilespmem:s12+$0x0]  }
0x1cc: {  	v1 =	vld.idx.msk [tilespmem:v1+s29+$0x0], $0xffff  }
0x1cd: {  	v9 =	vld.idx.msk [tilespmem:v2+s29+$0x0], $0xffff  }
0x1ce: {  	v8 =	vld.idx.msk [tilespmem:v3+s29+$0x0], $0xffff  }
0x1cf: {  	v2 =	vld [tilespmem:s15+$0x0]  }
0x1d0: {  	v3 =	vld.idx.msk [tilespmem:v4+s29+$0x0], $0xffff  }
0x1d1: {  	s13 =	simm.s32 $0x1FA0;
	v5 =	vld.idx.msk [tilespmem:v5+s29+$0x0], $0xffff  }
0x1d2: {  	v1 =	vmul.f32 v7, v1;
	v7 =	vld [tilespmem:s13+$0x10]  }
0x1d3: {  	v4 =	vld.idx.msk [tilespmem:v10+s29+$0x0], $0xffff;
	v8 =	vmul.f32 v62, v8  }
0x1d4: {  	s14 =	simm.s32 $0x4;
	s15 =	simm.s32 $0xA0;
	v9 =	vmul.f32 v63, v9;
	[tilespmem:s12+$0x10] =	vst v1;
	v1 =	vld.idx.msk [tilespmem:v11+s29+$0x0], $0xffff  }
.LBB2_12:
0x1d5: {  	v10 =	vld [tilespmem:s15+$0x10];
	s14 =	sadd.s32 $0x4, s14;
	[tilespmem:s12+$0xFFFFFFE0] =	vst v8;
	v3 =	vmul.f32 v6, v3  }
0x1d6: {  	v8 =	vld [tilespmem:s15+$0xFFFFFFF0];
	p0 =	slt.u32 s14, $0x78;
	[tilespmem:s12+$0xFFFFFFF0] =	vst v9  }
0x1d7: {  	v9 =	vld [tilespmem:s15+$0x0];
	v5 =	vmul.f32 v7, v5;
	[tilespmem:s12+$0x0] =	vst v3;
	s12 =	smov.u32 s13  }
0x1d8: {  	v11 =	vld [tilespmem:s15+$0xFFFFFFE0]  }
0x1d9: {  	v12 =	vmov v4;
	v3 =	vld.idx.msk [tilespmem:v2+s29+$0x0], $0xffff;
	[tilespmem:s13+$0x10] =	vst v5  }
0x1da: {  	v13 =	vld [tilespmem:s13+$0xFFFFFFE0]  }
0x1db: {  	v14 =	vld [tilespmem:s13+$0xFFFFFFF0]  }
.Ltmp5:
0x1dc: {  	v6 =	vld [tilespmem:s13+$0x0];
	v2 =	vmov v9;
	(pc) =	sbr.rel @p0 .LBB2_12-.Ltmp5, $4  }
0x1dd: {  	s13 =	sadd.s32 $0x40, s13;
	v5 =	vld.idx.msk [tilespmem:v10+s29+$0x0], $0xffff  }
0x1de: {  	v7 =	vld [tilespmem:s13+$0x10]  }
0x1df: {  	v4 =	vld.idx.msk [tilespmem:v8+s29+$0x0], $0xffff;
	v8 =	vmul.f32 v13, v1  }
0x1e0: {  	s15 =	sadd.s32 $0x40, s15;
	v1 =	vld.idx.msk [tilespmem:v11+s29+$0x0], $0xffff;
	v9 =	vmul.f32 v14, v12  }
0x1e1: {  	_ =	sdelay $0x3  }
0x1e2: {  	v2 =	vld.idx.msk [tilespmem:v2+s29+$0x0], $0xffff  }
0x1e3: {  	v10 =	vld [tilespmem:s13+$0xFFFFFFE0]  }
0x1e4: {  	v11 =	vld [tilespmem:s13+$0xFFFFFFF0]  }
0x1e5: {  	v12 =	vld [tilespmem:s13+$0x0]  }
0x1e6: {  	[tilespmem:s12+$0xFFFFFFE0] =	vst v8;
	v3 =	vmul.f32 v6, v3  }
0x1e7: {  	[tilespmem:s12+$0xFFFFFFF0] =	vst v9;
	v5 =	vmul.f32 v7, v5  }
0x1e8: {  	[tilespmem:s12+$0x0] =	vst v3;
	v1 =	vmul.f32 v10, v1  }
0x1e9: {  	[tilespmem:s13+$0x10] =	vst v5;
	v3 =	vmul.f32 v11, v4  }
0x1ea: {  	[tilespmem:s13+$0xFFFFFFE0] =	vst v1;
	v1 =	vmul.f32 v12, v2  }
0x1eb: {  	[tilespmem:s13+$0xFFFFFFF0] =	vst v3  }
0x1ec: {  	[tilespmem:s13+$0x0] =	vst v1  }
0x1ed: {  	v1 =	vld [tilespmem:$0x7C0];
	_ =	sdelay $0x6  }
0x1ee: {  	v2 =	vld [tilespmem:$0x2700]  }
0x1ef: {  	v1 =	vld.idx.msk [tilespmem:v1+s29+$0x0], $0xffff;
	_ =	sdelay $0x4  }
0x1f0: {  	v1 =	vmul.f32 v2, v1;
	_ =	sdelay $0x1  }
0x1f1: {  	s15 =	simm.s32 $0x1F50;
	[tilespmem:$0x2700] =	vst v1  }
0x1f2: {  	v2 =	vld [tilespmem:s15+$0x0]  }
0x1f3: {  	s12 =	simm.s32 $0x2FE0;
	v1 =	vld [tilespmem:s15+$0xFFFFFFF0]  }
0x1f4: {  	v3 =	vld [tilespmem:s12+$0xF0]  }
0x1f5: {  	v7 =	vld [tilespmem:s12+$0xFFFFFF00]  }
0x1f6: {  	v8 =	vld [tilespmem:s12+$0xFFFFFF10]  }
0x1f7: {  	v9 =	vld [tilespmem:s12+$0xFFFFFF20];
	v10 =	vbroadcast v2, $0x0;
	v4 =	vbroadcast v2, $0xF  }
0x1f8: {  	v13 =	vld [tilespmem:s12+$0xFFFFFF30];
	v11 =	vbroadcast v1, $0x0;
	v12 =	vbroadcast v1, $0x1  }
0x1f9: {  	v15 =	vld [tilespmem:s12+$0xFFFFFF40];
	v14 =	vbroadcast v1, $0x2;
	v16 =	vbroadcast v1, $0x3  }
0x1fa: {  	v18 =	vld [tilespmem:s12+$0xFFFFFF50];
	v17 =	vbroadcast v1, $0x4;
	v19 =	vbroadcast v1, $0x5  }
0x1fb: {  	v20 =	vld [tilespmem:s12+$0xFFFFFF60];
	v21 =	vbroadcast v1, $0x6;
	v23 =	vbroadcast v1, $0x7  }
0x1fc: {  	v22 =	vld [tilespmem:s12+$0xFFFFFF70];
	v24 =	vbroadcast v1, $0x8;
	v26 =	vbroadcast v1, $0x9  }
0x1fd: {  	v25 =	vld [tilespmem:s12+$0xFFFFFF80];
	v27 =	vbroadcast v1, $0xA;
	v29 =	vbroadcast v1, $0xB  }
0x1fe: {  	v28 =	vld [tilespmem:s12+$0xFFFFFF90];
	v30 =	vbroadcast v1, $0xC;
	v32 =	vbroadcast v1, $0xD  }
0x1ff: {  	v31 =	vld [tilespmem:s12+$0xFFFFFFA0];
	v33 =	vbroadcast v1, $0xE;
	v35 =	vbroadcast v1, $0xF  }
0x200: {  	v34 =	vld [tilespmem:s12+$0xFFFFFFB0];
	v36 =	vbroadcast v2, $0x1;
	v38 =	vbroadcast v2, $0x2  }
0x201: {  	v37 =	vld [tilespmem:s12+$0xFFFFFFC0];
	v39 =	vbroadcast v2, $0x3;
	v41 =	vbroadcast v2, $0x4  }
0x202: {  	v40 =	vld [tilespmem:s12+$0xFFFFFFD0];
	v42 =	vbroadcast v2, $0x5;
	v44 =	vbroadcast v2, $0x6  }
0x203: {  	v48 =	vld [tilespmem:s12+$0x0];
	v45 =	vbroadcast v2, $0x7;
	v47 =	vbroadcast v2, $0x8  }
0x204: {  	v49 =	vld [tilespmem:s12+$0x10];
	v5 =	vbroadcast v2, $0x9;
	v6 =	vbroadcast v2, $0xA  }
0x205: {  	v51 =	vld [tilespmem:s12+$0x40];
	v1 =	vbroadcast v2, $0xD;
	v3 =	vmul.f32 v3, v4  }
0x206: {  	v43 =	vld [tilespmem:s12+$0xFFFFFFE0];
	v4 =	vbroadcast v2, $0xB;
	v7 =	vmul.f32 v11, v7  }
0x207: {  	v46 =	vld [tilespmem:s12+$0xFFFFFFF0];
	v8 =	vmul.f32 v8, v12;
	v9 =	vmul.f32 v9, v14  }
0x208: {  	v50 =	vld [tilespmem:s12+$0x30];
	v12 =	vmul.f32 v15, v17;
	v24 =	vmul.f32 v25, v24;
	[tilespmem:s12+$0xF0] =	vst v3  }
0x209: {  	v52 =	vld [tilespmem:s12+$0x50];
	v17 =	vmul.f32 v37, v30;
	v14 =	vmul.f32 v10, v48;
	[tilespmem:s12+$0xFFFFFF00] =	vst v7  }
0x20a: {  	v63 =	vld [tilespmem:s12+$0x80];
	v15 =	vmul.f32 v49, v36;
	v10 =	vmul.f32 v51, v41;
	[tilespmem:s12+$0xFFFFFF10] =	vst v8  }
0x20b: {  	v11 =	vld [tilespmem:s12+$0x20];
	v3 =	vbroadcast v2, $0xC;
	v2 =	vbroadcast v2, $0xE;
	[tilespmem:s12+$0xFFFFFF20] =	vst v9  }
0x20c: {  	v25 =	vld [tilespmem:s12+$0x60];
	v7 =	vmul.f32 v13, v16;
	v8 =	vmul.f32 v18, v19;
	[tilespmem:s12+$0xFFFFFF40] =	vst v12  }
0x20d: {  	v13 =	vmul.f32 v20, v21;
	v9 =	vmul.f32 v22, v23;
	v21 =	vld [tilespmem:s12+$0x90];
	[tilespmem:s12+$0xFFFFFF80] =	vst v24  }
0x20e: {  	[tilespmem:s12+$0xFFFFFF30] =	vst v7;
	v7 =	vmul.f32 v28, v26;
	v26 =	vmul.f32 v31, v27;
	v27 =	vld [tilespmem:s12+$0x70]  }
0x20f: {  	v20 =	vmul.f32 v34, v29;
	v19 =	vmul.f32 v40, v32;
	v22 =	vld [tilespmem:s12+$0xA0];
	[tilespmem:s12+$0xFFFFFF50] =	vst v8  }
0x210: {  	v16 =	vmul.f32 v43, v33;
	v18 =	vmul.f32 v46, v35;
	v23 =	vld [tilespmem:s12+$0xB0];
	[tilespmem:s12+$0xFFFFFF60] =	vst v13  }
0x211: {  	v24 =	vld [tilespmem:s12+$0xC0];
	[tilespmem:s12+$0xFFFFFF70] =	vst v9;
	v13 =	vmul.f32 v50, v39;
	v12 =	vmul.f32 v11, v38  }
0x212: {  	v11 =	vmul.f32 v52, v42;
	v8 =	vmul.f32 v25, v44;
	v25 =	vld [tilespmem:s12+$0xD0];
	[tilespmem:s12+$0xFFFFFF90] =	vst v7  }
0x213: {  	s14 =	simm.s32 $0x0;
	s13 =	simm.s32 $0x2FE0;
	s15 =	simm.s32 $0x1F70;
	[tilespmem:s12+$0xFFFFFFA0] =	vst v26;
	v7 =	vmul.f32 v63, v47;
	v26 =	vld [tilespmem:s12+$0xE0];
	v9 =	vmul.f32 v27, v45  }
.LBB2_14:
0x214: {  	v27 =	vld [tilespmem:s15+$0x0];
	s14 =	sadd.s32 $0x2, s14;
	[tilespmem:s12+$0xFFFFFFB0] =	vst v20;
	v5 =	vmul.f32 v21, v5;
	v6 =	vmul.f32 v22, v6  }
0x215: {  	s12 =	sadd.s32 $0x200, s12;
	v20 =	vld [tilespmem:s15+$0xFFFFFFF0];
	p0 =	slt.u32 s14, $0x7A;
	[tilespmem:s13+$0xFFFFFFC0] =	vst v17;
	v4 =	vmul.f32 v23, v4  }
0x216: {  	v17 =	vld [tilespmem:s12+$0xF0];
	[tilespmem:s13+$0xFFFFFFD0] =	vst v19;
	v3 =	vmul.f32 v24, v3  }
0x217: {  	v19 =	vld [tilespmem:s12+$0xFFFFFF00];
	[tilespmem:s13+$0xFFFFFFE0] =	vst v16;
	v1 =	vmul.f32 v25, v1  }
0x218: {  	v16 =	vld [tilespmem:s12+$0xFFFFFF10];
	[tilespmem:s13+$0xFFFFFFF0] =	vst v18;
	v2 =	vmul.f32 v26, v2  }
0x219: {  	v18 =	vld [tilespmem:s12+$0xFFFFFF20];
	v22 =	vbroadcast v27, $0x0;
	v21 =	vbroadcast v27, $0xF;
	[tilespmem:s13+$0x0] =	vst v14  }
0x21a: {  	v14 =	vbroadcast v20, $0x0;
	v23 =	vbroadcast v20, $0x1;
	v24 =	vld [tilespmem:s12+$0xFFFFFF30];
	[tilespmem:s13+$0x10] =	vst v15  }
0x21b: {  	v15 =	vbroadcast v20, $0x2;
	v25 =	vld [tilespmem:s12+$0xFFFFFF40];
	v17 =	vmul.f32 v17, v21;
	[tilespmem:s13+$0x20] =	vst v12  }
0x21c: {  	v12 =	vbroadcast v20, $0x3;
	v21 =	vbroadcast v20, $0x4;
	v26 =	vld [tilespmem:s12+$0xFFFFFF50];
	[tilespmem:s13+$0x30] =	vst v13  }
0x21d: {  	v29 =	vbroadcast v20, $0x6;
	v13 =	vbroadcast v20, $0x5;
	v28 =	vld [tilespmem:s12+$0xFFFFFF60];
	[tilespmem:s12+$0xF0] =	vst v17  }
0x21e: {  	v30 =	vbroadcast v20, $0x7;
	v31 =	vbroadcast v20, $0x8;
	v17 =	vld [tilespmem:s12+$0xFFFFFF70];
	[tilespmem:s13+$0x40] =	vst v10  }
0x21f: {  	v32 =	vbroadcast v20, $0x9;
	v33 =	vbroadcast v20, $0xA;
	v10 =	vld [tilespmem:s12+$0xFFFFFF80];
	[tilespmem:s13+$0x50] =	vst v11  }
0x220: {  	v34 =	vbroadcast v20, $0xB;
	v35 =	vbroadcast v20, $0xC;
	v11 =	vld [tilespmem:s12+$0xFFFFFF90];
	[tilespmem:s13+$0x60] =	vst v8  }
0x221: {  	v36 =	vbroadcast v20, $0xD;
	v37 =	vbroadcast v20, $0xE;
	v8 =	vld [tilespmem:s12+$0xFFFFFFA0];
	[tilespmem:s13+$0x70] =	vst v9  }
0x222: {  	v39 =	vbroadcast v27, $0x1;
	v38 =	vbroadcast v20, $0xF;
	v9 =	vld [tilespmem:s12+$0xFFFFFFB0];
	[tilespmem:s13+$0x80] =	vst v7  }
0x223: {  	v40 =	vbroadcast v27, $0x2;
	v41 =	vbroadcast v27, $0x3;
	v7 =	vld [tilespmem:s12+$0xFFFFFFC0];
	[tilespmem:s13+$0x90] =	vst v5  }
0x224: {  	v43 =	vbroadcast v27, $0x4;
	v44 =	vbroadcast v27, $0x5;
	v42 =	vld [tilespmem:s12+$0xFFFFFFD0];
	[tilespmem:s13+$0xA0] =	vst v6  }
0x225: {  	v46 =	vbroadcast v27, $0x6;
	v47 =	vbroadcast v27, $0x7;
	v45 =	vld [tilespmem:s12+$0xFFFFFFE0];
	[tilespmem:s13+$0xB0] =	vst v4  }
0x226: {  	v49 =	vbroadcast v27, $0x8;
	v5 =	vbroadcast v27, $0x9;
	v48 =	vld [tilespmem:s12+$0xFFFFFFF0];
	[tilespmem:s13+$0xC0] =	vst v3  }
0x227: {  	v6 =	vbroadcast v27, $0xA;
	v4 =	vbroadcast v27, $0xB;
	v50 =	vld [tilespmem:s12+$0x0];
	[tilespmem:s13+$0xD0] =	vst v1  }
0x228: {  	v3 =	vbroadcast v27, $0xC;
	v1 =	vbroadcast v27, $0xD;
	v51 =	vld [tilespmem:s12+$0x10];
	[tilespmem:s13+$0xE0] =	vst v2;
	s13 =	smov.u32 s12  }
0x229: {  	v14 =	vmul.f32 v14, v19;
	v2 =	vbroadcast v27, $0xE;
	v52 =	vld [tilespmem:s12+$0x20]  }
0x22a: {  	v16 =	vmul.f32 v16, v23;
	v15 =	vmul.f32 v18, v15;
	v27 =	vld [tilespmem:s12+$0x30]  }
0x22b: {  	v12 =	vmul.f32 v24, v12;
	[tilespmem:s12+$0xFFFFFF00] =	vst v14;
	v14 =	vmul.f32 v25, v21;
	v24 =	vld [tilespmem:s12+$0x40]  }
0x22c: {  	v13 =	vmul.f32 v26, v13;
	v18 =	vmul.f32 v28, v29;
	[tilespmem:s12+$0xFFFFFF10] =	vst v16;
	v25 =	vld [tilespmem:s12+$0x50]  }
0x22d: {  	v10 =	vmul.f32 v10, v31;
	[tilespmem:s12+$0xFFFFFF20] =	vst v15;
	v15 =	vmul.f32 v17, v30;
	v26 =	vld [tilespmem:s12+$0x60]  }
0x22e: {  	v11 =	vmul.f32 v11, v32;
	v28 =	vmul.f32 v8, v33;
	[tilespmem:s12+$0xFFFFFF30] =	vst v12;
	v29 =	vld [tilespmem:s12+$0x70]  }
0x22f: {  	v20 =	vmul.f32 v9, v34;
	v17 =	vmul.f32 v7, v35;
	[tilespmem:s12+$0xFFFFFF40] =	vst v14;
	v7 =	vld [tilespmem:s12+$0x80]  }
0x230: {  	v19 =	vmul.f32 v42, v36;
	v16 =	vmul.f32 v45, v37;
	[tilespmem:s12+$0xFFFFFF50] =	vst v13;
	v21 =	vld [tilespmem:s12+$0x90]  }
.Ltmp6:
0x231: {  	v14 =	vmul.f32 v22, v50;
	[tilespmem:s12+$0xFFFFFF60] =	vst v18;
	v18 =	vmul.f32 v48, v38;
	v22 =	vld [tilespmem:s12+$0xA0];
	(pc) =	sbr.rel @p0 .LBB2_14-.Ltmp6, $4  }
0x232: {  	v12 =	vmul.f32 v52, v40;
	[tilespmem:s12+$0xFFFFFF70] =	vst v15;
	v15 =	vmul.f32 v51, v39;
	v23 =	vld [tilespmem:s12+$0xB0]  }
0x233: {  	v13 =	vmul.f32 v27, v41;
	[tilespmem:s12+$0xFFFFFF80] =	vst v10;
	v10 =	vmul.f32 v24, v43;
	v24 =	vld [tilespmem:s12+$0xC0]  }
0x234: {  	v8 =	vmul.f32 v26, v46;
	[tilespmem:s12+$0xFFFFFF90] =	vst v11;
	v11 =	vmul.f32 v25, v44;
	v25 =	vld [tilespmem:s12+$0xD0]  }
0x235: {  	s15 =	sadd.s32 $0x20, s15;
	v9 =	vmul.f32 v29, v47;
	v7 =	vmul.f32 v7, v49;
	[tilespmem:s12+$0xFFFFFFA0] =	vst v28;
	v26 =	vld [tilespmem:s12+$0xE0]  }
0x236: {  	[tilespmem:s12+$0xFFFFFFB0] =	vst v20  }
0x237: {  	[tilespmem:s13+$0x0] =	vst v14  }
0x238: {  	[tilespmem:s13+$0x10] =	vst v15  }
0x239: {  	[tilespmem:s13+$0x20] =	vst v12  }
0x23a: {  	[tilespmem:s13+$0x30] =	vst v13  }
0x23b: {  	[tilespmem:s13+$0x40] =	vst v10  }
0x23c: {  	[tilespmem:s13+$0x50] =	vst v11  }
0x23d: {  	[tilespmem:s13+$0x60] =	vst v8  }
0x23e: {  	[tilespmem:s13+$0xFFFFFFC0] =	vst v17  }
0x23f: {  	[tilespmem:s13+$0xFFFFFFD0] =	vst v19  }
0x240: {  	[tilespmem:s13+$0xFFFFFFE0] =	vst v16  }
0x241: {  	[tilespmem:s13+$0xFFFFFFF0] =	vst v18  }
0x242: {  	v5 =	vmul.f32 v21, v5;
	[tilespmem:s13+$0x70] =	vst v9  }
0x243: {  	v6 =	vmul.f32 v22, v6;
	[tilespmem:s13+$0x80] =	vst v7  }
0x244: {  	v4 =	vmul.f32 v23, v4;
	[tilespmem:s13+$0x90] =	vst v5  }
0x245: {  	v3 =	vmul.f32 v24, v3;
	[tilespmem:s13+$0xA0] =	vst v6  }
0x246: {  	v1 =	vmul.f32 v25, v1;
	[tilespmem:s13+$0xB0] =	vst v4  }
0x247: {  	v2 =	vmul.f32 v26, v2;
	[tilespmem:s13+$0xC0] =	vst v3  }
0x248: {  	[tilespmem:s13+$0xD0] =	vst v1  }
0x249: {  	[tilespmem:s13+$0xE0] =	vst v2  }
0x24a: {  	v1 =	vld [tilespmem:$0x2700];
	_ =	sdelay $0x1  }
0x24b: {  	v2 =	vld [tilespmem:$0xAAE0]  }
0x24c: {  	v3 =	vld [tilespmem:$0xAAF0]  }
0x24d: {  	v4 =	vld [tilespmem:$0xAB00]  }
0x24e: {  	v6 =	vld [tilespmem:$0xAB10];
	v5 =	vbroadcast v1, $0x0  }
0x24f: {  	v8 =	vld [tilespmem:$0xAB20];
	v7 =	vbroadcast v1, $0x1  }
0x250: {  	v9 =	vld [tilespmem:$0xAB30];
	v2 =	vmul.f32 v5, v2;
	v5 =	vbroadcast v1, $0x2  }
0x251: {  	v10 =	vld [tilespmem:$0xAB40];
	v3 =	vmul.f32 v3, v7;
	v7 =	vbroadcast v1, $0x3  }
0x252: {  	[tilespmem:$0xAAE0] =	vst v2;
	v2 =	vmul.f32 v4, v5;
	v4 =	vbroadcast v1, $0x4;
	v5 =	vld [tilespmem:$0xAB50]  }
0x253: {  	[tilespmem:$0xAAF0] =	vst v3;
	v3 =	vmul.f32 v6, v7;
	v6 =	vbroadcast v1, $0x5;
	v7 =	vld [tilespmem:$0xAB60]  }
0x254: {  	[tilespmem:$0xAB00] =	vst v2;
	v2 =	vmul.f32 v8, v4;
	v4 =	vbroadcast v1, $0x6;
	v8 =	vld [tilespmem:$0xAB70]  }
0x255: {  	[tilespmem:$0xAB10] =	vst v3;
	v3 =	vmul.f32 v9, v6;
	v6 =	vbroadcast v1, $0x7;
	v9 =	vld [tilespmem:$0xAB80]  }
0x256: {  	[tilespmem:$0xAB20] =	vst v2;
	v2 =	vmul.f32 v10, v4;
	v4 =	vbroadcast v1, $0x8;
	v10 =	vld [tilespmem:$0xAB90]  }
0x257: {  	[tilespmem:$0xAB30] =	vst v3;
	v3 =	vmul.f32 v5, v6;
	v5 =	vbroadcast v1, $0x9;
	v6 =	vld [tilespmem:$0xABA0]  }
0x258: {  	[tilespmem:$0xAB40] =	vst v2;
	v2 =	vmul.f32 v7, v4;
	v4 =	vbroadcast v1, $0xA;
	v7 =	vld [tilespmem:$0xABB0]  }
0x259: {  	[tilespmem:$0xAB50] =	vst v3;
	v3 =	vmul.f32 v8, v5;
	v5 =	vbroadcast v1, $0xB;
	v8 =	vld [tilespmem:$0xABC0]  }
0x25a: {  	[tilespmem:$0xAB60] =	vst v2;
	v2 =	vmul.f32 v9, v4;
	v4 =	vbroadcast v1, $0xC;
	v9 =	vld [tilespmem:$0xABD0]  }
0x25b: {  	[tilespmem:$0xAB70] =	vst v3;
	v3 =	vmul.f32 v10, v5;
	v5 =	vbroadcast v1, $0xD  }
0x25c: {  	[tilespmem:$0xAB80] =	vst v2;
	v2 =	vmul.f32 v6, v4;
	v4 =	vbroadcast v1, $0xE  }
0x25d: {  	v1 =	vbroadcast v1, $0xF;
	[tilespmem:$0xAB90] =	vst v3;
	v3 =	vmul.f32 v7, v5  }
0x25e: {  	[tilespmem:$0xABA0] =	vst v2;
	v2 =	vmul.f32 v8, v4  }
0x25f: {  	[tilespmem:$0xABB0] =	vst v3;
	v1 =	vmul.f32 v9, v1  }
0x260: {  	[tilespmem:$0xABC0] =	vst v2  }
0x261: {  	[tilespmem:$0xABD0] =	vst v1  }
0x262: {  	[spmem:s2] =	stream.indirect.scatter.add.f32 [tilespmem:s0], [sflag:$0x3], $0x10, s30, s1, $0xb8;
	[tilespmem:$0x1C8E0] =	vst v63  }
0x263: {  	_ =	swait.ge [sflag:s8], $0x7D00  }
0x264: {  	[sflag:s8] =	ssyncset.done $0x0  }
0x265: {  	[sflag:s8] =	ssyncadd.s32 $0xFFFF8300  }
0x266: {  	[tilespmem:s4], [sflag:$0x5] =	stream.linear.gather [hbm4b:s17+s4], $0x7D0, $0x38;
	[tilespmem:$0x1C8E0] =	vst v63  }
0x267: {  	_ =	swait.ge [sflag:s28], $0x7D0  }
0x268: {  	[sflag:s28] =	ssyncset.done $0x0  }
0x269: {  	[sflag:s28] =	ssyncadd.s32 $0xFFFFF830  }
0x26a: {  	[tilespmem:s30], [sflag:$0x5] =	stream.linear.gather [hbm4b:s18+s4], $0x7D0, $0x38;
	[tilespmem:$0x1C8E0] =	vst v63  }
0x26b: {  	_ =	swait.ge [sflag:s28], $0x7D0  }
0x26c: {  	[sflag:s28] =	ssyncset.done $0x0  }
0x26d: {  	[sflag:s28] =	ssyncadd.s32 $0xFFFFF830  }
0x26e: {  	[tilespmem:s31], [sflag:$0x5] =	stream.linear.gather [hbm4b:s19+s4], $0x7D0, $0x38;
	[tilespmem:$0x1C8E0] =	vst v63  }
0x26f: {  	_ =	swait.ge [sflag:s28], $0x7D0  }
0x270: {  	[sflag:s28] =	ssyncset.done $0x0  }
0x271: {  	[sflag:s28] =	ssyncadd.s32 $0xFFFFF830  }
0x272: {  	[tilespmem:s0], [sflag:$0x1] =	stream.indirect.gather [spmem:s3], $0x10, s4, s1, $0xb8;
	[tilespmem:$0x1C8E0] =	vst v63  }
0x273: {  	_ =	swait.ge [sflag:s9], $0x7D00  }
0x274: {  	[sflag:s9] =	ssyncset.done $0x0  }
0x275: {  	s14 =	simm.s32 $0x800;
	[sflag:s9] =	ssyncadd.s32 $0xFFFF8300  }
0x276: {  	v1 =	vld [tilespmem:s14+$0x0]  }
0x277: {  	v2 =	vld [tilespmem:s14+$0xFFFFFFE0]  }
0x278: {  	v3 =	vld [tilespmem:s14+$0xFFFFFFD0]  }
0x279: {  	s12 =	simm.s32 $0x2740;
	v4 =	vld [tilespmem:s14+$0xFFFFFFF0]  }
0x27a: {  	s15 =	simm.s32 $0x840;
	v7 =	vld [tilespmem:s12+$0x0]  }
0x27b: {  	v5 =	vld [tilespmem:s15+$0x0]  }
0x27c: {  	v10 =	vld [tilespmem:s15+$0xFFFFFFE0]  }
0x27d: {  	v11 =	vld [tilespmem:s15+$0xFFFFFFD0]  }
0x27e: {  	v62 =	vld [tilespmem:s12+$0xFFFFFFD0]  }
0x27f: {  	v63 =	vld [tilespmem:s12+$0xFFFFFFE0]  }
0x280: {  	v6 =	vld [tilespmem:s12+$0xFFFFFFF0]  }
0x281: {  	v1 =	vld.idx.msk [tilespmem:v1+s29+$0x0], $0xffff  }
0x282: {  	v9 =	vld.idx.msk [tilespmem:v2+s29+$0x0], $0xffff  }
0x283: {  	v8 =	vld.idx.msk [tilespmem:v3+s29+$0x0], $0xffff  }
0x284: {  	v2 =	vld [tilespmem:s15+$0xFFFFFFF0]  }
0x285: {  	v3 =	vld.idx.msk [tilespmem:v4+s29+$0x0], $0xffff  }
0x286: {  	s13 =	simm.s32 $0x2780;
	v5 =	vld.idx.msk [tilespmem:v5+s29+$0x0], $0xffff  }
0x287: {  	v1 =	vmul.f32 v7, v1;
	v7 =	vld [tilespmem:s13+$0x0]  }
0x288: {  	v4 =	vld.idx.msk [tilespmem:v10+s29+$0x0], $0xffff;
	v8 =	vmul.f32 v62, v8  }
0x289: {  	s14 =	simm.s32 $0x4;
	s15 =	simm.s32 $0x880;
	v9 =	vmul.f32 v63, v9;
	[tilespmem:s12+$0x0] =	vst v1;
	v1 =	vld.idx.msk [tilespmem:v11+s29+$0x0], $0xffff  }
.LBB2_16:
0x28a: {  	v10 =	vld [tilespmem:s15+$0x0];
	s14 =	sadd.s32 $0x4, s14;
	[tilespmem:s12+$0xFFFFFFD0] =	vst v8;
	v3 =	vmul.f32 v6, v3  }
0x28b: {  	v8 =	vld [tilespmem:s15+$0xFFFFFFE0];
	p0 =	slt.u32 s14, $0x78;
	[tilespmem:s12+$0xFFFFFFE0] =	vst v9  }
0x28c: {  	v9 =	vld [tilespmem:s15+$0xFFFFFFF0];
	v5 =	vmul.f32 v7, v5;
	[tilespmem:s12+$0xFFFFFFF0] =	vst v3;
	s12 =	smov.u32 s13  }
0x28d: {  	v11 =	vld [tilespmem:s15+$0xFFFFFFD0]  }
0x28e: {  	v12 =	vmov v4;
	v3 =	vld.idx.msk [tilespmem:v2+s29+$0x0], $0xffff;
	[tilespmem:s13+$0x0] =	vst v5  }
0x28f: {  	v13 =	vld [tilespmem:s13+$0xFFFFFFD0]  }
0x290: {  	v14 =	vld [tilespmem:s13+$0xFFFFFFE0]  }
.Ltmp7:
0x291: {  	v6 =	vld [tilespmem:s13+$0xFFFFFFF0];
	v2 =	vmov v9;
	(pc) =	sbr.rel @p0 .LBB2_16-.Ltmp7, $4  }
0x292: {  	s13 =	sadd.s32 $0x40, s13;
	v5 =	vld.idx.msk [tilespmem:v10+s29+$0x0], $0xffff  }
0x293: {  	v7 =	vld [tilespmem:s13+$0x0]  }
0x294: {  	v4 =	vld.idx.msk [tilespmem:v8+s29+$0x0], $0xffff;
	v8 =	vmul.f32 v13, v1  }
0x295: {  	s15 =	sadd.s32 $0x40, s15;
	v1 =	vld.idx.msk [tilespmem:v11+s29+$0x0], $0xffff;
	v9 =	vmul.f32 v14, v12  }
0x296: {  	_ =	sdelay $0x3  }
0x297: {  	v2 =	vld.idx.msk [tilespmem:v2+s29+$0x0], $0xffff  }
0x298: {  	v10 =	vld [tilespmem:s13+$0xFFFFFFD0]  }
0x299: {  	v11 =	vld [tilespmem:s13+$0xFFFFFFE0]  }
0x29a: {  	v12 =	vld [tilespmem:s13+$0xFFFFFFF0]  }
0x29b: {  	[tilespmem:s12+$0xFFFFFFD0] =	vst v8;
	v3 =	vmul.f32 v6, v3  }
0x29c: {  	[tilespmem:s12+$0xFFFFFFE0] =	vst v9;
	v5 =	vmul.f32 v7, v5  }
0x29d: {  	[tilespmem:s12+$0xFFFFFFF0] =	vst v3;
	v1 =	vmul.f32 v10, v1  }
0x29e: {  	[tilespmem:s13+$0x0] =	vst v5;
	v3 =	vmul.f32 v11, v4  }
0x29f: {  	[tilespmem:s13+$0xFFFFFFD0] =	vst v1;
	v1 =	vmul.f32 v12, v2  }
0x2a0: {  	[tilespmem:s13+$0xFFFFFFE0] =	vst v3  }
0x2a1: {  	[tilespmem:s13+$0xFFFFFFF0] =	vst v1  }
0x2a2: {  	v1 =	vld [tilespmem:$0xF90];
	_ =	sdelay $0x6  }
0x2a3: {  	v2 =	vld [tilespmem:$0x2ED0]  }
0x2a4: {  	v1 =	vld.idx.msk [tilespmem:v1+s29+$0x0], $0xffff;
	_ =	sdelay $0x4  }
0x2a5: {  	v1 =	vmul.f32 v2, v1;
	_ =	sdelay $0x1  }
0x2a6: {  	s15 =	simm.s32 $0x2720;
	[tilespmem:$0x2ED0] =	vst v1  }
0x2a7: {  	v2 =	vld [tilespmem:s15+$0x0]  }
0x2a8: {  	s12 =	simm.s32 $0xADD0;
	v1 =	vld [tilespmem:s15+$0xFFFFFFF0]  }
0x2a9: {  	v3 =	vld [tilespmem:s12+$0x0]  }
0x2aa: {  	v7 =	vld [tilespmem:s12+$0xFFFFFE10]  }
0x2ab: {  	v8 =	vld [tilespmem:s12+$0xFFFFFE20]  }
0x2ac: {  	v9 =	vld [tilespmem:s12+$0xFFFFFE30];
	v10 =	vbroadcast v2, $0x0;
	v4 =	vbroadcast v2, $0xF  }
0x2ad: {  	v13 =	vld [tilespmem:s12+$0xFFFFFE40];
	v11 =	vbroadcast v1, $0x0;
	v12 =	vbroadcast v1, $0x1  }
0x2ae: {  	v15 =	vld [tilespmem:s12+$0xFFFFFE50];
	v14 =	vbroadcast v1, $0x2;
	v16 =	vbroadcast v1, $0x3  }
0x2af: {  	v18 =	vld [tilespmem:s12+$0xFFFFFE60];
	v17 =	vbroadcast v1, $0x4;
	v19 =	vbroadcast v1, $0x5  }
0x2b0: {  	v20 =	vld [tilespmem:s12+$0xFFFFFE70];
	v21 =	vbroadcast v1, $0x6;
	v23 =	vbroadcast v1, $0x7  }
0x2b1: {  	v22 =	vld [tilespmem:s12+$0xFFFFFE80];
	v24 =	vbroadcast v1, $0x8;
	v26 =	vbroadcast v1, $0x9  }
0x2b2: {  	v25 =	vld [tilespmem:s12+$0xFFFFFE90];
	v27 =	vbroadcast v1, $0xA;
	v29 =	vbroadcast v1, $0xB  }
0x2b3: {  	v28 =	vld [tilespmem:s12+$0xFFFFFEA0];
	v30 =	vbroadcast v1, $0xC;
	v32 =	vbroadcast v1, $0xD  }
0x2b4: {  	v31 =	vld [tilespmem:s12+$0xFFFFFEB0];
	v33 =	vbroadcast v1, $0xE;
	v35 =	vbroadcast v1, $0xF  }
0x2b5: {  	v34 =	vld [tilespmem:s12+$0xFFFFFEC0];
	v36 =	vbroadcast v2, $0x1;
	v38 =	vbroadcast v2, $0x2  }
0x2b6: {  	v37 =	vld [tilespmem:s12+$0xFFFFFED0];
	v39 =	vbroadcast v2, $0x3;
	v41 =	vbroadcast v2, $0x4  }
0x2b7: {  	v40 =	vld [tilespmem:s12+$0xFFFFFEE0];
	v42 =	vbroadcast v2, $0x5;
	v44 =	vbroadcast v2, $0x6  }
0x2b8: {  	v48 =	vld [tilespmem:s12+$0xFFFFFF10];
	v45 =	vbroadcast v2, $0x7;
	v47 =	vbroadcast v2, $0x8  }
0x2b9: {  	v49 =	vld [tilespmem:s12+$0xFFFFFF20];
	v5 =	vbroadcast v2, $0x9;
	v6 =	vbroadcast v2, $0xA  }
0x2ba: {  	v51 =	vld [tilespmem:s12+$0xFFFFFF50];
	v1 =	vbroadcast v2, $0xD;
	v3 =	vmul.f32 v3, v4  }
0x2bb: {  	v43 =	vld [tilespmem:s12+$0xFFFFFEF0];
	v4 =	vbroadcast v2, $0xB;
	v7 =	vmul.f32 v11, v7  }
0x2bc: {  	v46 =	vld [tilespmem:s12+$0xFFFFFF00];
	v8 =	vmul.f32 v8, v12;
	v9 =	vmul.f32 v9, v14  }
0x2bd: {  	v50 =	vld [tilespmem:s12+$0xFFFFFF40];
	v12 =	vmul.f32 v15, v17;
	v24 =	vmul.f32 v25, v24;
	[tilespmem:s12+$0x0] =	vst v3  }
0x2be: {  	v52 =	vld [tilespmem:s12+$0xFFFFFF60];
	v17 =	vmul.f32 v37, v30;
	v14 =	vmul.f32 v10, v48;
	[tilespmem:s12+$0xFFFFFE10] =	vst v7  }
0x2bf: {  	v63 =	vld [tilespmem:s12+$0xFFFFFF90];
	v15 =	vmul.f32 v49, v36;
	v10 =	vmul.f32 v51, v41;
	[tilespmem:s12+$0xFFFFFE20] =	vst v8  }
0x2c0: {  	v11 =	vld [tilespmem:s12+$0xFFFFFF30];
	v3 =	vbroadcast v2, $0xC;
	v2 =	vbroadcast v2, $0xE;
	[tilespmem:s12+$0xFFFFFE30] =	vst v9  }
0x2c1: {  	v25 =	vld [tilespmem:s12+$0xFFFFFF70];
	v7 =	vmul.f32 v13, v16;
	v8 =	vmul.f32 v18, v19;
	[tilespmem:s12+$0xFFFFFE50] =	vst v12  }
0x2c2: {  	v13 =	vmul.f32 v20, v21;
	v9 =	vmul.f32 v22, v23;
	v21 =	vld [tilespmem:s12+$0xFFFFFFA0];
	[tilespmem:s12+$0xFFFFFE90] =	vst v24  }
0x2c3: {  	[tilespmem:s12+$0xFFFFFE40] =	vst v7;
	v7 =	vmul.f32 v28, v26;
	v26 =	vmul.f32 v31, v27;
	v27 =	vld [tilespmem:s12+$0xFFFFFF80]  }
0x2c4: {  	v20 =	vmul.f32 v34, v29;
	v19 =	vmul.f32 v40, v32;
	v22 =	vld [tilespmem:s12+$0xFFFFFFB0];
	[tilespmem:s12+$0xFFFFFE60] =	vst v8  }
0x2c5: {  	v16 =	vmul.f32 v43, v33;
	v18 =	vmul.f32 v46, v35;
	v23 =	vld [tilespmem:s12+$0xFFFFFFC0];
	[tilespmem:s12+$0xFFFFFE70] =	vst v13  }
0x2c6: {  	v24 =	vld [tilespmem:s12+$0xFFFFFFD0];
	[tilespmem:s12+$0xFFFFFE80] =	vst v9;
	v13 =	vmul.f32 v50, v39;
	v12 =	vmul.f32 v11, v38  }
0x2c7: {  	v11 =	vmul.f32 v52, v42;
	v8 =	vmul.f32 v25, v44;
	v25 =	vld [tilespmem:s12+$0xFFFFFFE0];
	[tilespmem:s12+$0xFFFFFEA0] =	vst v7  }
0x2c8: {  	s14 =	simm.s32 $0x0;
	s13 =	simm.s32 $0xADD0;
	s15 =	simm.s32 $0x2740;
	[tilespmem:s12+$0xFFFFFEB0] =	vst v26;
	v7 =	vmul.f32 v63, v47;
	v26 =	vld [tilespmem:s12+$0xFFFFFFF0];
	v9 =	vmul.f32 v27, v45  }
.LBB2_18:
0x2c9: {  	v27 =	vld [tilespmem:s15+$0x0];
	s14 =	sadd.s32 $0x2, s14;
	[tilespmem:s12+$0xFFFFFEC0] =	vst v20;
	v5 =	vmul.f32 v21, v5;
	v6 =	vmul.f32 v22, v6  }
0x2ca: {  	s12 =	sadd.s32 $0x200, s12;
	v20 =	vld [tilespmem:s15+$0xFFFFFFF0];
	p0 =	slt.u32 s14, $0x7A;
	[tilespmem:s13+$0xFFFFFED0] =	vst v17;
	v4 =	vmul.f32 v23, v4  }
0x2cb: {  	v17 =	vld [tilespmem:s12+$0x0];
	[tilespmem:s13+$0xFFFFFEE0] =	vst v19;
	v3 =	vmul.f32 v24, v3  }
0x2cc: {  	v19 =	vld [tilespmem:s12+$0xFFFFFE10];
	[tilespmem:s13+$0xFFFFFEF0] =	vst v16;
	v1 =	vmul.f32 v25, v1  }
0x2cd: {  	v16 =	vld [tilespmem:s12+$0xFFFFFE20];
	[tilespmem:s13+$0xFFFFFF00] =	vst v18;
	v2 =	vmul.f32 v26, v2  }
0x2ce: {  	v18 =	vld [tilespmem:s12+$0xFFFFFE30];
	v22 =	vbroadcast v27, $0x0;
	v21 =	vbroadcast v27, $0xF;
	[tilespmem:s13+$0xFFFFFF10] =	vst v14  }
0x2cf: {  	v14 =	vbroadcast v20, $0x0;
	v23 =	vbroadcast v20, $0x1;
	v24 =	vld [tilespmem:s12+$0xFFFFFE40];
	[tilespmem:s13+$0xFFFFFF20] =	vst v15  }
0x2d0: {  	v15 =	vbroadcast v20, $0x2;
	v25 =	vld [tilespmem:s12+$0xFFFFFE50];
	v17 =	vmul.f32 v17, v21;
	[tilespmem:s13+$0xFFFFFF30] =	vst v12  }
0x2d1: {  	v12 =	vbroadcast v20, $0x3;
	v21 =	vbroadcast v20, $0x4;
	v26 =	vld [tilespmem:s12+$0xFFFFFE60];
	[tilespmem:s13+$0xFFFFFF40] =	vst v13  }
0x2d2: {  	v29 =	vbroadcast v20, $0x6;
	v13 =	vbroadcast v20, $0x5;
	v28 =	vld [tilespmem:s12+$0xFFFFFE70];
	[tilespmem:s12+$0x0] =	vst v17  }
0x2d3: {  	v30 =	vbroadcast v20, $0x7;
	v31 =	vbroadcast v20, $0x8;
	v17 =	vld [tilespmem:s12+$0xFFFFFE80];
	[tilespmem:s13+$0xFFFFFF50] =	vst v10  }
0x2d4: {  	v32 =	vbroadcast v20, $0x9;
	v33 =	vbroadcast v20, $0xA;
	v10 =	vld [tilespmem:s12+$0xFFFFFE90];
	[tilespmem:s13+$0xFFFFFF60] =	vst v11  }
0x2d5: {  	v34 =	vbroadcast v20, $0xB;
	v35 =	vbroadcast v20, $0xC;
	v11 =	vld [tilespmem:s12+$0xFFFFFEA0];
	[tilespmem:s13+$0xFFFFFF70] =	vst v8  }
0x2d6: {  	v36 =	vbroadcast v20, $0xD;
	v37 =	vbroadcast v20, $0xE;
	v8 =	vld [tilespmem:s12+$0xFFFFFEB0];
	[tilespmem:s13+$0xFFFFFF80] =	vst v9  }
0x2d7: {  	v39 =	vbroadcast v27, $0x1;
	v38 =	vbroadcast v20, $0xF;
	v9 =	vld [tilespmem:s12+$0xFFFFFEC0];
	[tilespmem:s13+$0xFFFFFF90] =	vst v7  }
0x2d8: {  	v40 =	vbroadcast v27, $0x2;
	v41 =	vbroadcast v27, $0x3;
	v7 =	vld [tilespmem:s12+$0xFFFFFED0];
	[tilespmem:s13+$0xFFFFFFA0] =	vst v5  }
0x2d9: {  	v43 =	vbroadcast v27, $0x4;
	v44 =	vbroadcast v27, $0x5;
	v42 =	vld [tilespmem:s12+$0xFFFFFEE0];
	[tilespmem:s13+$0xFFFFFFB0] =	vst v6  }
0x2da: {  	v46 =	vbroadcast v27, $0x6;
	v47 =	vbroadcast v27, $0x7;
	v45 =	vld [tilespmem:s12+$0xFFFFFEF0];
	[tilespmem:s13+$0xFFFFFFC0] =	vst v4  }
0x2db: {  	v49 =	vbroadcast v27, $0x8;
	v5 =	vbroadcast v27, $0x9;
	v48 =	vld [tilespmem:s12+$0xFFFFFF00];
	[tilespmem:s13+$0xFFFFFFD0] =	vst v3  }
0x2dc: {  	v6 =	vbroadcast v27, $0xA;
	v4 =	vbroadcast v27, $0xB;
	v50 =	vld [tilespmem:s12+$0xFFFFFF10];
	[tilespmem:s13+$0xFFFFFFE0] =	vst v1  }
0x2dd: {  	v3 =	vbroadcast v27, $0xC;
	v1 =	vbroadcast v27, $0xD;
	v51 =	vld [tilespmem:s12+$0xFFFFFF20];
	[tilespmem:s13+$0xFFFFFFF0] =	vst v2;
	s13 =	smov.u32 s12  }
0x2de: {  	v14 =	vmul.f32 v14, v19;
	v2 =	vbroadcast v27, $0xE;
	v52 =	vld [tilespmem:s12+$0xFFFFFF30]  }
0x2df: {  	v16 =	vmul.f32 v16, v23;
	v15 =	vmul.f32 v18, v15;
	v27 =	vld [tilespmem:s12+$0xFFFFFF40]  }
0x2e0: {  	v12 =	vmul.f32 v24, v12;
	[tilespmem:s12+$0xFFFFFE10] =	vst v14;
	v14 =	vmul.f32 v25, v21;
	v24 =	vld [tilespmem:s12+$0xFFFFFF50]  }
0x2e1: {  	v13 =	vmul.f32 v26, v13;
	v18 =	vmul.f32 v28, v29;
	[tilespmem:s12+$0xFFFFFE20] =	vst v16;
	v25 =	vld [tilespmem:s12+$0xFFFFFF60]  }
0x2e2: {  	v10 =	vmul.f32 v10, v31;
	[tilespmem:s12+$0xFFFFFE30] =	vst v15;
	v15 =	vmul.f32 v17, v30;
	v26 =	vld [tilespmem:s12+$0xFFFFFF70]  }
0x2e3: {  	v11 =	vmul.f32 v11, v32;
	v28 =	vmul.f32 v8, v33;
	[tilespmem:s12+$0xFFFFFE40] =	vst v12;
	v29 =	vld [tilespmem:s12+$0xFFFFFF80]  }
0x2e4: {  	v20 =	vmul.f32 v9, v34;
	v17 =	vmul.f32 v7, v35;
	[tilespmem:s12+$0xFFFFFE50] =	vst v14;
	v7 =	vld [tilespmem:s12+$0xFFFFFF90]  }
0x2e5: {  	v19 =	vmul.f32 v42, v36;
	v16 =	vmul.f32 v45, v37;
	[tilespmem:s12+$0xFFFFFE60] =	vst v13;
	v21 =	vld [tilespmem:s12+$0xFFFFFFA0]  }
.Ltmp8:
0x2e6: {  	v14 =	vmul.f32 v22, v50;
	[tilespmem:s12+$0xFFFFFE70] =	vst v18;
	v18 =	vmul.f32 v48, v38;
	v22 =	vld [tilespmem:s12+$0xFFFFFFB0];
	(pc) =	sbr.rel @p0 .LBB2_18-.Ltmp8, $4  }
0x2e7: {  	v12 =	vmul.f32 v52, v40;
	[tilespmem:s12+$0xFFFFFE80] =	vst v15;
	v15 =	vmul.f32 v51, v39;
	v23 =	vld [tilespmem:s12+$0xFFFFFFC0]  }
0x2e8: {  	v13 =	vmul.f32 v27, v41;
	[tilespmem:s12+$0xFFFFFE90] =	vst v10;
	v10 =	vmul.f32 v24, v43;
	v24 =	vld [tilespmem:s12+$0xFFFFFFD0]  }
0x2e9: {  	v8 =	vmul.f32 v26, v46;
	[tilespmem:s12+$0xFFFFFEA0] =	vst v11;
	v11 =	vmul.f32 v25, v44;
	v25 =	vld [tilespmem:s12+$0xFFFFFFE0]  }
0x2ea: {  	s15 =	sadd.s32 $0x20, s15;
	v9 =	vmul.f32 v29, v47;
	v7 =	vmul.f32 v7, v49;
	[tilespmem:s12+$0xFFFFFEB0] =	vst v28;
	v26 =	vld [tilespmem:s12+$0xFFFFFFF0]  }
0x2eb: {  	[tilespmem:s12+$0xFFFFFEC0] =	vst v20  }
0x2ec: {  	[tilespmem:s13+$0xFFFFFF10] =	vst v14  }
0x2ed: {  	[tilespmem:s13+$0xFFFFFF20] =	vst v15  }
0x2ee: {  	[tilespmem:s13+$0xFFFFFF30] =	vst v12  }
0x2ef: {  	[tilespmem:s13+$0xFFFFFF40] =	vst v13  }
0x2f0: {  	[tilespmem:s13+$0xFFFFFF50] =	vst v10  }
0x2f1: {  	[tilespmem:s13+$0xFFFFFF60] =	vst v11  }
0x2f2: {  	[tilespmem:s13+$0xFFFFFF70] =	vst v8  }
0x2f3: {  	[tilespmem:s13+$0xFFFFFED0] =	vst v17  }
0x2f4: {  	[tilespmem:s13+$0xFFFFFEE0] =	vst v19  }
0x2f5: {  	[tilespmem:s13+$0xFFFFFEF0] =	vst v16  }
0x2f6: {  	[tilespmem:s13+$0xFFFFFF00] =	vst v18  }
0x2f7: {  	v5 =	vmul.f32 v21, v5;
	[tilespmem:s13+$0xFFFFFF80] =	vst v9  }
0x2f8: {  	v6 =	vmul.f32 v22, v6;
	[tilespmem:s13+$0xFFFFFF90] =	vst v7  }
0x2f9: {  	v4 =	vmul.f32 v23, v4;
	[tilespmem:s13+$0xFFFFFFA0] =	vst v5  }
0x2fa: {  	v3 =	vmul.f32 v24, v3;
	[tilespmem:s13+$0xFFFFFFB0] =	vst v6  }
0x2fb: {  	v1 =	vmul.f32 v25, v1;
	[tilespmem:s13+$0xFFFFFFC0] =	vst v4  }
0x2fc: {  	v2 =	vmul.f32 v26, v2;
	[tilespmem:s13+$0xFFFFFFD0] =	vst v3  }
0x2fd: {  	[tilespmem:s13+$0xFFFFFFE0] =	vst v1  }
0x2fe: {  	[tilespmem:s13+$0xFFFFFFF0] =	vst v2  }
0x2ff: {  	v1 =	vld [tilespmem:$0x2ED0];
	_ =	sdelay $0x1  }
0x300: {  	v2 =	vld [tilespmem:$0x127E0]  }
0x301: {  	v3 =	vld [tilespmem:$0x127F0]  }
0x302: {  	v4 =	vld [tilespmem:$0x12800]  }
0x303: {  	v6 =	vld [tilespmem:$0x12810];
	v5 =	vbroadcast v1, $0x0  }
0x304: {  	v8 =	vld [tilespmem:$0x12820];
	v7 =	vbroadcast v1, $0x1  }
0x305: {  	v9 =	vld [tilespmem:$0x12830];
	v2 =	vmul.f32 v5, v2;
	v5 =	vbroadcast v1, $0x2  }
0x306: {  	v10 =	vld [tilespmem:$0x12840];
	v3 =	vmul.f32 v3, v7;
	v7 =	vbroadcast v1, $0x3  }
0x307: {  	[tilespmem:$0x127E0] =	vst v2;
	v2 =	vmul.f32 v4, v5;
	v4 =	vbroadcast v1, $0x4;
	v5 =	vld [tilespmem:$0x12850]  }
0x308: {  	[tilespmem:$0x127F0] =	vst v3;
	v3 =	vmul.f32 v6, v7;
	v6 =	vbroadcast v1, $0x5;
	v7 =	vld [tilespmem:$0x12860]  }
0x309: {  	[tilespmem:$0x12800] =	vst v2;
	v2 =	vmul.f32 v8, v4;
	v4 =	vbroadcast v1, $0x6;
	v8 =	vld [tilespmem:$0x12870]  }
0x30a: {  	[tilespmem:$0x12810] =	vst v3;
	v3 =	vmul.f32 v9, v6;
	v6 =	vbroadcast v1, $0x7;
	v9 =	vld [tilespmem:$0x12880]  }
0x30b: {  	[tilespmem:$0x12820] =	vst v2;
	v2 =	vmul.f32 v10, v4;
	v4 =	vbroadcast v1, $0x8;
	v10 =	vld [tilespmem:$0x12890]  }
0x30c: {  	[tilespmem:$0x12830] =	vst v3;
	v3 =	vmul.f32 v5, v6;
	v5 =	vbroadcast v1, $0x9;
	v6 =	vld [tilespmem:$0x128A0]  }
0x30d: {  	[tilespmem:$0x12840] =	vst v2;
	v2 =	vmul.f32 v7, v4;
	v4 =	vbroadcast v1, $0xA;
	v7 =	vld [tilespmem:$0x128B0]  }
0x30e: {  	[tilespmem:$0x12850] =	vst v3;
	v3 =	vmul.f32 v8, v5;
	v5 =	vbroadcast v1, $0xB;
	v8 =	vld [tilespmem:$0x128C0]  }
0x30f: {  	[tilespmem:$0x12860] =	vst v2;
	v2 =	vmul.f32 v9, v4;
	v4 =	vbroadcast v1, $0xC;
	v9 =	vld [tilespmem:$0x128D0]  }
0x310: {  	[tilespmem:$0x12870] =	vst v3;
	v3 =	vmul.f32 v10, v5;
	v5 =	vbroadcast v1, $0xD  }
0x311: {  	[tilespmem:$0x12880] =	vst v2;
	v2 =	vmul.f32 v6, v4;
	v4 =	vbroadcast v1, $0xE  }
0x312: {  	v1 =	vbroadcast v1, $0xF;
	[tilespmem:$0x12890] =	vst v3;
	v3 =	vmul.f32 v7, v5  }
0x313: {  	[tilespmem:$0x128A0] =	vst v2;
	v2 =	vmul.f32 v8, v4  }
0x314: {  	[tilespmem:$0x128B0] =	vst v3;
	v1 =	vmul.f32 v9, v1  }
0x315: {  	[tilespmem:$0x128C0] =	vst v2  }
0x316: {  	[tilespmem:$0x128D0] =	vst v1  }
0x317: {  	[spmem:s2] =	stream.indirect.scatter.add.f32 [tilespmem:s6], [sflag:$0x4], $0x10, s5, s1, $0xb8;
	[tilespmem:$0x1C8E0] =	vst v63  }
0x318: {  	_ =	swait.ge [sflag:s7], $0x7D00  }
0x319: {  	[sflag:s7] =	ssyncset.done $0x0  }
0x31a: {  	s14 =	simm.s32 $0x20;
	[sflag:s7] =	ssyncadd.s32 $0xFFFF8300  }
0x31b: {  	v1 =	vld [tilespmem:s14+$0x10]  }
0x31c: {  	v2 =	vld [tilespmem:s14+$0xFFFFFFF0]  }
0x31d: {  	v3 =	vld [tilespmem:s14+$0xFFFFFFE0]  }
0x31e: {  	s12 =	simm.s32 $0x1F60;
	v4 =	vld [tilespmem:s14+$0x0]  }
0x31f: {  	s15 =	simm.s32 $0x60;
	v7 =	vld [tilespmem:s12+$0x10]  }
0x320: {  	v5 =	vld [tilespmem:s15+$0x10]  }
0x321: {  	v10 =	vld [tilespmem:s15+$0xFFFFFFF0]  }
0x322: {  	v11 =	vld [tilespmem:s15+$0xFFFFFFE0]  }
0x323: {  	v62 =	vld [tilespmem:s12+$0xFFFFFFE0]  }
0x324: {  	v63 =	vld [tilespmem:s12+$0xFFFFFFF0]  }
0x325: {  	v6 =	vld [tilespmem:s12+$0x0]  }
0x326: {  	v1 =	vld.idx.msk [tilespmem:v1+s29+$0x0], $0xffff  }
0x327: {  	v9 =	vld.idx.msk [tilespmem:v2+s29+$0x0], $0xffff  }
0x328: {  	v8 =	vld.idx.msk [tilespmem:v3+s29+$0x0], $0xffff  }
0x329: {  	v2 =	vld [tilespmem:s15+$0x0]  }
0x32a: {  	v3 =	vld.idx.msk [tilespmem:v4+s29+$0x0], $0xffff  }
0x32b: {  	s13 =	simm.s32 $0x1FA0;
	v5 =	vld.idx.msk [tilespmem:v5+s29+$0x0], $0xffff  }
0x32c: {  	v1 =	vmul.f32 v7, v1;
	v7 =	vld [tilespmem:s13+$0x10]  }
0x32d: {  	v4 =	vld.idx.msk [tilespmem:v10+s29+$0x0], $0xffff;
	v8 =	vmul.f32 v62, v8  }
0x32e: {  	s14 =	simm.s32 $0x4;
	s15 =	simm.s32 $0xA0;
	v9 =	vmul.f32 v63, v9;
	[tilespmem:s12+$0x10] =	vst v1;
	v1 =	vld.idx.msk [tilespmem:v11+s29+$0x0], $0xffff  }
.LBB2_20:
0x32f: {  	v10 =	vld [tilespmem:s15+$0x10];
	s14 =	sadd.s32 $0x4, s14;
	[tilespmem:s12+$0xFFFFFFE0] =	vst v8;
	v3 =	vmul.f32 v6, v3  }
0x330: {  	v8 =	vld [tilespmem:s15+$0xFFFFFFF0];
	p0 =	slt.u32 s14, $0x78;
	[tilespmem:s12+$0xFFFFFFF0] =	vst v9  }
0x331: {  	v9 =	vld [tilespmem:s15+$0x0];
	v5 =	vmul.f32 v7, v5;
	[tilespmem:s12+$0x0] =	vst v3;
	s12 =	smov.u32 s13  }
0x332: {  	v11 =	vld [tilespmem:s15+$0xFFFFFFE0]  }
0x333: {  	v12 =	vmov v4;
	v3 =	vld.idx.msk [tilespmem:v2+s29+$0x0], $0xffff;
	[tilespmem:s13+$0x10] =	vst v5  }
0x334: {  	v13 =	vld [tilespmem:s13+$0xFFFFFFE0]  }
0x335: {  	v14 =	vld [tilespmem:s13+$0xFFFFFFF0]  }
.Ltmp9:
0x336: {  	v6 =	vld [tilespmem:s13+$0x0];
	v2 =	vmov v9;
	(pc) =	sbr.rel @p0 .LBB2_20-.Ltmp9, $4  }
0x337: {  	s13 =	sadd.s32 $0x40, s13;
	v5 =	vld.idx.msk [tilespmem:v10+s29+$0x0], $0xffff  }
0x338: {  	v7 =	vld [tilespmem:s13+$0x10]  }
0x339: {  	v4 =	vld.idx.msk [tilespmem:v8+s29+$0x0], $0xffff;
	v8 =	vmul.f32 v13, v1  }
0x33a: {  	s15 =	sadd.s32 $0x40, s15;
	v1 =	vld.idx.msk [tilespmem:v11+s29+$0x0], $0xffff;
	v9 =	vmul.f32 v14, v12  }
0x33b: {  	_ =	sdelay $0x3  }
0x33c: {  	v2 =	vld.idx.msk [tilespmem:v2+s29+$0x0], $0xffff  }
0x33d: {  	v10 =	vld [tilespmem:s13+$0xFFFFFFE0]  }
0x33e: {  	v11 =	vld [tilespmem:s13+$0xFFFFFFF0]  }
0x33f: {  	v12 =	vld [tilespmem:s13+$0x0]  }
0x340: {  	[tilespmem:s12+$0xFFFFFFE0] =	vst v8;
	v3 =	vmul.f32 v6, v3  }
0x341: {  	[tilespmem:s12+$0xFFFFFFF0] =	vst v9;
	v5 =	vmul.f32 v7, v5  }
0x342: {  	[tilespmem:s12+$0x0] =	vst v3;
	v1 =	vmul.f32 v10, v1  }
0x343: {  	[tilespmem:s13+$0x10] =	vst v5;
	v3 =	vmul.f32 v11, v4  }
0x344: {  	[tilespmem:s13+$0xFFFFFFE0] =	vst v1;
	v1 =	vmul.f32 v12, v2  }
0x345: {  	[tilespmem:s13+$0xFFFFFFF0] =	vst v3  }
0x346: {  	[tilespmem:s13+$0x0] =	vst v1  }
0x347: {  	v1 =	vld [tilespmem:$0x7C0];
	_ =	sdelay $0x6  }
0x348: {  	v2 =	vld [tilespmem:$0x2700]  }
0x349: {  	v1 =	vld.idx.msk [tilespmem:v1+s29+$0x0], $0xffff;
	_ =	sdelay $0x4  }
0x34a: {  	v1 =	vmul.f32 v2, v1;
	_ =	sdelay $0x1  }
0x34b: {  	s15 =	simm.s32 $0x1F50;
	[tilespmem:$0x2700] =	vst v1  }
0x34c: {  	v2 =	vld [tilespmem:s15+$0x0]  }
0x34d: {  	s12 =	simm.s32 $0x2FE0;
	v1 =	vld [tilespmem:s15+$0xFFFFFFF0]  }
0x34e: {  	v3 =	vld [tilespmem:s12+$0xF0]  }
0x34f: {  	v7 =	vld [tilespmem:s12+$0xFFFFFF00]  }
0x350: {  	v8 =	vld [tilespmem:s12+$0xFFFFFF10]  }
0x351: {  	v9 =	vld [tilespmem:s12+$0xFFFFFF20];
	v10 =	vbroadcast v2, $0x0;
	v4 =	vbroadcast v2, $0xF  }
0x352: {  	v13 =	vld [tilespmem:s12+$0xFFFFFF30];
	v11 =	vbroadcast v1, $0x0;
	v12 =	vbroadcast v1, $0x1  }
0x353: {  	v15 =	vld [tilespmem:s12+$0xFFFFFF40];
	v14 =	vbroadcast v1, $0x2;
	v16 =	vbroadcast v1, $0x3  }
0x354: {  	v18 =	vld [tilespmem:s12+$0xFFFFFF50];
	v17 =	vbroadcast v1, $0x4;
	v19 =	vbroadcast v1, $0x5  }
0x355: {  	v20 =	vld [tilespmem:s12+$0xFFFFFF60];
	v21 =	vbroadcast v1, $0x6;
	v23 =	vbroadcast v1, $0x7  }
0x356: {  	v22 =	vld [tilespmem:s12+$0xFFFFFF70];
	v24 =	vbroadcast v1, $0x8;
	v26 =	vbroadcast v1, $0x9  }
0x357: {  	v25 =	vld [tilespmem:s12+$0xFFFFFF80];
	v27 =	vbroadcast v1, $0xA;
	v29 =	vbroadcast v1, $0xB  }
0x358: {  	v28 =	vld [tilespmem:s12+$0xFFFFFF90];
	v30 =	vbroadcast v1, $0xC;
	v32 =	vbroadcast v1, $0xD  }
0x359: {  	v31 =	vld [tilespmem:s12+$0xFFFFFFA0];
	v33 =	vbroadcast v1, $0xE;
	v35 =	vbroadcast v1, $0xF  }
0x35a: {  	v34 =	vld [tilespmem:s12+$0xFFFFFFB0];
	v36 =	vbroadcast v2, $0x1;
	v38 =	vbroadcast v2, $0x2  }
0x35b: {  	v37 =	vld [tilespmem:s12+$0xFFFFFFC0];
	v39 =	vbroadcast v2, $0x3;
	v41 =	vbroadcast v2, $0x4  }
0x35c: {  	v40 =	vld [tilespmem:s12+$0xFFFFFFD0];
	v42 =	vbroadcast v2, $0x5;
	v44 =	vbroadcast v2, $0x6  }
0x35d: {  	v48 =	vld [tilespmem:s12+$0x0];
	v45 =	vbroadcast v2, $0x7;
	v47 =	vbroadcast v2, $0x8  }
0x35e: {  	v49 =	vld [tilespmem:s12+$0x10];
	v5 =	vbroadcast v2, $0x9;
	v6 =	vbroadcast v2, $0xA  }
0x35f: {  	v51 =	vld [tilespmem:s12+$0x40];
	v1 =	vbroadcast v2, $0xD;
	v3 =	vmul.f32 v3, v4  }
0x360: {  	v43 =	vld [tilespmem:s12+$0xFFFFFFE0];
	v4 =	vbroadcast v2, $0xB;
	v7 =	vmul.f32 v11, v7  }
0x361: {  	v46 =	vld [tilespmem:s12+$0xFFFFFFF0];
	v8 =	vmul.f32 v8, v12;
	v9 =	vmul.f32 v9, v14  }
0x362: {  	v50 =	vld [tilespmem:s12+$0x30];
	v12 =	vmul.f32 v15, v17;
	v24 =	vmul.f32 v25, v24;
	[tilespmem:s12+$0xF0] =	vst v3  }
0x363: {  	v52 =	vld [tilespmem:s12+$0x50];
	v17 =	vmul.f32 v37, v30;
	v14 =	vmul.f32 v10, v48;
	[tilespmem:s12+$0xFFFFFF00] =	vst v7  }
0x364: {  	v63 =	vld [tilespmem:s12+$0x80];
	v15 =	vmul.f32 v49, v36;
	v10 =	vmul.f32 v51, v41;
	[tilespmem:s12+$0xFFFFFF10] =	vst v8  }
0x365: {  	v11 =	vld [tilespmem:s12+$0x20];
	v3 =	vbroadcast v2, $0xC;
	v2 =	vbroadcast v2, $0xE;
	[tilespmem:s12+$0xFFFFFF20] =	vst v9  }
0x366: {  	v25 =	vld [tilespmem:s12+$0x60];
	v7 =	vmul.f32 v13, v16;
	v8 =	vmul.f32 v18, v19;
	[tilespmem:s12+$0xFFFFFF40] =	vst v12  }
0x367: {  	v13 =	vmul.f32 v20, v21;
	v9 =	vmul.f32 v22, v23;
	v21 =	vld [tilespmem:s12+$0x90];
	[tilespmem:s12+$0xFFFFFF80] =	vst v24  }
0x368: {  	[tilespmem:s12+$0xFFFFFF30] =	vst v7;
	v7 =	vmul.f32 v28, v26;
	v26 =	vmul.f32 v31, v27;
	v27 =	vld [tilespmem:s12+$0x70]  }
0x369: {  	v20 =	vmul.f32 v34, v29;
	v19 =	vmul.f32 v40, v32;
	v22 =	vld [tilespmem:s12+$0xA0];
	[tilespmem:s12+$0xFFFFFF50] =	vst v8  }
0x36a: {  	v16 =	vmul.f32 v43, v33;
	v18 =	vmul.f32 v46, v35;
	v23 =	vld [tilespmem:s12+$0xB0];
	[tilespmem:s12+$0xFFFFFF60] =	vst v13  }
0x36b: {  	v24 =	vld [tilespmem:s12+$0xC0];
	[tilespmem:s12+$0xFFFFFF70] =	vst v9;
	v13 =	vmul.f32 v50, v39;
	v12 =	vmul.f32 v11, v38  }
0x36c: {  	v11 =	vmul.f32 v52, v42;
	v8 =	vmul.f32 v25, v44;
	v25 =	vld [tilespmem:s12+$0xD0];
	[tilespmem:s12+$0xFFFFFF90] =	vst v7  }
0x36d: {  	s14 =	simm.s32 $0x0;
	s13 =	simm.s32 $0x2FE0;
	s15 =	simm.s32 $0x1F70;
	[tilespmem:s12+$0xFFFFFFA0] =	vst v26;
	v7 =	vmul.f32 v63, v47;
	v26 =	vld [tilespmem:s12+$0xE0];
	v9 =	vmul.f32 v27, v45  }
.LBB2_22:
0x36e: {  	v27 =	vld [tilespmem:s15+$0x0];
	s14 =	sadd.s32 $0x2, s14;
	[tilespmem:s12+$0xFFFFFFB0] =	vst v20;
	v5 =	vmul.f32 v21, v5;
	v6 =	vmul.f32 v22, v6  }
0x36f: {  	s12 =	sadd.s32 $0x200, s12;
	v20 =	vld [tilespmem:s15+$0xFFFFFFF0];
	p0 =	slt.u32 s14, $0x7A;
	[tilespmem:s13+$0xFFFFFFC0] =	vst v17;
	v4 =	vmul.f32 v23, v4  }
0x370: {  	v17 =	vld [tilespmem:s12+$0xF0];
	[tilespmem:s13+$0xFFFFFFD0] =	vst v19;
	v3 =	vmul.f32 v24, v3  }
0x371: {  	v19 =	vld [tilespmem:s12+$0xFFFFFF00];
	[tilespmem:s13+$0xFFFFFFE0] =	vst v16;
	v1 =	vmul.f32 v25, v1  }
0x372: {  	v16 =	vld [tilespmem:s12+$0xFFFFFF10];
	[tilespmem:s13+$0xFFFFFFF0] =	vst v18;
	v2 =	vmul.f32 v26, v2  }
0x373: {  	v18 =	vld [tilespmem:s12+$0xFFFFFF20];
	v22 =	vbroadcast v27, $0x0;
	v21 =	vbroadcast v27, $0xF;
	[tilespmem:s13+$0x0] =	vst v14  }
0x374: {  	v14 =	vbroadcast v20, $0x0;
	v23 =	vbroadcast v20, $0x1;
	v24 =	vld [tilespmem:s12+$0xFFFFFF30];
	[tilespmem:s13+$0x10] =	vst v15  }
0x375: {  	v15 =	vbroadcast v20, $0x2;
	v25 =	vld [tilespmem:s12+$0xFFFFFF40];
	v17 =	vmul.f32 v17, v21;
	[tilespmem:s13+$0x20] =	vst v12  }
0x376: {  	v12 =	vbroadcast v20, $0x3;
	v21 =	vbroadcast v20, $0x4;
	v26 =	vld [tilespmem:s12+$0xFFFFFF50];
	[tilespmem:s13+$0x30] =	vst v13  }
0x377: {  	v29 =	vbroadcast v20, $0x6;
	v13 =	vbroadcast v20, $0x5;
	v28 =	vld [tilespmem:s12+$0xFFFFFF60];
	[tilespmem:s12+$0xF0] =	vst v17  }
0x378: {  	v30 =	vbroadcast v20, $0x7;
	v31 =	vbroadcast v20, $0x8;
	v17 =	vld [tilespmem:s12+$0xFFFFFF70];
	[tilespmem:s13+$0x40] =	vst v10  }
0x379: {  	v32 =	vbroadcast v20, $0x9;
	v33 =	vbroadcast v20, $0xA;
	v10 =	vld [tilespmem:s12+$0xFFFFFF80];
	[tilespmem:s13+$0x50] =	vst v11  }
0x37a: {  	v34 =	vbroadcast v20, $0xB;
	v35 =	vbroadcast v20, $0xC;
	v11 =	vld [tilespmem:s12+$0xFFFFFF90];
	[tilespmem:s13+$0x60] =	vst v8  }
0x37b: {  	v36 =	vbroadcast v20, $0xD;
	v37 =	vbroadcast v20, $0xE;
	v8 =	vld [tilespmem:s12+$0xFFFFFFA0];
	[tilespmem:s13+$0x70] =	vst v9  }
0x37c: {  	v39 =	vbroadcast v27, $0x1;
	v38 =	vbroadcast v20, $0xF;
	v9 =	vld [tilespmem:s12+$0xFFFFFFB0];
	[tilespmem:s13+$0x80] =	vst v7  }
0x37d: {  	v40 =	vbroadcast v27, $0x2;
	v41 =	vbroadcast v27, $0x3;
	v7 =	vld [tilespmem:s12+$0xFFFFFFC0];
	[tilespmem:s13+$0x90] =	vst v5  }
0x37e: {  	v43 =	vbroadcast v27, $0x4;
	v44 =	vbroadcast v27, $0x5;
	v42 =	vld [tilespmem:s12+$0xFFFFFFD0];
	[tilespmem:s13+$0xA0] =	vst v6  }
0x37f: {  	v46 =	vbroadcast v27, $0x6;
	v47 =	vbroadcast v27, $0x7;
	v45 =	vld [tilespmem:s12+$0xFFFFFFE0];
	[tilespmem:s13+$0xB0] =	vst v4  }
0x380: {  	v49 =	vbroadcast v27, $0x8;
	v5 =	vbroadcast v27, $0x9;
	v48 =	vld [tilespmem:s12+$0xFFFFFFF0];
	[tilespmem:s13+$0xC0] =	vst v3  }
0x381: {  	v6 =	vbroadcast v27, $0xA;
	v4 =	vbroadcast v27, $0xB;
	v50 =	vld [tilespmem:s12+$0x0];
	[tilespmem:s13+$0xD0] =	vst v1  }
0x382: {  	v3 =	vbroadcast v27, $0xC;
	v1 =	vbroadcast v27, $0xD;
	v51 =	vld [tilespmem:s12+$0x10];
	[tilespmem:s13+$0xE0] =	vst v2;
	s13 =	smov.u32 s12  }
0x383: {  	v14 =	vmul.f32 v14, v19;
	v2 =	vbroadcast v27, $0xE;
	v52 =	vld [tilespmem:s12+$0x20]  }
0x384: {  	v16 =	vmul.f32 v16, v23;
	v15 =	vmul.f32 v18, v15;
	v27 =	vld [tilespmem:s12+$0x30]  }
0x385: {  	v12 =	vmul.f32 v24, v12;
	[tilespmem:s12+$0xFFFFFF00] =	vst v14;
	v14 =	vmul.f32 v25, v21;
	v24 =	vld [tilespmem:s12+$0x40]  }
0x386: {  	v13 =	vmul.f32 v26, v13;
	v18 =	vmul.f32 v28, v29;
	[tilespmem:s12+$0xFFFFFF10] =	vst v16;
	v25 =	vld [tilespmem:s12+$0x50]  }
0x387: {  	v10 =	vmul.f32 v10, v31;
	[tilespmem:s12+$0xFFFFFF20] =	vst v15;
	v15 =	vmul.f32 v17, v30;
	v26 =	vld [tilespmem:s12+$0x60]  }
0x388: {  	v11 =	vmul.f32 v11, v32;
	v28 =	vmul.f32 v8, v33;
	[tilespmem:s12+$0xFFFFFF30] =	vst v12;
	v29 =	vld [tilespmem:s12+$0x70]  }
0x389: {  	v20 =	vmul.f32 v9, v34;
	v17 =	vmul.f32 v7, v35;
	[tilespmem:s12+$0xFFFFFF40] =	vst v14;
	v7 =	vld [tilespmem:s12+$0x80]  }
0x38a: {  	v19 =	vmul.f32 v42, v36;
	v16 =	vmul.f32 v45, v37;
	[tilespmem:s12+$0xFFFFFF50] =	vst v13;
	v21 =	vld [tilespmem:s12+$0x90]  }
.Ltmp10:
0x38b: {  	v14 =	vmul.f32 v22, v50;
	[tilespmem:s12+$0xFFFFFF60] =	vst v18;
	v18 =	vmul.f32 v48, v38;
	v22 =	vld [tilespmem:s12+$0xA0];
	(pc) =	sbr.rel @p0 .LBB2_22-.Ltmp10, $4  }
0x38c: {  	v12 =	vmul.f32 v52, v40;
	[tilespmem:s12+$0xFFFFFF70] =	vst v15;
	v15 =	vmul.f32 v51, v39;
	v23 =	vld [tilespmem:s12+$0xB0]  }
0x38d: {  	v13 =	vmul.f32 v27, v41;
	[tilespmem:s12+$0xFFFFFF80] =	vst v10;
	v10 =	vmul.f32 v24, v43;
	v24 =	vld [tilespmem:s12+$0xC0]  }
0x38e: {  	v8 =	vmul.f32 v26, v46;
	[tilespmem:s12+$0xFFFFFF90] =	vst v11;
	v11 =	vmul.f32 v25, v44;
	v25 =	vld [tilespmem:s12+$0xD0]  }
0x38f: {  	s15 =	sadd.s32 $0x20, s15;
	v9 =	vmul.f32 v29, v47;
	v7 =	vmul.f32 v7, v49;
	[tilespmem:s12+$0xFFFFFFA0] =	vst v28;
	v26 =	vld [tilespmem:s12+$0xE0]  }
0x390: {  	[tilespmem:s12+$0xFFFFFFB0] =	vst v20  }
0x391: {  	[tilespmem:s13+$0x0] =	vst v14  }
0x392: {  	[tilespmem:s13+$0x10] =	vst v15  }
0x393: {  	[tilespmem:s13+$0x20] =	vst v12  }
0x394: {  	[tilespmem:s13+$0x30] =	vst v13  }
0x395: {  	[tilespmem:s13+$0x40] =	vst v10  }
0x396: {  	[tilespmem:s13+$0x50] =	vst v11  }
0x397: {  	[tilespmem:s13+$0x60] =	vst v8  }
0x398: {  	[tilespmem:s13+$0xFFFFFFC0] =	vst v17  }
0x399: {  	[tilespmem:s13+$0xFFFFFFD0] =	vst v19  }
0x39a: {  	[tilespmem:s13+$0xFFFFFFE0] =	vst v16  }
0x39b: {  	[tilespmem:s13+$0xFFFFFFF0] =	vst v18  }
0x39c: {  	v5 =	vmul.f32 v21, v5;
	[tilespmem:s13+$0x70] =	vst v9  }
0x39d: {  	v6 =	vmul.f32 v22, v6;
	[tilespmem:s13+$0x80] =	vst v7  }
0x39e: {  	v4 =	vmul.f32 v23, v4;
	[tilespmem:s13+$0x90] =	vst v5  }
0x39f: {  	v3 =	vmul.f32 v24, v3;
	[tilespmem:s13+$0xA0] =	vst v6  }
0x3a0: {  	v1 =	vmul.f32 v25, v1;
	[tilespmem:s13+$0xB0] =	vst v4  }
0x3a1: {  	v2 =	vmul.f32 v26, v2;
	[tilespmem:s13+$0xC0] =	vst v3  }
0x3a2: {  	[tilespmem:s13+$0xD0] =	vst v1  }
0x3a3: {  	[tilespmem:s13+$0xE0] =	vst v2  }
0x3a4: {  	v1 =	vld [tilespmem:$0x2700];
	_ =	sdelay $0x4  }
0x3a5: {  	v40 =	vbroadcast v1, $0x0  }
0x3a6: {  	v41 =	vbroadcast v1, $0x1;
	v42 =	vbroadcast v1, $0x2  }
0x3a7: {  	v43 =	vbroadcast v1, $0x3;
	v44 =	vbroadcast v1, $0x4  }
0x3a8: {  	v2 =	vld [tilespmem:$0xAAE0];
	v46 =	vbroadcast v1, $0x5;
	v48 =	vbroadcast v1, $0x6  }
0x3a9: {  	v3 =	vld [tilespmem:$0xAAF0];
	v50 =	vbroadcast v1, $0x7;
	v52 =	vbroadcast v1, $0x8  }
0x3aa: {  	v61 =	vld [tilespmem:$0xABD0];
	v54 =	vbroadcast v1, $0x9;
	v56 =	vbroadcast v1, $0xA  }
0x3ab: {  	v4 =	vld [tilespmem:$0xAB00];
	v58 =	vbroadcast v1, $0xB;
	v60 =	vbroadcast v1, $0xC  }
0x3ac: {  	v6 =	vld [tilespmem:$0xAB10];
	v62 =	vbroadcast v1, $0xD;
	v63 =	vbroadcast v1, $0xE  }
0x3ad: {  	v8 =	vld [tilespmem:$0xAB20];
	v1 =	vbroadcast v1, $0xF;
	v2 =	vmul.f32 v40, v2  }
0x3ae: {  	v9 =	vld [tilespmem:$0xAB30];
	v3 =	vmul.f32 v3, v41  }
0x3af: {  	v10 =	vld [tilespmem:$0xAB40];
	v1 =	vmul.f32 v61, v1;
	[tilespmem:$0xAAE0] =	vst v2  }
0x3b0: {  	v45 =	vld [tilespmem:$0xAB50];
	v2 =	vmul.f32 v4, v42;
	[tilespmem:$0xAAF0] =	vst v3  }
0x3b1: {  	v47 =	vld [tilespmem:$0xAB60];
	v3 =	vmul.f32 v6, v43;
	[tilespmem:$0xABD0] =	vst v1  }
0x3b2: {  	v49 =	vld [tilespmem:$0xAB70];
	[tilespmem:$0xAB00] =	vst v2;
	v2 =	vmul.f32 v8, v44  }
0x3b3: {  	v51 =	vld [tilespmem:$0xAB80];
	[tilespmem:$0xAB10] =	vst v3;
	v3 =	vmul.f32 v9, v46  }
0x3b4: {  	v53 =	vld [tilespmem:$0xAB90];
	[tilespmem:$0xAB20] =	vst v2;
	v2 =	vmul.f32 v10, v48  }
0x3b5: {  	v55 =	vld [tilespmem:$0xABA0];
	[tilespmem:$0xAB30] =	vst v3;
	v3 =	vmul.f32 v45, v50  }
0x3b6: {  	v57 =	vld [tilespmem:$0xABB0];
	[tilespmem:$0xAB40] =	vst v2;
	v2 =	vmul.f32 v47, v52  }
0x3b7: {  	v59 =	vld [tilespmem:$0xABC0];
	[tilespmem:$0xAB50] =	vst v3;
	v3 =	vmul.f32 v49, v54  }
0x3b8: {  	[tilespmem:$0xAB60] =	vst v2;
	v2 =	vmul.f32 v51, v56  }
0x3b9: {  	[tilespmem:$0xAB70] =	vst v3;
	v3 =	vmul.f32 v53, v58  }
0x3ba: {  	[tilespmem:$0xAB80] =	vst v2;
	v2 =	vmul.f32 v55, v60  }
0x3bb: {  	[tilespmem:$0xAB90] =	vst v3;
	v3 =	vmul.f32 v57, v62  }
0x3bc: {  	[tilespmem:$0xABA0] =	vst v2;
	v2 =	vmul.f32 v59, v63  }
0x3bd: {  	[tilespmem:$0xABB0] =	vst v3  }
0x3be: {  	[tilespmem:$0xABC0] =	vst v2  }
0x3bf: {  	[spmem:s2] =	stream.indirect.scatter.add.f32 [tilespmem:s0], [sflag:$0x3], $0x10, s30, s1, $0xb8;
	[tilespmem:$0x1C8E0] =	vst v63  }
0x3c0: {  	_ =	swait.ge [sflag:s8], $0x7D00  }
0x3c1: {  	[sflag:s8] =	ssyncset.done $0x0  }
0x3c2: {  	[sflag:s8] =	ssyncadd.s32 $0xFFFF8300  }
0x3c3: {  	s14 =	stileid.u32;
	_ =	swait.ge [sflag:s10], $0x7D00  }
0x3c4: {  	s15 =	sshrl.u32 s22, $0x3;
	s11 =	sadd.s32 $0x1, s11;
	[sflag:s10] =	ssyncset.done $0x0  }
0x3c5: {  	s12 =	sshll.u32 s14, $0x6;
	p0 =	sne.s32 s11, s25;
	[sflag:s10] =	ssyncadd.s32 $0xFFFF8300  }
.Ltmp11:
0x3c6: {  	s12 =	sor.u32 $0x1C05, s12;
	[bflag:$0x0] =	sbarrier.arrive $0xFFFF;
	(pc) =	sbr.rel @p0 .LBB2_1-.Ltmp11, $4  }
0x3c7: {  	[hbm:s21], [sflag:s12] =	dma.local [spmem:s15], $0x500  }
0x3c8: {  	_ =	swait.ge [sflag:s28], $0x500  }
0x3c9: {  	[sflag:s28] =	ssyncset.done $0x0  }
0x3ca: {  	[sflag:s28] =	ssyncadd.s32 $0xFFFFFB00  }
0x3cb: {  	_ =	sfence.sel $0x180000  }
0x3cc: {  	[bflag:$0x0] =	sbarrier.arrive $0xFFFF  }
0x3cd: {  	_ =	strace $0x9000004A  }
0x3ce: {  	s0 =	stileid.u32;
	[bflag:$0x2] =	sbarrier.arrive $0xFFFF  }
0x3cf: {  	p0 =	sne.s32 s0, $0x0;
	s0 =	rddreg [dreg:$0x5]  }
0x3d0: {  	s0 =	sadd.s32 @!p0 $0x100000, s0  }
0x3d1: {  	[sflag:s0] =	ssyncadd.tile.s32 @!p0 $0x1;
	_ =	shalt  }
.Lfunc_end2:
_tile_overlayer_lowered:
.L_overlay_start_2:
0x3d2: {  	(tag) =	ssettag $0x2  }
0x3d3: {  	s0 =	rddreg [dreg:$0x0];
	s2 =	stileid.u32  }
0x3d4: {  	s1 =	rddreg [dreg:$0x1];
	p0 =	sne.s32 s2, $0x0  }
0x3d5: {  	s3 =	rddreg [dreg:$0x2];
	[bflag:$0x3] =	sbarrier.arrive $0xFFFF;
	s2 =	simm.s32 @!p0 $0x1C05  }
0x3d6: {  	[timem:s3], [sflag:s2] =	dma.local @!p0 [hbm:s0], s1  }
0x3d7: {  	s0 =	simm.s32 @!p0 $0x5  }
0x3d8: {  	_ =	swait.ge @!p0 [sflag:s0], s1  }
0x3d9: {  	s1 =	ssub.s32 @!p0 $0x0, s1;
	[sflag:s0] =	ssyncset.done @!p0 $0x0  }
0x3da: {  	[sflag:s0] =	ssyncadd.s32 @!p0 s1  }
0x3db: {  	[bflag:$0x3] =	sbarrier.arrive $0xFFFF  }
0x3dc: {  	_ =	shalt  }

</sc_bundles>
